<compile_context>
chip_gen: v7x
topology: tpu7x:2x2x1
jax: 0.10.2.dev20260603
libtpu: 0.0.44.dev20260713+nightly
codegen_flags: <defaults>
</compile_context>

<pallas_src>
import functools

import jax
import jax.numpy as jnp
from jax import lax
from jax.experimental import pallas as pl
from jax.experimental.pallas import tpu as pltpu
from jax.experimental.pallas import tpu_sc as plsc

VOCAB = 1000000
EMB = 64
SEQ = 200
BATCH = 4096

GRP = EMB // 8
CH = 65536
RCH = 32768
PVOC = 1000064
HALF0 = 499968
HALF1 = VOCAB - HALF0
_HOFF = (0, HALF0)
_HLEN = (HALF0, HALF1)
_PLEN = (HALF0, PVOC - HALF0)


def _proj_body(tt_hbm, w_ref, out_hbm, acc, buf0, buf1, stg0, stg1,
               sem0, sem1, osem0, osem1):
    bufs, sems = (buf0, buf1), (sem0, sem1)
    stgs, osems = (stg0, stg1), (osem0, osem1)

    def copy(h):
        g, side = divmod(h, 2)
        return pltpu.make_async_copy(
            tt_hbm.at[pl.ds(8 * g, 8), pl.ds(_HOFF[side], _HLEN[side])],
            bufs[h % 2].at[:, pl.ds(0, _HLEN[side])], sems[h % 2])

    copy(0).start()
    copy(1).start()
    pending = []
    for h in range(2 * GRP):
        g, side = divmod(h, 2)
        copy(h).wait()
        w = w_ref[:, pl.ds(g * 128, 128)][:, :1]
        buf = bufs[h % 2]
        if g == 0:
            for c in range(0, _HLEN[side], CH):
                n = min(CH, _HLEN[side] - c)
                acc[:, pl.ds(_HOFF[side] + c, n)] = buf[:, pl.ds(c, n)] * w
        elif g < GRP - 1:
            for c in range(0, _HLEN[side], CH):
                n = min(CH, _HLEN[side] - c)
                acc[:, pl.ds(_HOFF[side] + c, n)] += buf[:, pl.ds(c, n)] * w
        else:
            for c in range(0, _HLEN[side], RCH):
                n = min(RCH, _HLEN[side] - c)
                ndma = (n + 127) // 128 * 128
                off = _HOFF[side] + c
                red = jnp.sum(acc[:, pl.ds(off, n)] + buf[:, pl.ds(c, n)] * w,
                              axis=0)
                k = len(pending) % 2
                if len(pending) >= 2:
                    pk, pn, poff = pending[len(pending) - 2]
                    pltpu.make_async_copy(
                        stgs[pk].at[pl.ds(0, pn)],
                        out_hbm.at[pl.ds(poff, pn)], osems[pk]).wait()
                stgs[k][pl.ds(0, n)] = red
                pltpu.make_async_copy(
                    stgs[k].at[pl.ds(0, ndma)], out_hbm.at[pl.ds(off, ndma)],
                    osems[k]).start()
                pending.append((k, ndma, off))
        if h + 2 < 2 * GRP:
            copy(h + 2).start()
    for pk, pn, poff in pending[-2:]:
        pltpu.make_async_copy(
            stgs[pk].at[pl.ds(0, pn)], out_hbm.at[pl.ds(poff, pn)],
            osems[pk]).wait()


def _proj_tc(table, W):
    tt = table.T
    warr = jnp.repeat(W.reshape(GRP, 8).T, 128, axis=1)
    return pl.pallas_call(
        _proj_body,
        in_specs=[
            pl.BlockSpec(memory_space=pl.ANY),
            pl.BlockSpec(memory_space=pltpu.VMEM),
        ],
        out_specs=pl.BlockSpec(memory_space=pl.ANY),
        out_shape=jax.ShapeDtypeStruct((PVOC,), jnp.float32),
        scratch_shapes=[
            pltpu.VMEM((8, VOCAB), jnp.float32),
            pltpu.VMEM((8, HALF1), jnp.float32),
            pltpu.VMEM((8, HALF1), jnp.float32),
            pltpu.VMEM((RCH,), jnp.float32),
            pltpu.VMEM((RCH,), jnp.float32),
            pltpu.SemaphoreType.DMA,
            pltpu.SemaphoreType.DMA,
            pltpu.SemaphoreType.DMA,
            pltpu.SemaphoreType.DMA,
        ],
        compiler_params=pltpu.CompilerParams(
            vmem_limit_bytes=66900000,
        ),
    )(tt, warr)


NC, NS, L = 2, 16, 16
NW = NC * NS
BPW = BATCH // NW
K = 25
NCH = SEQ // K
NLC = BPW // L


@functools.lru_cache(maxsize=1)
def _make_pool_sc():
    mesh = plsc.VectorSubcoreMesh(
        core_axis_name="c", subcore_axis_name="s",
        num_cores=NC, num_subcores=NS)
    return pl.kernel(
        _pool_sc_body,
        mesh=mesh,
        out_type=jax.ShapeDtypeStruct((BATCH,), jnp.float32),
        scratch_types=[
            pltpu.VMEM((SEQ, BPW), jnp.int32),
            pltpu.VMEM((SEQ, BPW), jnp.float32),
            pltpu.VMEM((BPW,), jnp.float32),
            pltpu.VMEM((L,), jnp.float32),
            pltpu.SemaphoreType.DMA,
            pltpu.SemaphoreType.DMA,
        ],
    )


def _pool_sc_body(x_hbm, proj_hbm, b_hbm, out_hbm, idx_v, vals_v, y_v, b_v,
                  sem0, sem1):
    wid = lax.axis_index("s") * NC + lax.axis_index("c")
    base = wid * BPW
    pltpu.sync_copy(b_hbm, b_v)
    pltpu.sync_copy(x_hbm.at[:, pl.ds(base, BPW)], idx_v)

    def fire(c0, sem):
        def body(s, carry):
            pltpu.make_async_copy(
                proj_hbm.at[idx_v.at[s]], vals_v.at[s], sem).start()
            return carry
        lax.fori_loop(c0, c0 + K, body, 0)

    def drain(c0, sem):
        def body(s, carry):
            pltpu.make_async_copy(
                proj_hbm.at[idx_v.at[s]], vals_v.at[s], sem).wait()
            return carry
        lax.fori_loop(c0, c0 + K, body, 0)

    def accumulate(c0, accs):
        def body(s, accs):
            return tuple(accs[j] + vals_v[s, pl.ds(j * L, L)]
                         for j in range(NLC))
        return lax.fori_loop(c0, c0 + K, body, accs)

    sems = (sem0, sem1)
    accs = tuple(jnp.zeros((L,), jnp.float32) for _ in range(NLC))
    fire(0, sems[0])
    for i in range(NCH):
        if i + 1 < NCH:
            fire((i + 1) * K, sems[(i + 1) % 2])
        drain(i * K, sems[i % 2])
        accs = accumulate(i * K, accs)

    bvec = b_v[...]
    for j in range(NLC):
        z = accs[j] * (1.0 / SEQ) + bvec
        y_v[pl.ds(j * L, L)] = 1.0 / (1.0 + jnp.exp(-z))
    pltpu.sync_copy(y_v, out_hbm.at[pl.ds(base, BPW)])


def kernel(x, table, W, b):
    proj = _proj_tc(table, W)
    b16 = jnp.broadcast_to(b.astype(jnp.float32), (L,))
    return _make_pool_sc()(x, proj, b16)

# --- scband reference (transcript-rebuilt; emitter-appended) ---
"""Pipeline reference for scband-baseline-13975823581639 (READ-ONLY COPY).

The authoritative reference and input builder live on the scoring server;
editing this copy changes nothing except your own understanding.
"""

import jax, jax.numpy as jnp
import numpy as np

VOCAB = 1000000
EMB_DIM = 64
SEQ_LEN = 200
BATCH = 4096

def setup_inputs(seed: int = 0) -> dict:
    key = jax.random.key(seed)
    k1, k2, k3 = jax.random.split(key, 3)
    x = jax.random.randint(k1, (SEQ_LEN, BATCH), 0, VOCAB, dtype=jnp.int64) if jax.config.read('jax_enable_x64') else jax.random.randint(k1, (SEQ_LEN, BATCH), 0, VOCAB, dtype=jnp.int32)
    table = (jax.random.normal(k2, (VOCAB, EMB_DIM), dtype=jnp.float32) * 0.02)
    W = jax.random.normal(k3, (1, EMB_DIM), dtype=jnp.float32) * 0.1
    b = jnp.zeros((1,), dtype=jnp.float32)
    return {"x": x, "table": table, "W": W, "b": b}

def reference(x, table, W, b):
    # nn.Embedding.from_pretrained lookup: table[x] -> [seq_len, batch, emb_dim]
    embed_input = jnp.take(table, x, axis=0)
    # torch.mean(input=embed_input, dim=0) -> [batch, emb_dim]
    mean = jnp.mean(embed_input, axis=0)
    # fc1: Linear(emb_dim, 1)
    y = mean @ W.T + b  # [batch, 1]
    y = jax.nn.sigmoid(y)
    y = jnp.squeeze(y)  # [batch]
    return y

if __name__ == "__main__":
    import jax
    _d = setup_inputs()
    print(jax.jit(kernel)(*tuple(_d.values())))

</pallas_src>

<mosaic_0001>
#map = affine_map<(d0, d1) -> (0, 0)>
#map1 = affine_map<(d0, d1) -> (0)>
module attributes {stable_mosaic.version = 14 : i64} {
  func.func @_pool_sc_body(%arg0: i32, %arg1: i32, %arg2: memref<200x4096xi32, #tpu.memory_space<hbm>>, %arg3: memref<1000064xf32, #tpu.memory_space<hbm>>, %arg4: memref<16xf32, #tpu.memory_space<hbm>>, %arg5: memref<4096xf32, #tpu.memory_space<hbm>>, %arg6: memref<200x128xi32, #tpu.memory_space<vmem>>, %arg7: memref<200x128xf32, #tpu.memory_space<vmem>>, %arg8: memref<128xf32, #tpu.memory_space<vmem>>, %arg9: memref<16xf32, #tpu.memory_space<vmem>>, %arg10: memref<!tpu.dma_semaphore, #tpu.memory_space<semaphore_mem>>, %arg11: memref<!tpu.dma_semaphore, #tpu.memory_space<semaphore_mem>>) attributes {dimension_semantics = [#tpu.dimension_semantics<core_parallel>, #tpu.dimension_semantics<subcore_parallel>], iteration_bounds = array<i64: 2, 16>, scalar_prefetch = 0 : i64, scratch_operands = 6 : i64, tpu.core_type = #tpu.core_type<sc_vector_subcore>, window_params = [{transform_indices = #map}, {transform_indices = #map1}, {transform_indices = #map1}, {transform_indices = #map1}]} {
    %mul3A = arith.constant 2 : i32
    %mul3A_0 = arith.muli %arg1, %mul3A : i32
    %add3A = arith.addi %mul3A_0, %arg0 : i32
    %mul3A_1 = arith.constant 128 : i32
    %mul3A_2 = arith.muli %add3A, %mul3A_1 : i32
    "tpu.region"() ({
      %run_scoped3A = tpu.sem_alloc : memref<!tpu.dma_semaphore, #tpu.memory_space<semaphore_mem>>
      tpu.enqueue_dma source(%arg4 : memref<16xf32, #tpu.memory_space<hbm>>) target(%arg9 : memref<16xf32, #tpu.memory_space<vmem>>) target_semaphore(%run_scoped3A : memref<!tpu.dma_semaphore, #tpu.memory_space<semaphore_mem>>)
      tpu.wait_dma2 semaphore(%run_scoped3A : memref<!tpu.dma_semaphore, #tpu.memory_space<semaphore_mem>>) src(%arg4 : memref<16xf32, #tpu.memory_space<hbm>>) dst(%arg9 : memref<16xf32, #tpu.memory_space<vmem>>)
      tpu.yield
    }) : () -> ()
    "tpu.region"() ({
      %run_scoped3A = tpu.sem_alloc : memref<!tpu.dma_semaphore, #tpu.memory_space<semaphore_mem>>
      %dma_start3A = arith.constant 0 : i32
      %dma_start3A_303 = tpu.memref_slice %arg2[%dma_start3A, %mul3A_2] : memref<200x4096xi32, #tpu.memory_space<hbm>> -> memref<200x128xi32, #tpu.memory_space<hbm>>
      %dma_start3A_304 = arith.constant 0 : i32
      %dma_start3A_305 = tpu.memref_slice %arg2[%dma_start3A_304, %mul3A_2] : memref<200x4096xi32, #tpu.memory_space<hbm>> -> memref<200x128xi32, #tpu.memory_space<hbm>>
      tpu.enqueue_dma source(%dma_start3A_305 : memref<200x128xi32, #tpu.memory_space<hbm>>) target(%arg6 : memref<200x128xi32, #tpu.memory_space<vmem>>) target_semaphore(%run_scoped3A : memref<!tpu.dma_semaphore, #tpu.memory_space<semaphore_mem>>)
      %dma_wait3A = arith.constant 0 : i32
      %dma_wait3A_306 = tpu.memref_slice %arg2[%dma_wait3A, %mul3A_2] : memref<200x4096xi32, #tpu.memory_space<hbm>> -> memref<200x128xi32, #tpu.memory_space<hbm>>
      %dma_wait3A_307 = arith.constant 0 : i32
      %dma_wait3A_308 = tpu.memref_slice %arg2[%dma_wait3A_307, %mul3A_2] : memref<200x4096xi32, #tpu.memory_space<hbm>> -> memref<200x128xi32, #tpu.memory_space<hbm>>
      tpu.wait_dma2 semaphore(%run_scoped3A : memref<!tpu.dma_semaphore, #tpu.memory_space<semaphore_mem>>) src(%dma_wait3A_308 : memref<200x128xi32, #tpu.memory_space<hbm>>) dst(%arg6 : memref<200x128xi32, #tpu.memory_space<vmem>>)
      tpu.yield
    }) : () -> ()
    %broadcast_in_dim3A = arith.constant 0.000000e+00 : f32
    %broadcast_in_dim3A_3 = vector.broadcast %broadcast_in_dim3A : f32 to vector<16xf32>
    %broadcast_in_dim3A_4 = arith.constant 0.000000e+00 : f32
    %broadcast_in_dim3A_5 = vector.broadcast %broadcast_in_dim3A_4 : f32 to vector<16xf32>
    %broadcast_in_dim3A_6 = arith.constant 0.000000e+00 : f32
    %broadcast_in_dim3A_7 = vector.broadcast %broadcast_in_dim3A_6 : f32 to vector<16xf32>
    %broadcast_in_dim3A_8 = arith.constant 0.000000e+00 : f32
    %broadcast_in_dim3A_9 = vector.broadcast %broadcast_in_dim3A_8 : f32 to vector<16xf32>
    %broadcast_in_dim3A_10 = arith.constant 0.000000e+00 : f32
    %broadcast_in_dim3A_11 = vector.broadcast %broadcast_in_dim3A_10 : f32 to vector<16xf32>
    %broadcast_in_dim3A_12 = arith.constant 0.000000e+00 : f32
    %broadcast_in_dim3A_13 = vector.broadcast %broadcast_in_dim3A_12 : f32 to vector<16xf32>
    %broadcast_in_dim3A_14 = arith.constant 0.000000e+00 : f32
    %broadcast_in_dim3A_15 = vector.broadcast %broadcast_in_dim3A_14 : f32 to vector<16xf32>
    %broadcast_in_dim3A_16 = arith.constant 0.000000e+00 : f32
    %broadcast_in_dim3A_17 = vector.broadcast %broadcast_in_dim3A_16 : f32 to vector<16xf32>
    %scan3A = arith.constant 0 : i32
    %scan3A_18 = arith.constant 0 : i32
    %scan3A_19 = arith.constant 25 : i32
    %scan3A_20 = arith.addi %scan3A_18, %scan3A_19 : i32
    %scan3A_21 = arith.constant 1 : i32
    scf.for %scan3A_303 = %scan3A_18 to %scan3A_20 step %scan3A_21  : i32 {
      %dma_start3A = arith.constant 0 : i32
      %dma_start3A_304 = tpu.memref_slice %arg7[%scan3A_303, %dma_start3A] : memref<200x128xf32, #tpu.memory_space<vmem>> -> memref<1x128xf32, #tpu.memory_space<vmem>>
      %dma_start3A_305 = tpu.memref_squeeze %dma_start3A_304 : memref<1x128xf32, #tpu.memory_space<vmem>> -> memref<128xf32, #tpu.memory_space<vmem>>
      %dma_start3A_306 = arith.constant 0 : i32
      %dma_start3A_307 = tpu.memref_slice %arg6[%scan3A_303, %dma_start3A_306] : memref<200x128xi32, #tpu.memory_space<vmem>> -> memref<1x128xi32, #tpu.memory_space<vmem>>
      %dma_start3A_308 = tpu.memref_squeeze %dma_start3A_307 : memref<1x128xi32, #tpu.memory_space<vmem>> -> memref<128xi32, #tpu.memory_space<vmem>>
      %dma_start3A_309 = arith.constant 0 : i32
      %dma_start3A_310 = tpu.memref_slice %arg3[%dma_start3A_309] : memref<1000064xf32, #tpu.memory_space<hbm>> -> memref<1000064xf32, #tpu.memory_space<hbm>>
      tpu.enqueue_indirect_dma source(%dma_start3A_310 : memref<1000064xf32, #tpu.memory_space<hbm>>) target(%dma_start3A_305 : memref<128xf32, #tpu.memory_space<vmem>>) offsets(%dma_start3A_308 : memref<128xi32, #tpu.memory_space<vmem>>) semaphore(%arg10 : memref<!tpu.dma_semaphore, #tpu.memory_space<semaphore_mem>>)
    }
    %scan3A_22 = arith.constant 25 : i32
    %scan3A_23 = arith.constant 0 : i32
    %scan3A_24 = arith.constant 25 : i32
    %scan3A_25 = arith.constant 25 : i32
    %scan3A_26 = arith.addi %scan3A_24, %scan3A_25 : i32
    %scan3A_27 = arith.constant 1 : i32
    scf.for %scan3A_303 = %scan3A_24 to %scan3A_26 step %scan3A_27  : i32 {
      %dma_start3A = arith.constant 0 : i32
      %dma_start3A_304 = tpu.memref_slice %arg7[%scan3A_303, %dma_start3A] : memref<200x128xf32, #tpu.memory_space<vmem>> -> memref<1x128xf32, #tpu.memory_space<vmem>>
      %dma_start3A_305 = tpu.memref_squeeze %dma_start3A_304 : memref<1x128xf32, #tpu.memory_space<vmem>> -> memref<128xf32, #tpu.memory_space<vmem>>
      %dma_start3A_306 = arith.constant 0 : i32
      %dma_start3A_307 = tpu.memref_slice %arg6[%scan3A_303, %dma_start3A_306] : memref<200x128xi32, #tpu.memory_space<vmem>> -> memref<1x128xi32, #tpu.memory_space<vmem>>
      %dma_start3A_308 = tpu.memref_squeeze %dma_start3A_307 : memref<1x128xi32, #tpu.memory_space<vmem>> -> memref<128xi32, #tpu.memory_space<vmem>>
      %dma_start3A_309 = arith.constant 0 : i32
      %dma_start3A_310 = tpu.memref_slice %arg3[%dma_start3A_309] : memref<1000064xf32, #tpu.memory_space<hbm>> -> memref<1000064xf32, #tpu.memory_space<hbm>>
      tpu.enqueue_indirect_dma source(%dma_start3A_310 : memref<1000064xf32, #tpu.memory_space<hbm>>) target(%dma_start3A_305 : memref<128xf32, #tpu.memory_space<vmem>>) offsets(%dma_start3A_308 : memref<128xi32, #tpu.memory_space<vmem>>) semaphore(%arg11 : memref<!tpu.dma_semaphore, #tpu.memory_space<semaphore_mem>>)
    }
    %scan3A_28 = arith.constant 25 : i32
    %scan3A_29 = arith.constant 0 : i32
    %scan3A_30 = arith.constant 0 : i32
    %scan3A_31 = arith.constant 25 : i32
    %scan3A_32 = arith.addi %scan3A_30, %scan3A_31 : i32
    %scan3A_33 = arith.constant 1 : i32
    scf.for %scan3A_303 = %scan3A_30 to %scan3A_32 step %scan3A_33  : i32 {
      %dma_wait3A = arith.constant 0 : i32
      %dma_wait3A_304 = tpu.memref_slice %arg7[%scan3A_303, %dma_wait3A] : memref<200x128xf32, #tpu.memory_space<vmem>> -> memref<1x128xf32, #tpu.memory_space<vmem>>
      %dma_wait3A_305 = tpu.memref_squeeze %dma_wait3A_304 : memref<1x128xf32, #tpu.memory_space<vmem>> -> memref<128xf32, #tpu.memory_space<vmem>>
      %dma_wait3A_306 = arith.constant 0 : i32
      %dma_wait3A_307 = tpu.memref_slice %arg6[%scan3A_303, %dma_wait3A_306] : memref<200x128xi32, #tpu.memory_space<vmem>> -> memref<1x128xi32, #tpu.memory_space<vmem>>
      %dma_wait3A_308 = tpu.memref_squeeze %dma_wait3A_307 : memref<1x128xi32, #tpu.memory_space<vmem>> -> memref<128xi32, #tpu.memory_space<vmem>>
      %dma_wait3A_309 = arith.constant 0 : i32
      %dma_wait3A_310 = tpu.memref_slice %arg3[%dma_wait3A_309] : memref<1000064xf32, #tpu.memory_space<hbm>> -> memref<1000064xf32, #tpu.memory_space<hbm>>
      tpu.wait_indirect_dma semaphore(%arg10 : memref<!tpu.dma_semaphore, #tpu.memory_space<semaphore_mem>>) src(%dma_wait3A_310 : memref<1000064xf32, #tpu.memory_space<hbm>>) dst(%dma_wait3A_305 : memref<128xf32, #tpu.memory_space<vmem>>)
    }
    %scan3A_34 = arith.constant 25 : i32
    %scan3A_35 = arith.constant 0 : i32
    %scan3A_36 = arith.constant 25 : i32
    %scan3A_37 = arith.addi %scan3A_35, %scan3A_36 : i32
    %scan3A_38 = arith.constant 1 : i32
    %scan3A_39:8 = scf.for %scan3A_303 = %scan3A_35 to %scan3A_37 step %scan3A_38 iter_args(%scan3A_304 = %broadcast_in_dim3A_3, %scan3A_305 = %broadcast_in_dim3A_5, %scan3A_306 = %broadcast_in_dim3A_7, %scan3A_307 = %broadcast_in_dim3A_9, %scan3A_308 = %broadcast_in_dim3A_11, %scan3A_309 = %broadcast_in_dim3A_13, %scan3A_310 = %broadcast_in_dim3A_15, %scan3A_311 = %broadcast_in_dim3A_17) -> (vector<16xf32>, vector<16xf32>, vector<16xf32>, vector<16xf32>, vector<16xf32>, vector<16xf32>, vector<16xf32>, vector<16xf32>)  : i32 {
      %get3A_312 = arith.index_cast %scan3A_303 : i32 to index
      %get3A_313 = arith.constant 0 : index
      %get3A_314 = tpu.vector_load %arg7[%get3A_312, %get3A_313] {strides = array<i32>} : memref<200x128xf32, #tpu.memory_space<vmem>>, vector<1x16xf32>,
      %get3A_315 = vector.shape_cast %get3A_314 : vector<1x16xf32> to vector<16xf32>
      %add3A_316 = arith.addf %scan3A_304, %get3A_315 : vector<16xf32>
      %get3A_317 = arith.index_cast %scan3A_303 : i32 to index
      %get3A_318 = arith.constant 16 : index
      %get3A_319 = tpu.vector_load %arg7[%get3A_317, %get3A_318] {strides = array<i32>} : memref<200x128xf32, #tpu.memory_space<vmem>>, vector<1x16xf32>,
      %get3A_320 = vector.shape_cast %get3A_319 : vector<1x16xf32> to vector<16xf32>
      %add3A_321 = arith.addf %scan3A_305, %get3A_320 : vector<16xf32>
      %get3A_322 = arith.index_cast %scan3A_303 : i32 to index
      %get3A_323 = arith.constant 32 : index
      %get3A_324 = tpu.vector_load %arg7[%get3A_322, %get3A_323] {strides = array<i32>} : memref<200x128xf32, #tpu.memory_space<vmem>>, vector<1x16xf32>,
      %get3A_325 = vector.shape_cast %get3A_324 : vector<1x16xf32> to vector<16xf32>
      %add3A_326 = arith.addf %scan3A_306, %get3A_325 : vector<16xf32>
      %get3A_327 = arith.index_cast %scan3A_303 : i32 to index
      %get3A_328 = arith.constant 48 : index
      %get3A_329 = tpu.vector_load %arg7[%get3A_327, %get3A_328] {strides = array<i32>} : memref<200x128xf32, #tpu.memory_space<vmem>>, vector<1x16xf32>,
      %get3A_330 = vector.shape_cast %get3A_329 : vector<1x16xf32> to vector<16xf32>
      %add3A_331 = arith.addf %scan3A_307, %get3A_330 : vector<16xf32>
      %get3A_332 = arith.index_cast %scan3A_303 : i32 to index
      %get3A_333 = arith.constant 64 : index
      %get3A_334 = tpu.vector_load %arg7[%get3A_332, %get3A_333] {strides = array<i32>} : memref<200x128xf32, #tpu.memory_space<vmem>>, vector<1x16xf32>,
      %get3A_335 = vector.shape_cast %get3A_334 : vector<1x16xf32> to vector<16xf32>
      %add3A_336 = arith.addf %scan3A_308, %get3A_335 : vector<16xf32>
      %get3A_337 = arith.index_cast %scan3A_303 : i32 to index
      %get3A_338 = arith.constant 80 : index
      %get3A_339 = tpu.vector_load %arg7[%get3A_337, %get3A_338] {strides = array<i32>} : memref<200x128xf32, #tpu.memory_space<vmem>>, vector<1x16xf32>,
      %get3A_340 = vector.shape_cast %get3A_339 : vector<1x16xf32> to vector<16xf32>
      %add3A_341 = arith.addf %scan3A_309, %get3A_340 : vector<16xf32>
      %get3A_342 = arith.index_cast %scan3A_303 : i32 to index
      %get3A_343 = arith.constant 96 : index
      %get3A_344 = tpu.vector_load %arg7[%get3A_342, %get3A_343] {strides = array<i32>} : memref<200x128xf32, #tpu.memory_space<vmem>>, vector<1x16xf32>,
      %get3A_345 = vector.shape_cast %get3A_344 : vector<1x16xf32> to vector<16xf32>
      %add3A_346 = arith.addf %scan3A_310, %get3A_345 : vector<16xf32>
      %get3A_347 = arith.index_cast %scan3A_303 : i32 to index
      %get3A_348 = arith.constant 112 : index
      %get3A_349 = tpu.vector_load %arg7[%get3A_347, %get3A_348] {strides = array<i32>} : memref<200x128xf32, #tpu.memory_space<vmem>>, vector<1x16xf32>,
      %get3A_350 = vector.shape_cast %get3A_349 : vector<1x16xf32> to vector<16xf32>
      %add3A_351 = arith.addf %scan3A_311, %get3A_350 : vector<16xf32>
      scf.yield %add3A_316, %add3A_321, %add3A_326, %add3A_331, %add3A_336, %add3A_341, %add3A_346, %add3A_351 : vector<16xf32>, vector<16xf32>, vector<16xf32>, vector<16xf32>, vector<16xf32>, vector<16xf32>, vector<16xf32>, vector<16xf32>
    }
    %scan3A_40 = arith.constant 25 : i32
    %scan3A_41 = arith.constant 0 : i32
    %scan3A_42 = arith.constant 50 : i32
    %scan3A_43 = arith.constant 25 : i32
    %scan3A_44 = arith.addi %scan3A_42, %scan3A_43 : i32
    %scan3A_45 = arith.constant 1 : i32
    scf.for %scan3A_303 = %scan3A_42 to %scan3A_44 step %scan3A_45  : i32 {
      %dma_start3A = arith.constant 0 : i32
      %dma_start3A_304 = tpu.memref_slice %arg7[%scan3A_303, %dma_start3A] : memref<200x128xf32, #tpu.memory_space<vmem>> -> memref<1x128xf32, #tpu.memory_space<vmem>>
      %dma_start3A_305 = tpu.memref_squeeze %dma_start3A_304 : memref<1x128xf32, #tpu.memory_space<vmem>> -> memref<128xf32, #tpu.memory_space<vmem>>
      %dma_start3A_306 = arith.constant 0 : i32
      %dma_start3A_307 = tpu.memref_slice %arg6[%scan3A_303, %dma_start3A_306] : memref<200x128xi32, #tpu.memory_space<vmem>> -> memref<1x128xi32, #tpu.memory_space<vmem>>
      %dma_start3A_308 = tpu.memref_squeeze %dma_start3A_307 : memref<1x128xi32, #tpu.memory_space<vmem>> -> memref<128xi32, #tpu.memory_space<vmem>>
      %dma_start3A_309 = arith.constant 0 : i32
      %dma_start3A_310 = tpu.memref_slice %arg3[%dma_start3A_309] : memref<1000064xf32, #tpu.memory_space<hbm>> -> memref<1000064xf32, #tpu.memory_space<hbm>>
      tpu.enqueue_indirect_dma source(%dma_start3A_310 : memref<1000064xf32, #tpu.memory_space<hbm>>) target(%dma_start3A_305 : memref<128xf32, #tpu.memory_space<vmem>>) offsets(%dma_start3A_308 : memref<128xi32, #tpu.memory_space<vmem>>) semaphore(%arg10 : memref<!tpu.dma_semaphore, #tpu.memory_space<semaphore_mem>>)
    }
    %scan3A_46 = arith.constant 25 : i32
    %scan3A_47 = arith.constant 0 : i32
    %scan3A_48 = arith.constant 25 : i32
    %scan3A_49 = arith.constant 25 : i32
    %scan3A_50 = arith.addi %scan3A_48, %scan3A_49 : i32
    %scan3A_51 = arith.constant 1 : i32
    scf.for %scan3A_303 = %scan3A_48 to %scan3A_50 step %scan3A_51  : i32 {
      %dma_wait3A = arith.constant 0 : i32
      %dma_wait3A_304 = tpu.memref_slice %arg7[%scan3A_303, %dma_wait3A] : memref<200x128xf32, #tpu.memory_space<vmem>> -> memref<1x128xf32, #tpu.memory_space<vmem>>
      %dma_wait3A_305 = tpu.memref_squeeze %dma_wait3A_304 : memref<1x128xf32, #tpu.memory_space<vmem>> -> memref<128xf32, #tpu.memory_space<vmem>>
      %dma_wait3A_306 = arith.constant 0 : i32
      %dma_wait3A_307 = tpu.memref_slice %arg6[%scan3A_303, %dma_wait3A_306] : memref<200x128xi32, #tpu.memory_space<vmem>> -> memref<1x128xi32, #tpu.memory_space<vmem>>
      %dma_wait3A_308 = tpu.memref_squeeze %dma_wait3A_307 : memref<1x128xi32, #tpu.memory_space<vmem>> -> memref<128xi32, #tpu.memory_space<vmem>>
      %dma_wait3A_309 = arith.constant 0 : i32
      %dma_wait3A_310 = tpu.memref_slice %arg3[%dma_wait3A_309] : memref<1000064xf32, #tpu.memory_space<hbm>> -> memref<1000064xf32, #tpu.memory_space<hbm>>
      tpu.wait_indirect_dma semaphore(%arg11 : memref<!tpu.dma_semaphore, #tpu.memory_space<semaphore_mem>>) src(%dma_wait3A_310 : memref<1000064xf32, #tpu.memory_space<hbm>>) dst(%dma_wait3A_305 : memref<128xf32, #tpu.memory_space<vmem>>)
    }
    %scan3A_52 = arith.constant 25 : i32
    %scan3A_53 = arith.constant 25 : i32
    %scan3A_54 = arith.constant 25 : i32
    %scan3A_55 = arith.addi %scan3A_53, %scan3A_54 : i32
    %scan3A_56 = arith.constant 1 : i32
    %scan3A_57:8 = scf.for %scan3A_303 = %scan3A_53 to %scan3A_55 step %scan3A_56 iter_args(%scan3A_304 = %scan3A_39#0, %scan3A_305 = %scan3A_39#1, %scan3A_306 = %scan3A_39#2, %scan3A_307 = %scan3A_39#3, %scan3A_308 = %scan3A_39#4, %scan3A_309 = %scan3A_39#5, %scan3A_310 = %scan3A_39#6, %scan3A_311 = %scan3A_39#7) -> (vector<16xf32>, vector<16xf32>, vector<16xf32>, vector<16xf32>, vector<16xf32>, vector<16xf32>, vector<16xf32>, vector<16xf32>)  : i32 {
      %get3A_312 = arith.index_cast %scan3A_303 : i32 to index
      %get3A_313 = arith.constant 0 : index
      %get3A_314 = tpu.vector_load %arg7[%get3A_312, %get3A_313] {strides = array<i32>} : memref<200x128xf32, #tpu.memory_space<vmem>>, vector<1x16xf32>,
      %get3A_315 = vector.shape_cast %get3A_314 : vector<1x16xf32> to vector<16xf32>
      %add3A_316 = arith.addf %scan3A_304, %get3A_315 : vector<16xf32>
      %get3A_317 = arith.index_cast %scan3A_303 : i32 to index
      %get3A_318 = arith.constant 16 : index
      %get3A_319 = tpu.vector_load %arg7[%get3A_317, %get3A_318] {strides = array<i32>} : memref<200x128xf32, #tpu.memory_space<vmem>>, vector<1x16xf32>,
      %get3A_320 = vector.shape_cast %get3A_319 : vector<1x16xf32> to vector<16xf32>
      %add3A_321 = arith.addf %scan3A_305, %get3A_320 : vector<16xf32>
      %get3A_322 = arith.index_cast %scan3A_303 : i32 to index
      %get3A_323 = arith.constant 32 : index
      %get3A_324 = tpu.vector_load %arg7[%get3A_322, %get3A_323] {strides = array<i32>} : memref<200x128xf32, #tpu.memory_space<vmem>>, vector<1x16xf32>,
      %get3A_325 = vector.shape_cast %get3A_324 : vector<1x16xf32> to vector<16xf32>
      %add3A_326 = arith.addf %scan3A_306, %get3A_325 : vector<16xf32>
      %get3A_327 = arith.index_cast %scan3A_303 : i32 to index
      %get3A_328 = arith.constant 48 : index
      %get3A_329 = tpu.vector_load %arg7[%get3A_327, %get3A_328] {strides = array<i32>} : memref<200x128xf32, #tpu.memory_space<vmem>>, vector<1x16xf32>,
      %get3A_330 = vector.shape_cast %get3A_329 : vector<1x16xf32> to vector<16xf32>
      %add3A_331 = arith.addf %scan3A_307, %get3A_330 : vector<16xf32>
      %get3A_332 = arith.index_cast %scan3A_303 : i32 to index
      %get3A_333 = arith.constant 64 : index
      %get3A_334 = tpu.vector_load %arg7[%get3A_332, %get3A_333] {strides = array<i32>} : memref<200x128xf32, #tpu.memory_space<vmem>>, vector<1x16xf32>,
      %get3A_335 = vector.shape_cast %get3A_334 : vector<1x16xf32> to vector<16xf32>
      %add3A_336 = arith.addf %scan3A_308, %get3A_335 : vector<16xf32>
      %get3A_337 = arith.index_cast %scan3A_303 : i32 to index
      %get3A_338 = arith.constant 80 : index
      %get3A_339 = tpu.vector_load %arg7[%get3A_337, %get3A_338] {strides = array<i32>} : memref<200x128xf32, #tpu.memory_space<vmem>>, vector<1x16xf32>,
      %get3A_340 = vector.shape_cast %get3A_339 : vector<1x16xf32> to vector<16xf32>
      %add3A_341 = arith.addf %scan3A_309, %get3A_340 : vector<16xf32>
      %get3A_342 = arith.index_cast %scan3A_303 : i32 to index
      %get3A_343 = arith.constant 96 : index
      %get3A_344 = tpu.vector_load %arg7[%get3A_342, %get3A_343] {strides = array<i32>} : memref<200x128xf32, #tpu.memory_space<vmem>>, vector<1x16xf32>,
      %get3A_345 = vector.shape_cast %get3A_344 : vector<1x16xf32> to vector<16xf32>
      %add3A_346 = arith.addf %scan3A_310, %get3A_345 : vector<16xf32>
      %get3A_347 = arith.index_cast %scan3A_303 : i32 to index
      %get3A_348 = arith.constant 112 : index
      %get3A_349 = tpu.vector_load %arg7[%get3A_347, %get3A_348] {strides = array<i32>} : memref<200x128xf32, #tpu.memory_space<vmem>>, vector<1x16xf32>,
      %get3A_350 = vector.shape_cast %get3A_349 : vector<1x16xf32> to vector<16xf32>
      %add3A_351 = arith.addf %scan3A_311, %get3A_350 : vector<16xf32>
      scf.yield %add3A_316, %add3A_321, %add3A_326, %add3A_331, %add3A_336, %add3A_341, %add3A_346, %add3A_351 : vector<16xf32>, vector<16xf32>, vector<16xf32>, vector<16xf32>, vector<16xf32>, vector<16xf32>, vector<16xf32>, vector<16xf32>
    }
    %scan3A_58 = arith.constant 25 : i32
    %scan3A_59 = arith.constant 0 : i32
    %scan3A_60 = arith.constant 75 : i32
    %scan3A_61 = arith.constant 25 : i32
    %scan3A_62 = arith.addi %scan3A_60, %scan3A_61 : i32
    %scan3A_63 = arith.constant 1 : i32
    scf.for %scan3A_303 = %scan3A_60 to %scan3A_62 step %scan3A_63  : i32 {
      %dma_start3A = arith.constant 0 : i32
      %dma_start3A_304 = tpu.memref_slice %arg7[%scan3A_303, %dma_start3A] : memref<200x128xf32, #tpu.memory_space<vmem>> -> memref<1x128xf32, #tpu.memory_space<vmem>>
      %dma_start3A_305 = tpu.memref_squeeze %dma_start3A_304 : memref<1x128xf32, #tpu.memory_space<vmem>> -> memref<128xf32, #tpu.memory_space<vmem>>
      %dma_start3A_306 = arith.constant 0 : i32
      %dma_start3A_307 = tpu.memref_slice %arg6[%scan3A_303, %dma_start3A_306] : memref<200x128xi32, #tpu.memory_space<vmem>> -> memref<1x128xi32, #tpu.memory_space<vmem>>
      %dma_start3A_308 = tpu.memref_squeeze %dma_start3A_307 : memref<1x128xi32, #tpu.memory_space<vmem>> -> memref<128xi32, #tpu.memory_space<vmem>>
      %dma_start3A_309 = arith.constant 0 : i32
      %dma_start3A_310 = tpu.memref_slice %arg3[%dma_start3A_309] : memref<1000064xf32, #tpu.memory_space<hbm>> -> memref<1000064xf32, #tpu.memory_space<hbm>>
      tpu.enqueue_indirect_dma source(%dma_start3A_310 : memref<1000064xf32, #tpu.memory_space<hbm>>) target(%dma_start3A_305 : memref<128xf32, #tpu.memory_space<vmem>>) offsets(%dma_start3A_308 : memref<128xi32, #tpu.memory_space<vmem>>) semaphore(%arg11 : memref<!tpu.dma_semaphore, #tpu.memory_space<semaphore_mem>>)
    }
    %scan3A_64 = arith.constant 25 : i32
    %scan3A_65 = arith.constant 0 : i32
    %scan3A_66 = arith.constant 50 : i32
    %scan3A_67 = arith.constant 25 : i32
    %scan3A_68 = arith.addi %scan3A_66, %scan3A_67 : i32
    %scan3A_69 = arith.constant 1 : i32
    scf.for %scan3A_303 = %scan3A_66 to %scan3A_68 step %scan3A_69  : i32 {
      %dma_wait3A = arith.constant 0 : i32
      %dma_wait3A_304 = tpu.memref_slice %arg7[%scan3A_303, %dma_wait3A] : memref<200x128xf32, #tpu.memory_space<vmem>> -> memref<1x128xf32, #tpu.memory_space<vmem>>
      %dma_wait3A_305 = tpu.memref_squeeze %dma_wait3A_304 : memref<1x128xf32, #tpu.memory_space<vmem>> -> memref<128xf32, #tpu.memory_space<vmem>>
      %dma_wait3A_306 = arith.constant 0 : i32
      %dma_wait3A_307 = tpu.memref_slice %arg6[%scan3A_303, %dma_wait3A_306] : memref<200x128xi32, #tpu.memory_space<vmem>> -> memref<1x128xi32, #tpu.memory_space<vmem>>
      %dma_wait3A_308 = tpu.memref_squeeze %dma_wait3A_307 : memref<1x128xi32, #tpu.memory_space<vmem>> -> memref<128xi32, #tpu.memory_space<vmem>>
      %dma_wait3A_309 = arith.constant 0 : i32
      %dma_wait3A_310 = tpu.memref_slice %arg3[%dma_wait3A_309] : memref<1000064xf32, #tpu.memory_space<hbm>> -> memref<1000064xf32, #tpu.memory_space<hbm>>
      tpu.wait_indirect_dma semaphore(%arg10 : memref<!tpu.dma_semaphore, #tpu.memory_space<semaphore_mem>>) src(%dma_wait3A_310 : memref<1000064xf32, #tpu.memory_space<hbm>>) dst(%dma_wait3A_305 : memref<128xf32, #tpu.memory_space<vmem>>)
    }
    %scan3A_70 = arith.constant 25 : i32
    %scan3A_71 = arith.constant 50 : i32
    %scan3A_72 = arith.constant 25 : i32
    %scan3A_73 = arith.addi %scan3A_71, %scan3A_72 : i32
    %scan3A_74 = arith.constant 1 : i32
    %scan3A_75:8 = scf.for %scan3A_303 = %scan3A_71 to %scan3A_73 step %scan3A_74 iter_args(%scan3A_304 = %scan3A_57#0, %scan3A_305 = %scan3A_57#1, %scan3A_306 = %scan3A_57#2, %scan3A_307 = %scan3A_57#3, %scan3A_308 = %scan3A_57#4, %scan3A_309 = %scan3A_57#5, %scan3A_310 = %scan3A_57#6, %scan3A_311 = %scan3A_57#7) -> (vector<16xf32>, vector<16xf32>, vector<16xf32>, vector<16xf32>, vector<16xf32>, vector<16xf32>, vector<16xf32>, vector<16xf32>)  : i32 {
      %get3A_312 = arith.index_cast %scan3A_303 : i32 to index
      %get3A_313 = arith.constant 0 : index
      %get3A_314 = tpu.vector_load %arg7[%get3A_312, %get3A_313] {strides = array<i32>} : memref<200x128xf32, #tpu.memory_space<vmem>>, vector<1x16xf32>,
      %get3A_315 = vector.shape_cast %get3A_314 : vector<1x16xf32> to vector<16xf32>
      %add3A_316 = arith.addf %scan3A_304, %get3A_315 : vector<16xf32>
      %get3A_317 = arith.index_cast %scan3A_303 : i32 to index
      %get3A_318 = arith.constant 16 : index
      %get3A_319 = tpu.vector_load %arg7[%get3A_317, %get3A_318] {strides = array<i32>} : memref<200x128xf32, #tpu.memory_space<vmem>>, vector<1x16xf32>,
      %get3A_320 = vector.shape_cast %get3A_319 : vector<1x16xf32> to vector<16xf32>
      %add3A_321 = arith.addf %scan3A_305, %get3A_320 : vector<16xf32>
      %get3A_322 = arith.index_cast %scan3A_303 : i32 to index
      %get3A_323 = arith.constant 32 : index
      %get3A_324 = tpu.vector_load %arg7[%get3A_322, %get3A_323] {strides = array<i32>} : memref<200x128xf32, #tpu.memory_space<vmem>>, vector<1x16xf32>,
      %get3A_325 = vector.shape_cast %get3A_324 : vector<1x16xf32> to vector<16xf32>
      %add3A_326 = arith.addf %scan3A_306, %get3A_325 : vector<16xf32>
      %get3A_327 = arith.index_cast %scan3A_303 : i32 to index
      %get3A_328 = arith.constant 48 : index
      %get3A_329 = tpu.vector_load %arg7[%get3A_327, %get3A_328] {strides = array<i32>} : memref<200x128xf32, #tpu.memory_space<vmem>>, vector<1x16xf32>,
      %get3A_330 = vector.shape_cast %get3A_329 : vector<1x16xf32> to vector<16xf32>
      %add3A_331 = arith.addf %scan3A_307, %get3A_330 : vector<16xf32>
      %get3A_332 = arith.index_cast %scan3A_303 : i32 to index
      %get3A_333 = arith.constant 64 : index
      %get3A_334 = tpu.vector_load %arg7[%get3A_332, %get3A_333] {strides = array<i32>} : memref<200x128xf32, #tpu.memory_space<vmem>>, vector<1x16xf32>,
      %get3A_335 = vector.shape_cast %get3A_334 : vector<1x16xf32> to vector<16xf32>
      %add3A_336 = arith.addf %scan3A_308, %get3A_335 : vector<16xf32>
      %get3A_337 = arith.index_cast %scan3A_303 : i32 to index
      %get3A_338 = arith.constant 80 : index
      %get3A_339 = tpu.vector_load %arg7[%get3A_337, %get3A_338] {strides = array<i32>} : memref<200x128xf32, #tpu.memory_space<vmem>>, vector<1x16xf32>,
      %get3A_340 = vector.shape_cast %get3A_339 : vector<1x16xf32> to vector<16xf32>
      %add3A_341 = arith.addf %scan3A_309, %get3A_340 : vector<16xf32>
      %get3A_342 = arith.index_cast %scan3A_303 : i32 to index
      %get3A_343 = arith.constant 96 : index
      %get3A_344 = tpu.vector_load %arg7[%get3A_342, %get3A_343] {strides = array<i32>} : memref<200x128xf32, #tpu.memory_space<vmem>>, vector<1x16xf32>,
      %get3A_345 = vector.shape_cast %get3A_344 : vector<1x16xf32> to vector<16xf32>
      %add3A_346 = arith.addf %scan3A_310, %get3A_345 : vector<16xf32>
      %get3A_347 = arith.index_cast %scan3A_303 : i32 to index
      %get3A_348 = arith.constant 112 : index
      %get3A_349 = tpu.vector_load %arg7[%get3A_347, %get3A_348] {strides = array<i32>} : memref<200x128xf32, #tpu.memory_space<vmem>>, vector<1x16xf32>,
      %get3A_350 = vector.shape_cast %get3A_349 : vector<1x16xf32> to vector<16xf32>
      %add3A_351 = arith.addf %scan3A_311, %get3A_350 : vector<16xf32>
      scf.yield %add3A_316, %add3A_321, %add3A_326, %add3A_331, %add3A_336, %add3A_341, %add3A_346, %add3A_351 : vector<16xf32>, vector<16xf32>, vector<16xf32>, vector<16xf32>, vector<16xf32>, vector<16xf32>, vector<16xf32>, vector<16xf32>
    }
    %scan3A_76 = arith.constant 25 : i32
    %scan3A_77 = arith.constant 0 : i32
    %scan3A_78 = arith.constant 100 : i32
    %scan3A_79 = arith.constant 25 : i32
    %scan3A_80 = arith.addi %scan3A_78, %scan3A_79 : i32
    %scan3A_81 = arith.constant 1 : i32
    scf.for %scan3A_303 = %scan3A_78 to %scan3A_80 step %scan3A_81  : i32 {
      %dma_start3A = arith.constant 0 : i32
      %dma_start3A_304 = tpu.memref_slice %arg7[%scan3A_303, %dma_start3A] : memref<200x128xf32, #tpu.memory_space<vmem>> -> memref<1x128xf32, #tpu.memory_space<vmem>>
      %dma_start3A_305 = tpu.memref_squeeze %dma_start3A_304 : memref<1x128xf32, #tpu.memory_space<vmem>> -> memref<128xf32, #tpu.memory_space<vmem>>
      %dma_start3A_306 = arith.constant 0 : i32
      %dma_start3A_307 = tpu.memref_slice %arg6[%scan3A_303, %dma_start3A_306] : memref<200x128xi32, #tpu.memory_space<vmem>> -> memref<1x128xi32, #tpu.memory_space<vmem>>
      %dma_start3A_308 = tpu.memref_squeeze %dma_start3A_307 : memref<1x128xi32, #tpu.memory_space<vmem>> -> memref<128xi32, #tpu.memory_space<vmem>>
      %dma_start3A_309 = arith.constant 0 : i32
      %dma_start3A_310 = tpu.memref_slice %arg3[%dma_start3A_309] : memref<1000064xf32, #tpu.memory_space<hbm>> -> memref<1000064xf32, #tpu.memory_space<hbm>>
      tpu.enqueue_indirect_dma source(%dma_start3A_310 : memref<1000064xf32, #tpu.memory_space<hbm>>) target(%dma_start3A_305 : memref<128xf32, #tpu.memory_space<vmem>>) offsets(%dma_start3A_308 : memref<128xi32, #tpu.memory_space<vmem>>) semaphore(%arg10 : memref<!tpu.dma_semaphore, #tpu.memory_space<semaphore_mem>>)
    }
    %scan3A_82 = arith.constant 25 : i32
    %scan3A_83 = arith.constant 0 : i32
    %scan3A_84 = arith.constant 75 : i32
    %scan3A_85 = arith.constant 25 : i32
    %scan3A_86 = arith.addi %scan3A_84, %scan3A_85 : i32
    %scan3A_87 = arith.constant 1 : i32
    scf.for %scan3A_303 = %scan3A_84 to %scan3A_86 step %scan3A_87  : i32 {
      %dma_wait3A = arith.constant 0 : i32
      %dma_wait3A_304 = tpu.memref_slice %arg7[%scan3A_303, %dma_wait3A] : memref<200x128xf32, #tpu.memory_space<vmem>> -> memref<1x128xf32, #tpu.memory_space<vmem>>
      %dma_wait3A_305 = tpu.memref_squeeze %dma_wait3A_304 : memref<1x128xf32, #tpu.memory_space<vmem>> -> memref<128xf32, #tpu.memory_space<vmem>>
      %dma_wait3A_306 = arith.constant 0 : i32
      %dma_wait3A_307 = tpu.memref_slice %arg6[%scan3A_303, %dma_wait3A_306] : memref<200x128xi32, #tpu.memory_space<vmem>> -> memref<1x128xi32, #tpu.memory_space<vmem>>
      %dma_wait3A_308 = tpu.memref_squeeze %dma_wait3A_307 : memref<1x128xi32, #tpu.memory_space<vmem>> -> memref<128xi32, #tpu.memory_space<vmem>>
      %dma_wait3A_309 = arith.constant 0 : i32
      %dma_wait3A_310 = tpu.memref_slice %arg3[%dma_wait3A_309] : memref<1000064xf32, #tpu.memory_space<hbm>> -> memref<1000064xf32, #tpu.memory_space<hbm>>
      tpu.wait_indirect_dma semaphore(%arg11 : memref<!tpu.dma_semaphore, #tpu.memory_space<semaphore_mem>>) src(%dma_wait3A_310 : memref<1000064xf32, #tpu.memory_space<hbm>>) dst(%dma_wait3A_305 : memref<128xf32, #tpu.memory_space<vmem>>)
    }
    %scan3A_88 = arith.constant 25 : i32
    %scan3A_89 = arith.constant 75 : i32
    %scan3A_90 = arith.constant 25 : i32
    %scan3A_91 = arith.addi %scan3A_89, %scan3A_90 : i32
    %scan3A_92 = arith.constant 1 : i32
    %scan3A_93:8 = scf.for %scan3A_303 = %scan3A_89 to %scan3A_91 step %scan3A_92 iter_args(%scan3A_304 = %scan3A_75#0, %scan3A_305 = %scan3A_75#1, %scan3A_306 = %scan3A_75#2, %scan3A_307 = %scan3A_75#3, %scan3A_308 = %scan3A_75#4, %scan3A_309 = %scan3A_75#5, %scan3A_310 = %scan3A_75#6, %scan3A_311 = %scan3A_75#7) -> (vector<16xf32>, vector<16xf32>, vector<16xf32>, vector<16xf32>, vector<16xf32>, vector<16xf32>, vector<16xf32>, vector<16xf32>)  : i32 {
      %get3A_312 = arith.index_cast %scan3A_303 : i32 to index
      %get3A_313 = arith.constant 0 : index
      %get3A_314 = tpu.vector_load %arg7[%get3A_312, %get3A_313] {strides = array<i32>} : memref<200x128xf32, #tpu.memory_space<vmem>>, vector<1x16xf32>,
      %get3A_315 = vector.shape_cast %get3A_314 : vector<1x16xf32> to vector<16xf32>
      %add3A_316 = arith.addf %scan3A_304, %get3A_315 : vector<16xf32>
      %get3A_317 = arith.index_cast %scan3A_303 : i32 to index
      %get3A_318 = arith.constant 16 : index
      %get3A_319 = tpu.vector_load %arg7[%get3A_317, %get3A_318] {strides = array<i32>} : memref<200x128xf32, #tpu.memory_space<vmem>>, vector<1x16xf32>,
      %get3A_320 = vector.shape_cast %get3A_319 : vector<1x16xf32> to vector<16xf32>
      %add3A_321 = arith.addf %scan3A_305, %get3A_320 : vector<16xf32>
      %get3A_322 = arith.index_cast %scan3A_303 : i32 to index
      %get3A_323 = arith.constant 32 : index
      %get3A_324 = tpu.vector_load %arg7[%get3A_322, %get3A_323] {strides = array<i32>} : memref<200x128xf32, #tpu.memory_space<vmem>>, vector<1x16xf32>,
      %get3A_325 = vector.shape_cast %get3A_324 : vector<1x16xf32> to vector<16xf32>
      %add3A_326 = arith.addf %scan3A_306, %get3A_325 : vector<16xf32>
      %get3A_327 = arith.index_cast %scan3A_303 : i32 to index
      %get3A_328 = arith.constant 48 : index
      %get3A_329 = tpu.vector_load %arg7[%get3A_327, %get3A_328] {strides = array<i32>} : memref<200x128xf32, #tpu.memory_space<vmem>>, vector<1x16xf32>,
      %get3A_330 = vector.shape_cast %get3A_329 : vector<1x16xf32> to vector<16xf32>
      %add3A_331 = arith.addf %scan3A_307, %get3A_330 : vector<16xf32>
      %get3A_332 = arith.index_cast %scan3A_303 : i32 to index
      %get3A_333 = arith.constant 64 : index
      %get3A_334 = tpu.vector_load %arg7[%get3A_332, %get3A_333] {strides = array<i32>} : memref<200x128xf32, #tpu.memory_space<vmem>>, vector<1x16xf32>,
      %get3A_335 = vector.shape_cast %get3A_334 : vector<1x16xf32> to vector<16xf32>
      %add3A_336 = arith.addf %scan3A_308, %get3A_335 : vector<16xf32>
      %get3A_337 = arith.index_cast %scan3A_303 : i32 to index
      %get3A_338 = arith.constant 80 : index
      %get3A_339 = tpu.vector_load %arg7[%get3A_337, %get3A_338] {strides = array<i32>} : memref<200x128xf32, #tpu.memory_space<vmem>>, vector<1x16xf32>,
      %get3A_340 = vector.shape_cast %get3A_339 : vector<1x16xf32> to vector<16xf32>
      %add3A_341 = arith.addf %scan3A_309, %get3A_340 : vector<16xf32>
      %get3A_342 = arith.index_cast %scan3A_303 : i32 to index
      %get3A_343 = arith.constant 96 : index
      %get3A_344 = tpu.vector_load %arg7[%get3A_342, %get3A_343] {strides = array<i32>} : memref<200x128xf32, #tpu.memory_space<vmem>>, vector<1x16xf32>,
      %get3A_345 = vector.shape_cast %get3A_344 : vector<1x16xf32> to vector<16xf32>
      %add3A_346 = arith.addf %scan3A_310, %get3A_345 : vector<16xf32>
      %get3A_347 = arith.index_cast %scan3A_303 : i32 to index
      %get3A_348 = arith.constant 112 : index
      %get3A_349 = tpu.vector_load %arg7[%get3A_347, %get3A_348] {strides = array<i32>} : memref<200x128xf32, #tpu.memory_space<vmem>>, vector<1x16xf32>,
      %get3A_350 = vector.shape_cast %get3A_349 : vector<1x16xf32> to vector<16xf32>
      %add3A_351 = arith.addf %scan3A_311, %get3A_350 : vector<16xf32>
      scf.yield %add3A_316, %add3A_321, %add3A_326, %add3A_331, %add3A_336, %add3A_341, %add3A_346, %add3A_351 : vector<16xf32>, vector<16xf32>, vector<16xf32>, vector<16xf32>, vector<16xf32>, vector<16xf32>, vector<16xf32>, vector<16xf32>
    }
    %scan3A_94 = arith.constant 25 : i32
    %scan3A_95 = arith.constant 0 : i32
    %scan3A_96 = arith.constant 125 : i32
    %scan3A_97 = arith.constant 25 : i32
    %scan3A_98 = arith.addi %scan3A_96, %scan3A_97 : i32
    %scan3A_99 = arith.constant 1 : i32
    scf.for %scan3A_303 = %scan3A_96 to %scan3A_98 step %scan3A_99  : i32 {
      %dma_start3A = arith.constant 0 : i32
      %dma_start3A_304 = tpu.memref_slice %arg7[%scan3A_303, %dma_start3A] : memref<200x128xf32, #tpu.memory_space<vmem>> -> memref<1x128xf32, #tpu.memory_space<vmem>>
      %dma_start3A_305 = tpu.memref_squeeze %dma_start3A_304 : memref<1x128xf32, #tpu.memory_space<vmem>> -> memref<128xf32, #tpu.memory_space<vmem>>
      %dma_start3A_306 = arith.constant 0 : i32
      %dma_start3A_307 = tpu.memref_slice %arg6[%scan3A_303, %dma_start3A_306] : memref<200x128xi32, #tpu.memory_space<vmem>> -> memref<1x128xi32, #tpu.memory_space<vmem>>
      %dma_start3A_308 = tpu.memref_squeeze %dma_start3A_307 : memref<1x128xi32, #tpu.memory_space<vmem>> -> memref<128xi32, #tpu.memory_space<vmem>>
      %dma_start3A_309 = arith.constant 0 : i32
      %dma_start3A_310 = tpu.memref_slice %arg3[%dma_start3A_309] : memref<1000064xf32, #tpu.memory_space<hbm>> -> memref<1000064xf32, #tpu.memory_space<hbm>>
      tpu.enqueue_indirect_dma source(%dma_start3A_310 : memref<1000064xf32, #tpu.memory_space<hbm>>) target(%dma_start3A_305 : memref<128xf32, #tpu.memory_space<vmem>>) offsets(%dma_start3A_308 : memref<128xi32, #tpu.memory_space<vmem>>) semaphore(%arg11 : memref<!tpu.dma_semaphore, #tpu.memory_space<semaphore_mem>>)
    }
    %scan3A_100 = arith.constant 25 : i32
    %scan3A_101 = arith.constant 0 : i32
    %scan3A_102 = arith.constant 100 : i32
    %scan3A_103 = arith.constant 25 : i32
    %scan3A_104 = arith.addi %scan3A_102, %scan3A_103 : i32
    %scan3A_105 = arith.constant 1 : i32
    scf.for %scan3A_303 = %scan3A_102 to %scan3A_104 step %scan3A_105  : i32 {
      %dma_wait3A = arith.constant 0 : i32
      %dma_wait3A_304 = tpu.memref_slice %arg7[%scan3A_303, %dma_wait3A] : memref<200x128xf32, #tpu.memory_space<vmem>> -> memref<1x128xf32, #tpu.memory_space<vmem>>
      %dma_wait3A_305 = tpu.memref_squeeze %dma_wait3A_304 : memref<1x128xf32, #tpu.memory_space<vmem>> -> memref<128xf32, #tpu.memory_space<vmem>>
      %dma_wait3A_306 = arith.constant 0 : i32
      %dma_wait3A_307 = tpu.memref_slice %arg6[%scan3A_303, %dma_wait3A_306] : memref<200x128xi32, #tpu.memory_space<vmem>> -> memref<1x128xi32, #tpu.memory_space<vmem>>
      %dma_wait3A_308 = tpu.memref_squeeze %dma_wait3A_307 : memref<1x128xi32, #tpu.memory_space<vmem>> -> memref<128xi32, #tpu.memory_space<vmem>>
      %dma_wait3A_309 = arith.constant 0 : i32
      %dma_wait3A_310 = tpu.memref_slice %arg3[%dma_wait3A_309] : memref<1000064xf32, #tpu.memory_space<hbm>> -> memref<1000064xf32, #tpu.memory_space<hbm>>
      tpu.wait_indirect_dma semaphore(%arg10 : memref<!tpu.dma_semaphore, #tpu.memory_space<semaphore_mem>>) src(%dma_wait3A_310 : memref<1000064xf32, #tpu.memory_space<hbm>>) dst(%dma_wait3A_305 : memref<128xf32, #tpu.memory_space<vmem>>)
    }
    %scan3A_106 = arith.constant 25 : i32
    %scan3A_107 = arith.constant 100 : i32
    %scan3A_108 = arith.constant 25 : i32
    %scan3A_109 = arith.addi %scan3A_107, %scan3A_108 : i32
    %scan3A_110 = arith.constant 1 : i32
    %scan3A_111:8 = scf.for %scan3A_303 = %scan3A_107 to %scan3A_109 step %scan3A_110 iter_args(%scan3A_304 = %scan3A_93#0, %scan3A_305 = %scan3A_93#1, %scan3A_306 = %scan3A_93#2, %scan3A_307 = %scan3A_93#3, %scan3A_308 = %scan3A_93#4, %scan3A_309 = %scan3A_93#5, %scan3A_310 = %scan3A_93#6, %scan3A_311 = %scan3A_93#7) -> (vector<16xf32>, vector<16xf32>, vector<16xf32>, vector<16xf32>, vector<16xf32>, vector<16xf32>, vector<16xf32>, vector<16xf32>)  : i32 {
      %get3A_312 = arith.index_cast %scan3A_303 : i32 to index
      %get3A_313 = arith.constant 0 : index
      %get3A_314 = tpu.vector_load %arg7[%get3A_312, %get3A_313] {strides = array<i32>} : memref<200x128xf32, #tpu.memory_space<vmem>>, vector<1x16xf32>,
      %get3A_315 = vector.shape_cast %get3A_314 : vector<1x16xf32> to vector<16xf32>
      %add3A_316 = arith.addf %scan3A_304, %get3A_315 : vector<16xf32>
      %get3A_317 = arith.index_cast %scan3A_303 : i32 to index
      %get3A_318 = arith.constant 16 : index
      %get3A_319 = tpu.vector_load %arg7[%get3A_317, %get3A_318] {strides = array<i32>} : memref<200x128xf32, #tpu.memory_space<vmem>>, vector<1x16xf32>,
      %get3A_320 = vector.shape_cast %get3A_319 : vector<1x16xf32> to vector<16xf32>
      %add3A_321 = arith.addf %scan3A_305, %get3A_320 : vector<16xf32>
      %get3A_322 = arith.index_cast %scan3A_303 : i32 to index
      %get3A_323 = arith.constant 32 : index
      %get3A_324 = tpu.vector_load %arg7[%get3A_322, %get3A_323] {strides = array<i32>} : memref<200x128xf32, #tpu.memory_space<vmem>>, vector<1x16xf32>,
      %get3A_325 = vector.shape_cast %get3A_324 : vector<1x16xf32> to vector<16xf32>
      %add3A_326 = arith.addf %scan3A_306, %get3A_325 : vector<16xf32>
      %get3A_327 = arith.index_cast %scan3A_303 : i32 to index
      %get3A_328 = arith.constant 48 : index
      %get3A_329 = tpu.vector_load %arg7[%get3A_327, %get3A_328] {strides = array<i32>} : memref<200x128xf32, #tpu.memory_space<vmem>>, vector<1x16xf32>,
      %get3A_330 = vector.shape_cast %get3A_329 : vector<1x16xf32> to vector<16xf32>
      %add3A_331 = arith.addf %scan3A_307, %get3A_330 : vector<16xf32>
      %get3A_332 = arith.index_cast %scan3A_303 : i32 to index
      %get3A_333 = arith.constant 64 : index
      %get3A_334 = tpu.vector_load %arg7[%get3A_332, %get3A_333] {strides = array<i32>} : memref<200x128xf32, #tpu.memory_space<vmem>>, vector<1x16xf32>,
      %get3A_335 = vector.shape_cast %get3A_334 : vector<1x16xf32> to vector<16xf32>
      %add3A_336 = arith.addf %scan3A_308, %get3A_335 : vector<16xf32>
      %get3A_337 = arith.index_cast %scan3A_303 : i32 to index
      %get3A_338 = arith.constant 80 : index
      %get3A_339 = tpu.vector_load %arg7[%get3A_337, %get3A_338] {strides = array<i32>} : memref<200x128xf32, #tpu.memory_space<vmem>>, vector<1x16xf32>,
      %get3A_340 = vector.shape_cast %get3A_339 : vector<1x16xf32> to vector<16xf32>
      %add3A_341 = arith.addf %scan3A_309, %get3A_340 : vector<16xf32>
      %get3A_342 = arith.index_cast %scan3A_303 : i32 to index
      %get3A_343 = arith.constant 96 : index
      %get3A_344 = tpu.vector_load %arg7[%get3A_342, %get3A_343] {strides = array<i32>} : memref<200x128xf32, #tpu.memory_space<vmem>>, vector<1x16xf32>,
      %get3A_345 = vector.shape_cast %get3A_344 : vector<1x16xf32> to vector<16xf32>
      %add3A_346 = arith.addf %scan3A_310, %get3A_345 : vector<16xf32>
      %get3A_347 = arith.index_cast %scan3A_303 : i32 to index
      %get3A_348 = arith.constant 112 : index
      %get3A_349 = tpu.vector_load %arg7[%get3A_347, %get3A_348] {strides = array<i32>} : memref<200x128xf32, #tpu.memory_space<vmem>>, vector<1x16xf32>,
      %get3A_350 = vector.shape_cast %get3A_349 : vector<1x16xf32> to vector<16xf32>
      %add3A_351 = arith.addf %scan3A_311, %get3A_350 : vector<16xf32>
      scf.yield %add3A_316, %add3A_321, %add3A_326, %add3A_331, %add3A_336, %add3A_341, %add3A_346, %add3A_351 : vector<16xf32>, vector<16xf32>, vector<16xf32>, vector<16xf32>, vector<16xf32>, vector<16xf32>, vector<16xf32>, vector<16xf32>
    }
    %scan3A_112 = arith.constant 25 : i32
    %scan3A_113 = arith.constant 0 : i32
    %scan3A_114 = arith.constant 150 : i32
    %scan3A_115 = arith.constant 25 : i32
    %scan3A_116 = arith.addi %scan3A_114, %scan3A_115 : i32
    %scan3A_117 = arith.constant 1 : i32
    scf.for %scan3A_303 = %scan3A_114 to %scan3A_116 step %scan3A_117  : i32 {
      %dma_start3A = arith.constant 0 : i32
      %dma_start3A_304 = tpu.memref_slice %arg7[%scan3A_303, %dma_start3A] : memref<200x128xf32, #tpu.memory_space<vmem>> -> memref<1x128xf32, #tpu.memory_space<vmem>>
      %dma_start3A_305 = tpu.memref_squeeze %dma_start3A_304 : memref<1x128xf32, #tpu.memory_space<vmem>> -> memref<128xf32, #tpu.memory_space<vmem>>
      %dma_start3A_306 = arith.constant 0 : i32
      %dma_start3A_307 = tpu.memref_slice %arg6[%scan3A_303, %dma_start3A_306] : memref<200x128xi32, #tpu.memory_space<vmem>> -> memref<1x128xi32, #tpu.memory_space<vmem>>
      %dma_start3A_308 = tpu.memref_squeeze %dma_start3A_307 : memref<1x128xi32, #tpu.memory_space<vmem>> -> memref<128xi32, #tpu.memory_space<vmem>>
      %dma_start3A_309 = arith.constant 0 : i32
      %dma_start3A_310 = tpu.memref_slice %arg3[%dma_start3A_309] : memref<1000064xf32, #tpu.memory_space<hbm>> -> memref<1000064xf32, #tpu.memory_space<hbm>>
      tpu.enqueue_indirect_dma source(%dma_start3A_310 : memref<1000064xf32, #tpu.memory_space<hbm>>) target(%dma_start3A_305 : memref<128xf32, #tpu.memory_space<vmem>>) offsets(%dma_start3A_308 : memref<128xi32, #tpu.memory_space<vmem>>) semaphore(%arg10 : memref<!tpu.dma_semaphore, #tpu.memory_space<semaphore_mem>>)
    }
    %scan3A_118 = arith.constant 25 : i32
    %scan3A_119 = arith.constant 0 : i32
    %scan3A_120 = arith.constant 125 : i32
    %scan3A_121 = arith.constant 25 : i32
    %scan3A_122 = arith.addi %scan3A_120, %scan3A_121 : i32
    %scan3A_123 = arith.constant 1 : i32
    scf.for %scan3A_303 = %scan3A_120 to %scan3A_122 step %scan3A_123  : i32 {
      %dma_wait3A = arith.constant 0 : i32
      %dma_wait3A_304 = tpu.memref_slice %arg7[%scan3A_303, %dma_wait3A] : memref<200x128xf32, #tpu.memory_space<vmem>> -> memref<1x128xf32, #tpu.memory_space<vmem>>
      %dma_wait3A_305 = tpu.memref_squeeze %dma_wait3A_304 : memref<1x128xf32, #tpu.memory_space<vmem>> -> memref<128xf32, #tpu.memory_space<vmem>>
      %dma_wait3A_306 = arith.constant 0 : i32
      %dma_wait3A_307 = tpu.memref_slice %arg6[%scan3A_303, %dma_wait3A_306] : memref<200x128xi32, #tpu.memory_space<vmem>> -> memref<1x128xi32, #tpu.memory_space<vmem>>
      %dma_wait3A_308 = tpu.memref_squeeze %dma_wait3A_307 : memref<1x128xi32, #tpu.memory_space<vmem>> -> memref<128xi32, #tpu.memory_space<vmem>>
      %dma_wait3A_309 = arith.constant 0 : i32
      %dma_wait3A_310 = tpu.memref_slice %arg3[%dma_wait3A_309] : memref<1000064xf32, #tpu.memory_space<hbm>> -> memref<1000064xf32, #tpu.memory_space<hbm>>
      tpu.wait_indirect_dma semaphore(%arg11 : memref<!tpu.dma_semaphore, #tpu.memory_space<semaphore_mem>>) src(%dma_wait3A_310 : memref<1000064xf32, #tpu.memory_space<hbm>>) dst(%dma_wait3A_305 : memref<128xf32, #tpu.memory_space<vmem>>)
    }
    %scan3A_124 = arith.constant 25 : i32
    %scan3A_125 = arith.constant 125 : i32
    %scan3A_126 = arith.constant 25 : i32
    %scan3A_127 = arith.addi %scan3A_125, %scan3A_126 : i32
    %scan3A_128 = arith.constant 1 : i32
    %scan3A_129:8 = scf.for %scan3A_303 = %scan3A_125 to %scan3A_127 step %scan3A_128 iter_args(%scan3A_304 = %scan3A_111#0, %scan3A_305 = %scan3A_111#1, %scan3A_306 = %scan3A_111#2, %scan3A_307 = %scan3A_111#3, %scan3A_308 = %scan3A_111#4, %scan3A_309 = %scan3A_111#5, %scan3A_310 = %scan3A_111#6, %scan3A_311 = %scan3A_111#7) -> (vector<16xf32>, vector<16xf32>, vector<16xf32>, vector<16xf32>, vector<16xf32>, vector<16xf32>, vector<16xf32>, vector<16xf32>)  : i32 {
      %get3A_312 = arith.index_cast %scan3A_303 : i32 to index
      %get3A_313 = arith.constant 0 : index
      %get3A_314 = tpu.vector_load %arg7[%get3A_312, %get3A_313] {strides = array<i32>} : memref<200x128xf32, #tpu.memory_space<vmem>>, vector<1x16xf32>,
      %get3A_315 = vector.shape_cast %get3A_314 : vector<1x16xf32> to vector<16xf32>
      %add3A_316 = arith.addf %scan3A_304, %get3A_315 : vector<16xf32>
      %get3A_317 = arith.index_cast %scan3A_303 : i32 to index
      %get3A_318 = arith.constant 16 : index
      %get3A_319 = tpu.vector_load %arg7[%get3A_317, %get3A_318] {strides = array<i32>} : memref<200x128xf32, #tpu.memory_space<vmem>>, vector<1x16xf32>,
      %get3A_320 = vector.shape_cast %get3A_319 : vector<1x16xf32> to vector<16xf32>
      %add3A_321 = arith.addf %scan3A_305, %get3A_320 : vector<16xf32>
      %get3A_322 = arith.index_cast %scan3A_303 : i32 to index
      %get3A_323 = arith.constant 32 : index
      %get3A_324 = tpu.vector_load %arg7[%get3A_322, %get3A_323] {strides = array<i32>} : memref<200x128xf32, #tpu.memory_space<vmem>>, vector<1x16xf32>,
      %get3A_325 = vector.shape_cast %get3A_324 : vector<1x16xf32> to vector<16xf32>
      %add3A_326 = arith.addf %scan3A_306, %get3A_325 : vector<16xf32>
      %get3A_327 = arith.index_cast %scan3A_303 : i32 to index
      %get3A_328 = arith.constant 48 : index
      %get3A_329 = tpu.vector_load %arg7[%get3A_327, %get3A_328] {strides = array<i32>} : memref<200x128xf32, #tpu.memory_space<vmem>>, vector<1x16xf32>,
      %get3A_330 = vector.shape_cast %get3A_329 : vector<1x16xf32> to vector<16xf32>
      %add3A_331 = arith.addf %scan3A_307, %get3A_330 : vector<16xf32>
      %get3A_332 = arith.index_cast %scan3A_303 : i32 to index
      %get3A_333 = arith.constant 64 : index
      %get3A_334 = tpu.vector_load %arg7[%get3A_332, %get3A_333] {strides = array<i32>} : memref<200x128xf32, #tpu.memory_space<vmem>>, vector<1x16xf32>,
      %get3A_335 = vector.shape_cast %get3A_334 : vector<1x16xf32> to vector<16xf32>
      %add3A_336 = arith.addf %scan3A_308, %get3A_335 : vector<16xf32>
      %get3A_337 = arith.index_cast %scan3A_303 : i32 to index
      %get3A_338 = arith.constant 80 : index
      %get3A_339 = tpu.vector_load %arg7[%get3A_337, %get3A_338] {strides = array<i32>} : memref<200x128xf32, #tpu.memory_space<vmem>>, vector<1x16xf32>,
      %get3A_340 = vector.shape_cast %get3A_339 : vector<1x16xf32> to vector<16xf32>
      %add3A_341 = arith.addf %scan3A_309, %get3A_340 : vector<16xf32>
      %get3A_342 = arith.index_cast %scan3A_303 : i32 to index
      %get3A_343 = arith.constant 96 : index
      %get3A_344 = tpu.vector_load %arg7[%get3A_342, %get3A_343] {strides = array<i32>} : memref<200x128xf32, #tpu.memory_space<vmem>>, vector<1x16xf32>,
      %get3A_345 = vector.shape_cast %get3A_344 : vector<1x16xf32> to vector<16xf32>
      %add3A_346 = arith.addf %scan3A_310, %get3A_345 : vector<16xf32>
      %get3A_347 = arith.index_cast %scan3A_303 : i32 to index
      %get3A_348 = arith.constant 112 : index
      %get3A_349 = tpu.vector_load %arg7[%get3A_347, %get3A_348] {strides = array<i32>} : memref<200x128xf32, #tpu.memory_space<vmem>>, vector<1x16xf32>,
      %get3A_350 = vector.shape_cast %get3A_349 : vector<1x16xf32> to vector<16xf32>
      %add3A_351 = arith.addf %scan3A_311, %get3A_350 : vector<16xf32>
      scf.yield %add3A_316, %add3A_321, %add3A_326, %add3A_331, %add3A_336, %add3A_341, %add3A_346, %add3A_351 : vector<16xf32>, vector<16xf32>, vector<16xf32>, vector<16xf32>, vector<16xf32>, vector<16xf32>, vector<16xf32>, vector<16xf32>
    }
    %scan3A_130 = arith.constant 25 : i32
    %scan3A_131 = arith.constant 0 : i32
    %scan3A_132 = arith.constant 175 : i32
    %scan3A_133 = arith.constant 25 : i32
    %scan3A_134 = arith.addi %scan3A_132, %scan3A_133 : i32
    %scan3A_135 = arith.constant 1 : i32
    scf.for %scan3A_303 = %scan3A_132 to %scan3A_134 step %scan3A_135  : i32 {
      %dma_start3A = arith.constant 0 : i32
      %dma_start3A_304 = tpu.memref_slice %arg7[%scan3A_303, %dma_start3A] : memref<200x128xf32, #tpu.memory_space<vmem>> -> memref<1x128xf32, #tpu.memory_space<vmem>>
      %dma_start3A_305 = tpu.memref_squeeze %dma_start3A_304 : memref<1x128xf32, #tpu.memory_space<vmem>> -> memref<128xf32, #tpu.memory_space<vmem>>
      %dma_start3A_306 = arith.constant 0 : i32
      %dma_start3A_307 = tpu.memref_slice %arg6[%scan3A_303, %dma_start3A_306] : memref<200x128xi32, #tpu.memory_space<vmem>> -> memref<1x128xi32, #tpu.memory_space<vmem>>
      %dma_start3A_308 = tpu.memref_squeeze %dma_start3A_307 : memref<1x128xi32, #tpu.memory_space<vmem>> -> memref<128xi32, #tpu.memory_space<vmem>>
      %dma_start3A_309 = arith.constant 0 : i32
      %dma_start3A_310 = tpu.memref_slice %arg3[%dma_start3A_309] : memref<1000064xf32, #tpu.memory_space<hbm>> -> memref<1000064xf32, #tpu.memory_space<hbm>>
      tpu.enqueue_indirect_dma source(%dma_start3A_310 : memref<1000064xf32, #tpu.memory_space<hbm>>) target(%dma_start3A_305 : memref<128xf32, #tpu.memory_space<vmem>>) offsets(%dma_start3A_308 : memref<128xi32, #tpu.memory_space<vmem>>) semaphore(%arg11 : memref<!tpu.dma_semaphore, #tpu.memory_space<semaphore_mem>>)
    }
    %scan3A_136 = arith.constant 25 : i32
    %scan3A_137 = arith.constant 0 : i32
    %scan3A_138 = arith.constant 150 : i32
    %scan3A_139 = arith.constant 25 : i32
    %scan3A_140 = arith.addi %scan3A_138, %scan3A_139 : i32
    %scan3A_141 = arith.constant 1 : i32
    scf.for %scan3A_303 = %scan3A_138 to %scan3A_140 step %scan3A_141  : i32 {
      %dma_wait3A = arith.constant 0 : i32
      %dma_wait3A_304 = tpu.memref_slice %arg7[%scan3A_303, %dma_wait3A] : memref<200x128xf32, #tpu.memory_space<vmem>> -> memref<1x128xf32, #tpu.memory_space<vmem>>
      %dma_wait3A_305 = tpu.memref_squeeze %dma_wait3A_304 : memref<1x128xf32, #tpu.memory_space<vmem>> -> memref<128xf32, #tpu.memory_space<vmem>>
      %dma_wait3A_306 = arith.constant 0 : i32
      %dma_wait3A_307 = tpu.memref_slice %arg6[%scan3A_303, %dma_wait3A_306] : memref<200x128xi32, #tpu.memory_space<vmem>> -> memref<1x128xi32, #tpu.memory_space<vmem>>
      %dma_wait3A_308 = tpu.memref_squeeze %dma_wait3A_307 : memref<1x128xi32, #tpu.memory_space<vmem>> -> memref<128xi32, #tpu.memory_space<vmem>>
      %dma_wait3A_309 = arith.constant 0 : i32
      %dma_wait3A_310 = tpu.memref_slice %arg3[%dma_wait3A_309] : memref<1000064xf32, #tpu.memory_space<hbm>> -> memref<1000064xf32, #tpu.memory_space<hbm>>
      tpu.wait_indirect_dma semaphore(%arg10 : memref<!tpu.dma_semaphore, #tpu.memory_space<semaphore_mem>>) src(%dma_wait3A_310 : memref<1000064xf32, #tpu.memory_space<hbm>>) dst(%dma_wait3A_305 : memref<128xf32, #tpu.memory_space<vmem>>)
    }
    %scan3A_142 = arith.constant 25 : i32
    %scan3A_143 = arith.constant 150 : i32
    %scan3A_144 = arith.constant 25 : i32
    %scan3A_145 = arith.addi %scan3A_143, %scan3A_144 : i32
    %scan3A_146 = arith.constant 1 : i32
    %scan3A_147:8 = scf.for %scan3A_303 = %scan3A_143 to %scan3A_145 step %scan3A_146 iter_args(%scan3A_304 = %scan3A_129#0, %scan3A_305 = %scan3A_129#1, %scan3A_306 = %scan3A_129#2, %scan3A_307 = %scan3A_129#3, %scan3A_308 = %scan3A_129#4, %scan3A_309 = %scan3A_129#5, %scan3A_310 = %scan3A_129#6, %scan3A_311 = %scan3A_129#7) -> (vector<16xf32>, vector<16xf32>, vector<16xf32>, vector<16xf32>, vector<16xf32>, vector<16xf32>, vector<16xf32>, vector<16xf32>)  : i32 {
      %get3A_312 = arith.index_cast %scan3A_303 : i32 to index
      %get3A_313 = arith.constant 0 : index
      %get3A_314 = tpu.vector_load %arg7[%get3A_312, %get3A_313] {strides = array<i32>} : memref<200x128xf32, #tpu.memory_space<vmem>>, vector<1x16xf32>,
      %get3A_315 = vector.shape_cast %get3A_314 : vector<1x16xf32> to vector<16xf32>
      %add3A_316 = arith.addf %scan3A_304, %get3A_315 : vector<16xf32>
      %get3A_317 = arith.index_cast %scan3A_303 : i32 to index
      %get3A_318 = arith.constant 16 : index
      %get3A_319 = tpu.vector_load %arg7[%get3A_317, %get3A_318] {strides = array<i32>} : memref<200x128xf32, #tpu.memory_space<vmem>>, vector<1x16xf32>,
      %get3A_320 = vector.shape_cast %get3A_319 : vector<1x16xf32> to vector<16xf32>
      %add3A_321 = arith.addf %scan3A_305, %get3A_320 : vector<16xf32>
      %get3A_322 = arith.index_cast %scan3A_303 : i32 to index
      %get3A_323 = arith.constant 32 : index
      %get3A_324 = tpu.vector_load %arg7[%get3A_322, %get3A_323] {strides = array<i32>} : memref<200x128xf32, #tpu.memory_space<vmem>>, vector<1x16xf32>,
      %get3A_325 = vector.shape_cast %get3A_324 : vector<1x16xf32> to vector<16xf32>
      %add3A_326 = arith.addf %scan3A_306, %get3A_325 : vector<16xf32>
      %get3A_327 = arith.index_cast %scan3A_303 : i32 to index
      %get3A_328 = arith.constant 48 : index
      %get3A_329 = tpu.vector_load %arg7[%get3A_327, %get3A_328] {strides = array<i32>} : memref<200x128xf32, #tpu.memory_space<vmem>>, vector<1x16xf32>,
      %get3A_330 = vector.shape_cast %get3A_329 : vector<1x16xf32> to vector<16xf32>
      %add3A_331 = arith.addf %scan3A_307, %get3A_330 : vector<16xf32>
      %get3A_332 = arith.index_cast %scan3A_303 : i32 to index
      %get3A_333 = arith.constant 64 : index
      %get3A_334 = tpu.vector_load %arg7[%get3A_332, %get3A_333] {strides = array<i32>} : memref<200x128xf32, #tpu.memory_space<vmem>>, vector<1x16xf32>,
      %get3A_335 = vector.shape_cast %get3A_334 : vector<1x16xf32> to vector<16xf32>
      %add3A_336 = arith.addf %scan3A_308, %get3A_335 : vector<16xf32>
      %get3A_337 = arith.index_cast %scan3A_303 : i32 to index
      %get3A_338 = arith.constant 80 : index
      %get3A_339 = tpu.vector_load %arg7[%get3A_337, %get3A_338] {strides = array<i32>} : memref<200x128xf32, #tpu.memory_space<vmem>>, vector<1x16xf32>,
      %get3A_340 = vector.shape_cast %get3A_339 : vector<1x16xf32> to vector<16xf32>
      %add3A_341 = arith.addf %scan3A_309, %get3A_340 : vector<16xf32>
      %get3A_342 = arith.index_cast %scan3A_303 : i32 to index
      %get3A_343 = arith.constant 96 : index
      %get3A_344 = tpu.vector_load %arg7[%get3A_342, %get3A_343] {strides = array<i32>} : memref<200x128xf32, #tpu.memory_space<vmem>>, vector<1x16xf32>,
      %get3A_345 = vector.shape_cast %get3A_344 : vector<1x16xf32> to vector<16xf32>
      %add3A_346 = arith.addf %scan3A_310, %get3A_345 : vector<16xf32>
      %get3A_347 = arith.index_cast %scan3A_303 : i32 to index
      %get3A_348 = arith.constant 112 : index
      %get3A_349 = tpu.vector_load %arg7[%get3A_347, %get3A_348] {strides = array<i32>} : memref<200x128xf32, #tpu.memory_space<vmem>>, vector<1x16xf32>,
      %get3A_350 = vector.shape_cast %get3A_349 : vector<1x16xf32> to vector<16xf32>
      %add3A_351 = arith.addf %scan3A_311, %get3A_350 : vector<16xf32>
      scf.yield %add3A_316, %add3A_321, %add3A_326, %add3A_331, %add3A_336, %add3A_341, %add3A_346, %add3A_351 : vector<16xf32>, vector<16xf32>, vector<16xf32>, vector<16xf32>, vector<16xf32>, vector<16xf32>, vector<16xf32>, vector<16xf32>
    }
    %scan3A_148 = arith.constant 25 : i32
    %scan3A_149 = arith.constant 0 : i32
    %scan3A_150 = arith.constant 175 : i32
    %scan3A_151 = arith.constant 25 : i32
    %scan3A_152 = arith.addi %scan3A_150, %scan3A_151 : i32
    %scan3A_153 = arith.constant 1 : i32
    scf.for %scan3A_303 = %scan3A_150 to %scan3A_152 step %scan3A_153  : i32 {
      %dma_wait3A = arith.constant 0 : i32
      %dma_wait3A_304 = tpu.memref_slice %arg7[%scan3A_303, %dma_wait3A] : memref<200x128xf32, #tpu.memory_space<vmem>> -> memref<1x128xf32, #tpu.memory_space<vmem>>
      %dma_wait3A_305 = tpu.memref_squeeze %dma_wait3A_304 : memref<1x128xf32, #tpu.memory_space<vmem>> -> memref<128xf32, #tpu.memory_space<vmem>>
      %dma_wait3A_306 = arith.constant 0 : i32
      %dma_wait3A_307 = tpu.memref_slice %arg6[%scan3A_303, %dma_wait3A_306] : memref<200x128xi32, #tpu.memory_space<vmem>> -> memref<1x128xi32, #tpu.memory_space<vmem>>
      %dma_wait3A_308 = tpu.memref_squeeze %dma_wait3A_307 : memref<1x128xi32, #tpu.memory_space<vmem>> -> memref<128xi32, #tpu.memory_space<vmem>>
      %dma_wait3A_309 = arith.constant 0 : i32
      %dma_wait3A_310 = tpu.memref_slice %arg3[%dma_wait3A_309] : memref<1000064xf32, #tpu.memory_space<hbm>> -> memref<1000064xf32, #tpu.memory_space<hbm>>
      tpu.wait_indirect_dma semaphore(%arg11 : memref<!tpu.dma_semaphore, #tpu.memory_space<semaphore_mem>>) src(%dma_wait3A_310 : memref<1000064xf32, #tpu.memory_space<hbm>>) dst(%dma_wait3A_305 : memref<128xf32, #tpu.memory_space<vmem>>)
    }
    %scan3A_154 = arith.constant 25 : i32
    %scan3A_155 = arith.constant 175 : i32
    %scan3A_156 = arith.constant 25 : i32
    %scan3A_157 = arith.addi %scan3A_155, %scan3A_156 : i32
    %scan3A_158 = arith.constant 1 : i32
    %scan3A_159:8 = scf.for %scan3A_303 = %scan3A_155 to %scan3A_157 step %scan3A_158 iter_args(%scan3A_304 = %scan3A_147#0, %scan3A_305 = %scan3A_147#1, %scan3A_306 = %scan3A_147#2, %scan3A_307 = %scan3A_147#3, %scan3A_308 = %scan3A_147#4, %scan3A_309 = %scan3A_147#5, %scan3A_310 = %scan3A_147#6, %scan3A_311 = %scan3A_147#7) -> (vector<16xf32>, vector<16xf32>, vector<16xf32>, vector<16xf32>, vector<16xf32>, vector<16xf32>, vector<16xf32>, vector<16xf32>)  : i32 {
      %get3A_312 = arith.index_cast %scan3A_303 : i32 to index
      %get3A_313 = arith.constant 0 : index
      %get3A_314 = tpu.vector_load %arg7[%get3A_312, %get3A_313] {strides = array<i32>} : memref<200x128xf32, #tpu.memory_space<vmem>>, vector<1x16xf32>,
      %get3A_315 = vector.shape_cast %get3A_314 : vector<1x16xf32> to vector<16xf32>
      %add3A_316 = arith.addf %scan3A_304, %get3A_315 : vector<16xf32>
      %get3A_317 = arith.index_cast %scan3A_303 : i32 to index
      %get3A_318 = arith.constant 16 : index
      %get3A_319 = tpu.vector_load %arg7[%get3A_317, %get3A_318] {strides = array<i32>} : memref<200x128xf32, #tpu.memory_space<vmem>>, vector<1x16xf32>,
      %get3A_320 = vector.shape_cast %get3A_319 : vector<1x16xf32> to vector<16xf32>
      %add3A_321 = arith.addf %scan3A_305, %get3A_320 : vector<16xf32>
      %get3A_322 = arith.index_cast %scan3A_303 : i32 to index
      %get3A_323 = arith.constant 32 : index
      %get3A_324 = tpu.vector_load %arg7[%get3A_322, %get3A_323] {strides = array<i32>} : memref<200x128xf32, #tpu.memory_space<vmem>>, vector<1x16xf32>,
      %get3A_325 = vector.shape_cast %get3A_324 : vector<1x16xf32> to vector<16xf32>
      %add3A_326 = arith.addf %scan3A_306, %get3A_325 : vector<16xf32>
      %get3A_327 = arith.index_cast %scan3A_303 : i32 to index
      %get3A_328 = arith.constant 48 : index
      %get3A_329 = tpu.vector_load %arg7[%get3A_327, %get3A_328] {strides = array<i32>} : memref<200x128xf32, #tpu.memory_space<vmem>>, vector<1x16xf32>,
      %get3A_330 = vector.shape_cast %get3A_329 : vector<1x16xf32> to vector<16xf32>
      %add3A_331 = arith.addf %scan3A_307, %get3A_330 : vector<16xf32>
      %get3A_332 = arith.index_cast %scan3A_303 : i32 to index
      %get3A_333 = arith.constant 64 : index
      %get3A_334 = tpu.vector_load %arg7[%get3A_332, %get3A_333] {strides = array<i32>} : memref<200x128xf32, #tpu.memory_space<vmem>>, vector<1x16xf32>,
      %get3A_335 = vector.shape_cast %get3A_334 : vector<1x16xf32> to vector<16xf32>
      %add3A_336 = arith.addf %scan3A_308, %get3A_335 : vector<16xf32>
      %get3A_337 = arith.index_cast %scan3A_303 : i32 to index
      %get3A_338 = arith.constant 80 : index
      %get3A_339 = tpu.vector_load %arg7[%get3A_337, %get3A_338] {strides = array<i32>} : memref<200x128xf32, #tpu.memory_space<vmem>>, vector<1x16xf32>,
      %get3A_340 = vector.shape_cast %get3A_339 : vector<1x16xf32> to vector<16xf32>
      %add3A_341 = arith.addf %scan3A_309, %get3A_340 : vector<16xf32>
      %get3A_342 = arith.index_cast %scan3A_303 : i32 to index
      %get3A_343 = arith.constant 96 : index
      %get3A_344 = tpu.vector_load %arg7[%get3A_342, %get3A_343] {strides = array<i32>} : memref<200x128xf32, #tpu.memory_space<vmem>>, vector<1x16xf32>,
      %get3A_345 = vector.shape_cast %get3A_344 : vector<1x16xf32> to vector<16xf32>
      %add3A_346 = arith.addf %scan3A_310, %get3A_345 : vector<16xf32>
      %get3A_347 = arith.index_cast %scan3A_303 : i32 to index
      %get3A_348 = arith.constant 112 : index
      %get3A_349 = tpu.vector_load %arg7[%get3A_347, %get3A_348] {strides = array<i32>} : memref<200x128xf32, #tpu.memory_space<vmem>>, vector<1x16xf32>,
      %get3A_350 = vector.shape_cast %get3A_349 : vector<1x16xf32> to vector<16xf32>
      %add3A_351 = arith.addf %scan3A_311, %get3A_350 : vector<16xf32>
      scf.yield %add3A_316, %add3A_321, %add3A_326, %add3A_331, %add3A_336, %add3A_341, %add3A_346, %add3A_351 : vector<16xf32>, vector<16xf32>, vector<16xf32>, vector<16xf32>, vector<16xf32>, vector<16xf32>, vector<16xf32>, vector<16xf32>
    }
    %scan3A_160 = arith.constant 25 : i32
    %get3A = arith.constant 0 : index
    %get3A_161 = tpu.vector_load %arg9[%get3A] {strides = array<i32>} : memref<16xf32, #tpu.memory_space<vmem>>, vector<16xf32>,
    %get3A_162 = vector.shape_cast %get3A_161 : vector<16xf32> to vector<16xf32>
    %mul3A_163 = arith.constant 5.000000e-03 : f32
    %mul3A_164 = vector.broadcast %mul3A_163 : f32 to vector<16xf32>
    %mul3A_165 = arith.mulf %scan3A_159#0, %mul3A_164 : vector<16xf32>
    %add3A_166 = arith.addf %mul3A_165, %get3A_162 : vector<16xf32>
    %neg3A = arith.constant 0.000000e+00 : f32
    %neg3A_167 = vector.broadcast %neg3A : f32 to vector<16xf32>
    %neg3A_168 = arith.subf %neg3A_167, %add3A_166 : vector<16xf32>
    %exp3A = math.exp %neg3A_168 : vector<16xf32>
    %add3A_169 = arith.constant 1.000000e+00 : f32
    %add3A_170 = vector.broadcast %add3A_169 : f32 to vector<16xf32>
    %add3A_171 = arith.addf %add3A_170, %exp3A : vector<16xf32>
    %div3A = arith.constant 1.000000e+00 : f32
    %div3A_172 = vector.broadcast %div3A : f32 to vector<16xf32>
    %div3A_173 = arith.divf %div3A_172, %add3A_171 : vector<16xf32>
    %swap3A = arith.constant 0 : index
    %swap3A_174 = tpu.vector_load %arg8[%swap3A] {strides = array<i32>} : memref<128xf32, #tpu.memory_space<vmem>>, vector<16xf32>,
    %swap3A_175 = vector.shape_cast %swap3A_174 : vector<16xf32> to vector<16xf32>
    %swap3A_176 = vector.shape_cast %div3A_173 : vector<16xf32> to vector<16xf32>
    tpu.vector_store %arg8[%swap3A], %swap3A_176 {strides = array<i32>} : memref<128xf32, #tpu.memory_space<vmem>>, vector<16xf32>,
    %mul3A_177 = arith.constant 5.000000e-03 : f32
    %mul3A_178 = vector.broadcast %mul3A_177 : f32 to vector<16xf32>
    %mul3A_179 = arith.mulf %scan3A_159#1, %mul3A_178 : vector<16xf32>
    %add3A_180 = arith.addf %mul3A_179, %get3A_162 : vector<16xf32>
    %neg3A_181 = arith.constant 0.000000e+00 : f32
    %neg3A_182 = vector.broadcast %neg3A_181 : f32 to vector<16xf32>
    %neg3A_183 = arith.subf %neg3A_182, %add3A_180 : vector<16xf32>
    %exp3A_184 = math.exp %neg3A_183 : vector<16xf32>
    %add3A_185 = arith.constant 1.000000e+00 : f32
    %add3A_186 = vector.broadcast %add3A_185 : f32 to vector<16xf32>
    %add3A_187 = arith.addf %add3A_186, %exp3A_184 : vector<16xf32>
    %div3A_188 = arith.constant 1.000000e+00 : f32
    %div3A_189 = vector.broadcast %div3A_188 : f32 to vector<16xf32>
    %div3A_190 = arith.divf %div3A_189, %add3A_187 : vector<16xf32>
    %swap3A_191 = arith.constant 16 : index
    %swap3A_192 = tpu.vector_load %arg8[%swap3A_191] {strides = array<i32>} : memref<128xf32, #tpu.memory_space<vmem>>, vector<16xf32>,
    %swap3A_193 = vector.shape_cast %swap3A_192 : vector<16xf32> to vector<16xf32>
    %swap3A_194 = vector.shape_cast %div3A_190 : vector<16xf32> to vector<16xf32>
    tpu.vector_store %arg8[%swap3A_191], %swap3A_194 {strides = array<i32>} : memref<128xf32, #tpu.memory_space<vmem>>, vector<16xf32>,
    %mul3A_195 = arith.constant 5.000000e-03 : f32
    %mul3A_196 = vector.broadcast %mul3A_195 : f32 to vector<16xf32>
    %mul3A_197 = arith.mulf %scan3A_159#2, %mul3A_196 : vector<16xf32>
    %add3A_198 = arith.addf %mul3A_197, %get3A_162 : vector<16xf32>
    %neg3A_199 = arith.constant 0.000000e+00 : f32
    %neg3A_200 = vector.broadcast %neg3A_199 : f32 to vector<16xf32>
    %neg3A_201 = arith.subf %neg3A_200, %add3A_198 : vector<16xf32>
    %exp3A_202 = math.exp %neg3A_201 : vector<16xf32>
    %add3A_203 = arith.constant 1.000000e+00 : f32
    %add3A_204 = vector.broadcast %add3A_203 : f32 to vector<16xf32>
    %add3A_205 = arith.addf %add3A_204, %exp3A_202 : vector<16xf32>
    %div3A_206 = arith.constant 1.000000e+00 : f32
    %div3A_207 = vector.broadcast %div3A_206 : f32 to vector<16xf32>
    %div3A_208 = arith.divf %div3A_207, %add3A_205 : vector<16xf32>
    %swap3A_209 = arith.constant 32 : index
    %swap3A_210 = tpu.vector_load %arg8[%swap3A_209] {strides = array<i32>} : memref<128xf32, #tpu.memory_space<vmem>>, vector<16xf32>,
    %swap3A_211 = vector.shape_cast %swap3A_210 : vector<16xf32> to vector<16xf32>
    %swap3A_212 = vector.shape_cast %div3A_208 : vector<16xf32> to vector<16xf32>
    tpu.vector_store %arg8[%swap3A_209], %swap3A_212 {strides = array<i32>} : memref<128xf32, #tpu.memory_space<vmem>>, vector<16xf32>,
    %mul3A_213 = arith.constant 5.000000e-03 : f32
    %mul3A_214 = vector.broadcast %mul3A_213 : f32 to vector<16xf32>
    %mul3A_215 = arith.mulf %scan3A_159#3, %mul3A_214 : vector<16xf32>
    %add3A_216 = arith.addf %mul3A_215, %get3A_162 : vector<16xf32>
    %neg3A_217 = arith.constant 0.000000e+00 : f32
    %neg3A_218 = vector.broadcast %neg3A_217 : f32 to vector<16xf32>
    %neg3A_219 = arith.subf %neg3A_218, %add3A_216 : vector<16xf32>
    %exp3A_220 = math.exp %neg3A_219 : vector<16xf32>
    %add3A_221 = arith.constant 1.000000e+00 : f32
    %add3A_222 = vector.broadcast %add3A_221 : f32 to vector<16xf32>
    %add3A_223 = arith.addf %add3A_222, %exp3A_220 : vector<16xf32>
    %div3A_224 = arith.constant 1.000000e+00 : f32
    %div3A_225 = vector.broadcast %div3A_224 : f32 to vector<16xf32>
    %div3A_226 = arith.divf %div3A_225, %add3A_223 : vector<16xf32>
    %swap3A_227 = arith.constant 48 : index
    %swap3A_228 = tpu.vector_load %arg8[%swap3A_227] {strides = array<i32>} : memref<128xf32, #tpu.memory_space<vmem>>, vector<16xf32>,
    %swap3A_229 = vector.shape_cast %swap3A_228 : vector<16xf32> to vector<16xf32>
    %swap3A_230 = vector.shape_cast %div3A_226 : vector<16xf32> to vector<16xf32>
    tpu.vector_store %arg8[%swap3A_227], %swap3A_230 {strides = array<i32>} : memref<128xf32, #tpu.memory_space<vmem>>, vector<16xf32>,
    %mul3A_231 = arith.constant 5.000000e-03 : f32
    %mul3A_232 = vector.broadcast %mul3A_231 : f32 to vector<16xf32>
    %mul3A_233 = arith.mulf %scan3A_159#4, %mul3A_232 : vector<16xf32>
    %add3A_234 = arith.addf %mul3A_233, %get3A_162 : vector<16xf32>
    %neg3A_235 = arith.constant 0.000000e+00 : f32
    %neg3A_236 = vector.broadcast %neg3A_235 : f32 to vector<16xf32>
    %neg3A_237 = arith.subf %neg3A_236, %add3A_234 : vector<16xf32>
    %exp3A_238 = math.exp %neg3A_237 : vector<16xf32>
    %add3A_239 = arith.constant 1.000000e+00 : f32
    %add3A_240 = vector.broadcast %add3A_239 : f32 to vector<16xf32>
    %add3A_241 = arith.addf %add3A_240, %exp3A_238 : vector<16xf32>
    %div3A_242 = arith.constant 1.000000e+00 : f32
    %div3A_243 = vector.broadcast %div3A_242 : f32 to vector<16xf32>
    %div3A_244 = arith.divf %div3A_243, %add3A_241 : vector<16xf32>
    %swap3A_245 = arith.constant 64 : index
    %swap3A_246 = tpu.vector_load %arg8[%swap3A_245] {strides = array<i32>} : memref<128xf32, #tpu.memory_space<vmem>>, vector<16xf32>,
    %swap3A_247 = vector.shape_cast %swap3A_246 : vector<16xf32> to vector<16xf32>
    %swap3A_248 = vector.shape_cast %div3A_244 : vector<16xf32> to vector<16xf32>
    tpu.vector_store %arg8[%swap3A_245], %swap3A_248 {strides = array<i32>} : memref<128xf32, #tpu.memory_space<vmem>>, vector<16xf32>,
    %mul3A_249 = arith.constant 5.000000e-03 : f32
    %mul3A_250 = vector.broadcast %mul3A_249 : f32 to vector<16xf32>
    %mul3A_251 = arith.mulf %scan3A_159#5, %mul3A_250 : vector<16xf32>
    %add3A_252 = arith.addf %mul3A_251, %get3A_162 : vector<16xf32>
    %neg3A_253 = arith.constant 0.000000e+00 : f32
    %neg3A_254 = vector.broadcast %neg3A_253 : f32 to vector<16xf32>
    %neg3A_255 = arith.subf %neg3A_254, %add3A_252 : vector<16xf32>
    %exp3A_256 = math.exp %neg3A_255 : vector<16xf32>
    %add3A_257 = arith.constant 1.000000e+00 : f32
    %add3A_258 = vector.broadcast %add3A_257 : f32 to vector<16xf32>
    %add3A_259 = arith.addf %add3A_258, %exp3A_256 : vector<16xf32>
    %div3A_260 = arith.constant 1.000000e+00 : f32
    %div3A_261 = vector.broadcast %div3A_260 : f32 to vector<16xf32>
    %div3A_262 = arith.divf %div3A_261, %add3A_259 : vector<16xf32>
    %swap3A_263 = arith.constant 80 : index
    %swap3A_264 = tpu.vector_load %arg8[%swap3A_263] {strides = array<i32>} : memref<128xf32, #tpu.memory_space<vmem>>, vector<16xf32>,
    %swap3A_265 = vector.shape_cast %swap3A_264 : vector<16xf32> to vector<16xf32>
    %swap3A_266 = vector.shape_cast %div3A_262 : vector<16xf32> to vector<16xf32>
    tpu.vector_store %arg8[%swap3A_263], %swap3A_266 {strides = array<i32>} : memref<128xf32, #tpu.memory_space<vmem>>, vector<16xf32>,
    %mul3A_267 = arith.constant 5.000000e-03 : f32
    %mul3A_268 = vector.broadcast %mul3A_267 : f32 to vector<16xf32>
    %mul3A_269 = arith.mulf %scan3A_159#6, %mul3A_268 : vector<16xf32>
    %add3A_270 = arith.addf %mul3A_269, %get3A_162 : vector<16xf32>
    %neg3A_271 = arith.constant 0.000000e+00 : f32
    %neg3A_272 = vector.broadcast %neg3A_271 : f32 to vector<16xf32>
    %neg3A_273 = arith.subf %neg3A_272, %add3A_270 : vector<16xf32>
    %exp3A_274 = math.exp %neg3A_273 : vector<16xf32>
    %add3A_275 = arith.constant 1.000000e+00 : f32
    %add3A_276 = vector.broadcast %add3A_275 : f32 to vector<16xf32>
    %add3A_277 = arith.addf %add3A_276, %exp3A_274 : vector<16xf32>
    %div3A_278 = arith.constant 1.000000e+00 : f32
    %div3A_279 = vector.broadcast %div3A_278 : f32 to vector<16xf32>
    %div3A_280 = arith.divf %div3A_279, %add3A_277 : vector<16xf32>
    %swap3A_281 = arith.constant 96 : index
    %swap3A_282 = tpu.vector_load %arg8[%swap3A_281] {strides = array<i32>} : memref<128xf32, #tpu.memory_space<vmem>>, vector<16xf32>,
    %swap3A_283 = vector.shape_cast %swap3A_282 : vector<16xf32> to vector<16xf32>
    %swap3A_284 = vector.shape_cast %div3A_280 : vector<16xf32> to vector<16xf32>
    tpu.vector_store %arg8[%swap3A_281], %swap3A_284 {strides = array<i32>} : memref<128xf32, #tpu.memory_space<vmem>>, vector<16xf32>,
    %mul3A_285 = arith.constant 5.000000e-03 : f32
    %mul3A_286 = vector.broadcast %mul3A_285 : f32 to vector<16xf32>
    %mul3A_287 = arith.mulf %scan3A_159#7, %mul3A_286 : vector<16xf32>
    %add3A_288 = arith.addf %mul3A_287, %get3A_162 : vector<16xf32>
    %neg3A_289 = arith.constant 0.000000e+00 : f32
    %neg3A_290 = vector.broadcast %neg3A_289 : f32 to vector<16xf32>
    %neg3A_291 = arith.subf %neg3A_290, %add3A_288 : vector<16xf32>
    %exp3A_292 = math.exp %neg3A_291 : vector<16xf32>
    %add3A_293 = arith.constant 1.000000e+00 : f32
    %add3A_294 = vector.broadcast %add3A_293 : f32 to vector<16xf32>
    %add3A_295 = arith.addf %add3A_294, %exp3A_292 : vector<16xf32>
    %div3A_296 = arith.constant 1.000000e+00 : f32
    %div3A_297 = vector.broadcast %div3A_296 : f32 to vector<16xf32>
    %div3A_298 = arith.divf %div3A_297, %add3A_295 : vector<16xf32>
    %swap3A_299 = arith.constant 112 : index
    %swap3A_300 = tpu.vector_load %arg8[%swap3A_299] {strides = array<i32>} : memref<128xf32, #tpu.memory_space<vmem>>, vector<16xf32>,
    %swap3A_301 = vector.shape_cast %swap3A_300 : vector<16xf32> to vector<16xf32>
    %swap3A_302 = vector.shape_cast %div3A_298 : vector<16xf32> to vector<16xf32>
    tpu.vector_store %arg8[%swap3A_299], %swap3A_302 {strides = array<i32>} : memref<128xf32, #tpu.memory_space<vmem>>, vector<16xf32>,
    "tpu.region"() ({
      %run_scoped3A = tpu.sem_alloc : memref<!tpu.dma_semaphore, #tpu.memory_space<semaphore_mem>>
      %dma_start3A = tpu.memref_slice %arg5[%mul3A_2] : memref<4096xf32, #tpu.memory_space<hbm>> -> memref<128xf32, #tpu.memory_space<hbm>>
      %dma_start3A_303 = tpu.memref_slice %arg5[%mul3A_2] : memref<4096xf32, #tpu.memory_space<hbm>> -> memref<128xf32, #tpu.memory_space<hbm>>
      tpu.enqueue_dma source(%arg8 : memref<128xf32, #tpu.memory_space<vmem>>) target(%dma_start3A_303 : memref<128xf32, #tpu.memory_space<hbm>>) target_semaphore(%run_scoped3A : memref<!tpu.dma_semaphore, #tpu.memory_space<semaphore_mem>>)
      %dma_wait3A = tpu.memref_slice %arg5[%mul3A_2] : memref<4096xf32, #tpu.memory_space<hbm>> -> memref<128xf32, #tpu.memory_space<hbm>>
      %dma_wait3A_304 = tpu.memref_slice %arg5[%mul3A_2] : memref<4096xf32, #tpu.memory_space<hbm>> -> memref<128xf32, #tpu.memory_space<hbm>>
      tpu.wait_dma2 semaphore(%run_scoped3A : memref<!tpu.dma_semaphore, #tpu.memory_space<semaphore_mem>>) src(%arg8 : memref<128xf32, #tpu.memory_space<vmem>>) dst(%dma_wait3A_304 : memref<128xf32, #tpu.memory_space<hbm>>)
      tpu.yield
    }) : () -> ()
    return
  }
}

module attributes {stable_mosaic.version = 14 : i64} {
  func.func @_proj_body(%arg0: memref<64x1000000xf32, #tpu.memory_space<any>>, %arg1: memref<8x1024xf32, #tpu.memory_space<vmem>>, %arg2: memref<1000064xf32, #tpu.memory_space<any>>, %arg3: memref<8x1000000xf32, #tpu.memory_space<vmem>>, %arg4: memref<8x500032xf32, #tpu.memory_space<vmem>>, %arg5: memref<8x500032xf32, #tpu.memory_space<vmem>>, %arg6: memref<32768xf32, #tpu.memory_space<vmem>>, %arg7: memref<32768xf32, #tpu.memory_space<vmem>>, %arg8: memref<!tpu.dma_semaphore, #tpu.memory_space<semaphore_mem>>, %arg9: memref<!tpu.dma_semaphore, #tpu.memory_space<semaphore_mem>>, %arg10: memref<!tpu.dma_semaphore, #tpu.memory_space<semaphore_mem>>, %arg11: memref<!tpu.dma_semaphore, #tpu.memory_space<semaphore_mem>>) attributes {dimension_semantics = [], scalar_prefetch = 0 : i64, scratch_operands = 9 : i64, tpu.core_type = #tpu.core_type<tc>} {
    %dma_start3A = arith.constant 0 : i32
    %dma_start3A_0 = arith.constant 0 : i32
    %dma_start3A_1 = tpu.memref_slice %arg4[%dma_start3A, %dma_start3A_0] : memref<8x500032xf32, #tpu.memory_space<vmem>> -> memref<8x499968xf32, #tpu.memory_space<vmem>>
    %dma_start3A_2 = arith.constant 0 : i32
    %dma_start3A_3 = arith.constant 0 : i32
    %dma_start3A_4 = tpu.memref_slice %arg0[%dma_start3A_2, %dma_start3A_3] : memref<64x1000000xf32, #tpu.memory_space<any>> -> memref<8x499968xf32, #tpu.memory_space<any>>
    tpu.enqueue_dma source(%dma_start3A_4 : memref<8x499968xf32, #tpu.memory_space<any>>) target(%dma_start3A_1 : memref<8x499968xf32, #tpu.memory_space<vmem>>) target_semaphore(%arg8 : memref<!tpu.dma_semaphore, #tpu.memory_space<semaphore_mem>>)
    %dma_start3A_5 = arith.constant 0 : i32
    %dma_start3A_6 = arith.constant 0 : i32
    %dma_start3A_7 = tpu.memref_slice %arg5[%dma_start3A_5, %dma_start3A_6] : memref<8x500032xf32, #tpu.memory_space<vmem>> -> memref<8x500032xf32, #tpu.memory_space<vmem>>
    %dma_start3A_8 = arith.constant 0 : i32
    %dma_start3A_9 = arith.constant 499968 : i32
    %dma_start3A_10 = tpu.memref_slice %arg0[%dma_start3A_8, %dma_start3A_9] : memref<64x1000000xf32, #tpu.memory_space<any>> -> memref<8x500032xf32, #tpu.memory_space<any>>
    tpu.enqueue_dma source(%dma_start3A_10 : memref<8x500032xf32, #tpu.memory_space<any>>) target(%dma_start3A_7 : memref<8x500032xf32, #tpu.memory_space<vmem>>) target_semaphore(%arg9 : memref<!tpu.dma_semaphore, #tpu.memory_space<semaphore_mem>>)
    %dma_wait3A = arith.constant 0 : i32
    %dma_wait3A_11 = arith.constant 0 : i32
    %dma_wait3A_12 = tpu.memref_slice %arg4[%dma_wait3A, %dma_wait3A_11] : memref<8x500032xf32, #tpu.memory_space<vmem>> -> memref<8x499968xf32, #tpu.memory_space<vmem>>
    %dma_wait3A_13 = arith.constant 0 : i32
    %dma_wait3A_14 = arith.constant 0 : i32
    %dma_wait3A_15 = tpu.memref_slice %arg0[%dma_wait3A_13, %dma_wait3A_14] : memref<64x1000000xf32, #tpu.memory_space<any>> -> memref<8x499968xf32, #tpu.memory_space<any>>
    tpu.wait_dma2 semaphore(%arg8 : memref<!tpu.dma_semaphore, #tpu.memory_space<semaphore_mem>>) src(%dma_wait3A_15 : memref<8x499968xf32, #tpu.memory_space<any>>) dst(%dma_wait3A_12 : memref<8x499968xf32, #tpu.memory_space<vmem>>)
    %get3A = arith.constant 0 : index
    %get3A_16 = arith.constant 0 : index
    %get3A_17 = vector.load %arg1[%get3A, %get3A_16] : memref<8x1024xf32, #tpu.memory_space<vmem>>, vector<8x128xf32>
    %slice3A = vector.extract_strided_slice %get3A_17 {offsets = [0, 0], sizes = [8, 1], strides = [1, 1]} : vector<8x128xf32> to vector<8x1xf32>
    %get3A_18 = arith.constant 0 : index
    %get3A_19 = arith.constant 0 : index
    %get3A_20 = vector.load %arg4[%get3A_18, %get3A_19] : memref<8x500032xf32, #tpu.memory_space<vmem>>, vector<8x65536xf32>
    %mul3A = vector.broadcast %slice3A : vector<8x1xf32> to vector<8x65536xf32>
    %mul3A_21 = arith.mulf %get3A_20, %mul3A : vector<8x65536xf32>
    %swap3A = arith.constant 0 : index
    %swap3A_22 = arith.constant 0 : index
    %swap3A_23 = vector.load %arg3[%swap3A, %swap3A_22] : memref<8x1000000xf32, #tpu.memory_space<vmem>>, vector<8x65536xf32>
    tpu.vector_store %arg3[%swap3A, %swap3A_22], %mul3A_21 {strides = array<i32>} : memref<8x1000000xf32, #tpu.memory_space<vmem>>, vector<8x65536xf32>,
    %get3A_24 = arith.constant 0 : index
    %get3A_25 = arith.constant 65536 : index
    %get3A_26 = vector.load %arg4[%get3A_24, %get3A_25] : memref<8x500032xf32, #tpu.memory_space<vmem>>, vector<8x65536xf32>
    %mul3A_27 = vector.broadcast %slice3A : vector<8x1xf32> to vector<8x65536xf32>
    %mul3A_28 = arith.mulf %get3A_26, %mul3A_27 : vector<8x65536xf32>
    %swap3A_29 = arith.constant 0 : index
    %swap3A_30 = arith.constant 65536 : index
    %swap3A_31 = vector.load %arg3[%swap3A_29, %swap3A_30] : memref<8x1000000xf32, #tpu.memory_space<vmem>>, vector<8x65536xf32>
    tpu.vector_store %arg3[%swap3A_29, %swap3A_30], %mul3A_28 {strides = array<i32>} : memref<8x1000000xf32, #tpu.memory_space<vmem>>, vector<8x65536xf32>,
    %get3A_32 = arith.constant 0 : index
    %get3A_33 = arith.constant 131072 : index
    %get3A_34 = vector.load %arg4[%get3A_32, %get3A_33] : memref<8x500032xf32, #tpu.memory_space<vmem>>, vector<8x65536xf32>
    %mul3A_35 = vector.broadcast %slice3A : vector<8x1xf32> to vector<8x65536xf32>
    %mul3A_36 = arith.mulf %get3A_34, %mul3A_35 : vector<8x65536xf32>
    %swap3A_37 = arith.constant 0 : index
    %swap3A_38 = arith.constant 131072 : index
    %swap3A_39 = vector.load %arg3[%swap3A_37, %swap3A_38] : memref<8x1000000xf32, #tpu.memory_space<vmem>>, vector<8x65536xf32>
    tpu.vector_store %arg3[%swap3A_37, %swap3A_38], %mul3A_36 {strides = array<i32>} : memref<8x1000000xf32, #tpu.memory_space<vmem>>, vector<8x65536xf32>,
    %get3A_40 = arith.constant 0 : index
    %get3A_41 = arith.constant 196608 : index
    %get3A_42 = vector.load %arg4[%get3A_40, %get3A_41] : memref<8x500032xf32, #tpu.memory_space<vmem>>, vector<8x65536xf32>
    %mul3A_43 = vector.broadcast %slice3A : vector<8x1xf32> to vector<8x65536xf32>
    %mul3A_44 = arith.mulf %get3A_42, %mul3A_43 : vector<8x65536xf32>
    %swap3A_45 = arith.constant 0 : index
    %swap3A_46 = arith.constant 196608 : index
    %swap3A_47 = vector.load %arg3[%swap3A_45, %swap3A_46] : memref<8x1000000xf32, #tpu.memory_space<vmem>>, vector<8x65536xf32>
    tpu.vector_store %arg3[%swap3A_45, %swap3A_46], %mul3A_44 {strides = array<i32>} : memref<8x1000000xf32, #tpu.memory_space<vmem>>, vector<8x65536xf32>,
    %get3A_48 = arith.constant 0 : index
    %get3A_49 = arith.constant 262144 : index
    %get3A_50 = vector.load %arg4[%get3A_48, %get3A_49] : memref<8x500032xf32, #tpu.memory_space<vmem>>, vector<8x65536xf32>
    %mul3A_51 = vector.broadcast %slice3A : vector<8x1xf32> to vector<8x65536xf32>
    %mul3A_52 = arith.mulf %get3A_50, %mul3A_51 : vector<8x65536xf32>
    %swap3A_53 = arith.constant 0 : index
    %swap3A_54 = arith.constant 262144 : index
    %swap3A_55 = vector.load %arg3[%swap3A_53, %swap3A_54] : memref<8x1000000xf32, #tpu.memory_space<vmem>>, vector<8x65536xf32>
    tpu.vector_store %arg3[%swap3A_53, %swap3A_54], %mul3A_52 {strides = array<i32>} : memref<8x1000000xf32, #tpu.memory_space<vmem>>, vector<8x65536xf32>,
    %get3A_56 = arith.constant 0 : index
    %get3A_57 = arith.constant 327680 : index
    %get3A_58 = vector.load %arg4[%get3A_56, %get3A_57] : memref<8x500032xf32, #tpu.memory_space<vmem>>, vector<8x65536xf32>
    %mul3A_59 = vector.broadcast %slice3A : vector<8x1xf32> to vector<8x65536xf32>
    %mul3A_60 = arith.mulf %get3A_58, %mul3A_59 : vector<8x65536xf32>
    %swap3A_61 = arith.constant 0 : index
    %swap3A_62 = arith.constant 327680 : index
    %swap3A_63 = vector.load %arg3[%swap3A_61, %swap3A_62] : memref<8x1000000xf32, #tpu.memory_space<vmem>>, vector<8x65536xf32>
    tpu.vector_store %arg3[%swap3A_61, %swap3A_62], %mul3A_60 {strides = array<i32>} : memref<8x1000000xf32, #tpu.memory_space<vmem>>, vector<8x65536xf32>,
    %get3A_64 = arith.constant 0 : index
    %get3A_65 = arith.constant 393216 : index
    %get3A_66 = vector.load %arg4[%get3A_64, %get3A_65] : memref<8x500032xf32, #tpu.memory_space<vmem>>, vector<8x65536xf32>
    %mul3A_67 = vector.broadcast %slice3A : vector<8x1xf32> to vector<8x65536xf32>
    %mul3A_68 = arith.mulf %get3A_66, %mul3A_67 : vector<8x65536xf32>
    %swap3A_69 = arith.constant 0 : index
    %swap3A_70 = arith.constant 393216 : index
    %swap3A_71 = vector.load %arg3[%swap3A_69, %swap3A_70] : memref<8x1000000xf32, #tpu.memory_space<vmem>>, vector<8x65536xf32>
    tpu.vector_store %arg3[%swap3A_69, %swap3A_70], %mul3A_68 {strides = array<i32>} : memref<8x1000000xf32, #tpu.memory_space<vmem>>, vector<8x65536xf32>,
    %get3A_72 = arith.constant 0 : index
    %get3A_73 = arith.constant 458752 : index
    %get3A_74 = vector.load %arg4[%get3A_72, %get3A_73] : memref<8x500032xf32, #tpu.memory_space<vmem>>, vector<8x41216xf32>
    %mul3A_75 = vector.broadcast %slice3A : vector<8x1xf32> to vector<8x41216xf32>
    %mul3A_76 = arith.mulf %get3A_74, %mul3A_75 : vector<8x41216xf32>
    %swap3A_77 = arith.constant 0 : index
    %swap3A_78 = arith.constant 458752 : index
    %swap3A_79 = vector.load %arg3[%swap3A_77, %swap3A_78] : memref<8x1000000xf32, #tpu.memory_space<vmem>>, vector<8x41216xf32>
    tpu.vector_store %arg3[%swap3A_77, %swap3A_78], %mul3A_76 {strides = array<i32>} : memref<8x1000000xf32, #tpu.memory_space<vmem>>, vector<8x41216xf32>,
    %dma_start3A_80 = arith.constant 0 : i32
    %dma_start3A_81 = arith.constant 0 : i32
    %dma_start3A_82 = tpu.memref_slice %arg4[%dma_start3A_80, %dma_start3A_81] : memref<8x500032xf32, #tpu.memory_space<vmem>> -> memref<8x499968xf32, #tpu.memory_space<vmem>>
    %dma_start3A_83 = arith.constant 8 : i32
    %dma_start3A_84 = arith.constant 0 : i32
    %dma_start3A_85 = tpu.memref_slice %arg0[%dma_start3A_83, %dma_start3A_84] : memref<64x1000000xf32, #tpu.memory_space<any>> -> memref<8x499968xf32, #tpu.memory_space<any>>
    tpu.enqueue_dma source(%dma_start3A_85 : memref<8x499968xf32, #tpu.memory_space<any>>) target(%dma_start3A_82 : memref<8x499968xf32, #tpu.memory_space<vmem>>) target_semaphore(%arg8 : memref<!tpu.dma_semaphore, #tpu.memory_space<semaphore_mem>>)
    %dma_wait3A_86 = arith.constant 0 : i32
    %dma_wait3A_87 = arith.constant 0 : i32
    %dma_wait3A_88 = tpu.memref_slice %arg5[%dma_wait3A_86, %dma_wait3A_87] : memref<8x500032xf32, #tpu.memory_space<vmem>> -> memref<8x500032xf32, #tpu.memory_space<vmem>>
    %dma_wait3A_89 = arith.constant 0 : i32
    %dma_wait3A_90 = arith.constant 499968 : i32
    %dma_wait3A_91 = tpu.memref_slice %arg0[%dma_wait3A_89, %dma_wait3A_90] : memref<64x1000000xf32, #tpu.memory_space<any>> -> memref<8x500032xf32, #tpu.memory_space<any>>
    tpu.wait_dma2 semaphore(%arg9 : memref<!tpu.dma_semaphore, #tpu.memory_space<semaphore_mem>>) src(%dma_wait3A_91 : memref<8x500032xf32, #tpu.memory_space<any>>) dst(%dma_wait3A_88 : memref<8x500032xf32, #tpu.memory_space<vmem>>)
    %get3A_92 = arith.constant 0 : index
    %get3A_93 = arith.constant 0 : index
    %get3A_94 = vector.load %arg1[%get3A_92, %get3A_93] : memref<8x1024xf32, #tpu.memory_space<vmem>>, vector<8x128xf32>
    %slice3A_95 = vector.extract_strided_slice %get3A_94 {offsets = [0, 0], sizes = [8, 1], strides = [1, 1]} : vector<8x128xf32> to vector<8x1xf32>
    %get3A_96 = arith.constant 0 : index
    %get3A_97 = arith.constant 0 : index
    %get3A_98 = vector.load %arg5[%get3A_96, %get3A_97] : memref<8x500032xf32, #tpu.memory_space<vmem>>, vector<8x65536xf32>
    %mul3A_99 = vector.broadcast %slice3A_95 : vector<8x1xf32> to vector<8x65536xf32>
    %mul3A_100 = arith.mulf %get3A_98, %mul3A_99 : vector<8x65536xf32>
    %swap3A_101 = arith.constant 0 : index
    %swap3A_102 = arith.constant 499968 : index
    %swap3A_103 = vector.load %arg3[%swap3A_101, %swap3A_102] : memref<8x1000000xf32, #tpu.memory_space<vmem>>, vector<8x65536xf32>
    tpu.vector_store %arg3[%swap3A_101, %swap3A_102], %mul3A_100 {strides = array<i32>} : memref<8x1000000xf32, #tpu.memory_space<vmem>>, vector<8x65536xf32>,
    %get3A_104 = arith.constant 0 : index
    %get3A_105 = arith.constant 65536 : index
    %get3A_106 = vector.load %arg5[%get3A_104, %get3A_105] : memref<8x500032xf32, #tpu.memory_space<vmem>>, vector<8x65536xf32>
    %mul3A_107 = vector.broadcast %slice3A_95 : vector<8x1xf32> to vector<8x65536xf32>
    %mul3A_108 = arith.mulf %get3A_106, %mul3A_107 : vector<8x65536xf32>
    %swap3A_109 = arith.constant 0 : index
    %swap3A_110 = arith.constant 565504 : index
    %swap3A_111 = vector.load %arg3[%swap3A_109, %swap3A_110] : memref<8x1000000xf32, #tpu.memory_space<vmem>>, vector<8x65536xf32>
    tpu.vector_store %arg3[%swap3A_109, %swap3A_110], %mul3A_108 {strides = array<i32>} : memref<8x1000000xf32, #tpu.memory_space<vmem>>, vector<8x65536xf32>,
    %get3A_112 = arith.constant 0 : index
    %get3A_113 = arith.constant 131072 : index
    %get3A_114 = vector.load %arg5[%get3A_112, %get3A_113] : memref<8x500032xf32, #tpu.memory_space<vmem>>, vector<8x65536xf32>
    %mul3A_115 = vector.broadcast %slice3A_95 : vector<8x1xf32> to vector<8x65536xf32>
    %mul3A_116 = arith.mulf %get3A_114, %mul3A_115 : vector<8x65536xf32>
    %swap3A_117 = arith.constant 0 : index
    %swap3A_118 = arith.constant 631040 : index
    %swap3A_119 = vector.load %arg3[%swap3A_117, %swap3A_118] : memref<8x1000000xf32, #tpu.memory_space<vmem>>, vector<8x65536xf32>
    tpu.vector_store %arg3[%swap3A_117, %swap3A_118], %mul3A_116 {strides = array<i32>} : memref<8x1000000xf32, #tpu.memory_space<vmem>>, vector<8x65536xf32>,
    %get3A_120 = arith.constant 0 : index
    %get3A_121 = arith.constant 196608 : index
    %get3A_122 = vector.load %arg5[%get3A_120, %get3A_121] : memref<8x500032xf32, #tpu.memory_space<vmem>>, vector<8x65536xf32>
    %mul3A_123 = vector.broadcast %slice3A_95 : vector<8x1xf32> to vector<8x65536xf32>
    %mul3A_124 = arith.mulf %get3A_122, %mul3A_123 : vector<8x65536xf32>
    %swap3A_125 = arith.constant 0 : index
    %swap3A_126 = arith.constant 696576 : index
    %swap3A_127 = vector.load %arg3[%swap3A_125, %swap3A_126] : memref<8x1000000xf32, #tpu.memory_space<vmem>>, vector<8x65536xf32>
    tpu.vector_store %arg3[%swap3A_125, %swap3A_126], %mul3A_124 {strides = array<i32>} : memref<8x1000000xf32, #tpu.memory_space<vmem>>, vector<8x65536xf32>,
    %get3A_128 = arith.constant 0 : index
    %get3A_129 = arith.constant 262144 : index
    %get3A_130 = vector.load %arg5[%get3A_128, %get3A_129] : memref<8x500032xf32, #tpu.memory_space<vmem>>, vector<8x65536xf32>
    %mul3A_131 = vector.broadcast %slice3A_95 : vector<8x1xf32> to vector<8x65536xf32>
    %mul3A_132 = arith.mulf %get3A_130, %mul3A_131 : vector<8x65536xf32>
    %swap3A_133 = arith.constant 0 : index
    %swap3A_134 = arith.constant 762112 : index
    %swap3A_135 = vector.load %arg3[%swap3A_133, %swap3A_134] : memref<8x1000000xf32, #tpu.memory_space<vmem>>, vector<8x65536xf32>
    tpu.vector_store %arg3[%swap3A_133, %swap3A_134], %mul3A_132 {strides = array<i32>} : memref<8x1000000xf32, #tpu.memory_space<vmem>>, vector<8x65536xf32>,
    %get3A_136 = arith.constant 0 : index
    %get3A_137 = arith.constant 327680 : index
    %get3A_138 = vector.load %arg5[%get3A_136, %get3A_137] : memref<8x500032xf32, #tpu.memory_space<vmem>>, vector<8x65536xf32>
    %mul3A_139 = vector.broadcast %slice3A_95 : vector<8x1xf32> to vector<8x65536xf32>
    %mul3A_140 = arith.mulf %get3A_138, %mul3A_139 : vector<8x65536xf32>
    %swap3A_141 = arith.constant 0 : index
    %swap3A_142 = arith.constant 827648 : index
    %swap3A_143 = vector.load %arg3[%swap3A_141, %swap3A_142] : memref<8x1000000xf32, #tpu.memory_space<vmem>>, vector<8x65536xf32>
    tpu.vector_store %arg3[%swap3A_141, %swap3A_142], %mul3A_140 {strides = array<i32>} : memref<8x1000000xf32, #tpu.memory_space<vmem>>, vector<8x65536xf32>,
    %get3A_144 = arith.constant 0 : index
    %get3A_145 = arith.constant 393216 : index
    %get3A_146 = vector.load %arg5[%get3A_144, %get3A_145] : memref<8x500032xf32, #tpu.memory_space<vmem>>, vector<8x65536xf32>
    %mul3A_147 = vector.broadcast %slice3A_95 : vector<8x1xf32> to vector<8x65536xf32>
    %mul3A_148 = arith.mulf %get3A_146, %mul3A_147 : vector<8x65536xf32>
    %swap3A_149 = arith.constant 0 : index
    %swap3A_150 = arith.constant 893184 : index
    %swap3A_151 = vector.load %arg3[%swap3A_149, %swap3A_150] : memref<8x1000000xf32, #tpu.memory_space<vmem>>, vector<8x65536xf32>
    tpu.vector_store %arg3[%swap3A_149, %swap3A_150], %mul3A_148 {strides = array<i32>} : memref<8x1000000xf32, #tpu.memory_space<vmem>>, vector<8x65536xf32>,
    %get3A_152 = arith.constant 0 : index
    %get3A_153 = arith.constant 458752 : index
    %get3A_154 = vector.load %arg5[%get3A_152, %get3A_153] : memref<8x500032xf32, #tpu.memory_space<vmem>>, vector<8x41280xf32>
    %mul3A_155 = vector.broadcast %slice3A_95 : vector<8x1xf32> to vector<8x41280xf32>
    %mul3A_156 = arith.mulf %get3A_154, %mul3A_155 : vector<8x41280xf32>
    %swap3A_157 = arith.constant 0 : index
    %swap3A_158 = arith.constant 958720 : index
    %swap3A_159 = vector.load %arg3[%swap3A_157, %swap3A_158] : memref<8x1000000xf32, #tpu.memory_space<vmem>>, vector<8x41280xf32>
    tpu.vector_store %arg3[%swap3A_157, %swap3A_158], %mul3A_156 {strides = array<i32>} : memref<8x1000000xf32, #tpu.memory_space<vmem>>, vector<8x41280xf32>,
    %dma_start3A_160 = arith.constant 0 : i32
    %dma_start3A_161 = arith.constant 0 : i32
    %dma_start3A_162 = tpu.memref_slice %arg5[%dma_start3A_160, %dma_start3A_161] : memref<8x500032xf32, #tpu.memory_space<vmem>> -> memref<8x500032xf32, #tpu.memory_space<vmem>>
    %dma_start3A_163 = arith.constant 8 : i32
    %dma_start3A_164 = arith.constant 499968 : i32
    %dma_start3A_165 = tpu.memref_slice %arg0[%dma_start3A_163, %dma_start3A_164] : memref<64x1000000xf32, #tpu.memory_space<any>> -> memref<8x500032xf32, #tpu.memory_space<any>>
    tpu.enqueue_dma source(%dma_start3A_165 : memref<8x500032xf32, #tpu.memory_space<any>>) target(%dma_start3A_162 : memref<8x500032xf32, #tpu.memory_space<vmem>>) target_semaphore(%arg9 : memref<!tpu.dma_semaphore, #tpu.memory_space<semaphore_mem>>)
    %dma_wait3A_166 = arith.constant 0 : i32
    %dma_wait3A_167 = arith.constant 0 : i32
    %dma_wait3A_168 = tpu.memref_slice %arg4[%dma_wait3A_166, %dma_wait3A_167] : memref<8x500032xf32, #tpu.memory_space<vmem>> -> memref<8x499968xf32, #tpu.memory_space<vmem>>
    %dma_wait3A_169 = arith.constant 8 : i32
    %dma_wait3A_170 = arith.constant 0 : i32
    %dma_wait3A_171 = tpu.memref_slice %arg0[%dma_wait3A_169, %dma_wait3A_170] : memref<64x1000000xf32, #tpu.memory_space<any>> -> memref<8x499968xf32, #tpu.memory_space<any>>
    tpu.wait_dma2 semaphore(%arg8 : memref<!tpu.dma_semaphore, #tpu.memory_space<semaphore_mem>>) src(%dma_wait3A_171 : memref<8x499968xf32, #tpu.memory_space<any>>) dst(%dma_wait3A_168 : memref<8x499968xf32, #tpu.memory_space<vmem>>)
    %get3A_172 = arith.constant 0 : index
    %get3A_173 = arith.constant 128 : index
    %get3A_174 = vector.load %arg1[%get3A_172, %get3A_173] : memref<8x1024xf32, #tpu.memory_space<vmem>>, vector<8x128xf32>
    %slice3A_175 = vector.extract_strided_slice %get3A_174 {offsets = [0, 0], sizes = [8, 1], strides = [1, 1]} : vector<8x128xf32> to vector<8x1xf32>
    %get3A_176 = arith.constant 0 : index
    %get3A_177 = arith.constant 0 : index
    %get3A_178 = vector.load %arg3[%get3A_176, %get3A_177] : memref<8x1000000xf32, #tpu.memory_space<vmem>>, vector<8x65536xf32>
    %get3A_179 = arith.constant 0 : index
    %get3A_180 = arith.constant 0 : index
    %get3A_181 = vector.load %arg4[%get3A_179, %get3A_180] : memref<8x500032xf32, #tpu.memory_space<vmem>>, vector<8x65536xf32>
    %mul3A_182 = vector.broadcast %slice3A_175 : vector<8x1xf32> to vector<8x65536xf32>
    %mul3A_183 = arith.mulf %get3A_181, %mul3A_182 : vector<8x65536xf32>
    %add3A = arith.addf %get3A_178, %mul3A_183 : vector<8x65536xf32>
    %swap3A_184 = arith.constant 0 : index
    %swap3A_185 = arith.constant 0 : index
    %swap3A_186 = vector.load %arg3[%swap3A_184, %swap3A_185] : memref<8x1000000xf32, #tpu.memory_space<vmem>>, vector<8x65536xf32>
    tpu.vector_store %arg3[%swap3A_184, %swap3A_185], %add3A {strides = array<i32>} : memref<8x1000000xf32, #tpu.memory_space<vmem>>, vector<8x65536xf32>,
    %get3A_187 = arith.constant 0 : index
    %get3A_188 = arith.constant 65536 : index
    %get3A_189 = vector.load %arg3[%get3A_187, %get3A_188] : memref<8x1000000xf32, #tpu.memory_space<vmem>>, vector<8x65536xf32>
    %get3A_190 = arith.constant 0 : index
    %get3A_191 = arith.constant 65536 : index
    %get3A_192 = vector.load %arg4[%get3A_190, %get3A_191] : memref<8x500032xf32, #tpu.memory_space<vmem>>, vector<8x65536xf32>
    %mul3A_193 = vector.broadcast %slice3A_175 : vector<8x1xf32> to vector<8x65536xf32>
    %mul3A_194 = arith.mulf %get3A_192, %mul3A_193 : vector<8x65536xf32>
    %add3A_195 = arith.addf %get3A_189, %mul3A_194 : vector<8x65536xf32>
    %swap3A_196 = arith.constant 0 : index
    %swap3A_197 = arith.constant 65536 : index
    %swap3A_198 = vector.load %arg3[%swap3A_196, %swap3A_197] : memref<8x1000000xf32, #tpu.memory_space<vmem>>, vector<8x65536xf32>
    tpu.vector_store %arg3[%swap3A_196, %swap3A_197], %add3A_195 {strides = array<i32>} : memref<8x1000000xf32, #tpu.memory_space<vmem>>, vector<8x65536xf32>,
    %get3A_199 = arith.constant 0 : index
    %get3A_200 = arith.constant 131072 : index
    %get3A_201 = vector.load %arg3[%get3A_199, %get3A_200] : memref<8x1000000xf32, #tpu.memory_space<vmem>>, vector<8x65536xf32>
    %get3A_202 = arith.constant 0 : index
    %get3A_203 = arith.constant 131072 : index
    %get3A_204 = vector.load %arg4[%get3A_202, %get3A_203] : memref<8x500032xf32, #tpu.memory_space<vmem>>, vector<8x65536xf32>
    %mul3A_205 = vector.broadcast %slice3A_175 : vector<8x1xf32> to vector<8x65536xf32>
    %mul3A_206 = arith.mulf %get3A_204, %mul3A_205 : vector<8x65536xf32>
    %add3A_207 = arith.addf %get3A_201, %mul3A_206 : vector<8x65536xf32>
    %swap3A_208 = arith.constant 0 : index
    %swap3A_209 = arith.constant 131072 : index
    %swap3A_210 = vector.load %arg3[%swap3A_208, %swap3A_209] : memref<8x1000000xf32, #tpu.memory_space<vmem>>, vector<8x65536xf32>
    tpu.vector_store %arg3[%swap3A_208, %swap3A_209], %add3A_207 {strides = array<i32>} : memref<8x1000000xf32, #tpu.memory_space<vmem>>, vector<8x65536xf32>,
    %get3A_211 = arith.constant 0 : index
    %get3A_212 = arith.constant 196608 : index
    %get3A_213 = vector.load %arg3[%get3A_211, %get3A_212] : memref<8x1000000xf32, #tpu.memory_space<vmem>>, vector<8x65536xf32>
    %get3A_214 = arith.constant 0 : index
    %get3A_215 = arith.constant 196608 : index
    %get3A_216 = vector.load %arg4[%get3A_214, %get3A_215] : memref<8x500032xf32, #tpu.memory_space<vmem>>, vector<8x65536xf32>
    %mul3A_217 = vector.broadcast %slice3A_175 : vector<8x1xf32> to vector<8x65536xf32>
    %mul3A_218 = arith.mulf %get3A_216, %mul3A_217 : vector<8x65536xf32>
    %add3A_219 = arith.addf %get3A_213, %mul3A_218 : vector<8x65536xf32>
    %swap3A_220 = arith.constant 0 : index
    %swap3A_221 = arith.constant 196608 : index
    %swap3A_222 = vector.load %arg3[%swap3A_220, %swap3A_221] : memref<8x1000000xf32, #tpu.memory_space<vmem>>, vector<8x65536xf32>
    tpu.vector_store %arg3[%swap3A_220, %swap3A_221], %add3A_219 {strides = array<i32>} : memref<8x1000000xf32, #tpu.memory_space<vmem>>, vector<8x65536xf32>,
    %get3A_223 = arith.constant 0 : index
    %get3A_224 = arith.constant 262144 : index
    %get3A_225 = vector.load %arg3[%get3A_223, %get3A_224] : memref<8x1000000xf32, #tpu.memory_space<vmem>>, vector<8x65536xf32>
    %get3A_226 = arith.constant 0 : index
    %get3A_227 = arith.constant 262144 : index
    %get3A_228 = vector.load %arg4[%get3A_226, %get3A_227] : memref<8x500032xf32, #tpu.memory_space<vmem>>, vector<8x65536xf32>
    %mul3A_229 = vector.broadcast %slice3A_175 : vector<8x1xf32> to vector<8x65536xf32>
    %mul3A_230 = arith.mulf %get3A_228, %mul3A_229 : vector<8x65536xf32>
    %add3A_231 = arith.addf %get3A_225, %mul3A_230 : vector<8x65536xf32>
    %swap3A_232 = arith.constant 0 : index
    %swap3A_233 = arith.constant 262144 : index
    %swap3A_234 = vector.load %arg3[%swap3A_232, %swap3A_233] : memref<8x1000000xf32, #tpu.memory_space<vmem>>, vector<8x65536xf32>
    tpu.vector_store %arg3[%swap3A_232, %swap3A_233], %add3A_231 {strides = array<i32>} : memref<8x1000000xf32, #tpu.memory_space<vmem>>, vector<8x65536xf32>,
    %get3A_235 = arith.constant 0 : index
    %get3A_236 = arith.constant 327680 : index
    %get3A_237 = vector.load %arg3[%get3A_235, %get3A_236] : memref<8x1000000xf32, #tpu.memory_space<vmem>>, vector<8x65536xf32>
    %get3A_238 = arith.constant 0 : index
    %get3A_239 = arith.constant 327680 : index
    %get3A_240 = vector.load %arg4[%get3A_238, %get3A_239] : memref<8x500032xf32, #tpu.memory_space<vmem>>, vector<8x65536xf32>
    %mul3A_241 = vector.broadcast %slice3A_175 : vector<8x1xf32> to vector<8x65536xf32>
    %mul3A_242 = arith.mulf %get3A_240, %mul3A_241 : vector<8x65536xf32>
    %add3A_243 = arith.addf %get3A_237, %mul3A_242 : vector<8x65536xf32>
    %swap3A_244 = arith.constant 0 : index
    %swap3A_245 = arith.constant 327680 : index
    %swap3A_246 = vector.load %arg3[%swap3A_244, %swap3A_245] : memref<8x1000000xf32, #tpu.memory_space<vmem>>, vector<8x65536xf32>
    tpu.vector_store %arg3[%swap3A_244, %swap3A_245], %add3A_243 {strides = array<i32>} : memref<8x1000000xf32, #tpu.memory_space<vmem>>, vector<8x65536xf32>,
    %get3A_247 = arith.constant 0 : index
    %get3A_248 = arith.constant 393216 : index
    %get3A_249 = vector.load %arg3[%get3A_247, %get3A_248] : memref<8x1000000xf32, #tpu.memory_space<vmem>>, vector<8x65536xf32>
    %get3A_250 = arith.constant 0 : index
    %get3A_251 = arith.constant 393216 : index
    %get3A_252 = vector.load %arg4[%get3A_250, %get3A_251] : memref<8x500032xf32, #tpu.memory_space<vmem>>, vector<8x65536xf32>
    %mul3A_253 = vector.broadcast %slice3A_175 : vector<8x1xf32> to vector<8x65536xf32>
    %mul3A_254 = arith.mulf %get3A_252, %mul3A_253 : vector<8x65536xf32>
    %add3A_255 = arith.addf %get3A_249, %mul3A_254 : vector<8x65536xf32>
    %swap3A_256 = arith.constant 0 : index
    %swap3A_257 = arith.constant 393216 : index
    %swap3A_258 = vector.load %arg3[%swap3A_256, %swap3A_257] : memref<8x1000000xf32, #tpu.memory_space<vmem>>, vector<8x65536xf32>
    tpu.vector_store %arg3[%swap3A_256, %swap3A_257], %add3A_255 {strides = array<i32>} : memref<8x1000000xf32, #tpu.memory_space<vmem>>, vector<8x65536xf32>,
    %get3A_259 = arith.constant 0 : index
    %get3A_260 = arith.constant 458752 : index
    %get3A_261 = vector.load %arg3[%get3A_259, %get3A_260] : memref<8x1000000xf32, #tpu.memory_space<vmem>>, vector<8x41216xf32>
    %get3A_262 = arith.constant 0 : index
    %get3A_263 = arith.constant 458752 : index
    %get3A_264 = vector.load %arg4[%get3A_262, %get3A_263] : memref<8x500032xf32, #tpu.memory_space<vmem>>, vector<8x41216xf32>
    %mul3A_265 = vector.broadcast %slice3A_175 : vector<8x1xf32> to vector<8x41216xf32>
    %mul3A_266 = arith.mulf %get3A_264, %mul3A_265 : vector<8x41216xf32>
    %add3A_267 = arith.addf %get3A_261, %mul3A_266 : vector<8x41216xf32>
    %swap3A_268 = arith.constant 0 : index
    %swap3A_269 = arith.constant 458752 : index
    %swap3A_270 = vector.load %arg3[%swap3A_268, %swap3A_269] : memref<8x1000000xf32, #tpu.memory_space<vmem>>, vector<8x41216xf32>
    tpu.vector_store %arg3[%swap3A_268, %swap3A_269], %add3A_267 {strides = array<i32>} : memref<8x1000000xf32, #tpu.memory_space<vmem>>, vector<8x41216xf32>,
    %dma_start3A_271 = arith.constant 0 : i32
    %dma_start3A_272 = arith.constant 0 : i32
    %dma_start3A_273 = tpu.memref_slice %arg4[%dma_start3A_271, %dma_start3A_272] : memref<8x500032xf32, #tpu.memory_space<vmem>> -> memref<8x499968xf32, #tpu.memory_space<vmem>>
    %dma_start3A_274 = arith.constant 16 : i32
    %dma_start3A_275 = arith.constant 0 : i32
    %dma_start3A_276 = tpu.memref_slice %arg0[%dma_start3A_274, %dma_start3A_275] : memref<64x1000000xf32, #tpu.memory_space<any>> -> memref<8x499968xf32, #tpu.memory_space<any>>
    tpu.enqueue_dma source(%dma_start3A_276 : memref<8x499968xf32, #tpu.memory_space<any>>) target(%dma_start3A_273 : memref<8x499968xf32, #tpu.memory_space<vmem>>) target_semaphore(%arg8 : memref<!tpu.dma_semaphore, #tpu.memory_space<semaphore_mem>>)
    %dma_wait3A_277 = arith.constant 0 : i32
    %dma_wait3A_278 = arith.constant 0 : i32
    %dma_wait3A_279 = tpu.memref_slice %arg5[%dma_wait3A_277, %dma_wait3A_278] : memref<8x500032xf32, #tpu.memory_space<vmem>> -> memref<8x500032xf32, #tpu.memory_space<vmem>>
    %dma_wait3A_280 = arith.constant 8 : i32
    %dma_wait3A_281 = arith.constant 499968 : i32
    %dma_wait3A_282 = tpu.memref_slice %arg0[%dma_wait3A_280, %dma_wait3A_281] : memref<64x1000000xf32, #tpu.memory_space<any>> -> memref<8x500032xf32, #tpu.memory_space<any>>
    tpu.wait_dma2 semaphore(%arg9 : memref<!tpu.dma_semaphore, #tpu.memory_space<semaphore_mem>>) src(%dma_wait3A_282 : memref<8x500032xf32, #tpu.memory_space<any>>) dst(%dma_wait3A_279 : memref<8x500032xf32, #tpu.memory_space<vmem>>)
    %get3A_283 = arith.constant 0 : index
    %get3A_284 = arith.constant 128 : index
    %get3A_285 = vector.load %arg1[%get3A_283, %get3A_284] : memref<8x1024xf32, #tpu.memory_space<vmem>>, vector<8x128xf32>
    %slice3A_286 = vector.extract_strided_slice %get3A_285 {offsets = [0, 0], sizes = [8, 1], strides = [1, 1]} : vector<8x128xf32> to vector<8x1xf32>
    %get3A_287 = arith.constant 0 : index
    %get3A_288 = arith.constant 499968 : index
    %get3A_289 = vector.load %arg3[%get3A_287, %get3A_288] : memref<8x1000000xf32, #tpu.memory_space<vmem>>, vector<8x65536xf32>
    %get3A_290 = arith.constant 0 : index
    %get3A_291 = arith.constant 0 : index
    %get3A_292 = vector.load %arg5[%get3A_290, %get3A_291] : memref<8x500032xf32, #tpu.memory_space<vmem>>, vector<8x65536xf32>
    %mul3A_293 = vector.broadcast %slice3A_286 : vector<8x1xf32> to vector<8x65536xf32>
    %mul3A_294 = arith.mulf %get3A_292, %mul3A_293 : vector<8x65536xf32>
    %add3A_295 = arith.addf %get3A_289, %mul3A_294 : vector<8x65536xf32>
    %swap3A_296 = arith.constant 0 : index
    %swap3A_297 = arith.constant 499968 : index
    %swap3A_298 = vector.load %arg3[%swap3A_296, %swap3A_297] : memref<8x1000000xf32, #tpu.memory_space<vmem>>, vector<8x65536xf32>
    tpu.vector_store %arg3[%swap3A_296, %swap3A_297], %add3A_295 {strides = array<i32>} : memref<8x1000000xf32, #tpu.memory_space<vmem>>, vector<8x65536xf32>,
    %get3A_299 = arith.constant 0 : index
    %get3A_300 = arith.constant 565504 : index
    %get3A_301 = vector.load %arg3[%get3A_299, %get3A_300] : memref<8x1000000xf32, #tpu.memory_space<vmem>>, vector<8x65536xf32>
    %get3A_302 = arith.constant 0 : index
    %get3A_303 = arith.constant 65536 : index
    %get3A_304 = vector.load %arg5[%get3A_302, %get3A_303] : memref<8x500032xf32, #tpu.memory_space<vmem>>, vector<8x65536xf32>
    %mul3A_305 = vector.broadcast %slice3A_286 : vector<8x1xf32> to vector<8x65536xf32>
    %mul3A_306 = arith.mulf %get3A_304, %mul3A_305 : vector<8x65536xf32>
    %add3A_307 = arith.addf %get3A_301, %mul3A_306 : vector<8x65536xf32>
    %swap3A_308 = arith.constant 0 : index
    %swap3A_309 = arith.constant 565504 : index
    %swap3A_310 = vector.load %arg3[%swap3A_308, %swap3A_309] : memref<8x1000000xf32, #tpu.memory_space<vmem>>, vector<8x65536xf32>
    tpu.vector_store %arg3[%swap3A_308, %swap3A_309], %add3A_307 {strides = array<i32>} : memref<8x1000000xf32, #tpu.memory_space<vmem>>, vector<8x65536xf32>,
    %get3A_311 = arith.constant 0 : index
    %get3A_312 = arith.constant 631040 : index
    %get3A_313 = vector.load %arg3[%get3A_311, %get3A_312] : memref<8x1000000xf32, #tpu.memory_space<vmem>>, vector<8x65536xf32>
    %get3A_314 = arith.constant 0 : index
    %get3A_315 = arith.constant 131072 : index
    %get3A_316 = vector.load %arg5[%get3A_314, %get3A_315] : memref<8x500032xf32, #tpu.memory_space<vmem>>, vector<8x65536xf32>
    %mul3A_317 = vector.broadcast %slice3A_286 : vector<8x1xf32> to vector<8x65536xf32>
    %mul3A_318 = arith.mulf %get3A_316, %mul3A_317 : vector<8x65536xf32>
    %add3A_319 = arith.addf %get3A_313, %mul3A_318 : vector<8x65536xf32>
    %swap3A_320 = arith.constant 0 : index
    %swap3A_321 = arith.constant 631040 : index
    %swap3A_322 = vector.load %arg3[%swap3A_320, %swap3A_321] : memref<8x1000000xf32, #tpu.memory_space<vmem>>, vector<8x65536xf32>
    tpu.vector_store %arg3[%swap3A_320, %swap3A_321], %add3A_319 {strides = array<i32>} : memref<8x1000000xf32, #tpu.memory_space<vmem>>, vector<8x65536xf32>,
    %get3A_323 = arith.constant 0 : index
    %get3A_324 = arith.constant 696576 : index
    %get3A_325 = vector.load %arg3[%get3A_323, %get3A_324] : memref<8x1000000xf32, #tpu.memory_space<vmem>>, vector<8x65536xf32>
    %get3A_326 = arith.constant 0 : index
    %get3A_327 = arith.constant 196608 : index
    %get3A_328 = vector.load %arg5[%get3A_326, %get3A_327] : memref<8x500032xf32, #tpu.memory_space<vmem>>, vector<8x65536xf32>
    %mul3A_329 = vector.broadcast %slice3A_286 : vector<8x1xf32> to vector<8x65536xf32>
    %mul3A_330 = arith.mulf %get3A_328, %mul3A_329 : vector<8x65536xf32>
    %add3A_331 = arith.addf %get3A_325, %mul3A_330 : vector<8x65536xf32>
    %swap3A_332 = arith.constant 0 : index
    %swap3A_333 = arith.constant 696576 : index
    %swap3A_334 = vector.load %arg3[%swap3A_332, %swap3A_333] : memref<8x1000000xf32, #tpu.memory_space<vmem>>, vector<8x65536xf32>
    tpu.vector_store %arg3[%swap3A_332, %swap3A_333], %add3A_331 {strides = array<i32>} : memref<8x1000000xf32, #tpu.memory_space<vmem>>, vector<8x65536xf32>,
    %get3A_335 = arith.constant 0 : index
    %get3A_336 = arith.constant 762112 : index
    %get3A_337 = vector.load %arg3[%get3A_335, %get3A_336] : memref<8x1000000xf32, #tpu.memory_space<vmem>>, vector<8x65536xf32>
    %get3A_338 = arith.constant 0 : index
    %get3A_339 = arith.constant 262144 : index
    %get3A_340 = vector.load %arg5[%get3A_338, %get3A_339] : memref<8x500032xf32, #tpu.memory_space<vmem>>, vector<8x65536xf32>
    %mul3A_341 = vector.broadcast %slice3A_286 : vector<8x1xf32> to vector<8x65536xf32>
    %mul3A_342 = arith.mulf %get3A_340, %mul3A_341 : vector<8x65536xf32>
    %add3A_343 = arith.addf %get3A_337, %mul3A_342 : vector<8x65536xf32>
    %swap3A_344 = arith.constant 0 : index
    %swap3A_345 = arith.constant 762112 : index
    %swap3A_346 = vector.load %arg3[%swap3A_344, %swap3A_345] : memref<8x1000000xf32, #tpu.memory_space<vmem>>, vector<8x65536xf32>
    tpu.vector_store %arg3[%swap3A_344, %swap3A_345], %add3A_343 {strides = array<i32>} : memref<8x1000000xf32, #tpu.memory_space<vmem>>, vector<8x65536xf32>,
    %get3A_347 = arith.constant 0 : index
    %get3A_348 = arith.constant 827648 : index
    %get3A_349 = vector.load %arg3[%get3A_347, %get3A_348] : memref<8x1000000xf32, #tpu.memory_space<vmem>>, vector<8x65536xf32>
    %get3A_350 = arith.constant 0 : index
    %get3A_351 = arith.constant 327680 : index
    %get3A_352 = vector.load %arg5[%get3A_350, %get3A_351] : memref<8x500032xf32, #tpu.memory_space<vmem>>, vector<8x65536xf32>
    %mul3A_353 = vector.broadcast %slice3A_286 : vector<8x1xf32> to vector<8x65536xf32>
    %mul3A_354 = arith.mulf %get3A_352, %mul3A_353 : vector<8x65536xf32>
    %add3A_355 = arith.addf %get3A_349, %mul3A_354 : vector<8x65536xf32>
    %swap3A_356 = arith.constant 0 : index
    %swap3A_357 = arith.constant 827648 : index
    %swap3A_358 = vector.load %arg3[%swap3A_356, %swap3A_357] : memref<8x1000000xf32, #tpu.memory_space<vmem>>, vector<8x65536xf32>
    tpu.vector_store %arg3[%swap3A_356, %swap3A_357], %add3A_355 {strides = array<i32>} : memref<8x1000000xf32, #tpu.memory_space<vmem>>, vector<8x65536xf32>,
    %get3A_359 = arith.constant 0 : index
    %get3A_360 = arith.constant 893184 : index
    %get3A_361 = vector.load %arg3[%get3A_359, %get3A_360] : memref<8x1000000xf32, #tpu.memory_space<vmem>>, vector<8x65536xf32>
    %get3A_362 = arith.constant 0 : index
    %get3A_363 = arith.constant 393216 : index
    %get3A_364 = vector.load %arg5[%get3A_362, %get3A_363] : memref<8x500032xf32, #tpu.memory_space<vmem>>, vector<8x65536xf32>
    %mul3A_365 = vector.broadcast %slice3A_286 : vector<8x1xf32> to vector<8x65536xf32>
    %mul3A_366 = arith.mulf %get3A_364, %mul3A_365 : vector<8x65536xf32>
    %add3A_367 = arith.addf %get3A_361, %mul3A_366 : vector<8x65536xf32>
    %swap3A_368 = arith.constant 0 : index
    %swap3A_369 = arith.constant 893184 : index
    %swap3A_370 = vector.load %arg3[%swap3A_368, %swap3A_369] : memref<8x1000000xf32, #tpu.memory_space<vmem>>, vector<8x65536xf32>
    tpu.vector_store %arg3[%swap3A_368, %swap3A_369], %add3A_367 {strides = array<i32>} : memref<8x1000000xf32, #tpu.memory_space<vmem>>, vector<8x65536xf32>,
    %get3A_371 = arith.constant 0 : index
    %get3A_372 = arith.constant 958720 : index
    %get3A_373 = vector.load %arg3[%get3A_371, %get3A_372] : memref<8x1000000xf32, #tpu.memory_space<vmem>>, vector<8x41280xf32>
    %get3A_374 = arith.constant 0 : index
    %get3A_375 = arith.constant 458752 : index
    %get3A_376 = vector.load %arg5[%get3A_374, %get3A_375] : memref<8x500032xf32, #tpu.memory_space<vmem>>, vector<8x41280xf32>
    %mul3A_377 = vector.broadcast %slice3A_286 : vector<8x1xf32> to vector<8x41280xf32>
    %mul3A_378 = arith.mulf %get3A_376, %mul3A_377 : vector<8x41280xf32>
    %add3A_379 = arith.addf %get3A_373, %mul3A_378 : vector<8x41280xf32>
    %swap3A_380 = arith.constant 0 : index
    %swap3A_381 = arith.constant 958720 : index
    %swap3A_382 = vector.load %arg3[%swap3A_380, %swap3A_381] : memref<8x1000000xf32, #tpu.memory_space<vmem>>, vector<8x41280xf32>
    tpu.vector_store %arg3[%swap3A_380, %swap3A_381], %add3A_379 {strides = array<i32>} : memref<8x1000000xf32, #tpu.memory_space<vmem>>, vector<8x41280xf32>,
    %dma_start3A_383 = arith.constant 0 : i32
    %dma_start3A_384 = arith.constant 0 : i32
    %dma_start3A_385 = tpu.memref_slice %arg5[%dma_start3A_383, %dma_start3A_384] : memref<8x500032xf32, #tpu.memory_space<vmem>> -> memref<8x500032xf32, #tpu.memory_space<vmem>>
    %dma_start3A_386 = arith.constant 16 : i32
    %dma_start3A_387 = arith.constant 499968 : i32
    %dma_start3A_388 = tpu.memref_slice %arg0[%dma_start3A_386, %dma_start3A_387] : memref<64x1000000xf32, #tpu.memory_space<any>> -> memref<8x500032xf32, #tpu.memory_space<any>>
    tpu.enqueue_dma source(%dma_start3A_388 : memref<8x500032xf32, #tpu.memory_space<any>>) target(%dma_start3A_385 : memref<8x500032xf32, #tpu.memory_space<vmem>>) target_semaphore(%arg9 : memref<!tpu.dma_semaphore, #tpu.memory_space<semaphore_mem>>)
    %dma_wait3A_389 = arith.constant 0 : i32
    %dma_wait3A_390 = arith.constant 0 : i32
    %dma_wait3A_391 = tpu.memref_slice %arg4[%dma_wait3A_389, %dma_wait3A_390] : memref<8x500032xf32, #tpu.memory_space<vmem>> -> memref<8x499968xf32, #tpu.memory_space<vmem>>
    %dma_wait3A_392 = arith.constant 16 : i32
    %dma_wait3A_393 = arith.constant 0 : i32
    %dma_wait3A_394 = tpu.memref_slice %arg0[%dma_wait3A_392, %dma_wait3A_393] : memref<64x1000000xf32, #tpu.memory_space<any>> -> memref<8x499968xf32, #tpu.memory_space<any>>
    tpu.wait_dma2 semaphore(%arg8 : memref<!tpu.dma_semaphore, #tpu.memory_space<semaphore_mem>>) src(%dma_wait3A_394 : memref<8x499968xf32, #tpu.memory_space<any>>) dst(%dma_wait3A_391 : memref<8x499968xf32, #tpu.memory_space<vmem>>)
    %get3A_395 = arith.constant 0 : index
    %get3A_396 = arith.constant 256 : index
    %get3A_397 = vector.load %arg1[%get3A_395, %get3A_396] : memref<8x1024xf32, #tpu.memory_space<vmem>>, vector<8x128xf32>
    %slice3A_398 = vector.extract_strided_slice %get3A_397 {offsets = [0, 0], sizes = [8, 1], strides = [1, 1]} : vector<8x128xf32> to vector<8x1xf32>
    %get3A_399 = arith.constant 0 : index
    %get3A_400 = arith.constant 0 : index
    %get3A_401 = vector.load %arg3[%get3A_399, %get3A_400] : memref<8x1000000xf32, #tpu.memory_space<vmem>>, vector<8x65536xf32>
    %get3A_402 = arith.constant 0 : index
    %get3A_403 = arith.constant 0 : index
    %get3A_404 = vector.load %arg4[%get3A_402, %get3A_403] : memref<8x500032xf32, #tpu.memory_space<vmem>>, vector<8x65536xf32>
    %mul3A_405 = vector.broadcast %slice3A_398 : vector<8x1xf32> to vector<8x65536xf32>
    %mul3A_406 = arith.mulf %get3A_404, %mul3A_405 : vector<8x65536xf32>
    %add3A_407 = arith.addf %get3A_401, %mul3A_406 : vector<8x65536xf32>
    %swap3A_408 = arith.constant 0 : index
    %swap3A_409 = arith.constant 0 : index
    %swap3A_410 = vector.load %arg3[%swap3A_408, %swap3A_409] : memref<8x1000000xf32, #tpu.memory_space<vmem>>, vector<8x65536xf32>
    tpu.vector_store %arg3[%swap3A_408, %swap3A_409], %add3A_407 {strides = array<i32>} : memref<8x1000000xf32, #tpu.memory_space<vmem>>, vector<8x65536xf32>,
    %get3A_411 = arith.constant 0 : index
    %get3A_412 = arith.constant 65536 : index
    %get3A_413 = vector.load %arg3[%get3A_411, %get3A_412] : memref<8x1000000xf32, #tpu.memory_space<vmem>>, vector<8x65536xf32>
    %get3A_414 = arith.constant 0 : index
    %get3A_415 = arith.constant 65536 : index
    %get3A_416 = vector.load %arg4[%get3A_414, %get3A_415] : memref<8x500032xf32, #tpu.memory_space<vmem>>, vector<8x65536xf32>
    %mul3A_417 = vector.broadcast %slice3A_398 : vector<8x1xf32> to vector<8x65536xf32>
    %mul3A_418 = arith.mulf %get3A_416, %mul3A_417 : vector<8x65536xf32>
    %add3A_419 = arith.addf %get3A_413, %mul3A_418 : vector<8x65536xf32>
    %swap3A_420 = arith.constant 0 : index
    %swap3A_421 = arith.constant 65536 : index
    %swap3A_422 = vector.load %arg3[%swap3A_420, %swap3A_421] : memref<8x1000000xf32, #tpu.memory_space<vmem>>, vector<8x65536xf32>
    tpu.vector_store %arg3[%swap3A_420, %swap3A_421], %add3A_419 {strides = array<i32>} : memref<8x1000000xf32, #tpu.memory_space<vmem>>, vector<8x65536xf32>,
    %get3A_423 = arith.constant 0 : index
    %get3A_424 = arith.constant 131072 : index
    %get3A_425 = vector.load %arg3[%get3A_423, %get3A_424] : memref<8x1000000xf32, #tpu.memory_space<vmem>>, vector<8x65536xf32>
    %get3A_426 = arith.constant 0 : index
    %get3A_427 = arith.constant 131072 : index
    %get3A_428 = vector.load %arg4[%get3A_426, %get3A_427] : memref<8x500032xf32, #tpu.memory_space<vmem>>, vector<8x65536xf32>
    %mul3A_429 = vector.broadcast %slice3A_398 : vector<8x1xf32> to vector<8x65536xf32>
    %mul3A_430 = arith.mulf %get3A_428, %mul3A_429 : vector<8x65536xf32>
    %add3A_431 = arith.addf %get3A_425, %mul3A_430 : vector<8x65536xf32>
    %swap3A_432 = arith.constant 0 : index
    %swap3A_433 = arith.constant 131072 : index
    %swap3A_434 = vector.load %arg3[%swap3A_432, %swap3A_433] : memref<8x1000000xf32, #tpu.memory_space<vmem>>, vector<8x65536xf32>
    tpu.vector_store %arg3[%swap3A_432, %swap3A_433], %add3A_431 {strides = array<i32>} : memref<8x1000000xf32, #tpu.memory_space<vmem>>, vector<8x65536xf32>,
    %get3A_435 = arith.constant 0 : index
    %get3A_436 = arith.constant 196608 : index
    %get3A_437 = vector.load %arg3[%get3A_435, %get3A_436] : memref<8x1000000xf32, #tpu.memory_space<vmem>>, vector<8x65536xf32>
    %get3A_438 = arith.constant 0 : index
    %get3A_439 = arith.constant 196608 : index
    %get3A_440 = vector.load %arg4[%get3A_438, %get3A_439] : memref<8x500032xf32, #tpu.memory_space<vmem>>, vector<8x65536xf32>
    %mul3A_441 = vector.broadcast %slice3A_398 : vector<8x1xf32> to vector<8x65536xf32>
    %mul3A_442 = arith.mulf %get3A_440, %mul3A_441 : vector<8x65536xf32>
    %add3A_443 = arith.addf %get3A_437, %mul3A_442 : vector<8x65536xf32>
    %swap3A_444 = arith.constant 0 : index
    %swap3A_445 = arith.constant 196608 : index
    %swap3A_446 = vector.load %arg3[%swap3A_444, %swap3A_445] : memref<8x1000000xf32, #tpu.memory_space<vmem>>, vector<8x65536xf32>
    tpu.vector_store %arg3[%swap3A_444, %swap3A_445], %add3A_443 {strides = array<i32>} : memref<8x1000000xf32, #tpu.memory_space<vmem>>, vector<8x65536xf32>,
    %get3A_447 = arith.constant 0 : index
    %get3A_448 = arith.constant 262144 : index
    %get3A_449 = vector.load %arg3[%get3A_447, %get3A_448] : memref<8x1000000xf32, #tpu.memory_space<vmem>>, vector<8x65536xf32>
    %get3A_450 = arith.constant 0 : index
    %get3A_451 = arith.constant 262144 : index
    %get3A_452 = vector.load %arg4[%get3A_450, %get3A_451] : memref<8x500032xf32, #tpu.memory_space<vmem>>, vector<8x65536xf32>
    %mul3A_453 = vector.broadcast %slice3A_398 : vector<8x1xf32> to vector<8x65536xf32>
    %mul3A_454 = arith.mulf %get3A_452, %mul3A_453 : vector<8x65536xf32>
    %add3A_455 = arith.addf %get3A_449, %mul3A_454 : vector<8x65536xf32>
    %swap3A_456 = arith.constant 0 : index
    %swap3A_457 = arith.constant 262144 : index
    %swap3A_458 = vector.load %arg3[%swap3A_456, %swap3A_457] : memref<8x1000000xf32, #tpu.memory_space<vmem>>, vector<8x65536xf32>
    tpu.vector_store %arg3[%swap3A_456, %swap3A_457], %add3A_455 {strides = array<i32>} : memref<8x1000000xf32, #tpu.memory_space<vmem>>, vector<8x65536xf32>,
    %get3A_459 = arith.constant 0 : index
    %get3A_460 = arith.constant 327680 : index
    %get3A_461 = vector.load %arg3[%get3A_459, %get3A_460] : memref<8x1000000xf32, #tpu.memory_space<vmem>>, vector<8x65536xf32>
    %get3A_462 = arith.constant 0 : index
    %get3A_463 = arith.constant 327680 : index
    %get3A_464 = vector.load %arg4[%get3A_462, %get3A_463] : memref<8x500032xf32, #tpu.memory_space<vmem>>, vector<8x65536xf32>
    %mul3A_465 = vector.broadcast %slice3A_398 : vector<8x1xf32> to vector<8x65536xf32>
    %mul3A_466 = arith.mulf %get3A_464, %mul3A_465 : vector<8x65536xf32>
    %add3A_467 = arith.addf %get3A_461, %mul3A_466 : vector<8x65536xf32>
    %swap3A_468 = arith.constant 0 : index
    %swap3A_469 = arith.constant 327680 : index
    %swap3A_470 = vector.load %arg3[%swap3A_468, %swap3A_469] : memref<8x1000000xf32, #tpu.memory_space<vmem>>, vector<8x65536xf32>
    tpu.vector_store %arg3[%swap3A_468, %swap3A_469], %add3A_467 {strides = array<i32>} : memref<8x1000000xf32, #tpu.memory_space<vmem>>, vector<8x65536xf32>,
    %get3A_471 = arith.constant 0 : index
    %get3A_472 = arith.constant 393216 : index
    %get3A_473 = vector.load %arg3[%get3A_471, %get3A_472] : memref<8x1000000xf32, #tpu.memory_space<vmem>>, vector<8x65536xf32>
    %get3A_474 = arith.constant 0 : index
    %get3A_475 = arith.constant 393216 : index
    %get3A_476 = vector.load %arg4[%get3A_474, %get3A_475] : memref<8x500032xf32, #tpu.memory_space<vmem>>, vector<8x65536xf32>
    %mul3A_477 = vector.broadcast %slice3A_398 : vector<8x1xf32> to vector<8x65536xf32>
    %mul3A_478 = arith.mulf %get3A_476, %mul3A_477 : vector<8x65536xf32>
    %add3A_479 = arith.addf %get3A_473, %mul3A_478 : vector<8x65536xf32>
    %swap3A_480 = arith.constant 0 : index
    %swap3A_481 = arith.constant 393216 : index
    %swap3A_482 = vector.load %arg3[%swap3A_480, %swap3A_481] : memref<8x1000000xf32, #tpu.memory_space<vmem>>, vector<8x65536xf32>
    tpu.vector_store %arg3[%swap3A_480, %swap3A_481], %add3A_479 {strides = array<i32>} : memref<8x1000000xf32, #tpu.memory_space<vmem>>, vector<8x65536xf32>,
    %get3A_483 = arith.constant 0 : index
    %get3A_484 = arith.constant 458752 : index
    %get3A_485 = vector.load %arg3[%get3A_483, %get3A_484] : memref<8x1000000xf32, #tpu.memory_space<vmem>>, vector<8x41216xf32>
    %get3A_486 = arith.constant 0 : index
    %get3A_487 = arith.constant 458752 : index
    %get3A_488 = vector.load %arg4[%get3A_486, %get3A_487] : memref<8x500032xf32, #tpu.memory_space<vmem>>, vector<8x41216xf32>
    %mul3A_489 = vector.broadcast %slice3A_398 : vector<8x1xf32> to vector<8x41216xf32>
    %mul3A_490 = arith.mulf %get3A_488, %mul3A_489 : vector<8x41216xf32>
    %add3A_491 = arith.addf %get3A_485, %mul3A_490 : vector<8x41216xf32>
    %swap3A_492 = arith.constant 0 : index
    %swap3A_493 = arith.constant 458752 : index
    %swap3A_494 = vector.load %arg3[%swap3A_492, %swap3A_493] : memref<8x1000000xf32, #tpu.memory_space<vmem>>, vector<8x41216xf32>
    tpu.vector_store %arg3[%swap3A_492, %swap3A_493], %add3A_491 {strides = array<i32>} : memref<8x1000000xf32, #tpu.memory_space<vmem>>, vector<8x41216xf32>,
    %dma_start3A_495 = arith.constant 0 : i32
    %dma_start3A_496 = arith.constant 0 : i32
    %dma_start3A_497 = tpu.memref_slice %arg4[%dma_start3A_495, %dma_start3A_496] : memref<8x500032xf32, #tpu.memory_space<vmem>> -> memref<8x499968xf32, #tpu.memory_space<vmem>>
    %dma_start3A_498 = arith.constant 24 : i32
    %dma_start3A_499 = arith.constant 0 : i32
    %dma_start3A_500 = tpu.memref_slice %arg0[%dma_start3A_498, %dma_start3A_499] : memref<64x1000000xf32, #tpu.memory_space<any>> -> memref<8x499968xf32, #tpu.memory_space<any>>
    tpu.enqueue_dma source(%dma_start3A_500 : memref<8x499968xf32, #tpu.memory_space<any>>) target(%dma_start3A_497 : memref<8x499968xf32, #tpu.memory_space<vmem>>) target_semaphore(%arg8 : memref<!tpu.dma_semaphore, #tpu.memory_space<semaphore_mem>>)
    %dma_wait3A_501 = arith.constant 0 : i32
    %dma_wait3A_502 = arith.constant 0 : i32
    %dma_wait3A_503 = tpu.memref_slice %arg5[%dma_wait3A_501, %dma_wait3A_502] : memref<8x500032xf32, #tpu.memory_space<vmem>> -> memref<8x500032xf32, #tpu.memory_space<vmem>>
    %dma_wait3A_504 = arith.constant 16 : i32
    %dma_wait3A_505 = arith.constant 499968 : i32
    %dma_wait3A_506 = tpu.memref_slice %arg0[%dma_wait3A_504, %dma_wait3A_505] : memref<64x1000000xf32, #tpu.memory_space<any>> -> memref<8x500032xf32, #tpu.memory_space<any>>
    tpu.wait_dma2 semaphore(%arg9 : memref<!tpu.dma_semaphore, #tpu.memory_space<semaphore_mem>>) src(%dma_wait3A_506 : memref<8x500032xf32, #tpu.memory_space<any>>) dst(%dma_wait3A_503 : memref<8x500032xf32, #tpu.memory_space<vmem>>)
    %get3A_507 = arith.constant 0 : index
    %get3A_508 = arith.constant 256 : index
    %get3A_509 = vector.load %arg1[%get3A_507, %get3A_508] : memref<8x1024xf32, #tpu.memory_space<vmem>>, vector<8x128xf32>
    %slice3A_510 = vector.extract_strided_slice %get3A_509 {offsets = [0, 0], sizes = [8, 1], strides = [1, 1]} : vector<8x128xf32> to vector<8x1xf32>
    %get3A_511 = arith.constant 0 : index
    %get3A_512 = arith.constant 499968 : index
    %get3A_513 = vector.load %arg3[%get3A_511, %get3A_512] : memref<8x1000000xf32, #tpu.memory_space<vmem>>, vector<8x65536xf32>
    %get3A_514 = arith.constant 0 : index
    %get3A_515 = arith.constant 0 : index
    %get3A_516 = vector.load %arg5[%get3A_514, %get3A_515] : memref<8x500032xf32, #tpu.memory_space<vmem>>, vector<8x65536xf32>
    %mul3A_517 = vector.broadcast %slice3A_510 : vector<8x1xf32> to vector<8x65536xf32>
    %mul3A_518 = arith.mulf %get3A_516, %mul3A_517 : vector<8x65536xf32>
    %add3A_519 = arith.addf %get3A_513, %mul3A_518 : vector<8x65536xf32>
    %swap3A_520 = arith.constant 0 : index
    %swap3A_521 = arith.constant 499968 : index
    %swap3A_522 = vector.load %arg3[%swap3A_520, %swap3A_521] : memref<8x1000000xf32, #tpu.memory_space<vmem>>, vector<8x65536xf32>
    tpu.vector_store %arg3[%swap3A_520, %swap3A_521], %add3A_519 {strides = array<i32>} : memref<8x1000000xf32, #tpu.memory_space<vmem>>, vector<8x65536xf32>,
    %get3A_523 = arith.constant 0 : index
    %get3A_524 = arith.constant 565504 : index
    %get3A_525 = vector.load %arg3[%get3A_523, %get3A_524] : memref<8x1000000xf32, #tpu.memory_space<vmem>>, vector<8x65536xf32>
    %get3A_526 = arith.constant 0 : index
    %get3A_527 = arith.constant 65536 : index
    %get3A_528 = vector.load %arg5[%get3A_526, %get3A_527] : memref<8x500032xf32, #tpu.memory_space<vmem>>, vector<8x65536xf32>
    %mul3A_529 = vector.broadcast %slice3A_510 : vector<8x1xf32> to vector<8x65536xf32>
    %mul3A_530 = arith.mulf %get3A_528, %mul3A_529 : vector<8x65536xf32>
    %add3A_531 = arith.addf %get3A_525, %mul3A_530 : vector<8x65536xf32>
    %swap3A_532 = arith.constant 0 : index
    %swap3A_533 = arith.constant 565504 : index
    %swap3A_534 = vector.load %arg3[%swap3A_532, %swap3A_533] : memref<8x1000000xf32, #tpu.memory_space<vmem>>, vector<8x65536xf32>
    tpu.vector_store %arg3[%swap3A_532, %swap3A_533], %add3A_531 {strides = array<i32>} : memref<8x1000000xf32, #tpu.memory_space<vmem>>, vector<8x65536xf32>,
    %get3A_535 = arith.constant 0 : index
    %get3A_536 = arith.constant 631040 : index
    %get3A_537 = vector.load %arg3[%get3A_535, %get3A_536] : memref<8x1000000xf32, #tpu.memory_space<vmem>>, vector<8x65536xf32>
    %get3A_538 = arith.constant 0 : index
    %get3A_539 = arith.constant 131072 : index
    %get3A_540 = vector.load %arg5[%get3A_538, %get3A_539] : memref<8x500032xf32, #tpu.memory_space<vmem>>, vector<8x65536xf32>
    %mul3A_541 = vector.broadcast %slice3A_510 : vector<8x1xf32> to vector<8x65536xf32>
    %mul3A_542 = arith.mulf %get3A_540, %mul3A_541 : vector<8x65536xf32>
    %add3A_543 = arith.addf %get3A_537, %mul3A_542 : vector<8x65536xf32>
    %swap3A_544 = arith.constant 0 : index
    %swap3A_545 = arith.constant 631040 : index
    %swap3A_546 = vector.load %arg3[%swap3A_544, %swap3A_545] : memref<8x1000000xf32, #tpu.memory_space<vmem>>, vector<8x65536xf32>
    tpu.vector_store %arg3[%swap3A_544, %swap3A_545], %add3A_543 {strides = array<i32>} : memref<8x1000000xf32, #tpu.memory_space<vmem>>, vector<8x65536xf32>,
    %get3A_547 = arith.constant 0 : index
    %get3A_548 = arith.constant 696576 : index
    %get3A_549 = vector.load %arg3[%get3A_547, %get3A_548] : memref<8x1000000xf32, #tpu.memory_space<vmem>>, vector<8x65536xf32>
    %get3A_550 = arith.constant 0 : index
    %get3A_551 = arith.constant 196608 : index
    %get3A_552 = vector.load %arg5[%get3A_550, %get3A_551] : memref<8x500032xf32, #tpu.memory_space<vmem>>, vector<8x65536xf32>
    %mul3A_553 = vector.broadcast %slice3A_510 : vector<8x1xf32> to vector<8x65536xf32>
    %mul3A_554 = arith.mulf %get3A_552, %mul3A_553 : vector<8x65536xf32>
    %add3A_555 = arith.addf %get3A_549, %mul3A_554 : vector<8x65536xf32>
    %swap3A_556 = arith.constant 0 : index
    %swap3A_557 = arith.constant 696576 : index
    %swap3A_558 = vector.load %arg3[%swap3A_556, %swap3A_557] : memref<8x1000000xf32, #tpu.memory_space<vmem>>, vector<8x65536xf32>
    tpu.vector_store %arg3[%swap3A_556, %swap3A_557], %add3A_555 {strides = array<i32>} : memref<8x1000000xf32, #tpu.memory_space<vmem>>, vector<8x65536xf32>,
    %get3A_559 = arith.constant 0 : index
    %get3A_560 = arith.constant 762112 : index
    %get3A_561 = vector.load %arg3[%get3A_559, %get3A_560] : memref<8x1000000xf32, #tpu.memory_space<vmem>>, vector<8x65536xf32>
    %get3A_562 = arith.constant 0 : index
    %get3A_563 = arith.constant 262144 : index
    %get3A_564 = vector.load %arg5[%get3A_562, %get3A_563] : memref<8x500032xf32, #tpu.memory_space<vmem>>, vector<8x65536xf32>
    %mul3A_565 = vector.broadcast %slice3A_510 : vector<8x1xf32> to vector<8x65536xf32>
    %mul3A_566 = arith.mulf %get3A_564, %mul3A_565 : vector<8x65536xf32>
    %add3A_567 = arith.addf %get3A_561, %mul3A_566 : vector<8x65536xf32>
    %swap3A_568 = arith.constant 0 : index
    %swap3A_569 = arith.constant 762112 : index
    %swap3A_570 = vector.load %arg3[%swap3A_568, %swap3A_569] : memref<8x1000000xf32, #tpu.memory_space<vmem>>, vector<8x65536xf32>
    tpu.vector_store %arg3[%swap3A_568, %swap3A_569], %add3A_567 {strides = array<i32>} : memref<8x1000000xf32, #tpu.memory_space<vmem>>, vector<8x65536xf32>,
    %get3A_571 = arith.constant 0 : index
    %get3A_572 = arith.constant 827648 : index
    %get3A_573 = vector.load %arg3[%get3A_571, %get3A_572] : memref<8x1000000xf32, #tpu.memory_space<vmem>>, vector<8x65536xf32>
    %get3A_574 = arith.constant 0 : index
    %get3A_575 = arith.constant 327680 : index
    %get3A_576 = vector.load %arg5[%get3A_574, %get3A_575] : memref<8x500032xf32, #tpu.memory_space<vmem>>, vector<8x65536xf32>
    %mul3A_577 = vector.broadcast %slice3A_510 : vector<8x1xf32> to vector<8x65536xf32>
    %mul3A_578 = arith.mulf %get3A_576, %mul3A_577 : vector<8x65536xf32>
    %add3A_579 = arith.addf %get3A_573, %mul3A_578 : vector<8x65536xf32>
    %swap3A_580 = arith.constant 0 : index
    %swap3A_581 = arith.constant 827648 : index
    %swap3A_582 = vector.load %arg3[%swap3A_580, %swap3A_581] : memref<8x1000000xf32, #tpu.memory_space<vmem>>, vector<8x65536xf32>
    tpu.vector_store %arg3[%swap3A_580, %swap3A_581], %add3A_579 {strides = array<i32>} : memref<8x1000000xf32, #tpu.memory_space<vmem>>, vector<8x65536xf32>,
    %get3A_583 = arith.constant 0 : index
    %get3A_584 = arith.constant 893184 : index
    %get3A_585 = vector.load %arg3[%get3A_583, %get3A_584] : memref<8x1000000xf32, #tpu.memory_space<vmem>>, vector<8x65536xf32>
    %get3A_586 = arith.constant 0 : index
    %get3A_587 = arith.constant 393216 : index
    %get3A_588 = vector.load %arg5[%get3A_586, %get3A_587] : memref<8x500032xf32, #tpu.memory_space<vmem>>, vector<8x65536xf32>
    %mul3A_589 = vector.broadcast %slice3A_510 : vector<8x1xf32> to vector<8x65536xf32>
    %mul3A_590 = arith.mulf %get3A_588, %mul3A_589 : vector<8x65536xf32>
    %add3A_591 = arith.addf %get3A_585, %mul3A_590 : vector<8x65536xf32>
    %swap3A_592 = arith.constant 0 : index
    %swap3A_593 = arith.constant 893184 : index
    %swap3A_594 = vector.load %arg3[%swap3A_592, %swap3A_593] : memref<8x1000000xf32, #tpu.memory_space<vmem>>, vector<8x65536xf32>
    tpu.vector_store %arg3[%swap3A_592, %swap3A_593], %add3A_591 {strides = array<i32>} : memref<8x1000000xf32, #tpu.memory_space<vmem>>, vector<8x65536xf32>,
    %get3A_595 = arith.constant 0 : index
    %get3A_596 = arith.constant 958720 : index
    %get3A_597 = vector.load %arg3[%get3A_595, %get3A_596] : memref<8x1000000xf32, #tpu.memory_space<vmem>>, vector<8x41280xf32>
    %get3A_598 = arith.constant 0 : index
    %get3A_599 = arith.constant 458752 : index
    %get3A_600 = vector.load %arg5[%get3A_598, %get3A_599] : memref<8x500032xf32, #tpu.memory_space<vmem>>, vector<8x41280xf32>
    %mul3A_601 = vector.broadcast %slice3A_510 : vector<8x1xf32> to vector<8x41280xf32>
    %mul3A_602 = arith.mulf %get3A_600, %mul3A_601 : vector<8x41280xf32>
    %add3A_603 = arith.addf %get3A_597, %mul3A_602 : vector<8x41280xf32>
    %swap3A_604 = arith.constant 0 : index
    %swap3A_605 = arith.constant 958720 : index
    %swap3A_606 = vector.load %arg3[%swap3A_604, %swap3A_605] : memref<8x1000000xf32, #tpu.memory_space<vmem>>, vector<8x41280xf32>
    tpu.vector_store %arg3[%swap3A_604, %swap3A_605], %add3A_603 {strides = array<i32>} : memref<8x1000000xf32, #tpu.memory_space<vmem>>, vector<8x41280xf32>,
    %dma_start3A_607 = arith.constant 0 : i32
    %dma_start3A_608 = arith.constant 0 : i32
    %dma_start3A_609 = tpu.memref_slice %arg5[%dma_start3A_607, %dma_start3A_608] : memref<8x500032xf32, #tpu.memory_space<vmem>> -> memref<8x500032xf32, #tpu.memory_space<vmem>>
    %dma_start3A_610 = arith.constant 24 : i32
    %dma_start3A_611 = arith.constant 499968 : i32
    %dma_start3A_612 = tpu.memref_slice %arg0[%dma_start3A_610, %dma_start3A_611] : memref<64x1000000xf32, #tpu.memory_space<any>> -> memref<8x500032xf32, #tpu.memory_space<any>>
    tpu.enqueue_dma source(%dma_start3A_612 : memref<8x500032xf32, #tpu.memory_space<any>>) target(%dma_start3A_609 : memref<8x500032xf32, #tpu.memory_space<vmem>>) target_semaphore(%arg9 : memref<!tpu.dma_semaphore, #tpu.memory_space<semaphore_mem>>)
    %dma_wait3A_613 = arith.constant 0 : i32
    %dma_wait3A_614 = arith.constant 0 : i32
    %dma_wait3A_615 = tpu.memref_slice %arg4[%dma_wait3A_613, %dma_wait3A_614] : memref<8x500032xf32, #tpu.memory_space<vmem>> -> memref<8x499968xf32, #tpu.memory_space<vmem>>
    %dma_wait3A_616 = arith.constant 24 : i32
    %dma_wait3A_617 = arith.constant 0 : i32
    %dma_wait3A_618 = tpu.memref_slice %arg0[%dma_wait3A_616, %dma_wait3A_617] : memref<64x1000000xf32, #tpu.memory_space<any>> -> memref<8x499968xf32, #tpu.memory_space<any>>
    tpu.wait_dma2 semaphore(%arg8 : memref<!tpu.dma_semaphore, #tpu.memory_space<semaphore_mem>>) src(%dma_wait3A_618 : memref<8x499968xf32, #tpu.memory_space<any>>) dst(%dma_wait3A_615 : memref<8x499968xf32, #tpu.memory_space<vmem>>)
    %get3A_619 = arith.constant 0 : index
    %get3A_620 = arith.constant 384 : index
    %get3A_621 = vector.load %arg1[%get3A_619, %get3A_620] : memref<8x1024xf32, #tpu.memory_space<vmem>>, vector<8x128xf32>
    %slice3A_622 = vector.extract_strided_slice %get3A_621 {offsets = [0, 0], sizes = [8, 1], strides = [1, 1]} : vector<8x128xf32> to vector<8x1xf32>
    %get3A_623 = arith.constant 0 : index
    %get3A_624 = arith.constant 0 : index
    %get3A_625 = vector.load %arg3[%get3A_623, %get3A_624] : memref<8x1000000xf32, #tpu.memory_space<vmem>>, vector<8x65536xf32>
    %get3A_626 = arith.constant 0 : index
    %get3A_627 = arith.constant 0 : index
    %get3A_628 = vector.load %arg4[%get3A_626, %get3A_627] : memref<8x500032xf32, #tpu.memory_space<vmem>>, vector<8x65536xf32>
    %mul3A_629 = vector.broadcast %slice3A_622 : vector<8x1xf32> to vector<8x65536xf32>
    %mul3A_630 = arith.mulf %get3A_628, %mul3A_629 : vector<8x65536xf32>
    %add3A_631 = arith.addf %get3A_625, %mul3A_630 : vector<8x65536xf32>
    %swap3A_632 = arith.constant 0 : index
    %swap3A_633 = arith.constant 0 : index
    %swap3A_634 = vector.load %arg3[%swap3A_632, %swap3A_633] : memref<8x1000000xf32, #tpu.memory_space<vmem>>, vector<8x65536xf32>
    tpu.vector_store %arg3[%swap3A_632, %swap3A_633], %add3A_631 {strides = array<i32>} : memref<8x1000000xf32, #tpu.memory_space<vmem>>, vector<8x65536xf32>,
    %get3A_635 = arith.constant 0 : index
    %get3A_636 = arith.constant 65536 : index
    %get3A_637 = vector.load %arg3[%get3A_635, %get3A_636] : memref<8x1000000xf32, #tpu.memory_space<vmem>>, vector<8x65536xf32>
    %get3A_638 = arith.constant 0 : index
    %get3A_639 = arith.constant 65536 : index
    %get3A_640 = vector.load %arg4[%get3A_638, %get3A_639] : memref<8x500032xf32, #tpu.memory_space<vmem>>, vector<8x65536xf32>
    %mul3A_641 = vector.broadcast %slice3A_622 : vector<8x1xf32> to vector<8x65536xf32>
    %mul3A_642 = arith.mulf %get3A_640, %mul3A_641 : vector<8x65536xf32>
    %add3A_643 = arith.addf %get3A_637, %mul3A_642 : vector<8x65536xf32>
    %swap3A_644 = arith.constant 0 : index
    %swap3A_645 = arith.constant 65536 : index
    %swap3A_646 = vector.load %arg3[%swap3A_644, %swap3A_645] : memref<8x1000000xf32, #tpu.memory_space<vmem>>, vector<8x65536xf32>
    tpu.vector_store %arg3[%swap3A_644, %swap3A_645], %add3A_643 {strides = array<i32>} : memref<8x1000000xf32, #tpu.memory_space<vmem>>, vector<8x65536xf32>,
    %get3A_647 = arith.constant 0 : index
    %get3A_648 = arith.constant 131072 : index
    %get3A_649 = vector.load %arg3[%get3A_647, %get3A_648] : memref<8x1000000xf32, #tpu.memory_space<vmem>>, vector<8x65536xf32>
    %get3A_650 = arith.constant 0 : index
    %get3A_651 = arith.constant 131072 : index
    %get3A_652 = vector.load %arg4[%get3A_650, %get3A_651] : memref<8x500032xf32, #tpu.memory_space<vmem>>, vector<8x65536xf32>
    %mul3A_653 = vector.broadcast %slice3A_622 : vector<8x1xf32> to vector<8x65536xf32>
    %mul3A_654 = arith.mulf %get3A_652, %mul3A_653 : vector<8x65536xf32>
    %add3A_655 = arith.addf %get3A_649, %mul3A_654 : vector<8x65536xf32>
    %swap3A_656 = arith.constant 0 : index
    %swap3A_657 = arith.constant 131072 : index
    %swap3A_658 = vector.load %arg3[%swap3A_656, %swap3A_657] : memref<8x1000000xf32, #tpu.memory_space<vmem>>, vector<8x65536xf32>
    tpu.vector_store %arg3[%swap3A_656, %swap3A_657], %add3A_655 {strides = array<i32>} : memref<8x1000000xf32, #tpu.memory_space<vmem>>, vector<8x65536xf32>,
    %get3A_659 = arith.constant 0 : index
    %get3A_660 = arith.constant 196608 : index
    %get3A_661 = vector.load %arg3[%get3A_659, %get3A_660] : memref<8x1000000xf32, #tpu.memory_space<vmem>>, vector<8x65536xf32>
    %get3A_662 = arith.constant 0 : index
    %get3A_663 = arith.constant 196608 : index
    %get3A_664 = vector.load %arg4[%get3A_662, %get3A_663] : memref<8x500032xf32, #tpu.memory_space<vmem>>, vector<8x65536xf32>
    %mul3A_665 = vector.broadcast %slice3A_622 : vector<8x1xf32> to vector<8x65536xf32>
    %mul3A_666 = arith.mulf %get3A_664, %mul3A_665 : vector<8x65536xf32>
    %add3A_667 = arith.addf %get3A_661, %mul3A_666 : vector<8x65536xf32>
    %swap3A_668 = arith.constant 0 : index
    %swap3A_669 = arith.constant 196608 : index
    %swap3A_670 = vector.load %arg3[%swap3A_668, %swap3A_669] : memref<8x1000000xf32, #tpu.memory_space<vmem>>, vector<8x65536xf32>
    tpu.vector_store %arg3[%swap3A_668, %swap3A_669], %add3A_667 {strides = array<i32>} : memref<8x1000000xf32, #tpu.memory_space<vmem>>, vector<8x65536xf32>,
    %get3A_671 = arith.constant 0 : index
    %get3A_672 = arith.constant 262144 : index
    %get3A_673 = vector.load %arg3[%get3A_671, %get3A_672] : memref<8x1000000xf32, #tpu.memory_space<vmem>>, vector<8x65536xf32>
    %get3A_674 = arith.constant 0 : index
    %get3A_675 = arith.constant 262144 : index
    %get3A_676 = vector.load %arg4[%get3A_674, %get3A_675] : memref<8x500032xf32, #tpu.memory_space<vmem>>, vector<8x65536xf32>
    %mul3A_677 = vector.broadcast %slice3A_622 : vector<8x1xf32> to vector<8x65536xf32>
    %mul3A_678 = arith.mulf %get3A_676, %mul3A_677 : vector<8x65536xf32>
    %add3A_679 = arith.addf %get3A_673, %mul3A_678 : vector<8x65536xf32>
    %swap3A_680 = arith.constant 0 : index
    %swap3A_681 = arith.constant 262144 : index
    %swap3A_682 = vector.load %arg3[%swap3A_680, %swap3A_681] : memref<8x1000000xf32, #tpu.memory_space<vmem>>, vector<8x65536xf32>
    tpu.vector_store %arg3[%swap3A_680, %swap3A_681], %add3A_679 {strides = array<i32>} : memref<8x1000000xf32, #tpu.memory_space<vmem>>, vector<8x65536xf32>,
    %get3A_683 = arith.constant 0 : index
    %get3A_684 = arith.constant 327680 : index
    %get3A_685 = vector.load %arg3[%get3A_683, %get3A_684] : memref<8x1000000xf32, #tpu.memory_space<vmem>>, vector<8x65536xf32>
    %get3A_686 = arith.constant 0 : index
    %get3A_687 = arith.constant 327680 : index
    %get3A_688 = vector.load %arg4[%get3A_686, %get3A_687] : memref<8x500032xf32, #tpu.memory_space<vmem>>, vector<8x65536xf32>
    %mul3A_689 = vector.broadcast %slice3A_622 : vector<8x1xf32> to vector<8x65536xf32>
    %mul3A_690 = arith.mulf %get3A_688, %mul3A_689 : vector<8x65536xf32>
    %add3A_691 = arith.addf %get3A_685, %mul3A_690 : vector<8x65536xf32>
    %swap3A_692 = arith.constant 0 : index
    %swap3A_693 = arith.constant 327680 : index
    %swap3A_694 = vector.load %arg3[%swap3A_692, %swap3A_693] : memref<8x1000000xf32, #tpu.memory_space<vmem>>, vector<8x65536xf32>
    tpu.vector_store %arg3[%swap3A_692, %swap3A_693], %add3A_691 {strides = array<i32>} : memref<8x1000000xf32, #tpu.memory_space<vmem>>, vector<8x65536xf32>,
    %get3A_695 = arith.constant 0 : index
    %get3A_696 = arith.constant 393216 : index
    %get3A_697 = vector.load %arg3[%get3A_695, %get3A_696] : memref<8x1000000xf32, #tpu.memory_space<vmem>>, vector<8x65536xf32>
    %get3A_698 = arith.constant 0 : index
    %get3A_699 = arith.constant 393216 : index
    %get3A_700 = vector.load %arg4[%get3A_698, %get3A_699] : memref<8x500032xf32, #tpu.memory_space<vmem>>, vector<8x65536xf32>
    %mul3A_701 = vector.broadcast %slice3A_622 : vector<8x1xf32> to vector<8x65536xf32>
    %mul3A_702 = arith.mulf %get3A_700, %mul3A_701 : vector<8x65536xf32>
    %add3A_703 = arith.addf %get3A_697, %mul3A_702 : vector<8x65536xf32>
    %swap3A_704 = arith.constant 0 : index
    %swap3A_705 = arith.constant 393216 : index
    %swap3A_706 = vector.load %arg3[%swap3A_704, %swap3A_705] : memref<8x1000000xf32, #tpu.memory_space<vmem>>, vector<8x65536xf32>
    tpu.vector_store %arg3[%swap3A_704, %swap3A_705], %add3A_703 {strides = array<i32>} : memref<8x1000000xf32, #tpu.memory_space<vmem>>, vector<8x65536xf32>,
    %get3A_707 = arith.constant 0 : index
    %get3A_708 = arith.constant 458752 : index
    %get3A_709 = vector.load %arg3[%get3A_707, %get3A_708] : memref<8x1000000xf32, #tpu.memory_space<vmem>>, vector<8x41216xf32>
    %get3A_710 = arith.constant 0 : index
    %get3A_711 = arith.constant 458752 : index
    %get3A_712 = vector.load %arg4[%get3A_710, %get3A_711] : memref<8x500032xf32, #tpu.memory_space<vmem>>, vector<8x41216xf32>
    %mul3A_713 = vector.broadcast %slice3A_622 : vector<8x1xf32> to vector<8x41216xf32>
    %mul3A_714 = arith.mulf %get3A_712, %mul3A_713 : vector<8x41216xf32>
    %add3A_715 = arith.addf %get3A_709, %mul3A_714 : vector<8x41216xf32>
    %swap3A_716 = arith.constant 0 : index
    %swap3A_717 = arith.constant 458752 : index
    %swap3A_718 = vector.load %arg3[%swap3A_716, %swap3A_717] : memref<8x1000000xf32, #tpu.memory_space<vmem>>, vector<8x41216xf32>
    tpu.vector_store %arg3[%swap3A_716, %swap3A_717], %add3A_715 {strides = array<i32>} : memref<8x1000000xf32, #tpu.memory_space<vmem>>, vector<8x41216xf32>,
    %dma_start3A_719 = arith.constant 0 : i32
    %dma_start3A_720 = arith.constant 0 : i32
    %dma_start3A_721 = tpu.memref_slice %arg4[%dma_start3A_719, %dma_start3A_720] : memref<8x500032xf32, #tpu.memory_space<vmem>> -> memref<8x499968xf32, #tpu.memory_space<vmem>>
    %dma_start3A_722 = arith.constant 32 : i32
    %dma_start3A_723 = arith.constant 0 : i32
    %dma_start3A_724 = tpu.memref_slice %arg0[%dma_start3A_722, %dma_start3A_723] : memref<64x1000000xf32, #tpu.memory_space<any>> -> memref<8x499968xf32, #tpu.memory_space<any>>
    tpu.enqueue_dma source(%dma_start3A_724 : memref<8x499968xf32, #tpu.memory_space<any>>) target(%dma_start3A_721 : memref<8x499968xf32, #tpu.memory_space<vmem>>) target_semaphore(%arg8 : memref<!tpu.dma_semaphore, #tpu.memory_space<semaphore_mem>>)
    %dma_wait3A_725 = arith.constant 0 : i32
    %dma_wait3A_726 = arith.constant 0 : i32
    %dma_wait3A_727 = tpu.memref_slice %arg5[%dma_wait3A_725, %dma_wait3A_726] : memref<8x500032xf32, #tpu.memory_space<vmem>> -> memref<8x500032xf32, #tpu.memory_space<vmem>>
    %dma_wait3A_728 = arith.constant 24 : i32
    %dma_wait3A_729 = arith.constant 499968 : i32
    %dma_wait3A_730 = tpu.memref_slice %arg0[%dma_wait3A_728, %dma_wait3A_729] : memref<64x1000000xf32, #tpu.memory_space<any>> -> memref<8x500032xf32, #tpu.memory_space<any>>
    tpu.wait_dma2 semaphore(%arg9 : memref<!tpu.dma_semaphore, #tpu.memory_space<semaphore_mem>>) src(%dma_wait3A_730 : memref<8x500032xf32, #tpu.memory_space<any>>) dst(%dma_wait3A_727 : memref<8x500032xf32, #tpu.memory_space<vmem>>)
    %get3A_731 = arith.constant 0 : index
    %get3A_732 = arith.constant 384 : index
    %get3A_733 = vector.load %arg1[%get3A_731, %get3A_732] : memref<8x1024xf32, #tpu.memory_space<vmem>>, vector<8x128xf32>
    %slice3A_734 = vector.extract_strided_slice %get3A_733 {offsets = [0, 0], sizes = [8, 1], strides = [1, 1]} : vector<8x128xf32> to vector<8x1xf32>
    %get3A_735 = arith.constant 0 : index
    %get3A_736 = arith.constant 499968 : index
    %get3A_737 = vector.load %arg3[%get3A_735, %get3A_736] : memref<8x1000000xf32, #tpu.memory_space<vmem>>, vector<8x65536xf32>
    %get3A_738 = arith.constant 0 : index
    %get3A_739 = arith.constant 0 : index
    %get3A_740 = vector.load %arg5[%get3A_738, %get3A_739] : memref<8x500032xf32, #tpu.memory_space<vmem>>, vector<8x65536xf32>
    %mul3A_741 = vector.broadcast %slice3A_734 : vector<8x1xf32> to vector<8x65536xf32>
    %mul3A_742 = arith.mulf %get3A_740, %mul3A_741 : vector<8x65536xf32>
    %add3A_743 = arith.addf %get3A_737, %mul3A_742 : vector<8x65536xf32>
    %swap3A_744 = arith.constant 0 : index
    %swap3A_745 = arith.constant 499968 : index
    %swap3A_746 = vector.load %arg3[%swap3A_744, %swap3A_745] : memref<8x1000000xf32, #tpu.memory_space<vmem>>, vector<8x65536xf32>
    tpu.vector_store %arg3[%swap3A_744, %swap3A_745], %add3A_743 {strides = array<i32>} : memref<8x1000000xf32, #tpu.memory_space<vmem>>, vector<8x65536xf32>,
    %get3A_747 = arith.constant 0 : index
    %get3A_748 = arith.constant 565504 : index
    %get3A_749 = vector.load %arg3[%get3A_747, %get3A_748] : memref<8x1000000xf32, #tpu.memory_space<vmem>>, vector<8x65536xf32>
    %get3A_750 = arith.constant 0 : index
    %get3A_751 = arith.constant 65536 : index
    %get3A_752 = vector.load %arg5[%get3A_750, %get3A_751] : memref<8x500032xf32, #tpu.memory_space<vmem>>, vector<8x65536xf32>
    %mul3A_753 = vector.broadcast %slice3A_734 : vector<8x1xf32> to vector<8x65536xf32>
    %mul3A_754 = arith.mulf %get3A_752, %mul3A_753 : vector<8x65536xf32>
    %add3A_755 = arith.addf %get3A_749, %mul3A_754 : vector<8x65536xf32>
    %swap3A_756 = arith.constant 0 : index
    %swap3A_757 = arith.constant 565504 : index
    %swap3A_758 = vector.load %arg3[%swap3A_756, %swap3A_757] : memref<8x1000000xf32, #tpu.memory_space<vmem>>, vector<8x65536xf32>
    tpu.vector_store %arg3[%swap3A_756, %swap3A_757], %add3A_755 {strides = array<i32>} : memref<8x1000000xf32, #tpu.memory_space<vmem>>, vector<8x65536xf32>,
    %get3A_759 = arith.constant 0 : index
    %get3A_760 = arith.constant 631040 : index
    %get3A_761 = vector.load %arg3[%get3A_759, %get3A_760] : memref<8x1000000xf32, #tpu.memory_space<vmem>>, vector<8x65536xf32>
    %get3A_762 = arith.constant 0 : index
    %get3A_763 = arith.constant 131072 : index
    %get3A_764 = vector.load %arg5[%get3A_762, %get3A_763] : memref<8x500032xf32, #tpu.memory_space<vmem>>, vector<8x65536xf32>
    %mul3A_765 = vector.broadcast %slice3A_734 : vector<8x1xf32> to vector<8x65536xf32>
    %mul3A_766 = arith.mulf %get3A_764, %mul3A_765 : vector<8x65536xf32>
    %add3A_767 = arith.addf %get3A_761, %mul3A_766 : vector<8x65536xf32>
    %swap3A_768 = arith.constant 0 : index
    %swap3A_769 = arith.constant 631040 : index
    %swap3A_770 = vector.load %arg3[%swap3A_768, %swap3A_769] : memref<8x1000000xf32, #tpu.memory_space<vmem>>, vector<8x65536xf32>
    tpu.vector_store %arg3[%swap3A_768, %swap3A_769], %add3A_767 {strides = array<i32>} : memref<8x1000000xf32, #tpu.memory_space<vmem>>, vector<8x65536xf32>,
    %get3A_771 = arith.constant 0 : index
    %get3A_772 = arith.constant 696576 : index
    %get3A_773 = vector.load %arg3[%get3A_771, %get3A_772] : memref<8x1000000xf32, #tpu.memory_space<vmem>>, vector<8x65536xf32>
    %get3A_774 = arith.constant 0 : index
    %get3A_775 = arith.constant 196608 : index
    %get3A_776 = vector.load %arg5[%get3A_774, %get3A_775] : memref<8x500032xf32, #tpu.memory_space<vmem>>, vector<8x65536xf32>
    %mul3A_777 = vector.broadcast %slice3A_734 : vector<8x1xf32> to vector<8x65536xf32>
    %mul3A_778 = arith.mulf %get3A_776, %mul3A_777 : vector<8x65536xf32>
    %add3A_779 = arith.addf %get3A_773, %mul3A_778 : vector<8x65536xf32>
    %swap3A_780 = arith.constant 0 : index
    %swap3A_781 = arith.constant 696576 : index
    %swap3A_782 = vector.load %arg3[%swap3A_780, %swap3A_781] : memref<8x1000000xf32, #tpu.memory_space<vmem>>, vector<8x65536xf32>
    tpu.vector_store %arg3[%swap3A_780, %swap3A_781], %add3A_779 {strides = array<i32>} : memref<8x1000000xf32, #tpu.memory_space<vmem>>, vector<8x65536xf32>,
    %get3A_783 = arith.constant 0 : index
    %get3A_784 = arith.constant 762112 : index
    %get3A_785 = vector.load %arg3[%get3A_783, %get3A_784] : memref<8x1000000xf32, #tpu.memory_space<vmem>>, vector<8x65536xf32>
    %get3A_786 = arith.constant 0 : index
    %get3A_787 = arith.constant 262144 : index
    %get3A_788 = vector.load %arg5[%get3A_786, %get3A_787] : memref<8x500032xf32, #tpu.memory_space<vmem>>, vector<8x65536xf32>
    %mul3A_789 = vector.broadcast %slice3A_734 : vector<8x1xf32> to vector<8x65536xf32>
    %mul3A_790 = arith.mulf %get3A_788, %mul3A_789 : vector<8x65536xf32>
    %add3A_791 = arith.addf %get3A_785, %mul3A_790 : vector<8x65536xf32>
    %swap3A_792 = arith.constant 0 : index
    %swap3A_793 = arith.constant 762112 : index
    %swap3A_794 = vector.load %arg3[%swap3A_792, %swap3A_793] : memref<8x1000000xf32, #tpu.memory_space<vmem>>, vector<8x65536xf32>
    tpu.vector_store %arg3[%swap3A_792, %swap3A_793], %add3A_791 {strides = array<i32>} : memref<8x1000000xf32, #tpu.memory_space<vmem>>, vector<8x65536xf32>,
    %get3A_795 = arith.constant 0 : index
    %get3A_796 = arith.constant 827648 : index
    %get3A_797 = vector.load %arg3[%get3A_795, %get3A_796] : memref<8x1000000xf32, #tpu.memory_space<vmem>>, vector<8x65536xf32>
    %get3A_798 = arith.constant 0 : index
    %get3A_799 = arith.constant 327680 : index
    %get3A_800 = vector.load %arg5[%get3A_798, %get3A_799] : memref<8x500032xf32, #tpu.memory_space<vmem>>, vector<8x65536xf32>
    %mul3A_801 = vector.broadcast %slice3A_734 : vector<8x1xf32> to vector<8x65536xf32>
    %mul3A_802 = arith.mulf %get3A_800, %mul3A_801 : vector<8x65536xf32>
    %add3A_803 = arith.addf %get3A_797, %mul3A_802 : vector<8x65536xf32>
    %swap3A_804 = arith.constant 0 : index
    %swap3A_805 = arith.constant 827648 : index
    %swap3A_806 = vector.load %arg3[%swap3A_804, %swap3A_805] : memref<8x1000000xf32, #tpu.memory_space<vmem>>, vector<8x65536xf32>
    tpu.vector_store %arg3[%swap3A_804, %swap3A_805], %add3A_803 {strides = array<i32>} : memref<8x1000000xf32, #tpu.memory_space<vmem>>, vector<8x65536xf32>,
    %get3A_807 = arith.constant 0 : index
    %get3A_808 = arith.constant 893184 : index
    %get3A_809 = vector.load %arg3[%get3A_807, %get3A_808] : memref<8x1000000xf32, #tpu.memory_space<vmem>>, vector<8x65536xf32>
    %get3A_810 = arith.constant 0 : index
    %get3A_811 = arith.constant 393216 : index
    %get3A_812 = vector.load %arg5[%get3A_810, %get3A_811] : memref<8x500032xf32, #tpu.memory_space<vmem>>, vector<8x65536xf32>
    %mul3A_813 = vector.broadcast %slice3A_734 : vector<8x1xf32> to vector<8x65536xf32>
    %mul3A_814 = arith.mulf %get3A_812, %mul3A_813 : vector<8x65536xf32>
    %add3A_815 = arith.addf %get3A_809, %mul3A_814 : vector<8x65536xf32>
    %swap3A_816 = arith.constant 0 : index
    %swap3A_817 = arith.constant 893184 : index
    %swap3A_818 = vector.load %arg3[%swap3A_816, %swap3A_817] : memref<8x1000000xf32, #tpu.memory_space<vmem>>, vector<8x65536xf32>
    tpu.vector_store %arg3[%swap3A_816, %swap3A_817], %add3A_815 {strides = array<i32>} : memref<8x1000000xf32, #tpu.memory_space<vmem>>, vector<8x65536xf32>,
    %get3A_819 = arith.constant 0 : index
    %get3A_820 = arith.constant 958720 : index
    %get3A_821 = vector.load %arg3[%get3A_819, %get3A_820] : memref<8x1000000xf32, #tpu.memory_space<vmem>>, vector<8x41280xf32>
    %get3A_822 = arith.constant 0 : index
    %get3A_823 = arith.constant 458752 : index
    %get3A_824 = vector.load %arg5[%get3A_822, %get3A_823] : memref<8x500032xf32, #tpu.memory_space<vmem>>, vector<8x41280xf32>
    %mul3A_825 = vector.broadcast %slice3A_734 : vector<8x1xf32> to vector<8x41280xf32>
    %mul3A_826 = arith.mulf %get3A_824, %mul3A_825 : vector<8x41280xf32>
    %add3A_827 = arith.addf %get3A_821, %mul3A_826 : vector<8x41280xf32>
    %swap3A_828 = arith.constant 0 : index
    %swap3A_829 = arith.constant 958720 : index
    %swap3A_830 = vector.load %arg3[%swap3A_828, %swap3A_829] : memref<8x1000000xf32, #tpu.memory_space<vmem>>, vector<8x41280xf32>
    tpu.vector_store %arg3[%swap3A_828, %swap3A_829], %add3A_827 {strides = array<i32>} : memref<8x1000000xf32, #tpu.memory_space<vmem>>, vector<8x41280xf32>,
    %dma_start3A_831 = arith.constant 0 : i32
    %dma_start3A_832 = arith.constant 0 : i32
    %dma_start3A_833 = tpu.memref_slice %arg5[%dma_start3A_831, %dma_start3A_832] : memref<8x500032xf32, #tpu.memory_space<vmem>> -> memref<8x500032xf32, #tpu.memory_space<vmem>>
    %dma_start3A_834 = arith.constant 32 : i32
    %dma_start3A_835 = arith.constant 499968 : i32
    %dma_start3A_836 = tpu.memref_slice %arg0[%dma_start3A_834, %dma_start3A_835] : memref<64x1000000xf32, #tpu.memory_space<any>> -> memref<8x500032xf32, #tpu.memory_space<any>>
    tpu.enqueue_dma source(%dma_start3A_836 : memref<8x500032xf32, #tpu.memory_space<any>>) target(%dma_start3A_833 : memref<8x500032xf32, #tpu.memory_space<vmem>>) target_semaphore(%arg9 : memref<!tpu.dma_semaphore, #tpu.memory_space<semaphore_mem>>)
    %dma_wait3A_837 = arith.constant 0 : i32
    %dma_wait3A_838 = arith.constant 0 : i32
    %dma_wait3A_839 = tpu.memref_slice %arg4[%dma_wait3A_837, %dma_wait3A_838] : memref<8x500032xf32, #tpu.memory_space<vmem>> -> memref<8x499968xf32, #tpu.memory_space<vmem>>
    %dma_wait3A_840 = arith.constant 32 : i32
    %dma_wait3A_841 = arith.constant 0 : i32
    %dma_wait3A_842 = tpu.memref_slice %arg0[%dma_wait3A_840, %dma_wait3A_841] : memref<64x1000000xf32, #tpu.memory_space<any>> -> memref<8x499968xf32, #tpu.memory_space<any>>
    tpu.wait_dma2 semaphore(%arg8 : memref<!tpu.dma_semaphore, #tpu.memory_space<semaphore_mem>>) src(%dma_wait3A_842 : memref<8x499968xf32, #tpu.memory_space<any>>) dst(%dma_wait3A_839 : memref<8x499968xf32, #tpu.memory_space<vmem>>)
    %get3A_843 = arith.constant 0 : index
    %get3A_844 = arith.constant 512 : index
    %get3A_845 = vector.load %arg1[%get3A_843, %get3A_844] : memref<8x1024xf32, #tpu.memory_space<vmem>>, vector<8x128xf32>
    %slice3A_846 = vector.extract_strided_slice %get3A_845 {offsets = [0, 0], sizes = [8, 1], strides = [1, 1]} : vector<8x128xf32> to vector<8x1xf32>
    %get3A_847 = arith.constant 0 : index
    %get3A_848 = arith.constant 0 : index
    %get3A_849 = vector.load %arg3[%get3A_847, %get3A_848] : memref<8x1000000xf32, #tpu.memory_space<vmem>>, vector<8x65536xf32>
    %get3A_850 = arith.constant 0 : index
    %get3A_851 = arith.constant 0 : index
    %get3A_852 = vector.load %arg4[%get3A_850, %get3A_851] : memref<8x500032xf32, #tpu.memory_space<vmem>>, vector<8x65536xf32>
    %mul3A_853 = vector.broadcast %slice3A_846 : vector<8x1xf32> to vector<8x65536xf32>
    %mul3A_854 = arith.mulf %get3A_852, %mul3A_853 : vector<8x65536xf32>
    %add3A_855 = arith.addf %get3A_849, %mul3A_854 : vector<8x65536xf32>
    %swap3A_856 = arith.constant 0 : index
    %swap3A_857 = arith.constant 0 : index
    %swap3A_858 = vector.load %arg3[%swap3A_856, %swap3A_857] : memref<8x1000000xf32, #tpu.memory_space<vmem>>, vector<8x65536xf32>
    tpu.vector_store %arg3[%swap3A_856, %swap3A_857], %add3A_855 {strides = array<i32>} : memref<8x1000000xf32, #tpu.memory_space<vmem>>, vector<8x65536xf32>,
    %get3A_859 = arith.constant 0 : index
    %get3A_860 = arith.constant 65536 : index
    %get3A_861 = vector.load %arg3[%get3A_859, %get3A_860] : memref<8x1000000xf32, #tpu.memory_space<vmem>>, vector<8x65536xf32>
    %get3A_862 = arith.constant 0 : index
    %get3A_863 = arith.constant 65536 : index
    %get3A_864 = vector.load %arg4[%get3A_862, %get3A_863] : memref<8x500032xf32, #tpu.memory_space<vmem>>, vector<8x65536xf32>
    %mul3A_865 = vector.broadcast %slice3A_846 : vector<8x1xf32> to vector<8x65536xf32>
    %mul3A_866 = arith.mulf %get3A_864, %mul3A_865 : vector<8x65536xf32>
    %add3A_867 = arith.addf %get3A_861, %mul3A_866 : vector<8x65536xf32>
    %swap3A_868 = arith.constant 0 : index
    %swap3A_869 = arith.constant 65536 : index
    %swap3A_870 = vector.load %arg3[%swap3A_868, %swap3A_869] : memref<8x1000000xf32, #tpu.memory_space<vmem>>, vector<8x65536xf32>
    tpu.vector_store %arg3[%swap3A_868, %swap3A_869], %add3A_867 {strides = array<i32>} : memref<8x1000000xf32, #tpu.memory_space<vmem>>, vector<8x65536xf32>,
    %get3A_871 = arith.constant 0 : index
    %get3A_872 = arith.constant 131072 : index
    %get3A_873 = vector.load %arg3[%get3A_871, %get3A_872] : memref<8x1000000xf32, #tpu.memory_space<vmem>>, vector<8x65536xf32>
    %get3A_874 = arith.constant 0 : index
    %get3A_875 = arith.constant 131072 : index
    %get3A_876 = vector.load %arg4[%get3A_874, %get3A_875] : memref<8x500032xf32, #tpu.memory_space<vmem>>, vector<8x65536xf32>
    %mul3A_877 = vector.broadcast %slice3A_846 : vector<8x1xf32> to vector<8x65536xf32>
    %mul3A_878 = arith.mulf %get3A_876, %mul3A_877 : vector<8x65536xf32>
    %add3A_879 = arith.addf %get3A_873, %mul3A_878 : vector<8x65536xf32>
    %swap3A_880 = arith.constant 0 : index
    %swap3A_881 = arith.constant 131072 : index
    %swap3A_882 = vector.load %arg3[%swap3A_880, %swap3A_881] : memref<8x1000000xf32, #tpu.memory_space<vmem>>, vector<8x65536xf32>
    tpu.vector_store %arg3[%swap3A_880, %swap3A_881], %add3A_879 {strides = array<i32>} : memref<8x1000000xf32, #tpu.memory_space<vmem>>, vector<8x65536xf32>,
    %get3A_883 = arith.constant 0 : index
    %get3A_884 = arith.constant 196608 : index
    %get3A_885 = vector.load %arg3[%get3A_883, %get3A_884] : memref<8x1000000xf32, #tpu.memory_space<vmem>>, vector<8x65536xf32>
    %get3A_886 = arith.constant 0 : index
    %get3A_887 = arith.constant 196608 : index
    %get3A_888 = vector.load %arg4[%get3A_886, %get3A_887] : memref<8x500032xf32, #tpu.memory_space<vmem>>, vector<8x65536xf32>
    %mul3A_889 = vector.broadcast %slice3A_846 : vector<8x1xf32> to vector<8x65536xf32>
    %mul3A_890 = arith.mulf %get3A_888, %mul3A_889 : vector<8x65536xf32>
    %add3A_891 = arith.addf %get3A_885, %mul3A_890 : vector<8x65536xf32>
    %swap3A_892 = arith.constant 0 : index
    %swap3A_893 = arith.constant 196608 : index
    %swap3A_894 = vector.load %arg3[%swap3A_892, %swap3A_893] : memref<8x1000000xf32, #tpu.memory_space<vmem>>, vector<8x65536xf32>
    tpu.vector_store %arg3[%swap3A_892, %swap3A_893], %add3A_891 {strides = array<i32>} : memref<8x1000000xf32, #tpu.memory_space<vmem>>, vector<8x65536xf32>,
    %get3A_895 = arith.constant 0 : index
    %get3A_896 = arith.constant 262144 : index
    %get3A_897 = vector.load %arg3[%get3A_895, %get3A_896] : memref<8x1000000xf32, #tpu.memory_space<vmem>>, vector<8x65536xf32>
    %get3A_898 = arith.constant 0 : index
    %get3A_899 = arith.constant 262144 : index
    %get3A_900 = vector.load %arg4[%get3A_898, %get3A_899] : memref<8x500032xf32, #tpu.memory_space<vmem>>, vector<8x65536xf32>
    %mul3A_901 = vector.broadcast %slice3A_846 : vector<8x1xf32> to vector<8x65536xf32>
    %mul3A_902 = arith.mulf %get3A_900, %mul3A_901 : vector<8x65536xf32>
    %add3A_903 = arith.addf %get3A_897, %mul3A_902 : vector<8x65536xf32>
    %swap3A_904 = arith.constant 0 : index
    %swap3A_905 = arith.constant 262144 : index
    %swap3A_906 = vector.load %arg3[%swap3A_904, %swap3A_905] : memref<8x1000000xf32, #tpu.memory_space<vmem>>, vector<8x65536xf32>
    tpu.vector_store %arg3[%swap3A_904, %swap3A_905], %add3A_903 {strides = array<i32>} : memref<8x1000000xf32, #tpu.memory_space<vmem>>, vector<8x65536xf32>,
    %get3A_907 = arith.constant 0 : index
    %get3A_908 = arith.constant 327680 : index
    %get3A_909 = vector.load %arg3[%get3A_907, %get3A_908] : memref<8x1000000xf32, #tpu.memory_space<vmem>>, vector<8x65536xf32>
    %get3A_910 = arith.constant 0 : index
    %get3A_911 = arith.constant 327680 : index
    %get3A_912 = vector.load %arg4[%get3A_910, %get3A_911] : memref<8x500032xf32, #tpu.memory_space<vmem>>, vector<8x65536xf32>
    %mul3A_913 = vector.broadcast %slice3A_846 : vector<8x1xf32> to vector<8x65536xf32>
    %mul3A_914 = arith.mulf %get3A_912, %mul3A_913 : vector<8x65536xf32>
    %add3A_915 = arith.addf %get3A_909, %mul3A_914 : vector<8x65536xf32>
    %swap3A_916 = arith.constant 0 : index
    %swap3A_917 = arith.constant 327680 : index
    %swap3A_918 = vector.load %arg3[%swap3A_916, %swap3A_917] : memref<8x1000000xf32, #tpu.memory_space<vmem>>, vector<8x65536xf32>
    tpu.vector_store %arg3[%swap3A_916, %swap3A_917], %add3A_915 {strides = array<i32>} : memref<8x1000000xf32, #tpu.memory_space<vmem>>, vector<8x65536xf32>,
    %get3A_919 = arith.constant 0 : index
    %get3A_920 = arith.constant 393216 : index
    %get3A_921 = vector.load %arg3[%get3A_919, %get3A_920] : memref<8x1000000xf32, #tpu.memory_space<vmem>>, vector<8x65536xf32>
    %get3A_922 = arith.constant 0 : index
    %get3A_923 = arith.constant 393216 : index
    %get3A_924 = vector.load %arg4[%get3A_922, %get3A_923] : memref<8x500032xf32, #tpu.memory_space<vmem>>, vector<8x65536xf32>
    %mul3A_925 = vector.broadcast %slice3A_846 : vector<8x1xf32> to vector<8x65536xf32>
    %mul3A_926 = arith.mulf %get3A_924, %mul3A_925 : vector<8x65536xf32>
    %add3A_927 = arith.addf %get3A_921, %mul3A_926 : vector<8x65536xf32>
    %swap3A_928 = arith.constant 0 : index
    %swap3A_929 = arith.constant 393216 : index
    %swap3A_930 = vector.load %arg3[%swap3A_928, %swap3A_929] : memref<8x1000000xf32, #tpu.memory_space<vmem>>, vector<8x65536xf32>
    tpu.vector_store %arg3[%swap3A_928, %swap3A_929], %add3A_927 {strides = array<i32>} : memref<8x1000000xf32, #tpu.memory_space<vmem>>, vector<8x65536xf32>,
    %get3A_931 = arith.constant 0 : index
    %get3A_932 = arith.constant 458752 : index
    %get3A_933 = vector.load %arg3[%get3A_931, %get3A_932] : memref<8x1000000xf32, #tpu.memory_space<vmem>>, vector<8x41216xf32>
    %get3A_934 = arith.constant 0 : index
    %get3A_935 = arith.constant 458752 : index
    %get3A_936 = vector.load %arg4[%get3A_934, %get3A_935] : memref<8x500032xf32, #tpu.memory_space<vmem>>, vector<8x41216xf32>
    %mul3A_937 = vector.broadcast %slice3A_846 : vector<8x1xf32> to vector<8x41216xf32>
    %mul3A_938 = arith.mulf %get3A_936, %mul3A_937 : vector<8x41216xf32>
    %add3A_939 = arith.addf %get3A_933, %mul3A_938 : vector<8x41216xf32>
    %swap3A_940 = arith.constant 0 : index
    %swap3A_941 = arith.constant 458752 : index
    %swap3A_942 = vector.load %arg3[%swap3A_940, %swap3A_941] : memref<8x1000000xf32, #tpu.memory_space<vmem>>, vector<8x41216xf32>
    tpu.vector_store %arg3[%swap3A_940, %swap3A_941], %add3A_939 {strides = array<i32>} : memref<8x1000000xf32, #tpu.memory_space<vmem>>, vector<8x41216xf32>,
    %dma_start3A_943 = arith.constant 0 : i32
    %dma_start3A_944 = arith.constant 0 : i32
    %dma_start3A_945 = tpu.memref_slice %arg4[%dma_start3A_943, %dma_start3A_944] : memref<8x500032xf32, #tpu.memory_space<vmem>> -> memref<8x499968xf32, #tpu.memory_space<vmem>>
    %dma_start3A_946 = arith.constant 40 : i32
    %dma_start3A_947 = arith.constant 0 : i32
    %dma_start3A_948 = tpu.memref_slice %arg0[%dma_start3A_946, %dma_start3A_947] : memref<64x1000000xf32, #tpu.memory_space<any>> -> memref<8x499968xf32, #tpu.memory_space<any>>
    tpu.enqueue_dma source(%dma_start3A_948 : memref<8x499968xf32, #tpu.memory_space<any>>) target(%dma_start3A_945 : memref<8x499968xf32, #tpu.memory_space<vmem>>) target_semaphore(%arg8 : memref<!tpu.dma_semaphore, #tpu.memory_space<semaphore_mem>>)
    %dma_wait3A_949 = arith.constant 0 : i32
    %dma_wait3A_950 = arith.constant 0 : i32
    %dma_wait3A_951 = tpu.memref_slice %arg5[%dma_wait3A_949, %dma_wait3A_950] : memref<8x500032xf32, #tpu.memory_space<vmem>> -> memref<8x500032xf32, #tpu.memory_space<vmem>>
    %dma_wait3A_952 = arith.constant 32 : i32
    %dma_wait3A_953 = arith.constant 499968 : i32
    %dma_wait3A_954 = tpu.memref_slice %arg0[%dma_wait3A_952, %dma_wait3A_953] : memref<64x1000000xf32, #tpu.memory_space<any>> -> memref<8x500032xf32, #tpu.memory_space<any>>
    tpu.wait_dma2 semaphore(%arg9 : memref<!tpu.dma_semaphore, #tpu.memory_space<semaphore_mem>>) src(%dma_wait3A_954 : memref<8x500032xf32, #tpu.memory_space<any>>) dst(%dma_wait3A_951 : memref<8x500032xf32, #tpu.memory_space<vmem>>)
    %get3A_955 = arith.constant 0 : index
    %get3A_956 = arith.constant 512 : index
    %get3A_957 = vector.load %arg1[%get3A_955, %get3A_956] : memref<8x1024xf32, #tpu.memory_space<vmem>>, vector<8x128xf32>
    %slice3A_958 = vector.extract_strided_slice %get3A_957 {offsets = [0, 0], sizes = [8, 1], strides = [1, 1]} : vector<8x128xf32> to vector<8x1xf32>
    %get3A_959 = arith.constant 0 : index
    %get3A_960 = arith.constant 499968 : index
    %get3A_961 = vector.load %arg3[%get3A_959, %get3A_960] : memref<8x1000000xf32, #tpu.memory_space<vmem>>, vector<8x65536xf32>
    %get3A_962 = arith.constant 0 : index
    %get3A_963 = arith.constant 0 : index
    %get3A_964 = vector.load %arg5[%get3A_962, %get3A_963] : memref<8x500032xf32, #tpu.memory_space<vmem>>, vector<8x65536xf32>
    %mul3A_965 = vector.broadcast %slice3A_958 : vector<8x1xf32> to vector<8x65536xf32>
    %mul3A_966 = arith.mulf %get3A_964, %mul3A_965 : vector<8x65536xf32>
    %add3A_967 = arith.addf %get3A_961, %mul3A_966 : vector<8x65536xf32>
    %swap3A_968 = arith.constant 0 : index
    %swap3A_969 = arith.constant 499968 : index
    %swap3A_970 = vector.load %arg3[%swap3A_968, %swap3A_969] : memref<8x1000000xf32, #tpu.memory_space<vmem>>, vector<8x65536xf32>
    tpu.vector_store %arg3[%swap3A_968, %swap3A_969], %add3A_967 {strides = array<i32>} : memref<8x1000000xf32, #tpu.memory_space<vmem>>, vector<8x65536xf32>,
    %get3A_971 = arith.constant 0 : index
    %get3A_972 = arith.constant 565504 : index
    %get3A_973 = vector.load %arg3[%get3A_971, %get3A_972] : memref<8x1000000xf32, #tpu.memory_space<vmem>>, vector<8x65536xf32>
    %get3A_974 = arith.constant 0 : index
    %get3A_975 = arith.constant 65536 : index
    %get3A_976 = vector.load %arg5[%get3A_974, %get3A_975] : memref<8x500032xf32, #tpu.memory_space<vmem>>, vector<8x65536xf32>
    %mul3A_977 = vector.broadcast %slice3A_958 : vector<8x1xf32> to vector<8x65536xf32>
    %mul3A_978 = arith.mulf %get3A_976, %mul3A_977 : vector<8x65536xf32>
    %add3A_979 = arith.addf %get3A_973, %mul3A_978 : vector<8x65536xf32>
    %swap3A_980 = arith.constant 0 : index
    %swap3A_981 = arith.constant 565504 : index
    %swap3A_982 = vector.load %arg3[%swap3A_980, %swap3A_981] : memref<8x1000000xf32, #tpu.memory_space<vmem>>, vector<8x65536xf32>
    tpu.vector_store %arg3[%swap3A_980, %swap3A_981], %add3A_979 {strides = array<i32>} : memref<8x1000000xf32, #tpu.memory_space<vmem>>, vector<8x65536xf32>,
    %get3A_983 = arith.constant 0 : index
    %get3A_984 = arith.constant 631040 : index
    %get3A_985 = vector.load %arg3[%get3A_983, %get3A_984] : memref<8x1000000xf32, #tpu.memory_space<vmem>>, vector<8x65536xf32>
    %get3A_986 = arith.constant 0 : index
    %get3A_987 = arith.constant 131072 : index
    %get3A_988 = vector.load %arg5[%get3A_986, %get3A_987] : memref<8x500032xf32, #tpu.memory_space<vmem>>, vector<8x65536xf32>
    %mul3A_989 = vector.broadcast %slice3A_958 : vector<8x1xf32> to vector<8x65536xf32>
    %mul3A_990 = arith.mulf %get3A_988, %mul3A_989 : vector<8x65536xf32>
    %add3A_991 = arith.addf %get3A_985, %mul3A_990 : vector<8x65536xf32>
    %swap3A_992 = arith.constant 0 : index
    %swap3A_993 = arith.constant 631040 : index
    %swap3A_994 = vector.load %arg3[%swap3A_992, %swap3A_993] : memref<8x1000000xf32, #tpu.memory_space<vmem>>, vector<8x65536xf32>
    tpu.vector_store %arg3[%swap3A_992, %swap3A_993], %add3A_991 {strides = array<i32>} : memref<8x1000000xf32, #tpu.memory_space<vmem>>, vector<8x65536xf32>,
    %get3A_995 = arith.constant 0 : index
    %get3A_996 = arith.constant 696576 : index
    %get3A_997 = vector.load %arg3[%get3A_995, %get3A_996] : memref<8x1000000xf32, #tpu.memory_space<vmem>>, vector<8x65536xf32>
    %get3A_998 = arith.constant 0 : index
    %get3A_999 = arith.constant 196608 : index
    %get3A_1000 = vector.load %arg5[%get3A_998, %get3A_999] : memref<8x500032xf32, #tpu.memory_space<vmem>>, vector<8x65536xf32>
    %mul3A_1001 = vector.broadcast %slice3A_958 : vector<8x1xf32> to vector<8x65536xf32>
    %mul3A_1002 = arith.mulf %get3A_1000, %mul3A_1001 : vector<8x65536xf32>
    %add3A_1003 = arith.addf %get3A_997, %mul3A_1002 : vector<8x65536xf32>
    %swap3A_1004 = arith.constant 0 : index
    %swap3A_1005 = arith.constant 696576 : index
    %swap3A_1006 = vector.load %arg3[%swap3A_1004, %swap3A_1005] : memref<8x1000000xf32, #tpu.memory_space<vmem>>, vector<8x65536xf32>
    tpu.vector_store %arg3[%swap3A_1004, %swap3A_1005], %add3A_1003 {strides = array<i32>} : memref<8x1000000xf32, #tpu.memory_space<vmem>>, vector<8x65536xf32>,
    %get3A_1007 = arith.constant 0 : index
    %get3A_1008 = arith.constant 762112 : index
    %get3A_1009 = vector.load %arg3[%get3A_1007, %get3A_1008] : memref<8x1000000xf32, #tpu.memory_space<vmem>>, vector<8x65536xf32>
    %get3A_1010 = arith.constant 0 : index
    %get3A_1011 = arith.constant 262144 : index
    %get3A_1012 = vector.load %arg5[%get3A_1010, %get3A_1011] : memref<8x500032xf32, #tpu.memory_space<vmem>>, vector<8x65536xf32>
    %mul3A_1013 = vector.broadcast %slice3A_958 : vector<8x1xf32> to vector<8x65536xf32>
    %mul3A_1014 = arith.mulf %get3A_1012, %mul3A_1013 : vector<8x65536xf32>
    %add3A_1015 = arith.addf %get3A_1009, %mul3A_1014 : vector<8x65536xf32>
    %swap3A_1016 = arith.constant 0 : index
    %swap3A_1017 = arith.constant 762112 : index
    %swap3A_1018 = vector.load %arg3[%swap3A_1016, %swap3A_1017] : memref<8x1000000xf32, #tpu.memory_space<vmem>>, vector<8x65536xf32>
    tpu.vector_store %arg3[%swap3A_1016, %swap3A_1017], %add3A_1015 {strides = array<i32>} : memref<8x1000000xf32, #tpu.memory_space<vmem>>, vector<8x65536xf32>,
    %get3A_1019 = arith.constant 0 : index
    %get3A_1020 = arith.constant 827648 : index
    %get3A_1021 = vector.load %arg3[%get3A_1019, %get3A_1020] : memref<8x1000000xf32, #tpu.memory_space<vmem>>, vector<8x65536xf32>
    %get3A_1022 = arith.constant 0 : index
    %get3A_1023 = arith.constant 327680 : index
    %get3A_1024 = vector.load %arg5[%get3A_1022, %get3A_1023] : memref<8x500032xf32, #tpu.memory_space<vmem>>, vector<8x65536xf32>
    %mul3A_1025 = vector.broadcast %slice3A_958 : vector<8x1xf32> to vector<8x65536xf32>
    %mul3A_1026 = arith.mulf %get3A_1024, %mul3A_1025 : vector<8x65536xf32>
    %add3A_1027 = arith.addf %get3A_1021, %mul3A_1026 : vector<8x65536xf32>
    %swap3A_1028 = arith.constant 0 : index
    %swap3A_1029 = arith.constant 827648 : index
    %swap3A_1030 = vector.load %arg3[%swap3A_1028, %swap3A_1029] : memref<8x1000000xf32, #tpu.memory_space<vmem>>, vector<8x65536xf32>
    tpu.vector_store %arg3[%swap3A_1028, %swap3A_1029], %add3A_1027 {strides = array<i32>} : memref<8x1000000xf32, #tpu.memory_space<vmem>>, vector<8x65536xf32>,
    %get3A_1031 = arith.constant 0 : index
    %get3A_1032 = arith.constant 893184 : index
    %get3A_1033 = vector.load %arg3[%get3A_1031, %get3A_1032] : memref<8x1000000xf32, #tpu.memory_space<vmem>>, vector<8x65536xf32>
    %get3A_1034 = arith.constant 0 : index
    %get3A_1035 = arith.constant 393216 : index
    %get3A_1036 = vector.load %arg5[%get3A_1034, %get3A_1035] : memref<8x500032xf32, #tpu.memory_space<vmem>>, vector<8x65536xf32>
    %mul3A_1037 = vector.broadcast %slice3A_958 : vector<8x1xf32> to vector<8x65536xf32>
    %mul3A_1038 = arith.mulf %get3A_1036, %mul3A_1037 : vector<8x65536xf32>
    %add3A_1039 = arith.addf %get3A_1033, %mul3A_1038 : vector<8x65536xf32>
    %swap3A_1040 = arith.constant 0 : index
    %swap3A_1041 = arith.constant 893184 : index
    %swap3A_1042 = vector.load %arg3[%swap3A_1040, %swap3A_1041] : memref<8x1000000xf32, #tpu.memory_space<vmem>>, vector<8x65536xf32>
    tpu.vector_store %arg3[%swap3A_1040, %swap3A_1041], %add3A_1039 {strides = array<i32>} : memref<8x1000000xf32, #tpu.memory_space<vmem>>, vector<8x65536xf32>,
    %get3A_1043 = arith.constant 0 : index
    %get3A_1044 = arith.constant 958720 : index
    %get3A_1045 = vector.load %arg3[%get3A_1043, %get3A_1044] : memref<8x1000000xf32, #tpu.memory_space<vmem>>, vector<8x41280xf32>
    %get3A_1046 = arith.constant 0 : index
    %get3A_1047 = arith.constant 458752 : index
    %get3A_1048 = vector.load %arg5[%get3A_1046, %get3A_1047] : memref<8x500032xf32, #tpu.memory_space<vmem>>, vector<8x41280xf32>
    %mul3A_1049 = vector.broadcast %slice3A_958 : vector<8x1xf32> to vector<8x41280xf32>
    %mul3A_1050 = arith.mulf %get3A_1048, %mul3A_1049 : vector<8x41280xf32>
    %add3A_1051 = arith.addf %get3A_1045, %mul3A_1050 : vector<8x41280xf32>
    %swap3A_1052 = arith.constant 0 : index
    %swap3A_1053 = arith.constant 958720 : index
    %swap3A_1054 = vector.load %arg3[%swap3A_1052, %swap3A_1053] : memref<8x1000000xf32, #tpu.memory_space<vmem>>, vector<8x41280xf32>
    tpu.vector_store %arg3[%swap3A_1052, %swap3A_1053], %add3A_1051 {strides = array<i32>} : memref<8x1000000xf32, #tpu.memory_space<vmem>>, vector<8x41280xf32>,
    %dma_start3A_1055 = arith.constant 0 : i32
    %dma_start3A_1056 = arith.constant 0 : i32
    %dma_start3A_1057 = tpu.memref_slice %arg5[%dma_start3A_1055, %dma_start3A_1056] : memref<8x500032xf32, #tpu.memory_space<vmem>> -> memref<8x500032xf32, #tpu.memory_space<vmem>>
    %dma_start3A_1058 = arith.constant 40 : i32
    %dma_start3A_1059 = arith.constant 499968 : i32
    %dma_start3A_1060 = tpu.memref_slice %arg0[%dma_start3A_1058, %dma_start3A_1059] : memref<64x1000000xf32, #tpu.memory_space<any>> -> memref<8x500032xf32, #tpu.memory_space<any>>
    tpu.enqueue_dma source(%dma_start3A_1060 : memref<8x500032xf32, #tpu.memory_space<any>>) target(%dma_start3A_1057 : memref<8x500032xf32, #tpu.memory_space<vmem>>) target_semaphore(%arg9 : memref<!tpu.dma_semaphore, #tpu.memory_space<semaphore_mem>>)
    %dma_wait3A_1061 = arith.constant 0 : i32
    %dma_wait3A_1062 = arith.constant 0 : i32
    %dma_wait3A_1063 = tpu.memref_slice %arg4[%dma_wait3A_1061, %dma_wait3A_1062] : memref<8x500032xf32, #tpu.memory_space<vmem>> -> memref<8x499968xf32, #tpu.memory_space<vmem>>
    %dma_wait3A_1064 = arith.constant 40 : i32
    %dma_wait3A_1065 = arith.constant 0 : i32
    %dma_wait3A_1066 = tpu.memref_slice %arg0[%dma_wait3A_1064, %dma_wait3A_1065] : memref<64x1000000xf32, #tpu.memory_space<any>> -> memref<8x499968xf32, #tpu.memory_space<any>>
    tpu.wait_dma2 semaphore(%arg8 : memref<!tpu.dma_semaphore, #tpu.memory_space<semaphore_mem>>) src(%dma_wait3A_1066 : memref<8x499968xf32, #tpu.memory_space<any>>) dst(%dma_wait3A_1063 : memref<8x499968xf32, #tpu.memory_space<vmem>>)
    %get3A_1067 = arith.constant 0 : index
    %get3A_1068 = arith.constant 640 : index
    %get3A_1069 = vector.load %arg1[%get3A_1067, %get3A_1068] : memref<8x1024xf32, #tpu.memory_space<vmem>>, vector<8x128xf32>
    %slice3A_1070 = vector.extract_strided_slice %get3A_1069 {offsets = [0, 0], sizes = [8, 1], strides = [1, 1]} : vector<8x128xf32> to vector<8x1xf32>
    %get3A_1071 = arith.constant 0 : index
    %get3A_1072 = arith.constant 0 : index
    %get3A_1073 = vector.load %arg3[%get3A_1071, %get3A_1072] : memref<8x1000000xf32, #tpu.memory_space<vmem>>, vector<8x65536xf32>
    %get3A_1074 = arith.constant 0 : index
    %get3A_1075 = arith.constant 0 : index
    %get3A_1076 = vector.load %arg4[%get3A_1074, %get3A_1075] : memref<8x500032xf32, #tpu.memory_space<vmem>>, vector<8x65536xf32>
    %mul3A_1077 = vector.broadcast %slice3A_1070 : vector<8x1xf32> to vector<8x65536xf32>
    %mul3A_1078 = arith.mulf %get3A_1076, %mul3A_1077 : vector<8x65536xf32>
    %add3A_1079 = arith.addf %get3A_1073, %mul3A_1078 : vector<8x65536xf32>
    %swap3A_1080 = arith.constant 0 : index
    %swap3A_1081 = arith.constant 0 : index
    %swap3A_1082 = vector.load %arg3[%swap3A_1080, %swap3A_1081] : memref<8x1000000xf32, #tpu.memory_space<vmem>>, vector<8x65536xf32>
    tpu.vector_store %arg3[%swap3A_1080, %swap3A_1081], %add3A_1079 {strides = array<i32>} : memref<8x1000000xf32, #tpu.memory_space<vmem>>, vector<8x65536xf32>,
    %get3A_1083 = arith.constant 0 : index
    %get3A_1084 = arith.constant 65536 : index
    %get3A_1085 = vector.load %arg3[%get3A_1083, %get3A_1084] : memref<8x1000000xf32, #tpu.memory_space<vmem>>, vector<8x65536xf32>
    %get3A_1086 = arith.constant 0 : index
    %get3A_1087 = arith.constant 65536 : index
    %get3A_1088 = vector.load %arg4[%get3A_1086, %get3A_1087] : memref<8x500032xf32, #tpu.memory_space<vmem>>, vector<8x65536xf32>
    %mul3A_1089 = vector.broadcast %slice3A_1070 : vector<8x1xf32> to vector<8x65536xf32>
    %mul3A_1090 = arith.mulf %get3A_1088, %mul3A_1089 : vector<8x65536xf32>
    %add3A_1091 = arith.addf %get3A_1085, %mul3A_1090 : vector<8x65536xf32>
    %swap3A_1092 = arith.constant 0 : index
    %swap3A_1093 = arith.constant 65536 : index
    %swap3A_1094 = vector.load %arg3[%swap3A_1092, %swap3A_1093] : memref<8x1000000xf32, #tpu.memory_space<vmem>>, vector<8x65536xf32>
    tpu.vector_store %arg3[%swap3A_1092, %swap3A_1093], %add3A_1091 {strides = array<i32>} : memref<8x1000000xf32, #tpu.memory_space<vmem>>, vector<8x65536xf32>,
    %get3A_1095 = arith.constant 0 : index
    %get3A_1096 = arith.constant 131072 : index
    %get3A_1097 = vector.load %arg3[%get3A_1095, %get3A_1096] : memref<8x1000000xf32, #tpu.memory_space<vmem>>, vector<8x65536xf32>
    %get3A_1098 = arith.constant 0 : index
    %get3A_1099 = arith.constant 131072 : index
    %get3A_1100 = vector.load %arg4[%get3A_1098, %get3A_1099] : memref<8x500032xf32, #tpu.memory_space<vmem>>, vector<8x65536xf32>
    %mul3A_1101 = vector.broadcast %slice3A_1070 : vector<8x1xf32> to vector<8x65536xf32>
    %mul3A_1102 = arith.mulf %get3A_1100, %mul3A_1101 : vector<8x65536xf32>
    %add3A_1103 = arith.addf %get3A_1097, %mul3A_1102 : vector<8x65536xf32>
    %swap3A_1104 = arith.constant 0 : index
    %swap3A_1105 = arith.constant 131072 : index
    %swap3A_1106 = vector.load %arg3[%swap3A_1104, %swap3A_1105] : memref<8x1000000xf32, #tpu.memory_space<vmem>>, vector<8x65536xf32>
    tpu.vector_store %arg3[%swap3A_1104, %swap3A_1105], %add3A_1103 {strides = array<i32>} : memref<8x1000000xf32, #tpu.memory_space<vmem>>, vector<8x65536xf32>,
    %get3A_1107 = arith.constant 0 : index
    %get3A_1108 = arith.constant 196608 : index
    %get3A_1109 = vector.load %arg3[%get3A_1107, %get3A_1108] : memref<8x1000000xf32, #tpu.memory_space<vmem>>, vector<8x65536xf32>
    %get3A_1110 = arith.constant 0 : index
    %get3A_1111 = arith.constant 196608 : index
    %get3A_1112 = vector.load %arg4[%get3A_1110, %get3A_1111] : memref<8x500032xf32, #tpu.memory_space<vmem>>, vector<8x65536xf32>
    %mul3A_1113 = vector.broadcast %slice3A_1070 : vector<8x1xf32> to vector<8x65536xf32>
    %mul3A_1114 = arith.mulf %get3A_1112, %mul3A_1113 : vector<8x65536xf32>
    %add3A_1115 = arith.addf %get3A_1109, %mul3A_1114 : vector<8x65536xf32>
    %swap3A_1116 = arith.constant 0 : index
    %swap3A_1117 = arith.constant 196608 : index
    %swap3A_1118 = vector.load %arg3[%swap3A_1116, %swap3A_1117] : memref<8x1000000xf32, #tpu.memory_space<vmem>>, vector<8x65536xf32>
    tpu.vector_store %arg3[%swap3A_1116, %swap3A_1117], %add3A_1115 {strides = array<i32>} : memref<8x1000000xf32, #tpu.memory_space<vmem>>, vector<8x65536xf32>,
    %get3A_1119 = arith.constant 0 : index
    %get3A_1120 = arith.constant 262144 : index
    %get3A_1121 = vector.load %arg3[%get3A_1119, %get3A_1120] : memref<8x1000000xf32, #tpu.memory_space<vmem>>, vector<8x65536xf32>
    %get3A_1122 = arith.constant 0 : index
    %get3A_1123 = arith.constant 262144 : index
    %get3A_1124 = vector.load %arg4[%get3A_1122, %get3A_1123] : memref<8x500032xf32, #tpu.memory_space<vmem>>, vector<8x65536xf32>
    %mul3A_1125 = vector.broadcast %slice3A_1070 : vector<8x1xf32> to vector<8x65536xf32>
    %mul3A_1126 = arith.mulf %get3A_1124, %mul3A_1125 : vector<8x65536xf32>
    %add3A_1127 = arith.addf %get3A_1121, %mul3A_1126 : vector<8x65536xf32>
    %swap3A_1128 = arith.constant 0 : index
    %swap3A_1129 = arith.constant 262144 : index
    %swap3A_1130 = vector.load %arg3[%swap3A_1128, %swap3A_1129] : memref<8x1000000xf32, #tpu.memory_space<vmem>>, vector<8x65536xf32>
    tpu.vector_store %arg3[%swap3A_1128, %swap3A_1129], %add3A_1127 {strides = array<i32>} : memref<8x1000000xf32, #tpu.memory_space<vmem>>, vector<8x65536xf32>,
    %get3A_1131 = arith.constant 0 : index
    %get3A_1132 = arith.constant 327680 : index
    %get3A_1133 = vector.load %arg3[%get3A_1131, %get3A_1132] : memref<8x1000000xf32, #tpu.memory_space<vmem>>, vector<8x65536xf32>
    %get3A_1134 = arith.constant 0 : index
    %get3A_1135 = arith.constant 327680 : index
    %get3A_1136 = vector.load %arg4[%get3A_1134, %get3A_1135] : memref<8x500032xf32, #tpu.memory_space<vmem>>, vector<8x65536xf32>
    %mul3A_1137 = vector.broadcast %slice3A_1070 : vector<8x1xf32> to vector<8x65536xf32>
    %mul3A_1138 = arith.mulf %get3A_1136, %mul3A_1137 : vector<8x65536xf32>
    %add3A_1139 = arith.addf %get3A_1133, %mul3A_1138 : vector<8x65536xf32>
    %swap3A_1140 = arith.constant 0 : index
    %swap3A_1141 = arith.constant 327680 : index
    %swap3A_1142 = vector.load %arg3[%swap3A_1140, %swap3A_1141] : memref<8x1000000xf32, #tpu.memory_space<vmem>>, vector<8x65536xf32>
    tpu.vector_store %arg3[%swap3A_1140, %swap3A_1141], %add3A_1139 {strides = array<i32>} : memref<8x1000000xf32, #tpu.memory_space<vmem>>, vector<8x65536xf32>,
    %get3A_1143 = arith.constant 0 : index
    %get3A_1144 = arith.constant 393216 : index
    %get3A_1145 = vector.load %arg3[%get3A_1143, %get3A_1144] : memref<8x1000000xf32, #tpu.memory_space<vmem>>, vector<8x65536xf32>
    %get3A_1146 = arith.constant 0 : index
    %get3A_1147 = arith.constant 393216 : index
    %get3A_1148 = vector.load %arg4[%get3A_1146, %get3A_1147] : memref<8x500032xf32, #tpu.memory_space<vmem>>, vector<8x65536xf32>
    %mul3A_1149 = vector.broadcast %slice3A_1070 : vector<8x1xf32> to vector<8x65536xf32>
    %mul3A_1150 = arith.mulf %get3A_1148, %mul3A_1149 : vector<8x65536xf32>
    %add3A_1151 = arith.addf %get3A_1145, %mul3A_1150 : vector<8x65536xf32>
    %swap3A_1152 = arith.constant 0 : index
    %swap3A_1153 = arith.constant 393216 : index
    %swap3A_1154 = vector.load %arg3[%swap3A_1152, %swap3A_1153] : memref<8x1000000xf32, #tpu.memory_space<vmem>>, vector<8x65536xf32>
    tpu.vector_store %arg3[%swap3A_1152, %swap3A_1153], %add3A_1151 {strides = array<i32>} : memref<8x1000000xf32, #tpu.memory_space<vmem>>, vector<8x65536xf32>,
    %get3A_1155 = arith.constant 0 : index
    %get3A_1156 = arith.constant 458752 : index
    %get3A_1157 = vector.load %arg3[%get3A_1155, %get3A_1156] : memref<8x1000000xf32, #tpu.memory_space<vmem>>, vector<8x41216xf32>
    %get3A_1158 = arith.constant 0 : index
    %get3A_1159 = arith.constant 458752 : index
    %get3A_1160 = vector.load %arg4[%get3A_1158, %get3A_1159] : memref<8x500032xf32, #tpu.memory_space<vmem>>, vector<8x41216xf32>
    %mul3A_1161 = vector.broadcast %slice3A_1070 : vector<8x1xf32> to vector<8x41216xf32>
    %mul3A_1162 = arith.mulf %get3A_1160, %mul3A_1161 : vector<8x41216xf32>
    %add3A_1163 = arith.addf %get3A_1157, %mul3A_1162 : vector<8x41216xf32>
    %swap3A_1164 = arith.constant 0 : index
    %swap3A_1165 = arith.constant 458752 : index
    %swap3A_1166 = vector.load %arg3[%swap3A_1164, %swap3A_1165] : memref<8x1000000xf32, #tpu.memory_space<vmem>>, vector<8x41216xf32>
    tpu.vector_store %arg3[%swap3A_1164, %swap3A_1165], %add3A_1163 {strides = array<i32>} : memref<8x1000000xf32, #tpu.memory_space<vmem>>, vector<8x41216xf32>,
    %dma_start3A_1167 = arith.constant 0 : i32
    %dma_start3A_1168 = arith.constant 0 : i32
    %dma_start3A_1169 = tpu.memref_slice %arg4[%dma_start3A_1167, %dma_start3A_1168] : memref<8x500032xf32, #tpu.memory_space<vmem>> -> memref<8x499968xf32, #tpu.memory_space<vmem>>
    %dma_start3A_1170 = arith.constant 48 : i32
    %dma_start3A_1171 = arith.constant 0 : i32
    %dma_start3A_1172 = tpu.memref_slice %arg0[%dma_start3A_1170, %dma_start3A_1171] : memref<64x1000000xf32, #tpu.memory_space<any>> -> memref<8x499968xf32, #tpu.memory_space<any>>
    tpu.enqueue_dma source(%dma_start3A_1172 : memref<8x499968xf32, #tpu.memory_space<any>>) target(%dma_start3A_1169 : memref<8x499968xf32, #tpu.memory_space<vmem>>) target_semaphore(%arg8 : memref<!tpu.dma_semaphore, #tpu.memory_space<semaphore_mem>>)
    %dma_wait3A_1173 = arith.constant 0 : i32
    %dma_wait3A_1174 = arith.constant 0 : i32
    %dma_wait3A_1175 = tpu.memref_slice %arg5[%dma_wait3A_1173, %dma_wait3A_1174] : memref<8x500032xf32, #tpu.memory_space<vmem>> -> memref<8x500032xf32, #tpu.memory_space<vmem>>
    %dma_wait3A_1176 = arith.constant 40 : i32
    %dma_wait3A_1177 = arith.constant 499968 : i32
    %dma_wait3A_1178 = tpu.memref_slice %arg0[%dma_wait3A_1176, %dma_wait3A_1177] : memref<64x1000000xf32, #tpu.memory_space<any>> -> memref<8x500032xf32, #tpu.memory_space<any>>
    tpu.wait_dma2 semaphore(%arg9 : memref<!tpu.dma_semaphore, #tpu.memory_space<semaphore_mem>>) src(%dma_wait3A_1178 : memref<8x500032xf32, #tpu.memory_space<any>>) dst(%dma_wait3A_1175 : memref<8x500032xf32, #tpu.memory_space<vmem>>)
    %get3A_1179 = arith.constant 0 : index
    %get3A_1180 = arith.constant 640 : index
    %get3A_1181 = vector.load %arg1[%get3A_1179, %get3A_1180] : memref<8x1024xf32, #tpu.memory_space<vmem>>, vector<8x128xf32>
    %slice3A_1182 = vector.extract_strided_slice %get3A_1181 {offsets = [0, 0], sizes = [8, 1], strides = [1, 1]} : vector<8x128xf32> to vector<8x1xf32>
    %get3A_1183 = arith.constant 0 : index
    %get3A_1184 = arith.constant 499968 : index
    %get3A_1185 = vector.load %arg3[%get3A_1183, %get3A_1184] : memref<8x1000000xf32, #tpu.memory_space<vmem>>, vector<8x65536xf32>
    %get3A_1186 = arith.constant 0 : index
    %get3A_1187 = arith.constant 0 : index
    %get3A_1188 = vector.load %arg5[%get3A_1186, %get3A_1187] : memref<8x500032xf32, #tpu.memory_space<vmem>>, vector<8x65536xf32>
    %mul3A_1189 = vector.broadcast %slice3A_1182 : vector<8x1xf32> to vector<8x65536xf32>
    %mul3A_1190 = arith.mulf %get3A_1188, %mul3A_1189 : vector<8x65536xf32>
    %add3A_1191 = arith.addf %get3A_1185, %mul3A_1190 : vector<8x65536xf32>
    %swap3A_1192 = arith.constant 0 : index
    %swap3A_1193 = arith.constant 499968 : index
    %swap3A_1194 = vector.load %arg3[%swap3A_1192, %swap3A_1193] : memref<8x1000000xf32, #tpu.memory_space<vmem>>, vector<8x65536xf32>
    tpu.vector_store %arg3[%swap3A_1192, %swap3A_1193], %add3A_1191 {strides = array<i32>} : memref<8x1000000xf32, #tpu.memory_space<vmem>>, vector<8x65536xf32>,
    %get3A_1195 = arith.constant 0 : index
    %get3A_1196 = arith.constant 565504 : index
    %get3A_1197 = vector.load %arg3[%get3A_1195, %get3A_1196] : memref<8x1000000xf32, #tpu.memory_space<vmem>>, vector<8x65536xf32>
    %get3A_1198 = arith.constant 0 : index
    %get3A_1199 = arith.constant 65536 : index
    %get3A_1200 = vector.load %arg5[%get3A_1198, %get3A_1199] : memref<8x500032xf32, #tpu.memory_space<vmem>>, vector<8x65536xf32>
    %mul3A_1201 = vector.broadcast %slice3A_1182 : vector<8x1xf32> to vector<8x65536xf32>
    %mul3A_1202 = arith.mulf %get3A_1200, %mul3A_1201 : vector<8x65536xf32>
    %add3A_1203 = arith.addf %get3A_1197, %mul3A_1202 : vector<8x65536xf32>
    %swap3A_1204 = arith.constant 0 : index
    %swap3A_1205 = arith.constant 565504 : index
    %swap3A_1206 = vector.load %arg3[%swap3A_1204, %swap3A_1205] : memref<8x1000000xf32, #tpu.memory_space<vmem>>, vector<8x65536xf32>
    tpu.vector_store %arg3[%swap3A_1204, %swap3A_1205], %add3A_1203 {strides = array<i32>} : memref<8x1000000xf32, #tpu.memory_space<vmem>>, vector<8x65536xf32>,
    %get3A_1207 = arith.constant 0 : index
    %get3A_1208 = arith.constant 631040 : index
    %get3A_1209 = vector.load %arg3[%get3A_1207, %get3A_1208] : memref<8x1000000xf32, #tpu.memory_space<vmem>>, vector<8x65536xf32>
    %get3A_1210 = arith.constant 0 : index
    %get3A_1211 = arith.constant 131072 : index
    %get3A_1212 = vector.load %arg5[%get3A_1210, %get3A_1211] : memref<8x500032xf32, #tpu.memory_space<vmem>>, vector<8x65536xf32>
    %mul3A_1213 = vector.broadcast %slice3A_1182 : vector<8x1xf32> to vector<8x65536xf32>
    %mul3A_1214 = arith.mulf %get3A_1212, %mul3A_1213 : vector<8x65536xf32>
    %add3A_1215 = arith.addf %get3A_1209, %mul3A_1214 : vector<8x65536xf32>
    %swap3A_1216 = arith.constant 0 : index
    %swap3A_1217 = arith.constant 631040 : index
    %swap3A_1218 = vector.load %arg3[%swap3A_1216, %swap3A_1217] : memref<8x1000000xf32, #tpu.memory_space<vmem>>, vector<8x65536xf32>
    tpu.vector_store %arg3[%swap3A_1216, %swap3A_1217], %add3A_1215 {strides = array<i32>} : memref<8x1000000xf32, #tpu.memory_space<vmem>>, vector<8x65536xf32>,
    %get3A_1219 = arith.constant 0 : index
    %get3A_1220 = arith.constant 696576 : index
    %get3A_1221 = vector.load %arg3[%get3A_1219, %get3A_1220] : memref<8x1000000xf32, #tpu.memory_space<vmem>>, vector<8x65536xf32>
    %get3A_1222 = arith.constant 0 : index
    %get3A_1223 = arith.constant 196608 : index
    %get3A_1224 = vector.load %arg5[%get3A_1222, %get3A_1223] : memref<8x500032xf32, #tpu.memory_space<vmem>>, vector<8x65536xf32>
    %mul3A_1225 = vector.broadcast %slice3A_1182 : vector<8x1xf32> to vector<8x65536xf32>
    %mul3A_1226 = arith.mulf %get3A_1224, %mul3A_1225 : vector<8x65536xf32>
    %add3A_1227 = arith.addf %get3A_1221, %mul3A_1226 : vector<8x65536xf32>
    %swap3A_1228 = arith.constant 0 : index
    %swap3A_1229 = arith.constant 696576 : index
    %swap3A_1230 = vector.load %arg3[%swap3A_1228, %swap3A_1229] : memref<8x1000000xf32, #tpu.memory_space<vmem>>, vector<8x65536xf32>
    tpu.vector_store %arg3[%swap3A_1228, %swap3A_1229], %add3A_1227 {strides = array<i32>} : memref<8x1000000xf32, #tpu.memory_space<vmem>>, vector<8x65536xf32>,
    %get3A_1231 = arith.constant 0 : index
    %get3A_1232 = arith.constant 762112 : index
    %get3A_1233 = vector.load %arg3[%get3A_1231, %get3A_1232] : memref<8x1000000xf32, #tpu.memory_space<vmem>>, vector<8x65536xf32>
    %get3A_1234 = arith.constant 0 : index
    %get3A_1235 = arith.constant 262144 : index
    %get3A_1236 = vector.load %arg5[%get3A_1234, %get3A_1235] : memref<8x500032xf32, #tpu.memory_space<vmem>>, vector<8x65536xf32>
    %mul3A_1237 = vector.broadcast %slice3A_1182 : vector<8x1xf32> to vector<8x65536xf32>
    %mul3A_1238 = arith.mulf %get3A_1236, %mul3A_1237 : vector<8x65536xf32>
    %add3A_1239 = arith.addf %get3A_1233, %mul3A_1238 : vector<8x65536xf32>
    %swap3A_1240 = arith.constant 0 : index
    %swap3A_1241 = arith.constant 762112 : index
    %swap3A_1242 = vector.load %arg3[%swap3A_1240, %swap3A_1241] : memref<8x1000000xf32, #tpu.memory_space<vmem>>, vector<8x65536xf32>
    tpu.vector_store %arg3[%swap3A_1240, %swap3A_1241], %add3A_1239 {strides = array<i32>} : memref<8x1000000xf32, #tpu.memory_space<vmem>>, vector<8x65536xf32>,
    %get3A_1243 = arith.constant 0 : index
    %get3A_1244 = arith.constant 827648 : index
    %get3A_1245 = vector.load %arg3[%get3A_1243, %get3A_1244] : memref<8x1000000xf32, #tpu.memory_space<vmem>>, vector<8x65536xf32>
    %get3A_1246 = arith.constant 0 : index
    %get3A_1247 = arith.constant 327680 : index
    %get3A_1248 = vector.load %arg5[%get3A_1246, %get3A_1247] : memref<8x500032xf32, #tpu.memory_space<vmem>>, vector<8x65536xf32>
    %mul3A_1249 = vector.broadcast %slice3A_1182 : vector<8x1xf32> to vector<8x65536xf32>
    %mul3A_1250 = arith.mulf %get3A_1248, %mul3A_1249 : vector<8x65536xf32>
    %add3A_1251 = arith.addf %get3A_1245, %mul3A_1250 : vector<8x65536xf32>
    %swap3A_1252 = arith.constant 0 : index
    %swap3A_1253 = arith.constant 827648 : index
    %swap3A_1254 = vector.load %arg3[%swap3A_1252, %swap3A_1253] : memref<8x1000000xf32, #tpu.memory_space<vmem>>, vector<8x65536xf32>
    tpu.vector_store %arg3[%swap3A_1252, %swap3A_1253], %add3A_1251 {strides = array<i32>} : memref<8x1000000xf32, #tpu.memory_space<vmem>>, vector<8x65536xf32>,
    %get3A_1255 = arith.constant 0 : index
    %get3A_1256 = arith.constant 893184 : index
    %get3A_1257 = vector.load %arg3[%get3A_1255, %get3A_1256] : memref<8x1000000xf32, #tpu.memory_space<vmem>>, vector<8x65536xf32>
    %get3A_1258 = arith.constant 0 : index
    %get3A_1259 = arith.constant 393216 : index
    %get3A_1260 = vector.load %arg5[%get3A_1258, %get3A_1259] : memref<8x500032xf32, #tpu.memory_space<vmem>>, vector<8x65536xf32>
    %mul3A_1261 = vector.broadcast %slice3A_1182 : vector<8x1xf32> to vector<8x65536xf32>
    %mul3A_1262 = arith.mulf %get3A_1260, %mul3A_1261 : vector<8x65536xf32>
    %add3A_1263 = arith.addf %get3A_1257, %mul3A_1262 : vector<8x65536xf32>
    %swap3A_1264 = arith.constant 0 : index
    %swap3A_1265 = arith.constant 893184 : index
    %swap3A_1266 = vector.load %arg3[%swap3A_1264, %swap3A_1265] : memref<8x1000000xf32, #tpu.memory_space<vmem>>, vector<8x65536xf32>
    tpu.vector_store %arg3[%swap3A_1264, %swap3A_1265], %add3A_1263 {strides = array<i32>} : memref<8x1000000xf32, #tpu.memory_space<vmem>>, vector<8x65536xf32>,
    %get3A_1267 = arith.constant 0 : index
    %get3A_1268 = arith.constant 958720 : index
    %get3A_1269 = vector.load %arg3[%get3A_1267, %get3A_1268] : memref<8x1000000xf32, #tpu.memory_space<vmem>>, vector<8x41280xf32>
    %get3A_1270 = arith.constant 0 : index
    %get3A_1271 = arith.constant 458752 : index
    %get3A_1272 = vector.load %arg5[%get3A_1270, %get3A_1271] : memref<8x500032xf32, #tpu.memory_space<vmem>>, vector<8x41280xf32>
    %mul3A_1273 = vector.broadcast %slice3A_1182 : vector<8x1xf32> to vector<8x41280xf32>
    %mul3A_1274 = arith.mulf %get3A_1272, %mul3A_1273 : vector<8x41280xf32>
    %add3A_1275 = arith.addf %get3A_1269, %mul3A_1274 : vector<8x41280xf32>
    %swap3A_1276 = arith.constant 0 : index
    %swap3A_1277 = arith.constant 958720 : index
    %swap3A_1278 = vector.load %arg3[%swap3A_1276, %swap3A_1277] : memref<8x1000000xf32, #tpu.memory_space<vmem>>, vector<8x41280xf32>
    tpu.vector_store %arg3[%swap3A_1276, %swap3A_1277], %add3A_1275 {strides = array<i32>} : memref<8x1000000xf32, #tpu.memory_space<vmem>>, vector<8x41280xf32>,
    %dma_start3A_1279 = arith.constant 0 : i32
    %dma_start3A_1280 = arith.constant 0 : i32
    %dma_start3A_1281 = tpu.memref_slice %arg5[%dma_start3A_1279, %dma_start3A_1280] : memref<8x500032xf32, #tpu.memory_space<vmem>> -> memref<8x500032xf32, #tpu.memory_space<vmem>>
    %dma_start3A_1282 = arith.constant 48 : i32
    %dma_start3A_1283 = arith.constant 499968 : i32
    %dma_start3A_1284 = tpu.memref_slice %arg0[%dma_start3A_1282, %dma_start3A_1283] : memref<64x1000000xf32, #tpu.memory_space<any>> -> memref<8x500032xf32, #tpu.memory_space<any>>
    tpu.enqueue_dma source(%dma_start3A_1284 : memref<8x500032xf32, #tpu.memory_space<any>>) target(%dma_start3A_1281 : memref<8x500032xf32, #tpu.memory_space<vmem>>) target_semaphore(%arg9 : memref<!tpu.dma_semaphore, #tpu.memory_space<semaphore_mem>>)
    %dma_wait3A_1285 = arith.constant 0 : i32
    %dma_wait3A_1286 = arith.constant 0 : i32
    %dma_wait3A_1287 = tpu.memref_slice %arg4[%dma_wait3A_1285, %dma_wait3A_1286] : memref<8x500032xf32, #tpu.memory_space<vmem>> -> memref<8x499968xf32, #tpu.memory_space<vmem>>
    %dma_wait3A_1288 = arith.constant 48 : i32
    %dma_wait3A_1289 = arith.constant 0 : i32
    %dma_wait3A_1290 = tpu.memref_slice %arg0[%dma_wait3A_1288, %dma_wait3A_1289] : memref<64x1000000xf32, #tpu.memory_space<any>> -> memref<8x499968xf32, #tpu.memory_space<any>>
    tpu.wait_dma2 semaphore(%arg8 : memref<!tpu.dma_semaphore, #tpu.memory_space<semaphore_mem>>) src(%dma_wait3A_1290 : memref<8x499968xf32, #tpu.memory_space<any>>) dst(%dma_wait3A_1287 : memref<8x499968xf32, #tpu.memory_space<vmem>>)
    %get3A_1291 = arith.constant 0 : index
    %get3A_1292 = arith.constant 768 : index
    %get3A_1293 = vector.load %arg1[%get3A_1291, %get3A_1292] : memref<8x1024xf32, #tpu.memory_space<vmem>>, vector<8x128xf32>
    %slice3A_1294 = vector.extract_strided_slice %get3A_1293 {offsets = [0, 0], sizes = [8, 1], strides = [1, 1]} : vector<8x128xf32> to vector<8x1xf32>
    %get3A_1295 = arith.constant 0 : index
    %get3A_1296 = arith.constant 0 : index
    %get3A_1297 = vector.load %arg3[%get3A_1295, %get3A_1296] : memref<8x1000000xf32, #tpu.memory_space<vmem>>, vector<8x65536xf32>
    %get3A_1298 = arith.constant 0 : index
    %get3A_1299 = arith.constant 0 : index
    %get3A_1300 = vector.load %arg4[%get3A_1298, %get3A_1299] : memref<8x500032xf32, #tpu.memory_space<vmem>>, vector<8x65536xf32>
    %mul3A_1301 = vector.broadcast %slice3A_1294 : vector<8x1xf32> to vector<8x65536xf32>
    %mul3A_1302 = arith.mulf %get3A_1300, %mul3A_1301 : vector<8x65536xf32>
    %add3A_1303 = arith.addf %get3A_1297, %mul3A_1302 : vector<8x65536xf32>
    %swap3A_1304 = arith.constant 0 : index
    %swap3A_1305 = arith.constant 0 : index
    %swap3A_1306 = vector.load %arg3[%swap3A_1304, %swap3A_1305] : memref<8x1000000xf32, #tpu.memory_space<vmem>>, vector<8x65536xf32>
    tpu.vector_store %arg3[%swap3A_1304, %swap3A_1305], %add3A_1303 {strides = array<i32>} : memref<8x1000000xf32, #tpu.memory_space<vmem>>, vector<8x65536xf32>,
    %get3A_1307 = arith.constant 0 : index
    %get3A_1308 = arith.constant 65536 : index
    %get3A_1309 = vector.load %arg3[%get3A_1307, %get3A_1308] : memref<8x1000000xf32, #tpu.memory_space<vmem>>, vector<8x65536xf32>
    %get3A_1310 = arith.constant 0 : index
    %get3A_1311 = arith.constant 65536 : index
    %get3A_1312 = vector.load %arg4[%get3A_1310, %get3A_1311] : memref<8x500032xf32, #tpu.memory_space<vmem>>, vector<8x65536xf32>
    %mul3A_1313 = vector.broadcast %slice3A_1294 : vector<8x1xf32> to vector<8x65536xf32>
    %mul3A_1314 = arith.mulf %get3A_1312, %mul3A_1313 : vector<8x65536xf32>
    %add3A_1315 = arith.addf %get3A_1309, %mul3A_1314 : vector<8x65536xf32>
    %swap3A_1316 = arith.constant 0 : index
    %swap3A_1317 = arith.constant 65536 : index
    %swap3A_1318 = vector.load %arg3[%swap3A_1316, %swap3A_1317] : memref<8x1000000xf32, #tpu.memory_space<vmem>>, vector<8x65536xf32>
    tpu.vector_store %arg3[%swap3A_1316, %swap3A_1317], %add3A_1315 {strides = array<i32>} : memref<8x1000000xf32, #tpu.memory_space<vmem>>, vector<8x65536xf32>,
    %get3A_1319 = arith.constant 0 : index
    %get3A_1320 = arith.constant 131072 : index
    %get3A_1321 = vector.load %arg3[%get3A_1319, %get3A_1320] : memref<8x1000000xf32, #tpu.memory_space<vmem>>, vector<8x65536xf32>
    %get3A_1322 = arith.constant 0 : index
    %get3A_1323 = arith.constant 131072 : index
    %get3A_1324 = vector.load %arg4[%get3A_1322, %get3A_1323] : memref<8x500032xf32, #tpu.memory_space<vmem>>, vector<8x65536xf32>
    %mul3A_1325 = vector.broadcast %slice3A_1294 : vector<8x1xf32> to vector<8x65536xf32>
    %mul3A_1326 = arith.mulf %get3A_1324, %mul3A_1325 : vector<8x65536xf32>
    %add3A_1327 = arith.addf %get3A_1321, %mul3A_1326 : vector<8x65536xf32>
    %swap3A_1328 = arith.constant 0 : index
    %swap3A_1329 = arith.constant 131072 : index
    %swap3A_1330 = vector.load %arg3[%swap3A_1328, %swap3A_1329] : memref<8x1000000xf32, #tpu.memory_space<vmem>>, vector<8x65536xf32>
    tpu.vector_store %arg3[%swap3A_1328, %swap3A_1329], %add3A_1327 {strides = array<i32>} : memref<8x1000000xf32, #tpu.memory_space<vmem>>, vector<8x65536xf32>,
    %get3A_1331 = arith.constant 0 : index
    %get3A_1332 = arith.constant 196608 : index
    %get3A_1333 = vector.load %arg3[%get3A_1331, %get3A_1332] : memref<8x1000000xf32, #tpu.memory_space<vmem>>, vector<8x65536xf32>
    %get3A_1334 = arith.constant 0 : index
    %get3A_1335 = arith.constant 196608 : index
    %get3A_1336 = vector.load %arg4[%get3A_1334, %get3A_1335] : memref<8x500032xf32, #tpu.memory_space<vmem>>, vector<8x65536xf32>
    %mul3A_1337 = vector.broadcast %slice3A_1294 : vector<8x1xf32> to vector<8x65536xf32>
    %mul3A_1338 = arith.mulf %get3A_1336, %mul3A_1337 : vector<8x65536xf32>
    %add3A_1339 = arith.addf %get3A_1333, %mul3A_1338 : vector<8x65536xf32>
    %swap3A_1340 = arith.constant 0 : index
    %swap3A_1341 = arith.constant 196608 : index
    %swap3A_1342 = vector.load %arg3[%swap3A_1340, %swap3A_1341] : memref<8x1000000xf32, #tpu.memory_space<vmem>>, vector<8x65536xf32>
    tpu.vector_store %arg3[%swap3A_1340, %swap3A_1341], %add3A_1339 {strides = array<i32>} : memref<8x1000000xf32, #tpu.memory_space<vmem>>, vector<8x65536xf32>,
    %get3A_1343 = arith.constant 0 : index
    %get3A_1344 = arith.constant 262144 : index
    %get3A_1345 = vector.load %arg3[%get3A_1343, %get3A_1344] : memref<8x1000000xf32, #tpu.memory_space<vmem>>, vector<8x65536xf32>
    %get3A_1346 = arith.constant 0 : index
    %get3A_1347 = arith.constant 262144 : index
    %get3A_1348 = vector.load %arg4[%get3A_1346, %get3A_1347] : memref<8x500032xf32, #tpu.memory_space<vmem>>, vector<8x65536xf32>
    %mul3A_1349 = vector.broadcast %slice3A_1294 : vector<8x1xf32> to vector<8x65536xf32>
    %mul3A_1350 = arith.mulf %get3A_1348, %mul3A_1349 : vector<8x65536xf32>
    %add3A_1351 = arith.addf %get3A_1345, %mul3A_1350 : vector<8x65536xf32>
    %swap3A_1352 = arith.constant 0 : index
    %swap3A_1353 = arith.constant 262144 : index
    %swap3A_1354 = vector.load %arg3[%swap3A_1352, %swap3A_1353] : memref<8x1000000xf32, #tpu.memory_space<vmem>>, vector<8x65536xf32>
    tpu.vector_store %arg3[%swap3A_1352, %swap3A_1353], %add3A_1351 {strides = array<i32>} : memref<8x1000000xf32, #tpu.memory_space<vmem>>, vector<8x65536xf32>,
    %get3A_1355 = arith.constant 0 : index
    %get3A_1356 = arith.constant 327680 : index
    %get3A_1357 = vector.load %arg3[%get3A_1355, %get3A_1356] : memref<8x1000000xf32, #tpu.memory_space<vmem>>, vector<8x65536xf32>
    %get3A_1358 = arith.constant 0 : index
    %get3A_1359 = arith.constant 327680 : index
    %get3A_1360 = vector.load %arg4[%get3A_1358, %get3A_1359] : memref<8x500032xf32, #tpu.memory_space<vmem>>, vector<8x65536xf32>
    %mul3A_1361 = vector.broadcast %slice3A_1294 : vector<8x1xf32> to vector<8x65536xf32>
    %mul3A_1362 = arith.mulf %get3A_1360, %mul3A_1361 : vector<8x65536xf32>
    %add3A_1363 = arith.addf %get3A_1357, %mul3A_1362 : vector<8x65536xf32>
    %swap3A_1364 = arith.constant 0 : index
    %swap3A_1365 = arith.constant 327680 : index
    %swap3A_1366 = vector.load %arg3[%swap3A_1364, %swap3A_1365] : memref<8x1000000xf32, #tpu.memory_space<vmem>>, vector<8x65536xf32>
    tpu.vector_store %arg3[%swap3A_1364, %swap3A_1365], %add3A_1363 {strides = array<i32>} : memref<8x1000000xf32, #tpu.memory_space<vmem>>, vector<8x65536xf32>,
    %get3A_1367 = arith.constant 0 : index
    %get3A_1368 = arith.constant 393216 : index
    %get3A_1369 = vector.load %arg3[%get3A_1367, %get3A_1368] : memref<8x1000000xf32, #tpu.memory_space<vmem>>, vector<8x65536xf32>
    %get3A_1370 = arith.constant 0 : index
    %get3A_1371 = arith.constant 393216 : index
    %get3A_1372 = vector.load %arg4[%get3A_1370, %get3A_1371] : memref<8x500032xf32, #tpu.memory_space<vmem>>, vector<8x65536xf32>
    %mul3A_1373 = vector.broadcast %slice3A_1294 : vector<8x1xf32> to vector<8x65536xf32>
    %mul3A_1374 = arith.mulf %get3A_1372, %mul3A_1373 : vector<8x65536xf32>
    %add3A_1375 = arith.addf %get3A_1369, %mul3A_1374 : vector<8x65536xf32>
    %swap3A_1376 = arith.constant 0 : index
    %swap3A_1377 = arith.constant 393216 : index
    %swap3A_1378 = vector.load %arg3[%swap3A_1376, %swap3A_1377] : memref<8x1000000xf32, #tpu.memory_space<vmem>>, vector<8x65536xf32>
    tpu.vector_store %arg3[%swap3A_1376, %swap3A_1377], %add3A_1375 {strides = array<i32>} : memref<8x1000000xf32, #tpu.memory_space<vmem>>, vector<8x65536xf32>,
    %get3A_1379 = arith.constant 0 : index
    %get3A_1380 = arith.constant 458752 : index
    %get3A_1381 = vector.load %arg3[%get3A_1379, %get3A_1380] : memref<8x1000000xf32, #tpu.memory_space<vmem>>, vector<8x41216xf32>
    %get3A_1382 = arith.constant 0 : index
    %get3A_1383 = arith.constant 458752 : index
    %get3A_1384 = vector.load %arg4[%get3A_1382, %get3A_1383] : memref<8x500032xf32, #tpu.memory_space<vmem>>, vector<8x41216xf32>
    %mul3A_1385 = vector.broadcast %slice3A_1294 : vector<8x1xf32> to vector<8x41216xf32>
    %mul3A_1386 = arith.mulf %get3A_1384, %mul3A_1385 : vector<8x41216xf32>
    %add3A_1387 = arith.addf %get3A_1381, %mul3A_1386 : vector<8x41216xf32>
    %swap3A_1388 = arith.constant 0 : index
    %swap3A_1389 = arith.constant 458752 : index
    %swap3A_1390 = vector.load %arg3[%swap3A_1388, %swap3A_1389] : memref<8x1000000xf32, #tpu.memory_space<vmem>>, vector<8x41216xf32>
    tpu.vector_store %arg3[%swap3A_1388, %swap3A_1389], %add3A_1387 {strides = array<i32>} : memref<8x1000000xf32, #tpu.memory_space<vmem>>, vector<8x41216xf32>,
    %dma_start3A_1391 = arith.constant 0 : i32
    %dma_start3A_1392 = arith.constant 0 : i32
    %dma_start3A_1393 = tpu.memref_slice %arg4[%dma_start3A_1391, %dma_start3A_1392] : memref<8x500032xf32, #tpu.memory_space<vmem>> -> memref<8x499968xf32, #tpu.memory_space<vmem>>
    %dma_start3A_1394 = arith.constant 56 : i32
    %dma_start3A_1395 = arith.constant 0 : i32
    %dma_start3A_1396 = tpu.memref_slice %arg0[%dma_start3A_1394, %dma_start3A_1395] : memref<64x1000000xf32, #tpu.memory_space<any>> -> memref<8x499968xf32, #tpu.memory_space<any>>
    tpu.enqueue_dma source(%dma_start3A_1396 : memref<8x499968xf32, #tpu.memory_space<any>>) target(%dma_start3A_1393 : memref<8x499968xf32, #tpu.memory_space<vmem>>) target_semaphore(%arg8 : memref<!tpu.dma_semaphore, #tpu.memory_space<semaphore_mem>>)
    %dma_wait3A_1397 = arith.constant 0 : i32
    %dma_wait3A_1398 = arith.constant 0 : i32
    %dma_wait3A_1399 = tpu.memref_slice %arg5[%dma_wait3A_1397, %dma_wait3A_1398] : memref<8x500032xf32, #tpu.memory_space<vmem>> -> memref<8x500032xf32, #tpu.memory_space<vmem>>
    %dma_wait3A_1400 = arith.constant 48 : i32
    %dma_wait3A_1401 = arith.constant 499968 : i32
    %dma_wait3A_1402 = tpu.memref_slice %arg0[%dma_wait3A_1400, %dma_wait3A_1401] : memref<64x1000000xf32, #tpu.memory_space<any>> -> memref<8x500032xf32, #tpu.memory_space<any>>
    tpu.wait_dma2 semaphore(%arg9 : memref<!tpu.dma_semaphore, #tpu.memory_space<semaphore_mem>>) src(%dma_wait3A_1402 : memref<8x500032xf32, #tpu.memory_space<any>>) dst(%dma_wait3A_1399 : memref<8x500032xf32, #tpu.memory_space<vmem>>)
    %get3A_1403 = arith.constant 0 : index
    %get3A_1404 = arith.constant 768 : index
    %get3A_1405 = vector.load %arg1[%get3A_1403, %get3A_1404] : memref<8x1024xf32, #tpu.memory_space<vmem>>, vector<8x128xf32>
    %slice3A_1406 = vector.extract_strided_slice %get3A_1405 {offsets = [0, 0], sizes = [8, 1], strides = [1, 1]} : vector<8x128xf32> to vector<8x1xf32>
    %get3A_1407 = arith.constant 0 : index
    %get3A_1408 = arith.constant 499968 : index
    %get3A_1409 = vector.load %arg3[%get3A_1407, %get3A_1408] : memref<8x1000000xf32, #tpu.memory_space<vmem>>, vector<8x65536xf32>
    %get3A_1410 = arith.constant 0 : index
    %get3A_1411 = arith.constant 0 : index
    %get3A_1412 = vector.load %arg5[%get3A_1410, %get3A_1411] : memref<8x500032xf32, #tpu.memory_space<vmem>>, vector<8x65536xf32>
    %mul3A_1413 = vector.broadcast %slice3A_1406 : vector<8x1xf32> to vector<8x65536xf32>
    %mul3A_1414 = arith.mulf %get3A_1412, %mul3A_1413 : vector<8x65536xf32>
    %add3A_1415 = arith.addf %get3A_1409, %mul3A_1414 : vector<8x65536xf32>
    %swap3A_1416 = arith.constant 0 : index
    %swap3A_1417 = arith.constant 499968 : index
    %swap3A_1418 = vector.load %arg3[%swap3A_1416, %swap3A_1417] : memref<8x1000000xf32, #tpu.memory_space<vmem>>, vector<8x65536xf32>
    tpu.vector_store %arg3[%swap3A_1416, %swap3A_1417], %add3A_1415 {strides = array<i32>} : memref<8x1000000xf32, #tpu.memory_space<vmem>>, vector<8x65536xf32>,
    %get3A_1419 = arith.constant 0 : index
    %get3A_1420 = arith.constant 565504 : index
    %get3A_1421 = vector.load %arg3[%get3A_1419, %get3A_1420] : memref<8x1000000xf32, #tpu.memory_space<vmem>>, vector<8x65536xf32>
    %get3A_1422 = arith.constant 0 : index
    %get3A_1423 = arith.constant 65536 : index
    %get3A_1424 = vector.load %arg5[%get3A_1422, %get3A_1423] : memref<8x500032xf32, #tpu.memory_space<vmem>>, vector<8x65536xf32>
    %mul3A_1425 = vector.broadcast %slice3A_1406 : vector<8x1xf32> to vector<8x65536xf32>
    %mul3A_1426 = arith.mulf %get3A_1424, %mul3A_1425 : vector<8x65536xf32>
    %add3A_1427 = arith.addf %get3A_1421, %mul3A_1426 : vector<8x65536xf32>
    %swap3A_1428 = arith.constant 0 : index
    %swap3A_1429 = arith.constant 565504 : index
    %swap3A_1430 = vector.load %arg3[%swap3A_1428, %swap3A_1429] : memref<8x1000000xf32, #tpu.memory_space<vmem>>, vector<8x65536xf32>
    tpu.vector_store %arg3[%swap3A_1428, %swap3A_1429], %add3A_1427 {strides = array<i32>} : memref<8x1000000xf32, #tpu.memory_space<vmem>>, vector<8x65536xf32>,
    %get3A_1431 = arith.constant 0 : index
    %get3A_1432 = arith.constant 631040 : index
    %get3A_1433 = vector.load %arg3[%get3A_1431, %get3A_1432] : memref<8x1000000xf32, #tpu.memory_space<vmem>>, vector<8x65536xf32>
    %get3A_1434 = arith.constant 0 : index
    %get3A_1435 = arith.constant 131072 : index
    %get3A_1436 = vector.load %arg5[%get3A_1434, %get3A_1435] : memref<8x500032xf32, #tpu.memory_space<vmem>>, vector<8x65536xf32>
    %mul3A_1437 = vector.broadcast %slice3A_1406 : vector<8x1xf32> to vector<8x65536xf32>
    %mul3A_1438 = arith.mulf %get3A_1436, %mul3A_1437 : vector<8x65536xf32>
    %add3A_1439 = arith.addf %get3A_1433, %mul3A_1438 : vector<8x65536xf32>
    %swap3A_1440 = arith.constant 0 : index
    %swap3A_1441 = arith.constant 631040 : index
    %swap3A_1442 = vector.load %arg3[%swap3A_1440, %swap3A_1441] : memref<8x1000000xf32, #tpu.memory_space<vmem>>, vector<8x65536xf32>
    tpu.vector_store %arg3[%swap3A_1440, %swap3A_1441], %add3A_1439 {strides = array<i32>} : memref<8x1000000xf32, #tpu.memory_space<vmem>>, vector<8x65536xf32>,
    %get3A_1443 = arith.constant 0 : index
    %get3A_1444 = arith.constant 696576 : index
    %get3A_1445 = vector.load %arg3[%get3A_1443, %get3A_1444] : memref<8x1000000xf32, #tpu.memory_space<vmem>>, vector<8x65536xf32>
    %get3A_1446 = arith.constant 0 : index
    %get3A_1447 = arith.constant 196608 : index
    %get3A_1448 = vector.load %arg5[%get3A_1446, %get3A_1447] : memref<8x500032xf32, #tpu.memory_space<vmem>>, vector<8x65536xf32>
    %mul3A_1449 = vector.broadcast %slice3A_1406 : vector<8x1xf32> to vector<8x65536xf32>
    %mul3A_1450 = arith.mulf %get3A_1448, %mul3A_1449 : vector<8x65536xf32>
    %add3A_1451 = arith.addf %get3A_1445, %mul3A_1450 : vector<8x65536xf32>
    %swap3A_1452 = arith.constant 0 : index
    %swap3A_1453 = arith.constant 696576 : index
    %swap3A_1454 = vector.load %arg3[%swap3A_1452, %swap3A_1453] : memref<8x1000000xf32, #tpu.memory_space<vmem>>, vector<8x65536xf32>
    tpu.vector_store %arg3[%swap3A_1452, %swap3A_1453], %add3A_1451 {strides = array<i32>} : memref<8x1000000xf32, #tpu.memory_space<vmem>>, vector<8x65536xf32>,
    %get3A_1455 = arith.constant 0 : index
    %get3A_1456 = arith.constant 762112 : index
    %get3A_1457 = vector.load %arg3[%get3A_1455, %get3A_1456] : memref<8x1000000xf32, #tpu.memory_space<vmem>>, vector<8x65536xf32>
    %get3A_1458 = arith.constant 0 : index
    %get3A_1459 = arith.constant 262144 : index
    %get3A_1460 = vector.load %arg5[%get3A_1458, %get3A_1459] : memref<8x500032xf32, #tpu.memory_space<vmem>>, vector<8x65536xf32>
    %mul3A_1461 = vector.broadcast %slice3A_1406 : vector<8x1xf32> to vector<8x65536xf32>
    %mul3A_1462 = arith.mulf %get3A_1460, %mul3A_1461 : vector<8x65536xf32>
    %add3A_1463 = arith.addf %get3A_1457, %mul3A_1462 : vector<8x65536xf32>
    %swap3A_1464 = arith.constant 0 : index
    %swap3A_1465 = arith.constant 762112 : index
    %swap3A_1466 = vector.load %arg3[%swap3A_1464, %swap3A_1465] : memref<8x1000000xf32, #tpu.memory_space<vmem>>, vector<8x65536xf32>
    tpu.vector_store %arg3[%swap3A_1464, %swap3A_1465], %add3A_1463 {strides = array<i32>} : memref<8x1000000xf32, #tpu.memory_space<vmem>>, vector<8x65536xf32>,
    %get3A_1467 = arith.constant 0 : index
    %get3A_1468 = arith.constant 827648 : index
    %get3A_1469 = vector.load %arg3[%get3A_1467, %get3A_1468] : memref<8x1000000xf32, #tpu.memory_space<vmem>>, vector<8x65536xf32>
    %get3A_1470 = arith.constant 0 : index
    %get3A_1471 = arith.constant 327680 : index
    %get3A_1472 = vector.load %arg5[%get3A_1470, %get3A_1471] : memref<8x500032xf32, #tpu.memory_space<vmem>>, vector<8x65536xf32>
    %mul3A_1473 = vector.broadcast %slice3A_1406 : vector<8x1xf32> to vector<8x65536xf32>
    %mul3A_1474 = arith.mulf %get3A_1472, %mul3A_1473 : vector<8x65536xf32>
    %add3A_1475 = arith.addf %get3A_1469, %mul3A_1474 : vector<8x65536xf32>
    %swap3A_1476 = arith.constant 0 : index
    %swap3A_1477 = arith.constant 827648 : index
    %swap3A_1478 = vector.load %arg3[%swap3A_1476, %swap3A_1477] : memref<8x1000000xf32, #tpu.memory_space<vmem>>, vector<8x65536xf32>
    tpu.vector_store %arg3[%swap3A_1476, %swap3A_1477], %add3A_1475 {strides = array<i32>} : memref<8x1000000xf32, #tpu.memory_space<vmem>>, vector<8x65536xf32>,
    %get3A_1479 = arith.constant 0 : index
    %get3A_1480 = arith.constant 893184 : index
    %get3A_1481 = vector.load %arg3[%get3A_1479, %get3A_1480] : memref<8x1000000xf32, #tpu.memory_space<vmem>>, vector<8x65536xf32>
    %get3A_1482 = arith.constant 0 : index
    %get3A_1483 = arith.constant 393216 : index
    %get3A_1484 = vector.load %arg5[%get3A_1482, %get3A_1483] : memref<8x500032xf32, #tpu.memory_space<vmem>>, vector<8x65536xf32>
    %mul3A_1485 = vector.broadcast %slice3A_1406 : vector<8x1xf32> to vector<8x65536xf32>
    %mul3A_1486 = arith.mulf %get3A_1484, %mul3A_1485 : vector<8x65536xf32>
    %add3A_1487 = arith.addf %get3A_1481, %mul3A_1486 : vector<8x65536xf32>
    %swap3A_1488 = arith.constant 0 : index
    %swap3A_1489 = arith.constant 893184 : index
    %swap3A_1490 = vector.load %arg3[%swap3A_1488, %swap3A_1489] : memref<8x1000000xf32, #tpu.memory_space<vmem>>, vector<8x65536xf32>
    tpu.vector_store %arg3[%swap3A_1488, %swap3A_1489], %add3A_1487 {strides = array<i32>} : memref<8x1000000xf32, #tpu.memory_space<vmem>>, vector<8x65536xf32>,
    %get3A_1491 = arith.constant 0 : index
    %get3A_1492 = arith.constant 958720 : index
    %get3A_1493 = vector.load %arg3[%get3A_1491, %get3A_1492] : memref<8x1000000xf32, #tpu.memory_space<vmem>>, vector<8x41280xf32>
    %get3A_1494 = arith.constant 0 : index
    %get3A_1495 = arith.constant 458752 : index
    %get3A_1496 = vector.load %arg5[%get3A_1494, %get3A_1495] : memref<8x500032xf32, #tpu.memory_space<vmem>>, vector<8x41280xf32>
    %mul3A_1497 = vector.broadcast %slice3A_1406 : vector<8x1xf32> to vector<8x41280xf32>
    %mul3A_1498 = arith.mulf %get3A_1496, %mul3A_1497 : vector<8x41280xf32>
    %add3A_1499 = arith.addf %get3A_1493, %mul3A_1498 : vector<8x41280xf32>
    %swap3A_1500 = arith.constant 0 : index
    %swap3A_1501 = arith.constant 958720 : index
    %swap3A_1502 = vector.load %arg3[%swap3A_1500, %swap3A_1501] : memref<8x1000000xf32, #tpu.memory_space<vmem>>, vector<8x41280xf32>
    tpu.vector_store %arg3[%swap3A_1500, %swap3A_1501], %add3A_1499 {strides = array<i32>} : memref<8x1000000xf32, #tpu.memory_space<vmem>>, vector<8x41280xf32>,
    %dma_start3A_1503 = arith.constant 0 : i32
    %dma_start3A_1504 = arith.constant 0 : i32
    %dma_start3A_1505 = tpu.memref_slice %arg5[%dma_start3A_1503, %dma_start3A_1504] : memref<8x500032xf32, #tpu.memory_space<vmem>> -> memref<8x500032xf32, #tpu.memory_space<vmem>>
    %dma_start3A_1506 = arith.constant 56 : i32
    %dma_start3A_1507 = arith.constant 499968 : i32
    %dma_start3A_1508 = tpu.memref_slice %arg0[%dma_start3A_1506, %dma_start3A_1507] : memref<64x1000000xf32, #tpu.memory_space<any>> -> memref<8x500032xf32, #tpu.memory_space<any>>
    tpu.enqueue_dma source(%dma_start3A_1508 : memref<8x500032xf32, #tpu.memory_space<any>>) target(%dma_start3A_1505 : memref<8x500032xf32, #tpu.memory_space<vmem>>) target_semaphore(%arg9 : memref<!tpu.dma_semaphore, #tpu.memory_space<semaphore_mem>>)
    %dma_wait3A_1509 = arith.constant 0 : i32
    %dma_wait3A_1510 = arith.constant 0 : i32
    %dma_wait3A_1511 = tpu.memref_slice %arg4[%dma_wait3A_1509, %dma_wait3A_1510] : memref<8x500032xf32, #tpu.memory_space<vmem>> -> memref<8x499968xf32, #tpu.memory_space<vmem>>
    %dma_wait3A_1512 = arith.constant 56 : i32
    %dma_wait3A_1513 = arith.constant 0 : i32
    %dma_wait3A_1514 = tpu.memref_slice %arg0[%dma_wait3A_1512, %dma_wait3A_1513] : memref<64x1000000xf32, #tpu.memory_space<any>> -> memref<8x499968xf32, #tpu.memory_space<any>>
    tpu.wait_dma2 semaphore(%arg8 : memref<!tpu.dma_semaphore, #tpu.memory_space<semaphore_mem>>) src(%dma_wait3A_1514 : memref<8x499968xf32, #tpu.memory_space<any>>) dst(%dma_wait3A_1511 : memref<8x499968xf32, #tpu.memory_space<vmem>>)
    %get3A_1515 = arith.constant 0 : index
    %get3A_1516 = arith.constant 896 : index
    %get3A_1517 = vector.load %arg1[%get3A_1515, %get3A_1516] : memref<8x1024xf32, #tpu.memory_space<vmem>>, vector<8x128xf32>
    %slice3A_1518 = vector.extract_strided_slice %get3A_1517 {offsets = [0, 0], sizes = [8, 1], strides = [1, 1]} : vector<8x128xf32> to vector<8x1xf32>
    %get3A_1519 = arith.constant 0 : index
    %get3A_1520 = arith.constant 0 : index
    %get3A_1521 = vector.load %arg3[%get3A_1519, %get3A_1520] : memref<8x1000000xf32, #tpu.memory_space<vmem>>, vector<8x32768xf32>
    %get3A_1522 = arith.constant 0 : index
    %get3A_1523 = arith.constant 0 : index
    %get3A_1524 = vector.load %arg4[%get3A_1522, %get3A_1523] : memref<8x500032xf32, #tpu.memory_space<vmem>>, vector<8x32768xf32>
    %mul3A_1525 = vector.broadcast %slice3A_1518 : vector<8x1xf32> to vector<8x32768xf32>
    %mul3A_1526 = arith.mulf %get3A_1524, %mul3A_1525 : vector<8x32768xf32>
    %add3A_1527 = arith.addf %get3A_1521, %mul3A_1526 : vector<8x32768xf32>
    %reduce_sum3A = arith.constant dense<0.000000e+00> : vector<32768xf32>
    %reduce_sum3A_1528 = vector.multi_reduction <add>, %add3A_1527, %reduce_sum3A [0] : vector<8x32768xf32> to vector<32768xf32>
    %swap3A_1529 = arith.constant 0 : index
    %swap3A_1530 = vector.load %arg6[%swap3A_1529] : memref<32768xf32, #tpu.memory_space<vmem>>, vector<32768xf32>
    tpu.vector_store %arg6[%swap3A_1529], %reduce_sum3A_1528 {strides = array<i32>} : memref<32768xf32, #tpu.memory_space<vmem>>, vector<32768xf32>,
    %dma_start3A_1531 = arith.constant 0 : i32
    %dma_start3A_1532 = tpu.memref_slice %arg2[%dma_start3A_1531] : memref<1000064xf32, #tpu.memory_space<any>> -> memref<32768xf32, #tpu.memory_space<any>>
    %dma_start3A_1533 = arith.constant 0 : i32
    %dma_start3A_1534 = tpu.memref_slice %arg6[%dma_start3A_1533] : memref<32768xf32, #tpu.memory_space<vmem>> -> memref<32768xf32, #tpu.memory_space<vmem>>
    tpu.enqueue_dma source(%dma_start3A_1534 : memref<32768xf32, #tpu.memory_space<vmem>>) target(%dma_start3A_1532 : memref<32768xf32, #tpu.memory_space<any>>) target_semaphore(%arg10 : memref<!tpu.dma_semaphore, #tpu.memory_space<semaphore_mem>>)
    %get3A_1535 = arith.constant 0 : index
    %get3A_1536 = arith.constant 32768 : index
    %get3A_1537 = vector.load %arg3[%get3A_1535, %get3A_1536] : memref<8x1000000xf32, #tpu.memory_space<vmem>>, vector<8x32768xf32>
    %get3A_1538 = arith.constant 0 : index
    %get3A_1539 = arith.constant 32768 : index
    %get3A_1540 = vector.load %arg4[%get3A_1538, %get3A_1539] : memref<8x500032xf32, #tpu.memory_space<vmem>>, vector<8x32768xf32>
    %mul3A_1541 = vector.broadcast %slice3A_1518 : vector<8x1xf32> to vector<8x32768xf32>
    %mul3A_1542 = arith.mulf %get3A_1540, %mul3A_1541 : vector<8x32768xf32>
    %add3A_1543 = arith.addf %get3A_1537, %mul3A_1542 : vector<8x32768xf32>
    %reduce_sum3A_1544 = arith.constant dense<0.000000e+00> : vector<32768xf32>
    %reduce_sum3A_1545 = vector.multi_reduction <add>, %add3A_1543, %reduce_sum3A_1544 [0] : vector<8x32768xf32> to vector<32768xf32>
    %swap3A_1546 = arith.constant 0 : index
    %swap3A_1547 = vector.load %arg7[%swap3A_1546] : memref<32768xf32, #tpu.memory_space<vmem>>, vector<32768xf32>
    tpu.vector_store %arg7[%swap3A_1546], %reduce_sum3A_1545 {strides = array<i32>} : memref<32768xf32, #tpu.memory_space<vmem>>, vector<32768xf32>,
    %dma_start3A_1548 = arith.constant 32768 : i32
    %dma_start3A_1549 = tpu.memref_slice %arg2[%dma_start3A_1548] : memref<1000064xf32, #tpu.memory_space<any>> -> memref<32768xf32, #tpu.memory_space<any>>
    %dma_start3A_1550 = arith.constant 0 : i32
    %dma_start3A_1551 = tpu.memref_slice %arg7[%dma_start3A_1550] : memref<32768xf32, #tpu.memory_space<vmem>> -> memref<32768xf32, #tpu.memory_space<vmem>>
    tpu.enqueue_dma source(%dma_start3A_1551 : memref<32768xf32, #tpu.memory_space<vmem>>) target(%dma_start3A_1549 : memref<32768xf32, #tpu.memory_space<any>>) target_semaphore(%arg11 : memref<!tpu.dma_semaphore, #tpu.memory_space<semaphore_mem>>)
    %get3A_1552 = arith.constant 0 : index
    %get3A_1553 = arith.constant 65536 : index
    %get3A_1554 = vector.load %arg3[%get3A_1552, %get3A_1553] : memref<8x1000000xf32, #tpu.memory_space<vmem>>, vector<8x32768xf32>
    %get3A_1555 = arith.constant 0 : index
    %get3A_1556 = arith.constant 65536 : index
    %get3A_1557 = vector.load %arg4[%get3A_1555, %get3A_1556] : memref<8x500032xf32, #tpu.memory_space<vmem>>, vector<8x32768xf32>
    %mul3A_1558 = vector.broadcast %slice3A_1518 : vector<8x1xf32> to vector<8x32768xf32>
    %mul3A_1559 = arith.mulf %get3A_1557, %mul3A_1558 : vector<8x32768xf32>
    %add3A_1560 = arith.addf %get3A_1554, %mul3A_1559 : vector<8x32768xf32>
    %reduce_sum3A_1561 = arith.constant dense<0.000000e+00> : vector<32768xf32>
    %reduce_sum3A_1562 = vector.multi_reduction <add>, %add3A_1560, %reduce_sum3A_1561 [0] : vector<8x32768xf32> to vector<32768xf32>
    %dma_wait3A_1563 = arith.constant 0 : i32
    %dma_wait3A_1564 = tpu.memref_slice %arg2[%dma_wait3A_1563] : memref<1000064xf32, #tpu.memory_space<any>> -> memref<32768xf32, #tpu.memory_space<any>>
    %dma_wait3A_1565 = arith.constant 0 : i32
    %dma_wait3A_1566 = tpu.memref_slice %arg6[%dma_wait3A_1565] : memref<32768xf32, #tpu.memory_space<vmem>> -> memref<32768xf32, #tpu.memory_space<vmem>>
    tpu.wait_dma2 semaphore(%arg10 : memref<!tpu.dma_semaphore, #tpu.memory_space<semaphore_mem>>) src(%dma_wait3A_1566 : memref<32768xf32, #tpu.memory_space<vmem>>) dst(%dma_wait3A_1564 : memref<32768xf32, #tpu.memory_space<any>>)
    %swap3A_1567 = arith.constant 0 : index
    %swap3A_1568 = vector.load %arg6[%swap3A_1567] : memref<32768xf32, #tpu.memory_space<vmem>>, vector<32768xf32>
    tpu.vector_store %arg6[%swap3A_1567], %reduce_sum3A_1562 {strides = array<i32>} : memref<32768xf32, #tpu.memory_space<vmem>>, vector<32768xf32>,
    %dma_start3A_1569 = arith.constant 65536 : i32
    %dma_start3A_1570 = tpu.memref_slice %arg2[%dma_start3A_1569] : memref<1000064xf32, #tpu.memory_space<any>> -> memref<32768xf32, #tpu.memory_space<any>>
    %dma_start3A_1571 = arith.constant 0 : i32
    %dma_start3A_1572 = tpu.memref_slice %arg6[%dma_start3A_1571] : memref<32768xf32, #tpu.memory_space<vmem>> -> memref<32768xf32, #tpu.memory_space<vmem>>
    tpu.enqueue_dma source(%dma_start3A_1572 : memref<32768xf32, #tpu.memory_space<vmem>>) target(%dma_start3A_1570 : memref<32768xf32, #tpu.memory_space<any>>) target_semaphore(%arg10 : memref<!tpu.dma_semaphore, #tpu.memory_space<semaphore_mem>>)
    %get3A_1573 = arith.constant 0 : index
    %get3A_1574 = arith.constant 98304 : index
    %get3A_1575 = vector.load %arg3[%get3A_1573, %get3A_1574] : memref<8x1000000xf32, #tpu.memory_space<vmem>>, vector<8x32768xf32>
    %get3A_1576 = arith.constant 0 : index
    %get3A_1577 = arith.constant 98304 : index
    %get3A_1578 = vector.load %arg4[%get3A_1576, %get3A_1577] : memref<8x500032xf32, #tpu.memory_space<vmem>>, vector<8x32768xf32>
    %mul3A_1579 = vector.broadcast %slice3A_1518 : vector<8x1xf32> to vector<8x32768xf32>
    %mul3A_1580 = arith.mulf %get3A_1578, %mul3A_1579 : vector<8x32768xf32>
    %add3A_1581 = arith.addf %get3A_1575, %mul3A_1580 : vector<8x32768xf32>
    %reduce_sum3A_1582 = arith.constant dense<0.000000e+00> : vector<32768xf32>
    %reduce_sum3A_1583 = vector.multi_reduction <add>, %add3A_1581, %reduce_sum3A_1582 [0] : vector<8x32768xf32> to vector<32768xf32>
    %dma_wait3A_1584 = arith.constant 32768 : i32
    %dma_wait3A_1585 = tpu.memref_slice %arg2[%dma_wait3A_1584] : memref<1000064xf32, #tpu.memory_space<any>> -> memref<32768xf32, #tpu.memory_space<any>>
    %dma_wait3A_1586 = arith.constant 0 : i32
    %dma_wait3A_1587 = tpu.memref_slice %arg7[%dma_wait3A_1586] : memref<32768xf32, #tpu.memory_space<vmem>> -> memref<32768xf32, #tpu.memory_space<vmem>>
    tpu.wait_dma2 semaphore(%arg11 : memref<!tpu.dma_semaphore, #tpu.memory_space<semaphore_mem>>) src(%dma_wait3A_1587 : memref<32768xf32, #tpu.memory_space<vmem>>) dst(%dma_wait3A_1585 : memref<32768xf32, #tpu.memory_space<any>>)
    %swap3A_1588 = arith.constant 0 : index
    %swap3A_1589 = vector.load %arg7[%swap3A_1588] : memref<32768xf32, #tpu.memory_space<vmem>>, vector<32768xf32>
    tpu.vector_store %arg7[%swap3A_1588], %reduce_sum3A_1583 {strides = array<i32>} : memref<32768xf32, #tpu.memory_space<vmem>>, vector<32768xf32>,
    %dma_start3A_1590 = arith.constant 98304 : i32
    %dma_start3A_1591 = tpu.memref_slice %arg2[%dma_start3A_1590] : memref<1000064xf32, #tpu.memory_space<any>> -> memref<32768xf32, #tpu.memory_space<any>>
    %dma_start3A_1592 = arith.constant 0 : i32
    %dma_start3A_1593 = tpu.memref_slice %arg7[%dma_start3A_1592] : memref<32768xf32, #tpu.memory_space<vmem>> -> memref<32768xf32, #tpu.memory_space<vmem>>
    tpu.enqueue_dma source(%dma_start3A_1593 : memref<32768xf32, #tpu.memory_space<vmem>>) target(%dma_start3A_1591 : memref<32768xf32, #tpu.memory_space<any>>) target_semaphore(%arg11 : memref<!tpu.dma_semaphore, #tpu.memory_space<semaphore_mem>>)
    %get3A_1594 = arith.constant 0 : index
    %get3A_1595 = arith.constant 131072 : index
    %get3A_1596 = vector.load %arg3[%get3A_1594, %get3A_1595] : memref<8x1000000xf32, #tpu.memory_space<vmem>>, vector<8x32768xf32>
    %get3A_1597 = arith.constant 0 : index
    %get3A_1598 = arith.constant 131072 : index
    %get3A_1599 = vector.load %arg4[%get3A_1597, %get3A_1598] : memref<8x500032xf32, #tpu.memory_space<vmem>>, vector<8x32768xf32>
    %mul3A_1600 = vector.broadcast %slice3A_1518 : vector<8x1xf32> to vector<8x32768xf32>
    %mul3A_1601 = arith.mulf %get3A_1599, %mul3A_1600 : vector<8x32768xf32>
    %add3A_1602 = arith.addf %get3A_1596, %mul3A_1601 : vector<8x32768xf32>
    %reduce_sum3A_1603 = arith.constant dense<0.000000e+00> : vector<32768xf32>
    %reduce_sum3A_1604 = vector.multi_reduction <add>, %add3A_1602, %reduce_sum3A_1603 [0] : vector<8x32768xf32> to vector<32768xf32>
    %dma_wait3A_1605 = arith.constant 65536 : i32
    %dma_wait3A_1606 = tpu.memref_slice %arg2[%dma_wait3A_1605] : memref<1000064xf32, #tpu.memory_space<any>> -> memref<32768xf32, #tpu.memory_space<any>>
    %dma_wait3A_1607 = arith.constant 0 : i32
    %dma_wait3A_1608 = tpu.memref_slice %arg6[%dma_wait3A_1607] : memref<32768xf32, #tpu.memory_space<vmem>> -> memref<32768xf32, #tpu.memory_space<vmem>>
    tpu.wait_dma2 semaphore(%arg10 : memref<!tpu.dma_semaphore, #tpu.memory_space<semaphore_mem>>) src(%dma_wait3A_1608 : memref<32768xf32, #tpu.memory_space<vmem>>) dst(%dma_wait3A_1606 : memref<32768xf32, #tpu.memory_space<any>>)
    %swap3A_1609 = arith.constant 0 : index
    %swap3A_1610 = vector.load %arg6[%swap3A_1609] : memref<32768xf32, #tpu.memory_space<vmem>>, vector<32768xf32>
    tpu.vector_store %arg6[%swap3A_1609], %reduce_sum3A_1604 {strides = array<i32>} : memref<32768xf32, #tpu.memory_space<vmem>>, vector<32768xf32>,
    %dma_start3A_1611 = arith.constant 131072 : i32
    %dma_start3A_1612 = tpu.memref_slice %arg2[%dma_start3A_1611] : memref<1000064xf32, #tpu.memory_space<any>> -> memref<32768xf32, #tpu.memory_space<any>>
    %dma_start3A_1613 = arith.constant 0 : i32
    %dma_start3A_1614 = tpu.memref_slice %arg6[%dma_start3A_1613] : memref<32768xf32, #tpu.memory_space<vmem>> -> memref<32768xf32, #tpu.memory_space<vmem>>
    tpu.enqueue_dma source(%dma_start3A_1614 : memref<32768xf32, #tpu.memory_space<vmem>>) target(%dma_start3A_1612 : memref<32768xf32, #tpu.memory_space<any>>) target_semaphore(%arg10 : memref<!tpu.dma_semaphore, #tpu.memory_space<semaphore_mem>>)
    %get3A_1615 = arith.constant 0 : index
    %get3A_1616 = arith.constant 163840 : index
    %get3A_1617 = vector.load %arg3[%get3A_1615, %get3A_1616] : memref<8x1000000xf32, #tpu.memory_space<vmem>>, vector<8x32768xf32>
    %get3A_1618 = arith.constant 0 : index
    %get3A_1619 = arith.constant 163840 : index
    %get3A_1620 = vector.load %arg4[%get3A_1618, %get3A_1619] : memref<8x500032xf32, #tpu.memory_space<vmem>>, vector<8x32768xf32>
    %mul3A_1621 = vector.broadcast %slice3A_1518 : vector<8x1xf32> to vector<8x32768xf32>
    %mul3A_1622 = arith.mulf %get3A_1620, %mul3A_1621 : vector<8x32768xf32>
    %add3A_1623 = arith.addf %get3A_1617, %mul3A_1622 : vector<8x32768xf32>
    %reduce_sum3A_1624 = arith.constant dense<0.000000e+00> : vector<32768xf32>
    %reduce_sum3A_1625 = vector.multi_reduction <add>, %add3A_1623, %reduce_sum3A_1624 [0] : vector<8x32768xf32> to vector<32768xf32>
    %dma_wait3A_1626 = arith.constant 98304 : i32
    %dma_wait3A_1627 = tpu.memref_slice %arg2[%dma_wait3A_1626] : memref<1000064xf32, #tpu.memory_space<any>> -> memref<32768xf32, #tpu.memory_space<any>>
    %dma_wait3A_1628 = arith.constant 0 : i32
    %dma_wait3A_1629 = tpu.memref_slice %arg7[%dma_wait3A_1628] : memref<32768xf32, #tpu.memory_space<vmem>> -> memref<32768xf32, #tpu.memory_space<vmem>>
    tpu.wait_dma2 semaphore(%arg11 : memref<!tpu.dma_semaphore, #tpu.memory_space<semaphore_mem>>) src(%dma_wait3A_1629 : memref<32768xf32, #tpu.memory_space<vmem>>) dst(%dma_wait3A_1627 : memref<32768xf32, #tpu.memory_space<any>>)
    %swap3A_1630 = arith.constant 0 : index
    %swap3A_1631 = vector.load %arg7[%swap3A_1630] : memref<32768xf32, #tpu.memory_space<vmem>>, vector<32768xf32>
    tpu.vector_store %arg7[%swap3A_1630], %reduce_sum3A_1625 {strides = array<i32>} : memref<32768xf32, #tpu.memory_space<vmem>>, vector<32768xf32>,
    %dma_start3A_1632 = arith.constant 163840 : i32
    %dma_start3A_1633 = tpu.memref_slice %arg2[%dma_start3A_1632] : memref<1000064xf32, #tpu.memory_space<any>> -> memref<32768xf32, #tpu.memory_space<any>>
    %dma_start3A_1634 = arith.constant 0 : i32
    %dma_start3A_1635 = tpu.memref_slice %arg7[%dma_start3A_1634] : memref<32768xf32, #tpu.memory_space<vmem>> -> memref<32768xf32, #tpu.memory_space<vmem>>
    tpu.enqueue_dma source(%dma_start3A_1635 : memref<32768xf32, #tpu.memory_space<vmem>>) target(%dma_start3A_1633 : memref<32768xf32, #tpu.memory_space<any>>) target_semaphore(%arg11 : memref<!tpu.dma_semaphore, #tpu.memory_space<semaphore_mem>>)
    %get3A_1636 = arith.constant 0 : index
    %get3A_1637 = arith.constant 196608 : index
    %get3A_1638 = vector.load %arg3[%get3A_1636, %get3A_1637] : memref<8x1000000xf32, #tpu.memory_space<vmem>>, vector<8x32768xf32>
    %get3A_1639 = arith.constant 0 : index
    %get3A_1640 = arith.constant 196608 : index
    %get3A_1641 = vector.load %arg4[%get3A_1639, %get3A_1640] : memref<8x500032xf32, #tpu.memory_space<vmem>>, vector<8x32768xf32>
    %mul3A_1642 = vector.broadcast %slice3A_1518 : vector<8x1xf32> to vector<8x32768xf32>
    %mul3A_1643 = arith.mulf %get3A_1641, %mul3A_1642 : vector<8x32768xf32>
    %add3A_1644 = arith.addf %get3A_1638, %mul3A_1643 : vector<8x32768xf32>
    %reduce_sum3A_1645 = arith.constant dense<0.000000e+00> : vector<32768xf32>
    %reduce_sum3A_1646 = vector.multi_reduction <add>, %add3A_1644, %reduce_sum3A_1645 [0] : vector<8x32768xf32> to vector<32768xf32>
    %dma_wait3A_1647 = arith.constant 131072 : i32
    %dma_wait3A_1648 = tpu.memref_slice %arg2[%dma_wait3A_1647] : memref<1000064xf32, #tpu.memory_space<any>> -> memref<32768xf32, #tpu.memory_space<any>>
    %dma_wait3A_1649 = arith.constant 0 : i32
    %dma_wait3A_1650 = tpu.memref_slice %arg6[%dma_wait3A_1649] : memref<32768xf32, #tpu.memory_space<vmem>> -> memref<32768xf32, #tpu.memory_space<vmem>>
    tpu.wait_dma2 semaphore(%arg10 : memref<!tpu.dma_semaphore, #tpu.memory_space<semaphore_mem>>) src(%dma_wait3A_1650 : memref<32768xf32, #tpu.memory_space<vmem>>) dst(%dma_wait3A_1648 : memref<32768xf32, #tpu.memory_space<any>>)
    %swap3A_1651 = arith.constant 0 : index
    %swap3A_1652 = vector.load %arg6[%swap3A_1651] : memref<32768xf32, #tpu.memory_space<vmem>>, vector<32768xf32>
    tpu.vector_store %arg6[%swap3A_1651], %reduce_sum3A_1646 {strides = array<i32>} : memref<32768xf32, #tpu.memory_space<vmem>>, vector<32768xf32>,
    %dma_start3A_1653 = arith.constant 196608 : i32
    %dma_start3A_1654 = tpu.memref_slice %arg2[%dma_start3A_1653] : memref<1000064xf32, #tpu.memory_space<any>> -> memref<32768xf32, #tpu.memory_space<any>>
    %dma_start3A_1655 = arith.constant 0 : i32
    %dma_start3A_1656 = tpu.memref_slice %arg6[%dma_start3A_1655] : memref<32768xf32, #tpu.memory_space<vmem>> -> memref<32768xf32, #tpu.memory_space<vmem>>
    tpu.enqueue_dma source(%dma_start3A_1656 : memref<32768xf32, #tpu.memory_space<vmem>>) target(%dma_start3A_1654 : memref<32768xf32, #tpu.memory_space<any>>) target_semaphore(%arg10 : memref<!tpu.dma_semaphore, #tpu.memory_space<semaphore_mem>>)
    %get3A_1657 = arith.constant 0 : index
    %get3A_1658 = arith.constant 229376 : index
    %get3A_1659 = vector.load %arg3[%get3A_1657, %get3A_1658] : memref<8x1000000xf32, #tpu.memory_space<vmem>>, vector<8x32768xf32>
    %get3A_1660 = arith.constant 0 : index
    %get3A_1661 = arith.constant 229376 : index
    %get3A_1662 = vector.load %arg4[%get3A_1660, %get3A_1661] : memref<8x500032xf32, #tpu.memory_space<vmem>>, vector<8x32768xf32>
    %mul3A_1663 = vector.broadcast %slice3A_1518 : vector<8x1xf32> to vector<8x32768xf32>
    %mul3A_1664 = arith.mulf %get3A_1662, %mul3A_1663 : vector<8x32768xf32>
    %add3A_1665 = arith.addf %get3A_1659, %mul3A_1664 : vector<8x32768xf32>
    %reduce_sum3A_1666 = arith.constant dense<0.000000e+00> : vector<32768xf32>
    %reduce_sum3A_1667 = vector.multi_reduction <add>, %add3A_1665, %reduce_sum3A_1666 [0] : vector<8x32768xf32> to vector<32768xf32>
    %dma_wait3A_1668 = arith.constant 163840 : i32
    %dma_wait3A_1669 = tpu.memref_slice %arg2[%dma_wait3A_1668] : memref<1000064xf32, #tpu.memory_space<any>> -> memref<32768xf32, #tpu.memory_space<any>>
    %dma_wait3A_1670 = arith.constant 0 : i32
    %dma_wait3A_1671 = tpu.memref_slice %arg7[%dma_wait3A_1670] : memref<32768xf32, #tpu.memory_space<vmem>> -> memref<32768xf32, #tpu.memory_space<vmem>>
    tpu.wait_dma2 semaphore(%arg11 : memref<!tpu.dma_semaphore, #tpu.memory_space<semaphore_mem>>) src(%dma_wait3A_1671 : memref<32768xf32, #tpu.memory_space<vmem>>) dst(%dma_wait3A_1669 : memref<32768xf32, #tpu.memory_space<any>>)
    %swap3A_1672 = arith.constant 0 : index
    %swap3A_1673 = vector.load %arg7[%swap3A_1672] : memref<32768xf32, #tpu.memory_space<vmem>>, vector<32768xf32>
    tpu.vector_store %arg7[%swap3A_1672], %reduce_sum3A_1667 {strides = array<i32>} : memref<32768xf32, #tpu.memory_space<vmem>>, vector<32768xf32>,
    %dma_start3A_1674 = arith.constant 229376 : i32
    %dma_start3A_1675 = tpu.memref_slice %arg2[%dma_start3A_1674] : memref<1000064xf32, #tpu.memory_space<any>> -> memref<32768xf32, #tpu.memory_space<any>>
    %dma_start3A_1676 = arith.constant 0 : i32
    %dma_start3A_1677 = tpu.memref_slice %arg7[%dma_start3A_1676] : memref<32768xf32, #tpu.memory_space<vmem>> -> memref<32768xf32, #tpu.memory_space<vmem>>
    tpu.enqueue_dma source(%dma_start3A_1677 : memref<32768xf32, #tpu.memory_space<vmem>>) target(%dma_start3A_1675 : memref<32768xf32, #tpu.memory_space<any>>) target_semaphore(%arg11 : memref<!tpu.dma_semaphore, #tpu.memory_space<semaphore_mem>>)
    %get3A_1678 = arith.constant 0 : index
    %get3A_1679 = arith.constant 262144 : index
    %get3A_1680 = vector.load %arg3[%get3A_1678, %get3A_1679] : memref<8x1000000xf32, #tpu.memory_space<vmem>>, vector<8x32768xf32>
    %get3A_1681 = arith.constant 0 : index
    %get3A_1682 = arith.constant 262144 : index
    %get3A_1683 = vector.load %arg4[%get3A_1681, %get3A_1682] : memref<8x500032xf32, #tpu.memory_space<vmem>>, vector<8x32768xf32>
    %mul3A_1684 = vector.broadcast %slice3A_1518 : vector<8x1xf32> to vector<8x32768xf32>
    %mul3A_1685 = arith.mulf %get3A_1683, %mul3A_1684 : vector<8x32768xf32>
    %add3A_1686 = arith.addf %get3A_1680, %mul3A_1685 : vector<8x32768xf32>
    %reduce_sum3A_1687 = arith.constant dense<0.000000e+00> : vector<32768xf32>
    %reduce_sum3A_1688 = vector.multi_reduction <add>, %add3A_1686, %reduce_sum3A_1687 [0] : vector<8x32768xf32> to vector<32768xf32>
    %dma_wait3A_1689 = arith.constant 196608 : i32
    %dma_wait3A_1690 = tpu.memref_slice %arg2[%dma_wait3A_1689] : memref<1000064xf32, #tpu.memory_space<any>> -> memref<32768xf32, #tpu.memory_space<any>>
    %dma_wait3A_1691 = arith.constant 0 : i32
    %dma_wait3A_1692 = tpu.memref_slice %arg6[%dma_wait3A_1691] : memref<32768xf32, #tpu.memory_space<vmem>> -> memref<32768xf32, #tpu.memory_space<vmem>>
    tpu.wait_dma2 semaphore(%arg10 : memref<!tpu.dma_semaphore, #tpu.memory_space<semaphore_mem>>) src(%dma_wait3A_1692 : memref<32768xf32, #tpu.memory_space<vmem>>) dst(%dma_wait3A_1690 : memref<32768xf32, #tpu.memory_space<any>>)
    %swap3A_1693 = arith.constant 0 : index
    %swap3A_1694 = vector.load %arg6[%swap3A_1693] : memref<32768xf32, #tpu.memory_space<vmem>>, vector<32768xf32>
    tpu.vector_store %arg6[%swap3A_1693], %reduce_sum3A_1688 {strides = array<i32>} : memref<32768xf32, #tpu.memory_space<vmem>>, vector<32768xf32>,
    %dma_start3A_1695 = arith.constant 262144 : i32
    %dma_start3A_1696 = tpu.memref_slice %arg2[%dma_start3A_1695] : memref<1000064xf32, #tpu.memory_space<any>> -> memref<32768xf32, #tpu.memory_space<any>>
    %dma_start3A_1697 = arith.constant 0 : i32
    %dma_start3A_1698 = tpu.memref_slice %arg6[%dma_start3A_1697] : memref<32768xf32, #tpu.memory_space<vmem>> -> memref<32768xf32, #tpu.memory_space<vmem>>
    tpu.enqueue_dma source(%dma_start3A_1698 : memref<32768xf32, #tpu.memory_space<vmem>>) target(%dma_start3A_1696 : memref<32768xf32, #tpu.memory_space<any>>) target_semaphore(%arg10 : memref<!tpu.dma_semaphore, #tpu.memory_space<semaphore_mem>>)
    %get3A_1699 = arith.constant 0 : index
    %get3A_1700 = arith.constant 294912 : index
    %get3A_1701 = vector.load %arg3[%get3A_1699, %get3A_1700] : memref<8x1000000xf32, #tpu.memory_space<vmem>>, vector<8x32768xf32>
    %get3A_1702 = arith.constant 0 : index
    %get3A_1703 = arith.constant 294912 : index
    %get3A_1704 = vector.load %arg4[%get3A_1702, %get3A_1703] : memref<8x500032xf32, #tpu.memory_space<vmem>>, vector<8x32768xf32>
    %mul3A_1705 = vector.broadcast %slice3A_1518 : vector<8x1xf32> to vector<8x32768xf32>
    %mul3A_1706 = arith.mulf %get3A_1704, %mul3A_1705 : vector<8x32768xf32>
    %add3A_1707 = arith.addf %get3A_1701, %mul3A_1706 : vector<8x32768xf32>
    %reduce_sum3A_1708 = arith.constant dense<0.000000e+00> : vector<32768xf32>
    %reduce_sum3A_1709 = vector.multi_reduction <add>, %add3A_1707, %reduce_sum3A_1708 [0] : vector<8x32768xf32> to vector<32768xf32>
    %dma_wait3A_1710 = arith.constant 229376 : i32
    %dma_wait3A_1711 = tpu.memref_slice %arg2[%dma_wait3A_1710] : memref<1000064xf32, #tpu.memory_space<any>> -> memref<32768xf32, #tpu.memory_space<any>>
    %dma_wait3A_1712 = arith.constant 0 : i32
    %dma_wait3A_1713 = tpu.memref_slice %arg7[%dma_wait3A_1712] : memref<32768xf32, #tpu.memory_space<vmem>> -> memref<32768xf32, #tpu.memory_space<vmem>>
    tpu.wait_dma2 semaphore(%arg11 : memref<!tpu.dma_semaphore, #tpu.memory_space<semaphore_mem>>) src(%dma_wait3A_1713 : memref<32768xf32, #tpu.memory_space<vmem>>) dst(%dma_wait3A_1711 : memref<32768xf32, #tpu.memory_space<any>>)
    %swap3A_1714 = arith.constant 0 : index
    %swap3A_1715 = vector.load %arg7[%swap3A_1714] : memref<32768xf32, #tpu.memory_space<vmem>>, vector<32768xf32>
    tpu.vector_store %arg7[%swap3A_1714], %reduce_sum3A_1709 {strides = array<i32>} : memref<32768xf32, #tpu.memory_space<vmem>>, vector<32768xf32>,
    %dma_start3A_1716 = arith.constant 294912 : i32
    %dma_start3A_1717 = tpu.memref_slice %arg2[%dma_start3A_1716] : memref<1000064xf32, #tpu.memory_space<any>> -> memref<32768xf32, #tpu.memory_space<any>>
    %dma_start3A_1718 = arith.constant 0 : i32
    %dma_start3A_1719 = tpu.memref_slice %arg7[%dma_start3A_1718] : memref<32768xf32, #tpu.memory_space<vmem>> -> memref<32768xf32, #tpu.memory_space<vmem>>
    tpu.enqueue_dma source(%dma_start3A_1719 : memref<32768xf32, #tpu.memory_space<vmem>>) target(%dma_start3A_1717 : memref<32768xf32, #tpu.memory_space<any>>) target_semaphore(%arg11 : memref<!tpu.dma_semaphore, #tpu.memory_space<semaphore_mem>>)
    %get3A_1720 = arith.constant 0 : index
    %get3A_1721 = arith.constant 327680 : index
    %get3A_1722 = vector.load %arg3[%get3A_1720, %get3A_1721] : memref<8x1000000xf32, #tpu.memory_space<vmem>>, vector<8x32768xf32>
    %get3A_1723 = arith.constant 0 : index
    %get3A_1724 = arith.constant 327680 : index
    %get3A_1725 = vector.load %arg4[%get3A_1723, %get3A_1724] : memref<8x500032xf32, #tpu.memory_space<vmem>>, vector<8x32768xf32>
    %mul3A_1726 = vector.broadcast %slice3A_1518 : vector<8x1xf32> to vector<8x32768xf32>
    %mul3A_1727 = arith.mulf %get3A_1725, %mul3A_1726 : vector<8x32768xf32>
    %add3A_1728 = arith.addf %get3A_1722, %mul3A_1727 : vector<8x32768xf32>
    %reduce_sum3A_1729 = arith.constant dense<0.000000e+00> : vector<32768xf32>
    %reduce_sum3A_1730 = vector.multi_reduction <add>, %add3A_1728, %reduce_sum3A_1729 [0] : vector<8x32768xf32> to vector<32768xf32>
    %dma_wait3A_1731 = arith.constant 262144 : i32
    %dma_wait3A_1732 = tpu.memref_slice %arg2[%dma_wait3A_1731] : memref<1000064xf32, #tpu.memory_space<any>> -> memref<32768xf32, #tpu.memory_space<any>>
    %dma_wait3A_1733 = arith.constant 0 : i32
    %dma_wait3A_1734 = tpu.memref_slice %arg6[%dma_wait3A_1733] : memref<32768xf32, #tpu.memory_space<vmem>> -> memref<32768xf32, #tpu.memory_space<vmem>>
    tpu.wait_dma2 semaphore(%arg10 : memref<!tpu.dma_semaphore, #tpu.memory_space<semaphore_mem>>) src(%dma_wait3A_1734 : memref<32768xf32, #tpu.memory_space<vmem>>) dst(%dma_wait3A_1732 : memref<32768xf32, #tpu.memory_space<any>>)
    %swap3A_1735 = arith.constant 0 : index
    %swap3A_1736 = vector.load %arg6[%swap3A_1735] : memref<32768xf32, #tpu.memory_space<vmem>>, vector<32768xf32>
    tpu.vector_store %arg6[%swap3A_1735], %reduce_sum3A_1730 {strides = array<i32>} : memref<32768xf32, #tpu.memory_space<vmem>>, vector<32768xf32>,
    %dma_start3A_1737 = arith.constant 327680 : i32
    %dma_start3A_1738 = tpu.memref_slice %arg2[%dma_start3A_1737] : memref<1000064xf32, #tpu.memory_space<any>> -> memref<32768xf32, #tpu.memory_space<any>>
    %dma_start3A_1739 = arith.constant 0 : i32
    %dma_start3A_1740 = tpu.memref_slice %arg6[%dma_start3A_1739] : memref<32768xf32, #tpu.memory_space<vmem>> -> memref<32768xf32, #tpu.memory_space<vmem>>
    tpu.enqueue_dma source(%dma_start3A_1740 : memref<32768xf32, #tpu.memory_space<vmem>>) target(%dma_start3A_1738 : memref<32768xf32, #tpu.memory_space<any>>) target_semaphore(%arg10 : memref<!tpu.dma_semaphore, #tpu.memory_space<semaphore_mem>>)
    %get3A_1741 = arith.constant 0 : index
    %get3A_1742 = arith.constant 360448 : index
    %get3A_1743 = vector.load %arg3[%get3A_1741, %get3A_1742] : memref<8x1000000xf32, #tpu.memory_space<vmem>>, vector<8x32768xf32>
    %get3A_1744 = arith.constant 0 : index
    %get3A_1745 = arith.constant 360448 : index
    %get3A_1746 = vector.load %arg4[%get3A_1744, %get3A_1745] : memref<8x500032xf32, #tpu.memory_space<vmem>>, vector<8x32768xf32>
    %mul3A_1747 = vector.broadcast %slice3A_1518 : vector<8x1xf32> to vector<8x32768xf32>
    %mul3A_1748 = arith.mulf %get3A_1746, %mul3A_1747 : vector<8x32768xf32>
    %add3A_1749 = arith.addf %get3A_1743, %mul3A_1748 : vector<8x32768xf32>
    %reduce_sum3A_1750 = arith.constant dense<0.000000e+00> : vector<32768xf32>
    %reduce_sum3A_1751 = vector.multi_reduction <add>, %add3A_1749, %reduce_sum3A_1750 [0] : vector<8x32768xf32> to vector<32768xf32>
    %dma_wait3A_1752 = arith.constant 294912 : i32
    %dma_wait3A_1753 = tpu.memref_slice %arg2[%dma_wait3A_1752] : memref<1000064xf32, #tpu.memory_space<any>> -> memref<32768xf32, #tpu.memory_space<any>>
    %dma_wait3A_1754 = arith.constant 0 : i32
    %dma_wait3A_1755 = tpu.memref_slice %arg7[%dma_wait3A_1754] : memref<32768xf32, #tpu.memory_space<vmem>> -> memref<32768xf32, #tpu.memory_space<vmem>>
    tpu.wait_dma2 semaphore(%arg11 : memref<!tpu.dma_semaphore, #tpu.memory_space<semaphore_mem>>) src(%dma_wait3A_1755 : memref<32768xf32, #tpu.memory_space<vmem>>) dst(%dma_wait3A_1753 : memref<32768xf32, #tpu.memory_space<any>>)
    %swap3A_1756 = arith.constant 0 : index
    %swap3A_1757 = vector.load %arg7[%swap3A_1756] : memref<32768xf32, #tpu.memory_space<vmem>>, vector<32768xf32>
    tpu.vector_store %arg7[%swap3A_1756], %reduce_sum3A_1751 {strides = array<i32>} : memref<32768xf32, #tpu.memory_space<vmem>>, vector<32768xf32>,
    %dma_start3A_1758 = arith.constant 360448 : i32
    %dma_start3A_1759 = tpu.memref_slice %arg2[%dma_start3A_1758] : memref<1000064xf32, #tpu.memory_space<any>> -> memref<32768xf32, #tpu.memory_space<any>>
    %dma_start3A_1760 = arith.constant 0 : i32
    %dma_start3A_1761 = tpu.memref_slice %arg7[%dma_start3A_1760] : memref<32768xf32, #tpu.memory_space<vmem>> -> memref<32768xf32, #tpu.memory_space<vmem>>
    tpu.enqueue_dma source(%dma_start3A_1761 : memref<32768xf32, #tpu.memory_space<vmem>>) target(%dma_start3A_1759 : memref<32768xf32, #tpu.memory_space<any>>) target_semaphore(%arg11 : memref<!tpu.dma_semaphore, #tpu.memory_space<semaphore_mem>>)
    %get3A_1762 = arith.constant 0 : index
    %get3A_1763 = arith.constant 393216 : index
    %get3A_1764 = vector.load %arg3[%get3A_1762, %get3A_1763] : memref<8x1000000xf32, #tpu.memory_space<vmem>>, vector<8x32768xf32>
    %get3A_1765 = arith.constant 0 : index
    %get3A_1766 = arith.constant 393216 : index
    %get3A_1767 = vector.load %arg4[%get3A_1765, %get3A_1766] : memref<8x500032xf32, #tpu.memory_space<vmem>>, vector<8x32768xf32>
    %mul3A_1768 = vector.broadcast %slice3A_1518 : vector<8x1xf32> to vector<8x32768xf32>
    %mul3A_1769 = arith.mulf %get3A_1767, %mul3A_1768 : vector<8x32768xf32>
    %add3A_1770 = arith.addf %get3A_1764, %mul3A_1769 : vector<8x32768xf32>
    %reduce_sum3A_1771 = arith.constant dense<0.000000e+00> : vector<32768xf32>
    %reduce_sum3A_1772 = vector.multi_reduction <add>, %add3A_1770, %reduce_sum3A_1771 [0] : vector<8x32768xf32> to vector<32768xf32>
    %dma_wait3A_1773 = arith.constant 327680 : i32
    %dma_wait3A_1774 = tpu.memref_slice %arg2[%dma_wait3A_1773] : memref<1000064xf32, #tpu.memory_space<any>> -> memref<32768xf32, #tpu.memory_space<any>>
    %dma_wait3A_1775 = arith.constant 0 : i32
    %dma_wait3A_1776 = tpu.memref_slice %arg6[%dma_wait3A_1775] : memref<32768xf32, #tpu.memory_space<vmem>> -> memref<32768xf32, #tpu.memory_space<vmem>>
    tpu.wait_dma2 semaphore(%arg10 : memref<!tpu.dma_semaphore, #tpu.memory_space<semaphore_mem>>) src(%dma_wait3A_1776 : memref<32768xf32, #tpu.memory_space<vmem>>) dst(%dma_wait3A_1774 : memref<32768xf32, #tpu.memory_space<any>>)
    %swap3A_1777 = arith.constant 0 : index
    %swap3A_1778 = vector.load %arg6[%swap3A_1777] : memref<32768xf32, #tpu.memory_space<vmem>>, vector<32768xf32>
    tpu.vector_store %arg6[%swap3A_1777], %reduce_sum3A_1772 {strides = array<i32>} : memref<32768xf32, #tpu.memory_space<vmem>>, vector<32768xf32>,
    %dma_start3A_1779 = arith.constant 393216 : i32
    %dma_start3A_1780 = tpu.memref_slice %arg2[%dma_start3A_1779] : memref<1000064xf32, #tpu.memory_space<any>> -> memref<32768xf32, #tpu.memory_space<any>>
    %dma_start3A_1781 = arith.constant 0 : i32
    %dma_start3A_1782 = tpu.memref_slice %arg6[%dma_start3A_1781] : memref<32768xf32, #tpu.memory_space<vmem>> -> memref<32768xf32, #tpu.memory_space<vmem>>
    tpu.enqueue_dma source(%dma_start3A_1782 : memref<32768xf32, #tpu.memory_space<vmem>>) target(%dma_start3A_1780 : memref<32768xf32, #tpu.memory_space<any>>) target_semaphore(%arg10 : memref<!tpu.dma_semaphore, #tpu.memory_space<semaphore_mem>>)
    %get3A_1783 = arith.constant 0 : index
    %get3A_1784 = arith.constant 425984 : index
    %get3A_1785 = vector.load %arg3[%get3A_1783, %get3A_1784] : memref<8x1000000xf32, #tpu.memory_space<vmem>>, vector<8x32768xf32>
    %get3A_1786 = arith.constant 0 : index
    %get3A_1787 = arith.constant 425984 : index
    %get3A_1788 = vector.load %arg4[%get3A_1786, %get3A_1787] : memref<8x500032xf32, #tpu.memory_space<vmem>>, vector<8x32768xf32>
    %mul3A_1789 = vector.broadcast %slice3A_1518 : vector<8x1xf32> to vector<8x32768xf32>
    %mul3A_1790 = arith.mulf %get3A_1788, %mul3A_1789 : vector<8x32768xf32>
    %add3A_1791 = arith.addf %get3A_1785, %mul3A_1790 : vector<8x32768xf32>
    %reduce_sum3A_1792 = arith.constant dense<0.000000e+00> : vector<32768xf32>
    %reduce_sum3A_1793 = vector.multi_reduction <add>, %add3A_1791, %reduce_sum3A_1792 [0] : vector<8x32768xf32> to vector<32768xf32>
    %dma_wait3A_1794 = arith.constant 360448 : i32
    %dma_wait3A_1795 = tpu.memref_slice %arg2[%dma_wait3A_1794] : memref<1000064xf32, #tpu.memory_space<any>> -> memref<32768xf32, #tpu.memory_space<any>>
    %dma_wait3A_1796 = arith.constant 0 : i32
    %dma_wait3A_1797 = tpu.memref_slice %arg7[%dma_wait3A_1796] : memref<32768xf32, #tpu.memory_space<vmem>> -> memref<32768xf32, #tpu.memory_space<vmem>>
    tpu.wait_dma2 semaphore(%arg11 : memref<!tpu.dma_semaphore, #tpu.memory_space<semaphore_mem>>) src(%dma_wait3A_1797 : memref<32768xf32, #tpu.memory_space<vmem>>) dst(%dma_wait3A_1795 : memref<32768xf32, #tpu.memory_space<any>>)
    %swap3A_1798 = arith.constant 0 : index
    %swap3A_1799 = vector.load %arg7[%swap3A_1798] : memref<32768xf32, #tpu.memory_space<vmem>>, vector<32768xf32>
    tpu.vector_store %arg7[%swap3A_1798], %reduce_sum3A_1793 {strides = array<i32>} : memref<32768xf32, #tpu.memory_space<vmem>>, vector<32768xf32>,
    %dma_start3A_1800 = arith.constant 425984 : i32
    %dma_start3A_1801 = tpu.memref_slice %arg2[%dma_start3A_1800] : memref<1000064xf32, #tpu.memory_space<any>> -> memref<32768xf32, #tpu.memory_space<any>>
    %dma_start3A_1802 = arith.constant 0 : i32
    %dma_start3A_1803 = tpu.memref_slice %arg7[%dma_start3A_1802] : memref<32768xf32, #tpu.memory_space<vmem>> -> memref<32768xf32, #tpu.memory_space<vmem>>
    tpu.enqueue_dma source(%dma_start3A_1803 : memref<32768xf32, #tpu.memory_space<vmem>>) target(%dma_start3A_1801 : memref<32768xf32, #tpu.memory_space<any>>) target_semaphore(%arg11 : memref<!tpu.dma_semaphore, #tpu.memory_space<semaphore_mem>>)
    %get3A_1804 = arith.constant 0 : index
    %get3A_1805 = arith.constant 458752 : index
    %get3A_1806 = vector.load %arg3[%get3A_1804, %get3A_1805] : memref<8x1000000xf32, #tpu.memory_space<vmem>>, vector<8x32768xf32>
    %get3A_1807 = arith.constant 0 : index
    %get3A_1808 = arith.constant 458752 : index
    %get3A_1809 = vector.load %arg4[%get3A_1807, %get3A_1808] : memref<8x500032xf32, #tpu.memory_space<vmem>>, vector<8x32768xf32>
    %mul3A_1810 = vector.broadcast %slice3A_1518 : vector<8x1xf32> to vector<8x32768xf32>
    %mul3A_1811 = arith.mulf %get3A_1809, %mul3A_1810 : vector<8x32768xf32>
    %add3A_1812 = arith.addf %get3A_1806, %mul3A_1811 : vector<8x32768xf32>
    %reduce_sum3A_1813 = arith.constant dense<0.000000e+00> : vector<32768xf32>
    %reduce_sum3A_1814 = vector.multi_reduction <add>, %add3A_1812, %reduce_sum3A_1813 [0] : vector<8x32768xf32> to vector<32768xf32>
    %dma_wait3A_1815 = arith.constant 393216 : i32
    %dma_wait3A_1816 = tpu.memref_slice %arg2[%dma_wait3A_1815] : memref<1000064xf32, #tpu.memory_space<any>> -> memref<32768xf32, #tpu.memory_space<any>>
    %dma_wait3A_1817 = arith.constant 0 : i32
    %dma_wait3A_1818 = tpu.memref_slice %arg6[%dma_wait3A_1817] : memref<32768xf32, #tpu.memory_space<vmem>> -> memref<32768xf32, #tpu.memory_space<vmem>>
    tpu.wait_dma2 semaphore(%arg10 : memref<!tpu.dma_semaphore, #tpu.memory_space<semaphore_mem>>) src(%dma_wait3A_1818 : memref<32768xf32, #tpu.memory_space<vmem>>) dst(%dma_wait3A_1816 : memref<32768xf32, #tpu.memory_space<any>>)
    %swap3A_1819 = arith.constant 0 : index
    %swap3A_1820 = vector.load %arg6[%swap3A_1819] : memref<32768xf32, #tpu.memory_space<vmem>>, vector<32768xf32>
    tpu.vector_store %arg6[%swap3A_1819], %reduce_sum3A_1814 {strides = array<i32>} : memref<32768xf32, #tpu.memory_space<vmem>>, vector<32768xf32>,
    %dma_start3A_1821 = arith.constant 458752 : i32
    %dma_start3A_1822 = tpu.memref_slice %arg2[%dma_start3A_1821] : memref<1000064xf32, #tpu.memory_space<any>> -> memref<32768xf32, #tpu.memory_space<any>>
    %dma_start3A_1823 = arith.constant 0 : i32
    %dma_start3A_1824 = tpu.memref_slice %arg6[%dma_start3A_1823] : memref<32768xf32, #tpu.memory_space<vmem>> -> memref<32768xf32, #tpu.memory_space<vmem>>
    tpu.enqueue_dma source(%dma_start3A_1824 : memref<32768xf32, #tpu.memory_space<vmem>>) target(%dma_start3A_1822 : memref<32768xf32, #tpu.memory_space<any>>) target_semaphore(%arg10 : memref<!tpu.dma_semaphore, #tpu.memory_space<semaphore_mem>>)
    %get3A_1825 = arith.constant 0 : index
    %get3A_1826 = arith.constant 491520 : index
    %get3A_1827 = vector.load %arg3[%get3A_1825, %get3A_1826] : memref<8x1000000xf32, #tpu.memory_space<vmem>>, vector<8x8448xf32>
    %get3A_1828 = arith.constant 0 : index
    %get3A_1829 = arith.constant 491520 : index
    %get3A_1830 = vector.load %arg4[%get3A_1828, %get3A_1829] : memref<8x500032xf32, #tpu.memory_space<vmem>>, vector<8x8448xf32>
    %mul3A_1831 = vector.broadcast %slice3A_1518 : vector<8x1xf32> to vector<8x8448xf32>
    %mul3A_1832 = arith.mulf %get3A_1830, %mul3A_1831 : vector<8x8448xf32>
    %add3A_1833 = arith.addf %get3A_1827, %mul3A_1832 : vector<8x8448xf32>
    %reduce_sum3A_1834 = arith.constant dense<0.000000e+00> : vector<8448xf32>
    %reduce_sum3A_1835 = vector.multi_reduction <add>, %add3A_1833, %reduce_sum3A_1834 [0] : vector<8x8448xf32> to vector<8448xf32>
    %dma_wait3A_1836 = arith.constant 425984 : i32
    %dma_wait3A_1837 = tpu.memref_slice %arg2[%dma_wait3A_1836] : memref<1000064xf32, #tpu.memory_space<any>> -> memref<32768xf32, #tpu.memory_space<any>>
    %dma_wait3A_1838 = arith.constant 0 : i32
    %dma_wait3A_1839 = tpu.memref_slice %arg7[%dma_wait3A_1838] : memref<32768xf32, #tpu.memory_space<vmem>> -> memref<32768xf32, #tpu.memory_space<vmem>>
    tpu.wait_dma2 semaphore(%arg11 : memref<!tpu.dma_semaphore, #tpu.memory_space<semaphore_mem>>) src(%dma_wait3A_1839 : memref<32768xf32, #tpu.memory_space<vmem>>) dst(%dma_wait3A_1837 : memref<32768xf32, #tpu.memory_space<any>>)
    %swap3A_1840 = arith.constant 0 : index
    %swap3A_1841 = vector.load %arg7[%swap3A_1840] : memref<32768xf32, #tpu.memory_space<vmem>>, vector<8448xf32>
    tpu.vector_store %arg7[%swap3A_1840], %reduce_sum3A_1835 {strides = array<i32>} : memref<32768xf32, #tpu.memory_space<vmem>>, vector<8448xf32>,
    %dma_start3A_1842 = arith.constant 491520 : i32
    %dma_start3A_1843 = tpu.memref_slice %arg2[%dma_start3A_1842] : memref<1000064xf32, #tpu.memory_space<any>> -> memref<8448xf32, #tpu.memory_space<any>>
    %dma_start3A_1844 = arith.constant 0 : i32
    %dma_start3A_1845 = tpu.memref_slice %arg7[%dma_start3A_1844] : memref<32768xf32, #tpu.memory_space<vmem>> -> memref<8448xf32, #tpu.memory_space<vmem>>
    tpu.enqueue_dma source(%dma_start3A_1845 : memref<8448xf32, #tpu.memory_space<vmem>>) target(%dma_start3A_1843 : memref<8448xf32, #tpu.memory_space<any>>) target_semaphore(%arg11 : memref<!tpu.dma_semaphore, #tpu.memory_space<semaphore_mem>>)
    %dma_wait3A_1846 = arith.constant 0 : i32
    %dma_wait3A_1847 = arith.constant 0 : i32
    %dma_wait3A_1848 = tpu.memref_slice %arg5[%dma_wait3A_1846, %dma_wait3A_1847] : memref<8x500032xf32, #tpu.memory_space<vmem>> -> memref<8x500032xf32, #tpu.memory_space<vmem>>
    %dma_wait3A_1849 = arith.constant 56 : i32
    %dma_wait3A_1850 = arith.constant 499968 : i32
    %dma_wait3A_1851 = tpu.memref_slice %arg0[%dma_wait3A_1849, %dma_wait3A_1850] : memref<64x1000000xf32, #tpu.memory_space<any>> -> memref<8x500032xf32, #tpu.memory_space<any>>
    tpu.wait_dma2 semaphore(%arg9 : memref<!tpu.dma_semaphore, #tpu.memory_space<semaphore_mem>>) src(%dma_wait3A_1851 : memref<8x500032xf32, #tpu.memory_space<any>>) dst(%dma_wait3A_1848 : memref<8x500032xf32, #tpu.memory_space<vmem>>)
    %get3A_1852 = arith.constant 0 : index
    %get3A_1853 = arith.constant 896 : index
    %get3A_1854 = vector.load %arg1[%get3A_1852, %get3A_1853] : memref<8x1024xf32, #tpu.memory_space<vmem>>, vector<8x128xf32>
    %slice3A_1855 = vector.extract_strided_slice %get3A_1854 {offsets = [0, 0], sizes = [8, 1], strides = [1, 1]} : vector<8x128xf32> to vector<8x1xf32>
    %get3A_1856 = arith.constant 0 : index
    %get3A_1857 = arith.constant 499968 : index
    %get3A_1858 = vector.load %arg3[%get3A_1856, %get3A_1857] : memref<8x1000000xf32, #tpu.memory_space<vmem>>, vector<8x32768xf32>
    %get3A_1859 = arith.constant 0 : index
    %get3A_1860 = arith.constant 0 : index
    %get3A_1861 = vector.load %arg5[%get3A_1859, %get3A_1860] : memref<8x500032xf32, #tpu.memory_space<vmem>>, vector<8x32768xf32>
    %mul3A_1862 = vector.broadcast %slice3A_1855 : vector<8x1xf32> to vector<8x32768xf32>
    %mul3A_1863 = arith.mulf %get3A_1861, %mul3A_1862 : vector<8x32768xf32>
    %add3A_1864 = arith.addf %get3A_1858, %mul3A_1863 : vector<8x32768xf32>
    %reduce_sum3A_1865 = arith.constant dense<0.000000e+00> : vector<32768xf32>
    %reduce_sum3A_1866 = vector.multi_reduction <add>, %add3A_1864, %reduce_sum3A_1865 [0] : vector<8x32768xf32> to vector<32768xf32>
    %dma_wait3A_1867 = arith.constant 458752 : i32
    %dma_wait3A_1868 = tpu.memref_slice %arg2[%dma_wait3A_1867] : memref<1000064xf32, #tpu.memory_space<any>> -> memref<32768xf32, #tpu.memory_space<any>>
    %dma_wait3A_1869 = arith.constant 0 : i32
    %dma_wait3A_1870 = tpu.memref_slice %arg6[%dma_wait3A_1869] : memref<32768xf32, #tpu.memory_space<vmem>> -> memref<32768xf32, #tpu.memory_space<vmem>>
    tpu.wait_dma2 semaphore(%arg10 : memref<!tpu.dma_semaphore, #tpu.memory_space<semaphore_mem>>) src(%dma_wait3A_1870 : memref<32768xf32, #tpu.memory_space<vmem>>) dst(%dma_wait3A_1868 : memref<32768xf32, #tpu.memory_space<any>>)
    %swap3A_1871 = arith.constant 0 : index
    %swap3A_1872 = vector.load %arg6[%swap3A_1871] : memref<32768xf32, #tpu.memory_space<vmem>>, vector<32768xf32>
    tpu.vector_store %arg6[%swap3A_1871], %reduce_sum3A_1866 {strides = array<i32>} : memref<32768xf32, #tpu.memory_space<vmem>>, vector<32768xf32>,
    %dma_start3A_1873 = arith.constant 499968 : i32
    %dma_start3A_1874 = tpu.memref_slice %arg2[%dma_start3A_1873] : memref<1000064xf32, #tpu.memory_space<any>> -> memref<32768xf32, #tpu.memory_space<any>>
    %dma_start3A_1875 = arith.constant 0 : i32
    %dma_start3A_1876 = tpu.memref_slice %arg6[%dma_start3A_1875] : memref<32768xf32, #tpu.memory_space<vmem>> -> memref<32768xf32, #tpu.memory_space<vmem>>
    tpu.enqueue_dma source(%dma_start3A_1876 : memref<32768xf32, #tpu.memory_space<vmem>>) target(%dma_start3A_1874 : memref<32768xf32, #tpu.memory_space<any>>) target_semaphore(%arg10 : memref<!tpu.dma_semaphore, #tpu.memory_space<semaphore_mem>>)
    %get3A_1877 = arith.constant 0 : index
    %get3A_1878 = arith.constant 532736 : index
    %get3A_1879 = vector.load %arg3[%get3A_1877, %get3A_1878] : memref<8x1000000xf32, #tpu.memory_space<vmem>>, vector<8x32768xf32>
    %get3A_1880 = arith.constant 0 : index
    %get3A_1881 = arith.constant 32768 : index
    %get3A_1882 = vector.load %arg5[%get3A_1880, %get3A_1881] : memref<8x500032xf32, #tpu.memory_space<vmem>>, vector<8x32768xf32>
    %mul3A_1883 = vector.broadcast %slice3A_1855 : vector<8x1xf32> to vector<8x32768xf32>
    %mul3A_1884 = arith.mulf %get3A_1882, %mul3A_1883 : vector<8x32768xf32>
    %add3A_1885 = arith.addf %get3A_1879, %mul3A_1884 : vector<8x32768xf32>
    %reduce_sum3A_1886 = arith.constant dense<0.000000e+00> : vector<32768xf32>
    %reduce_sum3A_1887 = vector.multi_reduction <add>, %add3A_1885, %reduce_sum3A_1886 [0] : vector<8x32768xf32> to vector<32768xf32>
    %dma_wait3A_1888 = arith.constant 491520 : i32
    %dma_wait3A_1889 = tpu.memref_slice %arg2[%dma_wait3A_1888] : memref<1000064xf32, #tpu.memory_space<any>> -> memref<8448xf32, #tpu.memory_space<any>>
    %dma_wait3A_1890 = arith.constant 0 : i32
    %dma_wait3A_1891 = tpu.memref_slice %arg7[%dma_wait3A_1890] : memref<32768xf32, #tpu.memory_space<vmem>> -> memref<8448xf32, #tpu.memory_space<vmem>>
    tpu.wait_dma2 semaphore(%arg11 : memref<!tpu.dma_semaphore, #tpu.memory_space<semaphore_mem>>) src(%dma_wait3A_1891 : memref<8448xf32, #tpu.memory_space<vmem>>) dst(%dma_wait3A_1889 : memref<8448xf32, #tpu.memory_space<any>>)
    %swap3A_1892 = arith.constant 0 : index
    %swap3A_1893 = vector.load %arg7[%swap3A_1892] : memref<32768xf32, #tpu.memory_space<vmem>>, vector<32768xf32>
    tpu.vector_store %arg7[%swap3A_1892], %reduce_sum3A_1887 {strides = array<i32>} : memref<32768xf32, #tpu.memory_space<vmem>>, vector<32768xf32>,
    %dma_start3A_1894 = arith.constant 532736 : i32
    %dma_start3A_1895 = tpu.memref_slice %arg2[%dma_start3A_1894] : memref<1000064xf32, #tpu.memory_space<any>> -> memref<32768xf32, #tpu.memory_space<any>>
    %dma_start3A_1896 = arith.constant 0 : i32
    %dma_start3A_1897 = tpu.memref_slice %arg7[%dma_start3A_1896] : memref<32768xf32, #tpu.memory_space<vmem>> -> memref<32768xf32, #tpu.memory_space<vmem>>
    tpu.enqueue_dma source(%dma_start3A_1897 : memref<32768xf32, #tpu.memory_space<vmem>>) target(%dma_start3A_1895 : memref<32768xf32, #tpu.memory_space<any>>) target_semaphore(%arg11 : memref<!tpu.dma_semaphore, #tpu.memory_space<semaphore_mem>>)
    %get3A_1898 = arith.constant 0 : index
    %get3A_1899 = arith.constant 565504 : index
    %get3A_1900 = vector.load %arg3[%get3A_1898, %get3A_1899] : memref<8x1000000xf32, #tpu.memory_space<vmem>>, vector<8x32768xf32>
    %get3A_1901 = arith.constant 0 : index
    %get3A_1902 = arith.constant 65536 : index
    %get3A_1903 = vector.load %arg5[%get3A_1901, %get3A_1902] : memref<8x500032xf32, #tpu.memory_space<vmem>>, vector<8x32768xf32>
    %mul3A_1904 = vector.broadcast %slice3A_1855 : vector<8x1xf32> to vector<8x32768xf32>
    %mul3A_1905 = arith.mulf %get3A_1903, %mul3A_1904 : vector<8x32768xf32>
    %add3A_1906 = arith.addf %get3A_1900, %mul3A_1905 : vector<8x32768xf32>
    %reduce_sum3A_1907 = arith.constant dense<0.000000e+00> : vector<32768xf32>
    %reduce_sum3A_1908 = vector.multi_reduction <add>, %add3A_1906, %reduce_sum3A_1907 [0] : vector<8x32768xf32> to vector<32768xf32>
    %dma_wait3A_1909 = arith.constant 499968 : i32
    %dma_wait3A_1910 = tpu.memref_slice %arg2[%dma_wait3A_1909] : memref<1000064xf32, #tpu.memory_space<any>> -> memref<32768xf32, #tpu.memory_space<any>>
    %dma_wait3A_1911 = arith.constant 0 : i32
    %dma_wait3A_1912 = tpu.memref_slice %arg6[%dma_wait3A_1911] : memref<32768xf32, #tpu.memory_space<vmem>> -> memref<32768xf32, #tpu.memory_space<vmem>>
    tpu.wait_dma2 semaphore(%arg10 : memref<!tpu.dma_semaphore, #tpu.memory_space<semaphore_mem>>) src(%dma_wait3A_1912 : memref<32768xf32, #tpu.memory_space<vmem>>) dst(%dma_wait3A_1910 : memref<32768xf32, #tpu.memory_space<any>>)
    %swap3A_1913 = arith.constant 0 : index
    %swap3A_1914 = vector.load %arg6[%swap3A_1913] : memref<32768xf32, #tpu.memory_space<vmem>>, vector<32768xf32>
    tpu.vector_store %arg6[%swap3A_1913], %reduce_sum3A_1908 {strides = array<i32>} : memref<32768xf32, #tpu.memory_space<vmem>>, vector<32768xf32>,
    %dma_start3A_1915 = arith.constant 565504 : i32
    %dma_start3A_1916 = tpu.memref_slice %arg2[%dma_start3A_1915] : memref<1000064xf32, #tpu.memory_space<any>> -> memref<32768xf32, #tpu.memory_space<any>>
    %dma_start3A_1917 = arith.constant 0 : i32
    %dma_start3A_1918 = tpu.memref_slice %arg6[%dma_start3A_1917] : memref<32768xf32, #tpu.memory_space<vmem>> -> memref<32768xf32, #tpu.memory_space<vmem>>
    tpu.enqueue_dma source(%dma_start3A_1918 : memref<32768xf32, #tpu.memory_space<vmem>>) target(%dma_start3A_1916 : memref<32768xf32, #tpu.memory_space<any>>) target_semaphore(%arg10 : memref<!tpu.dma_semaphore, #tpu.memory_space<semaphore_mem>>)
    %get3A_1919 = arith.constant 0 : index
    %get3A_1920 = arith.constant 598272 : index
    %get3A_1921 = vector.load %arg3[%get3A_1919, %get3A_1920] : memref<8x1000000xf32, #tpu.memory_space<vmem>>, vector<8x32768xf32>
    %get3A_1922 = arith.constant 0 : index
    %get3A_1923 = arith.constant 98304 : index
    %get3A_1924 = vector.load %arg5[%get3A_1922, %get3A_1923] : memref<8x500032xf32, #tpu.memory_space<vmem>>, vector<8x32768xf32>
    %mul3A_1925 = vector.broadcast %slice3A_1855 : vector<8x1xf32> to vector<8x32768xf32>
    %mul3A_1926 = arith.mulf %get3A_1924, %mul3A_1925 : vector<8x32768xf32>
    %add3A_1927 = arith.addf %get3A_1921, %mul3A_1926 : vector<8x32768xf32>
    %reduce_sum3A_1928 = arith.constant dense<0.000000e+00> : vector<32768xf32>
    %reduce_sum3A_1929 = vector.multi_reduction <add>, %add3A_1927, %reduce_sum3A_1928 [0] : vector<8x32768xf32> to vector<32768xf32>
    %dma_wait3A_1930 = arith.constant 532736 : i32
    %dma_wait3A_1931 = tpu.memref_slice %arg2[%dma_wait3A_1930] : memref<1000064xf32, #tpu.memory_space<any>> -> memref<32768xf32, #tpu.memory_space<any>>
    %dma_wait3A_1932 = arith.constant 0 : i32
    %dma_wait3A_1933 = tpu.memref_slice %arg7[%dma_wait3A_1932] : memref<32768xf32, #tpu.memory_space<vmem>> -> memref<32768xf32, #tpu.memory_space<vmem>>
    tpu.wait_dma2 semaphore(%arg11 : memref<!tpu.dma_semaphore, #tpu.memory_space<semaphore_mem>>) src(%dma_wait3A_1933 : memref<32768xf32, #tpu.memory_space<vmem>>) dst(%dma_wait3A_1931 : memref<32768xf32, #tpu.memory_space<any>>)
    %swap3A_1934 = arith.constant 0 : index
    %swap3A_1935 = vector.load %arg7[%swap3A_1934] : memref<32768xf32, #tpu.memory_space<vmem>>, vector<32768xf32>
    tpu.vector_store %arg7[%swap3A_1934], %reduce_sum3A_1929 {strides = array<i32>} : memref<32768xf32, #tpu.memory_space<vmem>>, vector<32768xf32>,
    %dma_start3A_1936 = arith.constant 598272 : i32
    %dma_start3A_1937 = tpu.memref_slice %arg2[%dma_start3A_1936] : memref<1000064xf32, #tpu.memory_space<any>> -> memref<32768xf32, #tpu.memory_space<any>>
    %dma_start3A_1938 = arith.constant 0 : i32
    %dma_start3A_1939 = tpu.memref_slice %arg7[%dma_start3A_1938] : memref<32768xf32, #tpu.memory_space<vmem>> -> memref<32768xf32, #tpu.memory_space<vmem>>
    tpu.enqueue_dma source(%dma_start3A_1939 : memref<32768xf32, #tpu.memory_space<vmem>>) target(%dma_start3A_1937 : memref<32768xf32, #tpu.memory_space<any>>) target_semaphore(%arg11 : memref<!tpu.dma_semaphore, #tpu.memory_space<semaphore_mem>>)
    %get3A_1940 = arith.constant 0 : index
    %get3A_1941 = arith.constant 631040 : index
    %get3A_1942 = vector.load %arg3[%get3A_1940, %get3A_1941] : memref<8x1000000xf32, #tpu.memory_space<vmem>>, vector<8x32768xf32>
    %get3A_1943 = arith.constant 0 : index
    %get3A_1944 = arith.constant 131072 : index
    %get3A_1945 = vector.load %arg5[%get3A_1943, %get3A_1944] : memref<8x500032xf32, #tpu.memory_space<vmem>>, vector<8x32768xf32>
    %mul3A_1946 = vector.broadcast %slice3A_1855 : vector<8x1xf32> to vector<8x32768xf32>
    %mul3A_1947 = arith.mulf %get3A_1945, %mul3A_1946 : vector<8x32768xf32>
    %add3A_1948 = arith.addf %get3A_1942, %mul3A_1947 : vector<8x32768xf32>
    %reduce_sum3A_1949 = arith.constant dense<0.000000e+00> : vector<32768xf32>
    %reduce_sum3A_1950 = vector.multi_reduction <add>, %add3A_1948, %reduce_sum3A_1949 [0] : vector<8x32768xf32> to vector<32768xf32>
    %dma_wait3A_1951 = arith.constant 565504 : i32
    %dma_wait3A_1952 = tpu.memref_slice %arg2[%dma_wait3A_1951] : memref<1000064xf32, #tpu.memory_space<any>> -> memref<32768xf32, #tpu.memory_space<any>>
    %dma_wait3A_1953 = arith.constant 0 : i32
    %dma_wait3A_1954 = tpu.memref_slice %arg6[%dma_wait3A_1953] : memref<32768xf32, #tpu.memory_space<vmem>> -> memref<32768xf32, #tpu.memory_space<vmem>>
    tpu.wait_dma2 semaphore(%arg10 : memref<!tpu.dma_semaphore, #tpu.memory_space<semaphore_mem>>) src(%dma_wait3A_1954 : memref<32768xf32, #tpu.memory_space<vmem>>) dst(%dma_wait3A_1952 : memref<32768xf32, #tpu.memory_space<any>>)
    %swap3A_1955 = arith.constant 0 : index
    %swap3A_1956 = vector.load %arg6[%swap3A_1955] : memref<32768xf32, #tpu.memory_space<vmem>>, vector<32768xf32>
    tpu.vector_store %arg6[%swap3A_1955], %reduce_sum3A_1950 {strides = array<i32>} : memref<32768xf32, #tpu.memory_space<vmem>>, vector<32768xf32>,
    %dma_start3A_1957 = arith.constant 631040 : i32
    %dma_start3A_1958 = tpu.memref_slice %arg2[%dma_start3A_1957] : memref<1000064xf32, #tpu.memory_space<any>> -> memref<32768xf32, #tpu.memory_space<any>>
    %dma_start3A_1959 = arith.constant 0 : i32
    %dma_start3A_1960 = tpu.memref_slice %arg6[%dma_start3A_1959] : memref<32768xf32, #tpu.memory_space<vmem>> -> memref<32768xf32, #tpu.memory_space<vmem>>
    tpu.enqueue_dma source(%dma_start3A_1960 : memref<32768xf32, #tpu.memory_space<vmem>>) target(%dma_start3A_1958 : memref<32768xf32, #tpu.memory_space<any>>) target_semaphore(%arg10 : memref<!tpu.dma_semaphore, #tpu.memory_space<semaphore_mem>>)
    %get3A_1961 = arith.constant 0 : index
    %get3A_1962 = arith.constant 663808 : index
    %get3A_1963 = vector.load %arg3[%get3A_1961, %get3A_1962] : memref<8x1000000xf32, #tpu.memory_space<vmem>>, vector<8x32768xf32>
    %get3A_1964 = arith.constant 0 : index
    %get3A_1965 = arith.constant 163840 : index
    %get3A_1966 = vector.load %arg5[%get3A_1964, %get3A_1965] : memref<8x500032xf32, #tpu.memory_space<vmem>>, vector<8x32768xf32>
    %mul3A_1967 = vector.broadcast %slice3A_1855 : vector<8x1xf32> to vector<8x32768xf32>
    %mul3A_1968 = arith.mulf %get3A_1966, %mul3A_1967 : vector<8x32768xf32>
    %add3A_1969 = arith.addf %get3A_1963, %mul3A_1968 : vector<8x32768xf32>
    %reduce_sum3A_1970 = arith.constant dense<0.000000e+00> : vector<32768xf32>
    %reduce_sum3A_1971 = vector.multi_reduction <add>, %add3A_1969, %reduce_sum3A_1970 [0] : vector<8x32768xf32> to vector<32768xf32>
    %dma_wait3A_1972 = arith.constant 598272 : i32
    %dma_wait3A_1973 = tpu.memref_slice %arg2[%dma_wait3A_1972] : memref<1000064xf32, #tpu.memory_space<any>> -> memref<32768xf32, #tpu.memory_space<any>>
    %dma_wait3A_1974 = arith.constant 0 : i32
    %dma_wait3A_1975 = tpu.memref_slice %arg7[%dma_wait3A_1974] : memref<32768xf32, #tpu.memory_space<vmem>> -> memref<32768xf32, #tpu.memory_space<vmem>>
    tpu.wait_dma2 semaphore(%arg11 : memref<!tpu.dma_semaphore, #tpu.memory_space<semaphore_mem>>) src(%dma_wait3A_1975 : memref<32768xf32, #tpu.memory_space<vmem>>) dst(%dma_wait3A_1973 : memref<32768xf32, #tpu.memory_space<any>>)
    %swap3A_1976 = arith.constant 0 : index
    %swap3A_1977 = vector.load %arg7[%swap3A_1976] : memref<32768xf32, #tpu.memory_space<vmem>>, vector<32768xf32>
    tpu.vector_store %arg7[%swap3A_1976], %reduce_sum3A_1971 {strides = array<i32>} : memref<32768xf32, #tpu.memory_space<vmem>>, vector<32768xf32>,
    %dma_start3A_1978 = arith.constant 663808 : i32
    %dma_start3A_1979 = tpu.memref_slice %arg2[%dma_start3A_1978] : memref<1000064xf32, #tpu.memory_space<any>> -> memref<32768xf32, #tpu.memory_space<any>>
    %dma_start3A_1980 = arith.constant 0 : i32
    %dma_start3A_1981 = tpu.memref_slice %arg7[%dma_start3A_1980] : memref<32768xf32, #tpu.memory_space<vmem>> -> memref<32768xf32, #tpu.memory_space<vmem>>
    tpu.enqueue_dma source(%dma_start3A_1981 : memref<32768xf32, #tpu.memory_space<vmem>>) target(%dma_start3A_1979 : memref<32768xf32, #tpu.memory_space<any>>) target_semaphore(%arg11 : memref<!tpu.dma_semaphore, #tpu.memory_space<semaphore_mem>>)
    %get3A_1982 = arith.constant 0 : index
    %get3A_1983 = arith.constant 696576 : index
    %get3A_1984 = vector.load %arg3[%get3A_1982, %get3A_1983] : memref<8x1000000xf32, #tpu.memory_space<vmem>>, vector<8x32768xf32>
    %get3A_1985 = arith.constant 0 : index
    %get3A_1986 = arith.constant 196608 : index
    %get3A_1987 = vector.load %arg5[%get3A_1985, %get3A_1986] : memref<8x500032xf32, #tpu.memory_space<vmem>>, vector<8x32768xf32>
    %mul3A_1988 = vector.broadcast %slice3A_1855 : vector<8x1xf32> to vector<8x32768xf32>
    %mul3A_1989 = arith.mulf %get3A_1987, %mul3A_1988 : vector<8x32768xf32>
    %add3A_1990 = arith.addf %get3A_1984, %mul3A_1989 : vector<8x32768xf32>
    %reduce_sum3A_1991 = arith.constant dense<0.000000e+00> : vector<32768xf32>
    %reduce_sum3A_1992 = vector.multi_reduction <add>, %add3A_1990, %reduce_sum3A_1991 [0] : vector<8x32768xf32> to vector<32768xf32>
    %dma_wait3A_1993 = arith.constant 631040 : i32
    %dma_wait3A_1994 = tpu.memref_slice %arg2[%dma_wait3A_1993] : memref<1000064xf32, #tpu.memory_space<any>> -> memref<32768xf32, #tpu.memory_space<any>>
    %dma_wait3A_1995 = arith.constant 0 : i32
    %dma_wait3A_1996 = tpu.memref_slice %arg6[%dma_wait3A_1995] : memref<32768xf32, #tpu.memory_space<vmem>> -> memref<32768xf32, #tpu.memory_space<vmem>>
    tpu.wait_dma2 semaphore(%arg10 : memref<!tpu.dma_semaphore, #tpu.memory_space<semaphore_mem>>) src(%dma_wait3A_1996 : memref<32768xf32, #tpu.memory_space<vmem>>) dst(%dma_wait3A_1994 : memref<32768xf32, #tpu.memory_space<any>>)
    %swap3A_1997 = arith.constant 0 : index
    %swap3A_1998 = vector.load %arg6[%swap3A_1997] : memref<32768xf32, #tpu.memory_space<vmem>>, vector<32768xf32>
    tpu.vector_store %arg6[%swap3A_1997], %reduce_sum3A_1992 {strides = array<i32>} : memref<32768xf32, #tpu.memory_space<vmem>>, vector<32768xf32>,
    %dma_start3A_1999 = arith.constant 696576 : i32
    %dma_start3A_2000 = tpu.memref_slice %arg2[%dma_start3A_1999] : memref<1000064xf32, #tpu.memory_space<any>> -> memref<32768xf32, #tpu.memory_space<any>>
    %dma_start3A_2001 = arith.constant 0 : i32
    %dma_start3A_2002 = tpu.memref_slice %arg6[%dma_start3A_2001] : memref<32768xf32, #tpu.memory_space<vmem>> -> memref<32768xf32, #tpu.memory_space<vmem>>
    tpu.enqueue_dma source(%dma_start3A_2002 : memref<32768xf32, #tpu.memory_space<vmem>>) target(%dma_start3A_2000 : memref<32768xf32, #tpu.memory_space<any>>) target_semaphore(%arg10 : memref<!tpu.dma_semaphore, #tpu.memory_space<semaphore_mem>>)
    %get3A_2003 = arith.constant 0 : index
    %get3A_2004 = arith.constant 729344 : index
    %get3A_2005 = vector.load %arg3[%get3A_2003, %get3A_2004] : memref<8x1000000xf32, #tpu.memory_space<vmem>>, vector<8x32768xf32>
    %get3A_2006 = arith.constant 0 : index
    %get3A_2007 = arith.constant 229376 : index
    %get3A_2008 = vector.load %arg5[%get3A_2006, %get3A_2007] : memref<8x500032xf32, #tpu.memory_space<vmem>>, vector<8x32768xf32>
    %mul3A_2009 = vector.broadcast %slice3A_1855 : vector<8x1xf32> to vector<8x32768xf32>
    %mul3A_2010 = arith.mulf %get3A_2008, %mul3A_2009 : vector<8x32768xf32>
    %add3A_2011 = arith.addf %get3A_2005, %mul3A_2010 : vector<8x32768xf32>
    %reduce_sum3A_2012 = arith.constant dense<0.000000e+00> : vector<32768xf32>
    %reduce_sum3A_2013 = vector.multi_reduction <add>, %add3A_2011, %reduce_sum3A_2012 [0] : vector<8x32768xf32> to vector<32768xf32>
    %dma_wait3A_2014 = arith.constant 663808 : i32
    %dma_wait3A_2015 = tpu.memref_slice %arg2[%dma_wait3A_2014] : memref<1000064xf32, #tpu.memory_space<any>> -> memref<32768xf32, #tpu.memory_space<any>>
    %dma_wait3A_2016 = arith.constant 0 : i32
    %dma_wait3A_2017 = tpu.memref_slice %arg7[%dma_wait3A_2016] : memref<32768xf32, #tpu.memory_space<vmem>> -> memref<32768xf32, #tpu.memory_space<vmem>>
    tpu.wait_dma2 semaphore(%arg11 : memref<!tpu.dma_semaphore, #tpu.memory_space<semaphore_mem>>) src(%dma_wait3A_2017 : memref<32768xf32, #tpu.memory_space<vmem>>) dst(%dma_wait3A_2015 : memref<32768xf32, #tpu.memory_space<any>>)
    %swap3A_2018 = arith.constant 0 : index
    %swap3A_2019 = vector.load %arg7[%swap3A_2018] : memref<32768xf32, #tpu.memory_space<vmem>>, vector<32768xf32>
    tpu.vector_store %arg7[%swap3A_2018], %reduce_sum3A_2013 {strides = array<i32>} : memref<32768xf32, #tpu.memory_space<vmem>>, vector<32768xf32>,
    %dma_start3A_2020 = arith.constant 729344 : i32
    %dma_start3A_2021 = tpu.memref_slice %arg2[%dma_start3A_2020] : memref<1000064xf32, #tpu.memory_space<any>> -> memref<32768xf32, #tpu.memory_space<any>>
    %dma_start3A_2022 = arith.constant 0 : i32
    %dma_start3A_2023 = tpu.memref_slice %arg7[%dma_start3A_2022] : memref<32768xf32, #tpu.memory_space<vmem>> -> memref<32768xf32, #tpu.memory_space<vmem>>
    tpu.enqueue_dma source(%dma_start3A_2023 : memref<32768xf32, #tpu.memory_space<vmem>>) target(%dma_start3A_2021 : memref<32768xf32, #tpu.memory_space<any>>) target_semaphore(%arg11 : memref<!tpu.dma_semaphore, #tpu.memory_space<semaphore_mem>>)
    %get3A_2024 = arith.constant 0 : index
    %get3A_2025 = arith.constant 762112 : index
    %get3A_2026 = vector.load %arg3[%get3A_2024, %get3A_2025] : memref<8x1000000xf32, #tpu.memory_space<vmem>>, vector<8x32768xf32>
    %get3A_2027 = arith.constant 0 : index
    %get3A_2028 = arith.constant 262144 : index
    %get3A_2029 = vector.load %arg5[%get3A_2027, %get3A_2028] : memref<8x500032xf32, #tpu.memory_space<vmem>>, vector<8x32768xf32>
    %mul3A_2030 = vector.broadcast %slice3A_1855 : vector<8x1xf32> to vector<8x32768xf32>
    %mul3A_2031 = arith.mulf %get3A_2029, %mul3A_2030 : vector<8x32768xf32>
    %add3A_2032 = arith.addf %get3A_2026, %mul3A_2031 : vector<8x32768xf32>
    %reduce_sum3A_2033 = arith.constant dense<0.000000e+00> : vector<32768xf32>
    %reduce_sum3A_2034 = vector.multi_reduction <add>, %add3A_2032, %reduce_sum3A_2033 [0] : vector<8x32768xf32> to vector<32768xf32>
    %dma_wait3A_2035 = arith.constant 696576 : i32
    %dma_wait3A_2036 = tpu.memref_slice %arg2[%dma_wait3A_2035] : memref<1000064xf32, #tpu.memory_space<any>> -> memref<32768xf32, #tpu.memory_space<any>>
    %dma_wait3A_2037 = arith.constant 0 : i32
    %dma_wait3A_2038 = tpu.memref_slice %arg6[%dma_wait3A_2037] : memref<32768xf32, #tpu.memory_space<vmem>> -> memref<32768xf32, #tpu.memory_space<vmem>>
    tpu.wait_dma2 semaphore(%arg10 : memref<!tpu.dma_semaphore, #tpu.memory_space<semaphore_mem>>) src(%dma_wait3A_2038 : memref<32768xf32, #tpu.memory_space<vmem>>) dst(%dma_wait3A_2036 : memref<32768xf32, #tpu.memory_space<any>>)
    %swap3A_2039 = arith.constant 0 : index
    %swap3A_2040 = vector.load %arg6[%swap3A_2039] : memref<32768xf32, #tpu.memory_space<vmem>>, vector<32768xf32>
    tpu.vector_store %arg6[%swap3A_2039], %reduce_sum3A_2034 {strides = array<i32>} : memref<32768xf32, #tpu.memory_space<vmem>>, vector<32768xf32>,
    %dma_start3A_2041 = arith.constant 762112 : i32
    %dma_start3A_2042 = tpu.memref_slice %arg2[%dma_start3A_2041] : memref<1000064xf32, #tpu.memory_space<any>> -> memref<32768xf32, #tpu.memory_space<any>>
    %dma_start3A_2043 = arith.constant 0 : i32
    %dma_start3A_2044 = tpu.memref_slice %arg6[%dma_start3A_2043] : memref<32768xf32, #tpu.memory_space<vmem>> -> memref<32768xf32, #tpu.memory_space<vmem>>
    tpu.enqueue_dma source(%dma_start3A_2044 : memref<32768xf32, #tpu.memory_space<vmem>>) target(%dma_start3A_2042 : memref<32768xf32, #tpu.memory_space<any>>) target_semaphore(%arg10 : memref<!tpu.dma_semaphore, #tpu.memory_space<semaphore_mem>>)
    %get3A_2045 = arith.constant 0 : index
    %get3A_2046 = arith.constant 794880 : index
    %get3A_2047 = vector.load %arg3[%get3A_2045, %get3A_2046] : memref<8x1000000xf32, #tpu.memory_space<vmem>>, vector<8x32768xf32>
    %get3A_2048 = arith.constant 0 : index
    %get3A_2049 = arith.constant 294912 : index
    %get3A_2050 = vector.load %arg5[%get3A_2048, %get3A_2049] : memref<8x500032xf32, #tpu.memory_space<vmem>>, vector<8x32768xf32>
    %mul3A_2051 = vector.broadcast %slice3A_1855 : vector<8x1xf32> to vector<8x32768xf32>
    %mul3A_2052 = arith.mulf %get3A_2050, %mul3A_2051 : vector<8x32768xf32>
    %add3A_2053 = arith.addf %get3A_2047, %mul3A_2052 : vector<8x32768xf32>
    %reduce_sum3A_2054 = arith.constant dense<0.000000e+00> : vector<32768xf32>
    %reduce_sum3A_2055 = vector.multi_reduction <add>, %add3A_2053, %reduce_sum3A_2054 [0] : vector<8x32768xf32> to vector<32768xf32>
    %dma_wait3A_2056 = arith.constant 729344 : i32
    %dma_wait3A_2057 = tpu.memref_slice %arg2[%dma_wait3A_2056] : memref<1000064xf32, #tpu.memory_space<any>> -> memref<32768xf32, #tpu.memory_space<any>>
    %dma_wait3A_2058 = arith.constant 0 : i32
    %dma_wait3A_2059 = tpu.memref_slice %arg7[%dma_wait3A_2058] : memref<32768xf32, #tpu.memory_space<vmem>> -> memref<32768xf32, #tpu.memory_space<vmem>>
    tpu.wait_dma2 semaphore(%arg11 : memref<!tpu.dma_semaphore, #tpu.memory_space<semaphore_mem>>) src(%dma_wait3A_2059 : memref<32768xf32, #tpu.memory_space<vmem>>) dst(%dma_wait3A_2057 : memref<32768xf32, #tpu.memory_space<any>>)
    %swap3A_2060 = arith.constant 0 : index
    %swap3A_2061 = vector.load %arg7[%swap3A_2060] : memref<32768xf32, #tpu.memory_space<vmem>>, vector<32768xf32>
    tpu.vector_store %arg7[%swap3A_2060], %reduce_sum3A_2055 {strides = array<i32>} : memref<32768xf32, #tpu.memory_space<vmem>>, vector<32768xf32>,
    %dma_start3A_2062 = arith.constant 794880 : i32
    %dma_start3A_2063 = tpu.memref_slice %arg2[%dma_start3A_2062] : memref<1000064xf32, #tpu.memory_space<any>> -> memref<32768xf32, #tpu.memory_space<any>>
    %dma_start3A_2064 = arith.constant 0 : i32
    %dma_start3A_2065 = tpu.memref_slice %arg7[%dma_start3A_2064] : memref<32768xf32, #tpu.memory_space<vmem>> -> memref<32768xf32, #tpu.memory_space<vmem>>
    tpu.enqueue_dma source(%dma_start3A_2065 : memref<32768xf32, #tpu.memory_space<vmem>>) target(%dma_start3A_2063 : memref<32768xf32, #tpu.memory_space<any>>) target_semaphore(%arg11 : memref<!tpu.dma_semaphore, #tpu.memory_space<semaphore_mem>>)
    %get3A_2066 = arith.constant 0 : index
    %get3A_2067 = arith.constant 827648 : index
    %get3A_2068 = vector.load %arg3[%get3A_2066, %get3A_2067] : memref<8x1000000xf32, #tpu.memory_space<vmem>>, vector<8x32768xf32>
    %get3A_2069 = arith.constant 0 : index
    %get3A_2070 = arith.constant 327680 : index
    %get3A_2071 = vector.load %arg5[%get3A_2069, %get3A_2070] : memref<8x500032xf32, #tpu.memory_space<vmem>>, vector<8x32768xf32>
    %mul3A_2072 = vector.broadcast %slice3A_1855 : vector<8x1xf32> to vector<8x32768xf32>
    %mul3A_2073 = arith.mulf %get3A_2071, %mul3A_2072 : vector<8x32768xf32>
    %add3A_2074 = arith.addf %get3A_2068, %mul3A_2073 : vector<8x32768xf32>
    %reduce_sum3A_2075 = arith.constant dense<0.000000e+00> : vector<32768xf32>
    %reduce_sum3A_2076 = vector.multi_reduction <add>, %add3A_2074, %reduce_sum3A_2075 [0] : vector<8x32768xf32> to vector<32768xf32>
    %dma_wait3A_2077 = arith.constant 762112 : i32
    %dma_wait3A_2078 = tpu.memref_slice %arg2[%dma_wait3A_2077] : memref<1000064xf32, #tpu.memory_space<any>> -> memref<32768xf32, #tpu.memory_space<any>>
    %dma_wait3A_2079 = arith.constant 0 : i32
    %dma_wait3A_2080 = tpu.memref_slice %arg6[%dma_wait3A_2079] : memref<32768xf32, #tpu.memory_space<vmem>> -> memref<32768xf32, #tpu.memory_space<vmem>>
    tpu.wait_dma2 semaphore(%arg10 : memref<!tpu.dma_semaphore, #tpu.memory_space<semaphore_mem>>) src(%dma_wait3A_2080 : memref<32768xf32, #tpu.memory_space<vmem>>) dst(%dma_wait3A_2078 : memref<32768xf32, #tpu.memory_space<any>>)
    %swap3A_2081 = arith.constant 0 : index
    %swap3A_2082 = vector.load %arg6[%swap3A_2081] : memref<32768xf32, #tpu.memory_space<vmem>>, vector<32768xf32>
    tpu.vector_store %arg6[%swap3A_2081], %reduce_sum3A_2076 {strides = array<i32>} : memref<32768xf32, #tpu.memory_space<vmem>>, vector<32768xf32>,
    %dma_start3A_2083 = arith.constant 827648 : i32
    %dma_start3A_2084 = tpu.memref_slice %arg2[%dma_start3A_2083] : memref<1000064xf32, #tpu.memory_space<any>> -> memref<32768xf32, #tpu.memory_space<any>>
    %dma_start3A_2085 = arith.constant 0 : i32
    %dma_start3A_2086 = tpu.memref_slice %arg6[%dma_start3A_2085] : memref<32768xf32, #tpu.memory_space<vmem>> -> memref<32768xf32, #tpu.memory_space<vmem>>
    tpu.enqueue_dma source(%dma_start3A_2086 : memref<32768xf32, #tpu.memory_space<vmem>>) target(%dma_start3A_2084 : memref<32768xf32, #tpu.memory_space<any>>) target_semaphore(%arg10 : memref<!tpu.dma_semaphore, #tpu.memory_space<semaphore_mem>>)
    %get3A_2087 = arith.constant 0 : index
    %get3A_2088 = arith.constant 860416 : index
    %get3A_2089 = vector.load %arg3[%get3A_2087, %get3A_2088] : memref<8x1000000xf32, #tpu.memory_space<vmem>>, vector<8x32768xf32>
    %get3A_2090 = arith.constant 0 : index
    %get3A_2091 = arith.constant 360448 : index
    %get3A_2092 = vector.load %arg5[%get3A_2090, %get3A_2091] : memref<8x500032xf32, #tpu.memory_space<vmem>>, vector<8x32768xf32>
    %mul3A_2093 = vector.broadcast %slice3A_1855 : vector<8x1xf32> to vector<8x32768xf32>
    %mul3A_2094 = arith.mulf %get3A_2092, %mul3A_2093 : vector<8x32768xf32>
    %add3A_2095 = arith.addf %get3A_2089, %mul3A_2094 : vector<8x32768xf32>
    %reduce_sum3A_2096 = arith.constant dense<0.000000e+00> : vector<32768xf32>
    %reduce_sum3A_2097 = vector.multi_reduction <add>, %add3A_2095, %reduce_sum3A_2096 [0] : vector<8x32768xf32> to vector<32768xf32>
    %dma_wait3A_2098 = arith.constant 794880 : i32
    %dma_wait3A_2099 = tpu.memref_slice %arg2[%dma_wait3A_2098] : memref<1000064xf32, #tpu.memory_space<any>> -> memref<32768xf32, #tpu.memory_space<any>>
    %dma_wait3A_2100 = arith.constant 0 : i32
    %dma_wait3A_2101 = tpu.memref_slice %arg7[%dma_wait3A_2100] : memref<32768xf32, #tpu.memory_space<vmem>> -> memref<32768xf32, #tpu.memory_space<vmem>>
    tpu.wait_dma2 semaphore(%arg11 : memref<!tpu.dma_semaphore, #tpu.memory_space<semaphore_mem>>) src(%dma_wait3A_2101 : memref<32768xf32, #tpu.memory_space<vmem>>) dst(%dma_wait3A_2099 : memref<32768xf32, #tpu.memory_space<any>>)
    %swap3A_2102 = arith.constant 0 : index
    %swap3A_2103 = vector.load %arg7[%swap3A_2102] : memref<32768xf32, #tpu.memory_space<vmem>>, vector<32768xf32>
    tpu.vector_store %arg7[%swap3A_2102], %reduce_sum3A_2097 {strides = array<i32>} : memref<32768xf32, #tpu.memory_space<vmem>>, vector<32768xf32>,
    %dma_start3A_2104 = arith.constant 860416 : i32
    %dma_start3A_2105 = tpu.memref_slice %arg2[%dma_start3A_2104] : memref<1000064xf32, #tpu.memory_space<any>> -> memref<32768xf32, #tpu.memory_space<any>>
    %dma_start3A_2106 = arith.constant 0 : i32
    %dma_start3A_2107 = tpu.memref_slice %arg7[%dma_start3A_2106] : memref<32768xf32, #tpu.memory_space<vmem>> -> memref<32768xf32, #tpu.memory_space<vmem>>
    tpu.enqueue_dma source(%dma_start3A_2107 : memref<32768xf32, #tpu.memory_space<vmem>>) target(%dma_start3A_2105 : memref<32768xf32, #tpu.memory_space<any>>) target_semaphore(%arg11 : memref<!tpu.dma_semaphore, #tpu.memory_space<semaphore_mem>>)
    %get3A_2108 = arith.constant 0 : index
    %get3A_2109 = arith.constant 893184 : index
    %get3A_2110 = vector.load %arg3[%get3A_2108, %get3A_2109] : memref<8x1000000xf32, #tpu.memory_space<vmem>>, vector<8x32768xf32>
    %get3A_2111 = arith.constant 0 : index
    %get3A_2112 = arith.constant 393216 : index
    %get3A_2113 = vector.load %arg5[%get3A_2111, %get3A_2112] : memref<8x500032xf32, #tpu.memory_space<vmem>>, vector<8x32768xf32>
    %mul3A_2114 = vector.broadcast %slice3A_1855 : vector<8x1xf32> to vector<8x32768xf32>
    %mul3A_2115 = arith.mulf %get3A_2113, %mul3A_2114 : vector<8x32768xf32>
    %add3A_2116 = arith.addf %get3A_2110, %mul3A_2115 : vector<8x32768xf32>
    %reduce_sum3A_2117 = arith.constant dense<0.000000e+00> : vector<32768xf32>
    %reduce_sum3A_2118 = vector.multi_reduction <add>, %add3A_2116, %reduce_sum3A_2117 [0] : vector<8x32768xf32> to vector<32768xf32>
    %dma_wait3A_2119 = arith.constant 827648 : i32
    %dma_wait3A_2120 = tpu.memref_slice %arg2[%dma_wait3A_2119] : memref<1000064xf32, #tpu.memory_space<any>> -> memref<32768xf32, #tpu.memory_space<any>>
    %dma_wait3A_2121 = arith.constant 0 : i32
    %dma_wait3A_2122 = tpu.memref_slice %arg6[%dma_wait3A_2121] : memref<32768xf32, #tpu.memory_space<vmem>> -> memref<32768xf32, #tpu.memory_space<vmem>>
    tpu.wait_dma2 semaphore(%arg10 : memref<!tpu.dma_semaphore, #tpu.memory_space<semaphore_mem>>) src(%dma_wait3A_2122 : memref<32768xf32, #tpu.memory_space<vmem>>) dst(%dma_wait3A_2120 : memref<32768xf32, #tpu.memory_space<any>>)
    %swap3A_2123 = arith.constant 0 : index
    %swap3A_2124 = vector.load %arg6[%swap3A_2123] : memref<32768xf32, #tpu.memory_space<vmem>>, vector<32768xf32>
    tpu.vector_store %arg6[%swap3A_2123], %reduce_sum3A_2118 {strides = array<i32>} : memref<32768xf32, #tpu.memory_space<vmem>>, vector<32768xf32>,
    %dma_start3A_2125 = arith.constant 893184 : i32
    %dma_start3A_2126 = tpu.memref_slice %arg2[%dma_start3A_2125] : memref<1000064xf32, #tpu.memory_space<any>> -> memref<32768xf32, #tpu.memory_space<any>>
    %dma_start3A_2127 = arith.constant 0 : i32
    %dma_start3A_2128 = tpu.memref_slice %arg6[%dma_start3A_2127] : memref<32768xf32, #tpu.memory_space<vmem>> -> memref<32768xf32, #tpu.memory_space<vmem>>
    tpu.enqueue_dma source(%dma_start3A_2128 : memref<32768xf32, #tpu.memory_space<vmem>>) target(%dma_start3A_2126 : memref<32768xf32, #tpu.memory_space<any>>) target_semaphore(%arg10 : memref<!tpu.dma_semaphore, #tpu.memory_space<semaphore_mem>>)
    %get3A_2129 = arith.constant 0 : index
    %get3A_2130 = arith.constant 925952 : index
    %get3A_2131 = vector.load %arg3[%get3A_2129, %get3A_2130] : memref<8x1000000xf32, #tpu.memory_space<vmem>>, vector<8x32768xf32>
    %get3A_2132 = arith.constant 0 : index
    %get3A_2133 = arith.constant 425984 : index
    %get3A_2134 = vector.load %arg5[%get3A_2132, %get3A_2133] : memref<8x500032xf32, #tpu.memory_space<vmem>>, vector<8x32768xf32>
    %mul3A_2135 = vector.broadcast %slice3A_1855 : vector<8x1xf32> to vector<8x32768xf32>
    %mul3A_2136 = arith.mulf %get3A_2134, %mul3A_2135 : vector<8x32768xf32>
    %add3A_2137 = arith.addf %get3A_2131, %mul3A_2136 : vector<8x32768xf32>
    %reduce_sum3A_2138 = arith.constant dense<0.000000e+00> : vector<32768xf32>
    %reduce_sum3A_2139 = vector.multi_reduction <add>, %add3A_2137, %reduce_sum3A_2138 [0] : vector<8x32768xf32> to vector<32768xf32>
    %dma_wait3A_2140 = arith.constant 860416 : i32
    %dma_wait3A_2141 = tpu.memref_slice %arg2[%dma_wait3A_2140] : memref<1000064xf32, #tpu.memory_space<any>> -> memref<32768xf32, #tpu.memory_space<any>>
    %dma_wait3A_2142 = arith.constant 0 : i32
    %dma_wait3A_2143 = tpu.memref_slice %arg7[%dma_wait3A_2142] : memref<32768xf32, #tpu.memory_space<vmem>> -> memref<32768xf32, #tpu.memory_space<vmem>>
    tpu.wait_dma2 semaphore(%arg11 : memref<!tpu.dma_semaphore, #tpu.memory_space<semaphore_mem>>) src(%dma_wait3A_2143 : memref<32768xf32, #tpu.memory_space<vmem>>) dst(%dma_wait3A_2141 : memref<32768xf32, #tpu.memory_space<any>>)
    %swap3A_2144 = arith.constant 0 : index
    %swap3A_2145 = vector.load %arg7[%swap3A_2144] : memref<32768xf32, #tpu.memory_space<vmem>>, vector<32768xf32>
    tpu.vector_store %arg7[%swap3A_2144], %reduce_sum3A_2139 {strides = array<i32>} : memref<32768xf32, #tpu.memory_space<vmem>>, vector<32768xf32>,
    %dma_start3A_2146 = arith.constant 925952 : i32
    %dma_start3A_2147 = tpu.memref_slice %arg2[%dma_start3A_2146] : memref<1000064xf32, #tpu.memory_space<any>> -> memref<32768xf32, #tpu.memory_space<any>>
    %dma_start3A_2148 = arith.constant 0 : i32
    %dma_start3A_2149 = tpu.memref_slice %arg7[%dma_start3A_2148] : memref<32768xf32, #tpu.memory_space<vmem>> -> memref<32768xf32, #tpu.memory_space<vmem>>
    tpu.enqueue_dma source(%dma_start3A_2149 : memref<32768xf32, #tpu.memory_space<vmem>>) target(%dma_start3A_2147 : memref<32768xf32, #tpu.memory_space<any>>) target_semaphore(%arg11 : memref<!tpu.dma_semaphore, #tpu.memory_space<semaphore_mem>>)
    %get3A_2150 = arith.constant 0 : index
    %get3A_2151 = arith.constant 958720 : index
    %get3A_2152 = vector.load %arg3[%get3A_2150, %get3A_2151] : memref<8x1000000xf32, #tpu.memory_space<vmem>>, vector<8x32768xf32>
    %get3A_2153 = arith.constant 0 : index
    %get3A_2154 = arith.constant 458752 : index
    %get3A_2155 = vector.load %arg5[%get3A_2153, %get3A_2154] : memref<8x500032xf32, #tpu.memory_space<vmem>>, vector<8x32768xf32>
    %mul3A_2156 = vector.broadcast %slice3A_1855 : vector<8x1xf32> to vector<8x32768xf32>
    %mul3A_2157 = arith.mulf %get3A_2155, %mul3A_2156 : vector<8x32768xf32>
    %add3A_2158 = arith.addf %get3A_2152, %mul3A_2157 : vector<8x32768xf32>
    %reduce_sum3A_2159 = arith.constant dense<0.000000e+00> : vector<32768xf32>
    %reduce_sum3A_2160 = vector.multi_reduction <add>, %add3A_2158, %reduce_sum3A_2159 [0] : vector<8x32768xf32> to vector<32768xf32>
    %dma_wait3A_2161 = arith.constant 893184 : i32
    %dma_wait3A_2162 = tpu.memref_slice %arg2[%dma_wait3A_2161] : memref<1000064xf32, #tpu.memory_space<any>> -> memref<32768xf32, #tpu.memory_space<any>>
    %dma_wait3A_2163 = arith.constant 0 : i32
    %dma_wait3A_2164 = tpu.memref_slice %arg6[%dma_wait3A_2163] : memref<32768xf32, #tpu.memory_space<vmem>> -> memref<32768xf32, #tpu.memory_space<vmem>>
    tpu.wait_dma2 semaphore(%arg10 : memref<!tpu.dma_semaphore, #tpu.memory_space<semaphore_mem>>) src(%dma_wait3A_2164 : memref<32768xf32, #tpu.memory_space<vmem>>) dst(%dma_wait3A_2162 : memref<32768xf32, #tpu.memory_space<any>>)
    %swap3A_2165 = arith.constant 0 : index
    %swap3A_2166 = vector.load %arg6[%swap3A_2165] : memref<32768xf32, #tpu.memory_space<vmem>>, vector<32768xf32>
    tpu.vector_store %arg6[%swap3A_2165], %reduce_sum3A_2160 {strides = array<i32>} : memref<32768xf32, #tpu.memory_space<vmem>>, vector<32768xf32>,
    %dma_start3A_2167 = arith.constant 958720 : i32
    %dma_start3A_2168 = tpu.memref_slice %arg2[%dma_start3A_2167] : memref<1000064xf32, #tpu.memory_space<any>> -> memref<32768xf32, #tpu.memory_space<any>>
    %dma_start3A_2169 = arith.constant 0 : i32
    %dma_start3A_2170 = tpu.memref_slice %arg6[%dma_start3A_2169] : memref<32768xf32, #tpu.memory_space<vmem>> -> memref<32768xf32, #tpu.memory_space<vmem>>
    tpu.enqueue_dma source(%dma_start3A_2170 : memref<32768xf32, #tpu.memory_space<vmem>>) target(%dma_start3A_2168 : memref<32768xf32, #tpu.memory_space<any>>) target_semaphore(%arg10 : memref<!tpu.dma_semaphore, #tpu.memory_space<semaphore_mem>>)
    %get3A_2171 = arith.constant 0 : index
    %get3A_2172 = arith.constant 991488 : index
    %get3A_2173 = vector.load %arg3[%get3A_2171, %get3A_2172] : memref<8x1000000xf32, #tpu.memory_space<vmem>>, vector<8x8512xf32>
    %get3A_2174 = arith.constant 0 : index
    %get3A_2175 = arith.constant 491520 : index
    %get3A_2176 = vector.load %arg5[%get3A_2174, %get3A_2175] : memref<8x500032xf32, #tpu.memory_space<vmem>>, vector<8x8512xf32>
    %mul3A_2177 = vector.broadcast %slice3A_1855 : vector<8x1xf32> to vector<8x8512xf32>
    %mul3A_2178 = arith.mulf %get3A_2176, %mul3A_2177 : vector<8x8512xf32>
    %add3A_2179 = arith.addf %get3A_2173, %mul3A_2178 : vector<8x8512xf32>
    %reduce_sum3A_2180 = arith.constant dense<0.000000e+00> : vector<8512xf32>
    %reduce_sum3A_2181 = vector.multi_reduction <add>, %add3A_2179, %reduce_sum3A_2180 [0] : vector<8x8512xf32> to vector<8512xf32>
    %dma_wait3A_2182 = arith.constant 925952 : i32
    %dma_wait3A_2183 = tpu.memref_slice %arg2[%dma_wait3A_2182] : memref<1000064xf32, #tpu.memory_space<any>> -> memref<32768xf32, #tpu.memory_space<any>>
    %dma_wait3A_2184 = arith.constant 0 : i32
    %dma_wait3A_2185 = tpu.memref_slice %arg7[%dma_wait3A_2184] : memref<32768xf32, #tpu.memory_space<vmem>> -> memref<32768xf32, #tpu.memory_space<vmem>>
    tpu.wait_dma2 semaphore(%arg11 : memref<!tpu.dma_semaphore, #tpu.memory_space<semaphore_mem>>) src(%dma_wait3A_2185 : memref<32768xf32, #tpu.memory_space<vmem>>) dst(%dma_wait3A_2183 : memref<32768xf32, #tpu.memory_space<any>>)
    %swap3A_2186 = arith.constant 0 : index
    %swap3A_2187 = vector.load %arg7[%swap3A_2186] : memref<32768xf32, #tpu.memory_space<vmem>>, vector<8512xf32>
    tpu.vector_store %arg7[%swap3A_2186], %reduce_sum3A_2181 {strides = array<i32>} : memref<32768xf32, #tpu.memory_space<vmem>>, vector<8512xf32>,
    %dma_start3A_2188 = arith.constant 991488 : i32
    %dma_start3A_2189 = tpu.memref_slice %arg2[%dma_start3A_2188] : memref<1000064xf32, #tpu.memory_space<any>> -> memref<8576xf32, #tpu.memory_space<any>>
    %dma_start3A_2190 = arith.constant 0 : i32
    %dma_start3A_2191 = tpu.memref_slice %arg7[%dma_start3A_2190] : memref<32768xf32, #tpu.memory_space<vmem>> -> memref<8576xf32, #tpu.memory_space<vmem>>
    tpu.enqueue_dma source(%dma_start3A_2191 : memref<8576xf32, #tpu.memory_space<vmem>>) target(%dma_start3A_2189 : memref<8576xf32, #tpu.memory_space<any>>) target_semaphore(%arg11 : memref<!tpu.dma_semaphore, #tpu.memory_space<semaphore_mem>>)
    %dma_wait3A_2192 = arith.constant 958720 : i32
    %dma_wait3A_2193 = tpu.memref_slice %arg2[%dma_wait3A_2192] : memref<1000064xf32, #tpu.memory_space<any>> -> memref<32768xf32, #tpu.memory_space<any>>
    %dma_wait3A_2194 = arith.constant 0 : i32
    %dma_wait3A_2195 = tpu.memref_slice %arg6[%dma_wait3A_2194] : memref<32768xf32, #tpu.memory_space<vmem>> -> memref<32768xf32, #tpu.memory_space<vmem>>
    tpu.wait_dma2 semaphore(%arg10 : memref<!tpu.dma_semaphore, #tpu.memory_space<semaphore_mem>>) src(%dma_wait3A_2195 : memref<32768xf32, #tpu.memory_space<vmem>>) dst(%dma_wait3A_2193 : memref<32768xf32, #tpu.memory_space<any>>)
    %dma_wait3A_2196 = arith.constant 991488 : i32
    %dma_wait3A_2197 = tpu.memref_slice %arg2[%dma_wait3A_2196] : memref<1000064xf32, #tpu.memory_space<any>> -> memref<8576xf32, #tpu.memory_space<any>>
    %dma_wait3A_2198 = arith.constant 0 : i32
    %dma_wait3A_2199 = tpu.memref_slice %arg7[%dma_wait3A_2198] : memref<32768xf32, #tpu.memory_space<vmem>> -> memref<8576xf32, #tpu.memory_space<vmem>>
    tpu.wait_dma2 semaphore(%arg11 : memref<!tpu.dma_semaphore, #tpu.memory_space<semaphore_mem>>) src(%dma_wait3A_2199 : memref<8576xf32, #tpu.memory_space<vmem>>) dst(%dma_wait3A_2197 : memref<8576xf32, #tpu.memory_space<any>>)
    return
  }
}

</mosaic_0001>

<sc_bundles>
// kernel: kernel.4.cloned.1.call-start
scs
__scs_entry_jumppad:
0x0: {  	(pc) =	sbr.rel $0x88, $3  }
0x1: {  	(tag) =	ssettag $0x0;
	lr =	simm.s32 $0x1  }
0x2: {  	[smem:$0x3F9D] =	sst lr;
	_ =	strace $0xD0000000  }
0x3: {  	_ = 	snop  }
0x4: {  	_ = 	snop  }
0x5: {  	_ = 	snop  }
0x6: {  	_ = 	snop  }
0x7: {  	_ = 	snop  }
__scs_overlays_trampoline_lowered:
0x8: {  	[smem:$0x3FAC] =	sst s0  }
0x9: {  	[smem:$0x3FAD] =	sst s1  }
0xa: {  	[smem:$0x3FAE] =	sst s2  }
0xb: {  	[smem:$0x3FAF] =	sst s3  }
0xc: {  	[smem:$0x3FB0] =	sst s4  }
0xd: {  	[smem:$0x3FB1] =	sst s5  }
0xe: {  	[smem:$0x3FB2] =	sst s6  }
0xf: {  	[smem:$0x3FB3] =	sst s7  }
0x10: {  	[smem:$0x3FB4] =	sst s8  }
0x11: {  	[smem:$0x3FB5] =	sst s9;
	s0 =	simm.s32 @!p0 $0x0  }
0x12: {  	s1 =	sld [smem:$0x3F9B];
	s0 =	simm.s32 @p0 $0x1  }
0x13: {  	[smem:$0x3FB6] =	sst s0;
	s0 =	simm.s32 @!p1 $0x0  }
0x14: {  	s2 =	sld [smem:$0x3F9A];
	s0 =	simm.s32 @p1 $0x1  }
0x15: {  	[smem:$0x3FB7] =	sst s0;
	s0 =	simm.s32 @!p2 $0x0  }
0x16: {  	s3 =	sld [smem:$0x3FDB];
	s0 =	simm.s32 @p2 $0x1  }
0x17: {  	s4 =	simm.s32 $0x1BF5;
	[smem:$0x3FB9] =	sst s0  }
0x18: {  	s0 =	sld [smem:$0x3F9C];
	_ =	swait.ge [sflag:s4], $0x0  }
0x19: {  	s7 =	sld [smem:$0x3F9D]  }
0x1a: {  	s8 =	sadd.s32 $0xFFFFE003, lr  }
0x1b: {  	s9 =	sadd.s32 $0xFFFFFEF7, lr;
	s5 =	simm.s32 $0xFFFFFFFF;
	p2 =	slt.u32 s8, $0xFFFFF086  }
0x1c: {  	p1 =	slt.u32 s9, $0xF7A;
	s5 =	simm.s32 @!p2 $0x0  }
0x1d: {  	s5 =	simm.s32 @p1 $0x1;
	p0 =	seq.s32 s7, s2  }
0x1e: {  	s7 =	smul.u32 @!p0 $0xF7A, s2;
	p2 =	seq.s32 @!p0 s5, $0x0  }
0x1f: {  	s9 =	smul.u32 $0xF7A, s1;
	s8 =	simm.s32 @!p0 $0x1BF5;
	p2 =	por !p2, p0  }
0x20: {  	[sflag:s8] =	ssyncset.s32 @!p0 $0xFFFFF086;
	s6 =	sadd.s32 @!p0 s3, s7;
	s7 =	simm.s32 @!p0 $0x108  }
0x21: {  	s3 =	sadd.s32 s3, s9;
	s6 =	sadd.s32 @!p0 $0x88, s6;
	s7 =	simm.s32 @p2 $0x1082  }
0x22: {  	[simem:s7], [sflag:s8] =	dma.local @!p0 [hbm:s6], $0xF7A  }
0x23: {  	s9 =	sor.u32 $0xD0000000, s2;
	s6 =	simm.s32 $0x108;
	_ =	swait.ge @!p0 [sflag:s8], $0x0  }
0x24: {  	s3 =	sadd.s32 $0x88, s3;
	s6 =	simm.s32 @!p1 $0x1082;
	[sflag:s4] =	ssyncset.s32 $0xFFFFF086  }
0x25: {  	[simem:s6], [sflag:s4] =	dma.local [hbm:s3], $0xF7A  }
0x26: {  	[smem:$0x3F9D] =	sst s1;
	(tag) =	ssettag s2;
	_ =	strace s9  }
0x27: {  	s1 =	sld [smem:$0x3FAD]  }
0x28: {  	s2 =	sld [smem:$0x3FAE]  }
0x29: {  	s4 =	sld [smem:$0x3FB0]  }
0x2a: {  	p0 =	seq.s32 s5, $0x0;
	s5 =	sld [smem:$0x3FB1]  }
0x2b: {  	s6 =	sld [smem:$0x3FB2]  }
0x2c: {  	s7 =	sld [smem:$0x3FB3]  }
0x2d: {  	s3 =	simm.s32 $0x108;
	s8 =	sld [smem:$0x3FB4]  }
0x2e: {  	s3 =	simm.s32 @!p0 $0x1082;
	s9 =	sld [smem:$0x3FB5]  }
0x2f: {  	lr =	sadd.s32 s0, s3;
	s0 =	sld [smem:$0x3FAC]  }
0x30: {  	s3 =	sld [smem:$0x3FAF]  }
0x31: {  	[smem:$0x3FB8] =	sst s10  }
0x32: {  	s10 =	sld [smem:$0x3FB6];
	_ =	sdelay $0x3  }
0x33: {  	p0 =	seq.s32 s10, $0x1;
	s10 =	sld [smem:$0x3FB8];
	_ =	sdelay $0x3  }
0x34: {  	[smem:$0x3FB8] =	sst s10  }
0x35: {  	s10 =	sld [smem:$0x3FB7];
	_ =	sdelay $0x3  }
0x36: {  	p1 =	seq.s32 s10, $0x1;
	s10 =	sld [smem:$0x3FB8];
	_ =	sdelay $0x3  }
0x37: {  	[smem:$0x3FB8] =	sst s10  }
0x38: {  	s10 =	sld [smem:$0x3FB9]  }
0x39: {  	_ = 	snop;
	(pc) =	sbr.ind lr, $3  }
0x3a: {  	_ = 	snop  }
0x3b: {  	_ = 	snop  }
0x3c: {  	p2 =	seq.s32 s10, $0x1;
	s10 =	sld [smem:$0x3FB8]  }
0x3d: {  	_ =	shalt  }
0x3e: {  	_ =	shalt  }
0x3f: {  	_ =	shalt  }
0x40: {  	_ =	shalt  }
0x41: {  	_ =	shalt  }
0x42: {  	_ =	shalt  }
0x43: {  	_ =	shalt  }
0x44: {  	_ =	shalt  }
0x45: {  	_ =	shalt  }
0x46: {  	_ =	shalt  }
0x47: {  	_ =	shalt  }
0x48: {  	_ =	shalt  }
0x49: {  	_ =	shalt  }
0x4a: {  	_ =	shalt  }
0x4b: {  	_ =	shalt  }
0x4c: {  	_ =	shalt  }
0x4d: {  	_ =	shalt  }
0x4e: {  	_ =	shalt  }
0x4f: {  	_ =	shalt  }
0x50: {  	_ =	shalt  }
0x51: {  	_ =	shalt  }
0x52: {  	_ =	shalt  }
0x53: {  	_ =	shalt  }
0x54: {  	_ =	shalt  }
0x55: {  	_ =	shalt  }
0x56: {  	_ =	shalt  }
0x57: {  	_ =	shalt  }
0x58: {  	_ =	shalt  }
0x59: {  	_ =	shalt  }
0x5a: {  	_ =	shalt  }
0x5b: {  	_ =	shalt  }
0x5c: {  	_ =	shalt  }
0x5d: {  	_ =	shalt  }
0x5e: {  	_ =	shalt  }
0x5f: {  	_ =	shalt  }
0x60: {  	_ =	shalt  }
0x61: {  	_ =	shalt  }
0x62: {  	_ =	shalt  }
0x63: {  	_ =	shalt  }
0x64: {  	_ =	shalt  }
0x65: {  	_ =	shalt  }
0x66: {  	_ =	shalt  }
0x67: {  	_ =	shalt  }
0x68: {  	_ =	shalt  }
0x69: {  	_ =	shalt  }
0x6a: {  	_ =	shalt  }
0x6b: {  	_ =	shalt  }
0x6c: {  	_ =	shalt  }
0x6d: {  	_ =	shalt  }
0x6e: {  	_ =	shalt  }
0x6f: {  	_ =	shalt  }
0x70: {  	_ =	shalt  }
0x71: {  	_ =	shalt  }
0x72: {  	_ =	shalt  }
0x73: {  	_ =	shalt  }
0x74: {  	_ =	shalt  }
0x75: {  	_ =	shalt  }
0x76: {  	_ =	shalt  }
0x77: {  	_ =	shalt  }
0x78: {  	_ =	shalt  }
0x79: {  	_ =	shalt  }
0x7a: {  	_ =	shalt  }
0x7b: {  	_ =	shalt  }
0x7c: {  	_ =	shalt  }
0x7d: {  	_ =	shalt  }
0x7e: {  	_ =	shalt  }
0x7f: {  	_ =	shalt  }
0x80: {  	_ =	shalt  }
0x81: {  	_ =	shalt  }
0x82: {  	_ =	shalt  }
0x83: {  	_ =	shalt  }
0x84: {  	_ =	shalt  }
0x85: {  	_ =	shalt  }
0x86: {  	_ =	shalt  }
0x87: {  	_ =	shalt  }
.Lfunc_end0:
.L_simem_size_0:
called_computation_lowered:
.L_overlay_start_0:
0x88: {  	s2 =	sld [smem:$0x3FD9]  }
0x89: {  	s3 =	sld [smem:$0x3FFE];
	_ =	sdelay $0x1  }
0x8a: {  	s1 =	srdreg.scid  }
0x8b: {  	s0 =	sand.u32 $0x1, s1  }
0x8c: {  	s17 =	sshll.u32 s0, $0xA;
	s2 =	sadd.s32 s3, s2  }
0x8d: {  	s2 =	sadd.s32 s2, s17  }
0x8e: {  	[smem:$0x3FC4] =	sst s2  }
0x8f: {  	_ = 	snop  }
0x90: {  	s2 =	sld [smem:$0x3FC9]  }
0x91: {  	s18 =	sld [smem:$0x3FD0];
	(tm) =	ssettm $0x1  }
0x92: {  	s4 =	sld [smem:$0x3FFB];
	_ =	sdelay $0x3  }
0x93: {  	_ =	strace s4  }
0x94: {  	s4 =	sld [smem:$0x3FFC];
	_ =	sdelay $0x3  }
0x95: {  	_ =	strace s4  }
0x96: {  	s4 =	sld [smem:$0x3FFD];
	_ =	sdelay $0x3  }
0x97: {  	_ =	strace s4  }
0x98: {  	_ =	strace $0x8FFFFFFF  }
0x99: {  	s19 =	sld [smem:$0x3FDB];
	_ =	sdelay $0x1  }
0x9a: {  	s5 =	simm.s32 $_scs_section_size  }
0x9b: {  	s6 =	simm.s32 $_size__tile_overlayer_lowered;
	s7 =	simm.s32 $_tile_overlayer_lowered  }
0x9c: {  	s22 =	simm.s32 $0x1BFF;
	s21 =	sshll.u32 s7, $0x1;
	s4 =	sadd.s32 s5, s19  }
0x9d: {  	s8 =	simm.s32 $0x0;
	s20 =	sshll.u32 s6, $0x1;
	s6 =	sadd.s32 s21, s4  }
0x9e: {  	[timem:s8], [sflag:s22] =	dma.local [hbm:s6], s20  }
0x9f: {  	_ =	swait.ge [sflag:s22], s20  }
0xa0: {  	s5 =	ssub.s32 $0x0, s20;
	[sflag:s22] =	ssyncset.done $0x0  }
0xa1: {  	[sflag:s22] =	ssyncadd.s32 s5;
	_ =	sdelay $0x1  }
0xa2: {  	s23 =	simm.s32 $0x1B8B  }
0xa3: {  	_ =	swait.ge [sflag:s23], $0x1  }
0xa4: {  	[sflag:s23] =	ssyncset.done $0x0  }
0xa5: {  	s25 =	simm.s32 $0x1B8E;
	s24 =	sld [smem:$0x3FFE];
	[sflag:s23] =	ssyncadd.s32 $0xFFFFFFFF  }
0xa6: {  	s26 =	simm.s32 $execute0_lowered;
	[smem:$0x3FD2] =	sst s25  }
0xa7: {  	s6 =	sshll.u32 s26, $0x1;
	_ =	strace $0x80000046;
	[dreg:$0x1] =	wrdreg $0xFFFFFFFF  }
0xa8: {  	s28 =	simm.s32 $_size_execute0_lowered;
	s4 =	sadd.s32 s4, s6;
	[dreg:$0x0] =	wrdreg $0x0  }
0xa9: {  	s6 =	sshll.u32 s28, $0x1;
	[dreg:$0x2] =	wrdreg s4  }
0xaa: {  	[dreg:$0x3] =	wrdreg s6  }
0xab: {  	[dreg:$0x4] =	wrdreg $0xC0  }
0xac: {  	_ =	task [dreg:s8], $0x5FFFF  }
0xad: {  	[dreg:$0x1] =	wrdreg $0xFFFFFFFF  }
0xae: {  	[dreg:$0x0] =	wrdreg $0x60  }
0xaf: {  	[dreg:$0x2] =	wrdreg s2  }
0xb0: {  	[dreg:$0x3] =	wrdreg s24  }
0xb1: {  	[dreg:$0x4] =	wrdreg s18  }
0xb2: {  	[dreg:$0x5] =	wrdreg $0x9  }
0xb3: {  	_ =	task.clear_ibuf [dreg:s8], $0x6FFFF;
	_ =	strace $0x90000046  }
0xb4: {  	s29 =	simm.s32 $0x9;
	_ =	strace $0x80000048  }
0xb5: {  	_ =	swait.ge [sflag:s29], $0x1  }
0xb6: {  	[sflag:s29] =	ssyncadd.s32 $0xFFFFFFFF  }
0xb7: {  	_ =	strace $0x90000048  }
0xb8: {  	_ =	sfence  }
0xb9: {  	s30 =	sld [smem:$0x0];
	_ =	sdelay $0x2  }
0xba: {  	s31 =	sshll.u32 s1, $0xD;
	s1 =	sshrl.u32 s1, $0x2  }
0xbb: {  	s3 =	sand.u32 $0x4000, s31;
	s1 =	sadd.s32 s1, s30  }
0xbc: {  	s0 =	sor.u32 s3, s0;
	s1 =	sshll.u32 s1, $0x11  }
0xbd: {  	s0 =	sor.u32 s1, s0  }
0xbe: {  	s0 =	sadd.s32 $0x8F2B, s0  }
0xbf: {  	[sflag:s0] =	ssyncadd.remote.s32 $0x1  }
0xc0: {  	_ =	sfence.sel $0xFFFF  }
0xc1: {  	[dreg:$0x0] =	wrdreg $0xFFFFFFFF;
	(pc) =	sbr.abs _section_cstart, $3  }
0xc2: {  	[dreg:$0x1] =	wrdreg $0xFFFFFFFF  }
0xc3: {  	_ =	task.clear_ibuf [dreg:s8], $0x2FFFF;
	_ =	strace $0x9FFFFFFF  }
0xc4: {  	(tm) =	ssettm $0x7FFFFFFF  }
0xc5: {  	_ =	shalt  }
tec
execute0_lowered:
.L_overlay_start_1:
0x0: {  	(tag) =	ssettag $0x1  }
0x1: {  	s0 =	rddreg [dreg:$0x0]  }
0x2: {  	s4 =	rddreg [dreg:$0x1]  }
0x3: {  	s1 =	rddreg [dreg:$0x2];
	s3 =	simm.s32 $0x0  }
0x4: {  	s2 =	srdreg.scid;
	s6 =	stileid.u32;
	s9 =	simm.s32 $0x3  }
0x5: {  	s10 =	simm.s32 $0x400;
	s11 =	simm.s32 $0x8000;
	s12 =	simm.s32 $0x80  }
0x6: {  	s28 =	simm.s32 $0x6080;
	s29 =	simm.s32 $0xC480;
	s30 =	simm.s32 $0x6100  }
0x7: {  	s31 =	simm.s32 $0xC500;
	s8 =	simm.s32 $0xC580;
	s13 =	simm.s32 $0x6200  }
0x8: {  	s14 =	simm.s32 $0xC600;
	s15 =	simm.s32 $0x6280;
	s16 =	simm.s32 $0xC680  }
0x9: {  	s17 =	simm.s32 $0x6300;
	s18 =	simm.s32 $0xC700;
	s19 =	simm.s32 $0x6380  }
0xa: {  	s20 =	simm.s32 $0xC780;
	s21 =	simm.s32 $0xC800;
	s22 =	simm.s32 $0x0  }
0xb: {  	[smem:$0x7FF] =	sst s3;
	s2 =	sand.u32 $0x1, s2;
	s6 =	sshll.u32 s6, $0x1  }
0xc: {  	s4 =	sadd.s32 $0x400, s4;
	s5 =	ssub.s32 $0x2, s2;
	s2 =	sor.u32 s2, s6  }
0xd: {  	_ =	strace $0x80000047;
	s7 =	sshrl.u32 s5, $0x1;
	s26 =	sshll.u32 s2, $0x7  }
0xe: {  	s2 =	sshll.u32 s2, $0x4;
	s7 =	ssub.s32 s5, s7;
	s5 =	sadd.s32 s0, s26  }
0xf: {  	s6 =	sadd.s32 s1, s2;
	s1 =	simm.s32 $0x1;
	s0 =	simm.s32 $0x2  }
0x10: {  	s26 =	simm.s32 $0xC400;
	s2 =	simm.s32 $0x6180;
	s7 =	smax.u32 s7, $0x1  }
.LBB2_1:
0x11: {  	s23 =	rddreg [dreg:$0x1];
	s24 =	simm.s32 $0xC880  }
0x12: {  	[tilespmem:s24], [sflag:$0x3] =	stream.linear.gather [hbm4b:s23+s3], $0x80, $0x38;
	[tilespmem:$0xC900] =	vst v63  }
0x13: {  	_ =	swait.ge [sflag:s9], $0x80  }
0x14: {  	[sflag:s9] =	ssyncset.done $0x0  }
0x15: {  	[sflag:s9] =	ssyncadd.s32 $0xFFFFFF80  }
0x16: {  	[tilespmem:s3], [sflag:$0x3] =	stream.strided.gather [hbm4b:s5+s10], $0x6400, s11, s10, $0x38;
	[tilespmem:$0xC900] =	vst v63  }
0x17: {  	_ =	swait.ge [sflag:s9], $0x6400  }
0x18: {  	[sflag:s9] =	ssyncset.done $0x0  }
0x19: {  	s24 =	simm.s32 $0x6400;
	[sflag:s9] =	ssyncadd.s32 $0xFFFF9C00  }
0x1a: {  	[tilespmem:s24], [sflag:$0x1] =	stream.indirect.gather [hbm4b:s4+s12], $0x1, s3, s12, $0xb8;
	[tilespmem:$0xC900] =	vst v63  }
0x1b: {  	s25 =	simm.s32 $0x6480  }
0x1c: {  	[tilespmem:s25], [sflag:$0x1] =	stream.indirect.gather [hbm4b:s4+s12], $0x1, s12, s12, $0xb8;
	[tilespmem:$0xC900] =	vst v63  }
0x1d: {  	s24 =	simm.s32 $0x100;
	s25 =	simm.s32 $0x6500  }
0x1e: {  	[tilespmem:s25], [sflag:$0x1] =	stream.indirect.gather [hbm4b:s4+s12], $0x1, s24, s12, $0xb8;
	[tilespmem:$0xC900] =	vst v63  }
0x1f: {  	s24 =	simm.s32 $0x180;
	s25 =	simm.s32 $0x6580  }
0x20: {  	[tilespmem:s25], [sflag:$0x1] =	stream.indirect.gather [hbm4b:s4+s12], $0x1, s24, s12, $0xb8;
	[tilespmem:$0xC900] =	vst v63  }
0x21: {  	s24 =	simm.s32 $0x200;
	s25 =	simm.s32 $0x6600  }
0x22: {  	[tilespmem:s25], [sflag:$0x1] =	stream.indirect.gather [hbm4b:s4+s12], $0x1, s24, s12, $0xb8;
	[tilespmem:$0xC900] =	vst v63  }
0x23: {  	s24 =	simm.s32 $0x280;
	s25 =	simm.s32 $0x6680  }
0x24: {  	[tilespmem:s25], [sflag:$0x1] =	stream.indirect.gather [hbm4b:s4+s12], $0x1, s24, s12, $0xb8;
	[tilespmem:$0xC900] =	vst v63  }
0x25: {  	s24 =	simm.s32 $0x300;
	s25 =	simm.s32 $0x6700  }
0x26: {  	[tilespmem:s25], [sflag:$0x1] =	stream.indirect.gather [hbm4b:s4+s12], $0x1, s24, s12, $0xb8;
	[tilespmem:$0xC900] =	vst v63  }
0x27: {  	s24 =	simm.s32 $0x380;
	s25 =	simm.s32 $0x6780  }
0x28: {  	[tilespmem:s25], [sflag:$0x1] =	stream.indirect.gather [hbm4b:s4+s12], $0x1, s24, s12, $0xb8;
	[tilespmem:$0xC900] =	vst v63  }
0x29: {  	s25 =	simm.s32 $0x6800  }
0x2a: {  	[tilespmem:s25], [sflag:$0x1] =	stream.indirect.gather [hbm4b:s4+s12], $0x1, s10, s12, $0xb8;
	[tilespmem:$0xC900] =	vst v63  }
0x2b: {  	s24 =	simm.s32 $0x480;
	s25 =	simm.s32 $0x6880  }
0x2c: {  	[tilespmem:s25], [sflag:$0x1] =	stream.indirect.gather [hbm4b:s4+s12], $0x1, s24, s12, $0xb8;
	[tilespmem:$0xC900] =	vst v63  }
0x2d: {  	s24 =	simm.s32 $0x500;
	s25 =	simm.s32 $0x6900  }
0x2e: {  	[tilespmem:s25], [sflag:$0x1] =	stream.indirect.gather [hbm4b:s4+s12], $0x1, s24, s12, $0xb8;
	[tilespmem:$0xC900] =	vst v63  }
0x2f: {  	s24 =	simm.s32 $0x580;
	s25 =	simm.s32 $0x6980  }
0x30: {  	[tilespmem:s25], [sflag:$0x1] =	stream.indirect.gather [hbm4b:s4+s12], $0x1, s24, s12, $0xb8;
	[tilespmem:$0xC900] =	vst v63  }
0x31: {  	s24 =	simm.s32 $0x600;
	s25 =	simm.s32 $0x6A00  }
0x32: {  	[tilespmem:s25], [sflag:$0x1] =	stream.indirect.gather [hbm4b:s4+s12], $0x1, s24, s12, $0xb8;
	[tilespmem:$0xC900] =	vst v63  }
0x33: {  	s24 =	simm.s32 $0x680;
	s25 =	simm.s32 $0x6A80  }
0x34: {  	[tilespmem:s25], [sflag:$0x1] =	stream.indirect.gather [hbm4b:s4+s12], $0x1, s24, s12, $0xb8;
	[tilespmem:$0xC900] =	vst v63  }
0x35: {  	s24 =	simm.s32 $0x700;
	s25 =	simm.s32 $0x6B00  }
0x36: {  	[tilespmem:s25], [sflag:$0x1] =	stream.indirect.gather [hbm4b:s4+s12], $0x1, s24, s12, $0xb8;
	[tilespmem:$0xC900] =	vst v63  }
0x37: {  	s24 =	simm.s32 $0x780;
	s25 =	simm.s32 $0x6B80  }
0x38: {  	[tilespmem:s25], [sflag:$0x1] =	stream.indirect.gather [hbm4b:s4+s12], $0x1, s24, s12, $0xb8;
	[tilespmem:$0xC900] =	vst v63  }
0x39: {  	s24 =	simm.s32 $0x800;
	s25 =	simm.s32 $0x6C00  }
0x3a: {  	[tilespmem:s25], [sflag:$0x1] =	stream.indirect.gather [hbm4b:s4+s12], $0x1, s24, s12, $0xb8;
	[tilespmem:$0xC900] =	vst v63  }
0x3b: {  	s24 =	simm.s32 $0x880;
	s25 =	simm.s32 $0x6C80  }
0x3c: {  	[tilespmem:s25], [sflag:$0x1] =	stream.indirect.gather [hbm4b:s4+s12], $0x1, s24, s12, $0xb8;
	[tilespmem:$0xC900] =	vst v63  }
0x3d: {  	s24 =	simm.s32 $0x900;
	s25 =	simm.s32 $0x6D00  }
0x3e: {  	[tilespmem:s25], [sflag:$0x1] =	stream.indirect.gather [hbm4b:s4+s12], $0x1, s24, s12, $0xb8;
	[tilespmem:$0xC900] =	vst v63  }
0x3f: {  	s24 =	simm.s32 $0x980;
	s25 =	simm.s32 $0x6D80  }
0x40: {  	[tilespmem:s25], [sflag:$0x1] =	stream.indirect.gather [hbm4b:s4+s12], $0x1, s24, s12, $0xb8;
	[tilespmem:$0xC900] =	vst v63  }
0x41: {  	s24 =	simm.s32 $0xA00;
	s25 =	simm.s32 $0x6E00  }
0x42: {  	[tilespmem:s25], [sflag:$0x1] =	stream.indirect.gather [hbm4b:s4+s12], $0x1, s24, s12, $0xb8;
	[tilespmem:$0xC900] =	vst v63  }
0x43: {  	s24 =	simm.s32 $0xA80;
	s25 =	simm.s32 $0x6E80  }
0x44: {  	[tilespmem:s25], [sflag:$0x1] =	stream.indirect.gather [hbm4b:s4+s12], $0x1, s24, s12, $0xb8;
	[tilespmem:$0xC900] =	vst v63  }
0x45: {  	s24 =	simm.s32 $0xB00;
	s25 =	simm.s32 $0x6F00  }
0x46: {  	[tilespmem:s25], [sflag:$0x1] =	stream.indirect.gather [hbm4b:s4+s12], $0x1, s24, s12, $0xb8;
	[tilespmem:$0xC900] =	vst v63  }
0x47: {  	s24 =	simm.s32 $0xB80;
	s25 =	simm.s32 $0x6F80  }
0x48: {  	[tilespmem:s25], [sflag:$0x1] =	stream.indirect.gather [hbm4b:s4+s12], $0x1, s24, s12, $0xb8;
	[tilespmem:$0xC900] =	vst v63  }
0x49: {  	s24 =	simm.s32 $0xC00;
	s25 =	simm.s32 $0x7000  }
0x4a: {  	[tilespmem:s25], [sflag:$0x1] =	stream.indirect.gather [hbm4b:s4+s12], $0x1, s24, s12, $0xb8;
	[tilespmem:$0xC900] =	vst v63  }
0x4b: {  	s24 =	simm.s32 $0xC80;
	s25 =	simm.s32 $0x7080  }
0x4c: {  	[tilespmem:s25], [sflag:$0x2] =	stream.indirect.gather [hbm4b:s4+s12], $0x1, s24, s12, $0xb8;
	[tilespmem:$0xC900] =	vst v63  }
0x4d: {  	s24 =	simm.s32 $0xD00;
	s25 =	simm.s32 $0x7100  }
0x4e: {  	[tilespmem:s25], [sflag:$0x2] =	stream.indirect.gather [hbm4b:s4+s12], $0x1, s24, s12, $0xb8;
	[tilespmem:$0xC900] =	vst v63  }
0x4f: {  	s24 =	simm.s32 $0xD80;
	s25 =	simm.s32 $0x7180  }
0x50: {  	[tilespmem:s25], [sflag:$0x2] =	stream.indirect.gather [hbm4b:s4+s12], $0x1, s24, s12, $0xb8;
	[tilespmem:$0xC900] =	vst v63  }
0x51: {  	s24 =	simm.s32 $0xE00;
	s25 =	simm.s32 $0x7200  }
0x52: {  	[tilespmem:s25], [sflag:$0x2] =	stream.indirect.gather [hbm4b:s4+s12], $0x1, s24, s12, $0xb8;
	[tilespmem:$0xC900] =	vst v63  }
0x53: {  	s24 =	simm.s32 $0xE80;
	s25 =	simm.s32 $0x7280  }
0x54: {  	[tilespmem:s25], [sflag:$0x2] =	stream.indirect.gather [hbm4b:s4+s12], $0x1, s24, s12, $0xb8;
	[tilespmem:$0xC900] =	vst v63  }
0x55: {  	s24 =	simm.s32 $0xF00;
	s25 =	simm.s32 $0x7300  }
0x56: {  	[tilespmem:s25], [sflag:$0x2] =	stream.indirect.gather [hbm4b:s4+s12], $0x1, s24, s12, $0xb8;
	[tilespmem:$0xC900] =	vst v63  }
0x57: {  	s24 =	simm.s32 $0xF80;
	s25 =	simm.s32 $0x7380  }
0x58: {  	[tilespmem:s25], [sflag:$0x2] =	stream.indirect.gather [hbm4b:s4+s12], $0x1, s24, s12, $0xb8;
	[tilespmem:$0xC900] =	vst v63  }
0x59: {  	s24 =	simm.s32 $0x1000;
	s25 =	simm.s32 $0x7400  }
0x5a: {  	[tilespmem:s25], [sflag:$0x2] =	stream.indirect.gather [hbm4b:s4+s12], $0x1, s24, s12, $0xb8;
	[tilespmem:$0xC900] =	vst v63  }
0x5b: {  	s24 =	simm.s32 $0x1080;
	s25 =	simm.s32 $0x7480  }
0x5c: {  	[tilespmem:s25], [sflag:$0x2] =	stream.indirect.gather [hbm4b:s4+s12], $0x1, s24, s12, $0xb8;
	[tilespmem:$0xC900] =	vst v63  }
0x5d: {  	s24 =	simm.s32 $0x1100;
	s25 =	simm.s32 $0x7500  }
0x5e: {  	[tilespmem:s25], [sflag:$0x2] =	stream.indirect.gather [hbm4b:s4+s12], $0x1, s24, s12, $0xb8;
	[tilespmem:$0xC900] =	vst v63  }
0x5f: {  	s24 =	simm.s32 $0x1180;
	s25 =	simm.s32 $0x7580  }
0x60: {  	[tilespmem:s25], [sflag:$0x2] =	stream.indirect.gather [hbm4b:s4+s12], $0x1, s24, s12, $0xb8;
	[tilespmem:$0xC900] =	vst v63  }
0x61: {  	s24 =	simm.s32 $0x1200;
	s25 =	simm.s32 $0x7600  }
0x62: {  	[tilespmem:s25], [sflag:$0x2] =	stream.indirect.gather [hbm4b:s4+s12], $0x1, s24, s12, $0xb8;
	[tilespmem:$0xC900] =	vst v63  }
0x63: {  	s24 =	simm.s32 $0x1280;
	s25 =	simm.s32 $0x7680  }
0x64: {  	[tilespmem:s25], [sflag:$0x2] =	stream.indirect.gather [hbm4b:s4+s12], $0x1, s24, s12, $0xb8;
	[tilespmem:$0xC900] =	vst v63  }
0x65: {  	s24 =	simm.s32 $0x1300;
	s25 =	simm.s32 $0x7700  }
0x66: {  	[tilespmem:s25], [sflag:$0x2] =	stream.indirect.gather [hbm4b:s4+s12], $0x1, s24, s12, $0xb8;
	[tilespmem:$0xC900] =	vst v63  }
0x67: {  	s24 =	simm.s32 $0x1380;
	s25 =	simm.s32 $0x7780  }
0x68: {  	[tilespmem:s25], [sflag:$0x2] =	stream.indirect.gather [hbm4b:s4+s12], $0x1, s24, s12, $0xb8;
	[tilespmem:$0xC900] =	vst v63  }
0x69: {  	s24 =	simm.s32 $0x1400;
	s25 =	simm.s32 $0x7800  }
0x6a: {  	[tilespmem:s25], [sflag:$0x2] =	stream.indirect.gather [hbm4b:s4+s12], $0x1, s24, s12, $0xb8;
	[tilespmem:$0xC900] =	vst v63  }
0x6b: {  	s24 =	simm.s32 $0x1480;
	s25 =	simm.s32 $0x7880  }
0x6c: {  	[tilespmem:s25], [sflag:$0x2] =	stream.indirect.gather [hbm4b:s4+s12], $0x1, s24, s12, $0xb8;
	[tilespmem:$0xC900] =	vst v63  }
0x6d: {  	s24 =	simm.s32 $0x1500;
	s25 =	simm.s32 $0x7900  }
0x6e: {  	[tilespmem:s25], [sflag:$0x2] =	stream.indirect.gather [hbm4b:s4+s12], $0x1, s24, s12, $0xb8;
	[tilespmem:$0xC900] =	vst v63  }
0x6f: {  	s24 =	simm.s32 $0x1580;
	s25 =	simm.s32 $0x7980  }
0x70: {  	[tilespmem:s25], [sflag:$0x2] =	stream.indirect.gather [hbm4b:s4+s12], $0x1, s24, s12, $0xb8;
	[tilespmem:$0xC900] =	vst v63  }
0x71: {  	s24 =	simm.s32 $0x1600;
	s25 =	simm.s32 $0x7A00  }
0x72: {  	[tilespmem:s25], [sflag:$0x2] =	stream.indirect.gather [hbm4b:s4+s12], $0x1, s24, s12, $0xb8;
	[tilespmem:$0xC900] =	vst v63  }
0x73: {  	s24 =	simm.s32 $0x1680;
	s25 =	simm.s32 $0x7A80  }
0x74: {  	[tilespmem:s25], [sflag:$0x2] =	stream.indirect.gather [hbm4b:s4+s12], $0x1, s24, s12, $0xb8;
	[tilespmem:$0xC900] =	vst v63  }
0x75: {  	s24 =	simm.s32 $0x1700;
	s25 =	simm.s32 $0x7B00  }
0x76: {  	[tilespmem:s25], [sflag:$0x2] =	stream.indirect.gather [hbm4b:s4+s12], $0x1, s24, s12, $0xb8;
	[tilespmem:$0xC900] =	vst v63  }
0x77: {  	s24 =	simm.s32 $0x1780;
	s25 =	simm.s32 $0x7B80  }
0x78: {  	[tilespmem:s25], [sflag:$0x2] =	stream.indirect.gather [hbm4b:s4+s12], $0x1, s24, s12, $0xb8;
	[tilespmem:$0xC900] =	vst v63  }
0x79: {  	s24 =	simm.s32 $0x1800;
	s25 =	simm.s32 $0x7C00  }
0x7a: {  	[tilespmem:s25], [sflag:$0x2] =	stream.indirect.gather [hbm4b:s4+s12], $0x1, s24, s12, $0xb8;
	[tilespmem:$0xC900] =	vst v63  }
0x7b: {  	s24 =	simm.s32 $0x1880;
	s25 =	simm.s32 $0x7C80  }
0x7c: {  	[tilespmem:s25], [sflag:$0x2] =	stream.indirect.gather [hbm4b:s4+s12], $0x1, s24, s12, $0xb8;
	[tilespmem:$0xC900] =	vst v63  }
0x7d: {  	_ =	swait.ge [sflag:s1], $0x80  }
0x7e: {  	[sflag:s1] =	ssyncset.done $0x0  }
0x7f: {  	[sflag:s1] =	ssyncadd.s32 $0xFFFFFF80  }
0x80: {  	_ =	swait.ge [sflag:s1], $0x80  }
0x81: {  	[sflag:s1] =	ssyncset.done $0x0  }
0x82: {  	[sflag:s1] =	ssyncadd.s32 $0xFFFFFF80  }
0x83: {  	_ =	swait.ge [sflag:s1], $0x80  }
0x84: {  	[sflag:s1] =	ssyncset.done $0x0  }
0x85: {  	[sflag:s1] =	ssyncadd.s32 $0xFFFFFF80  }
0x86: {  	_ =	swait.ge [sflag:s1], $0x80  }
0x87: {  	[sflag:s1] =	ssyncset.done $0x0  }
0x88: {  	[sflag:s1] =	ssyncadd.s32 $0xFFFFFF80  }
0x89: {  	_ =	swait.ge [sflag:s1], $0x80  }
0x8a: {  	[sflag:s1] =	ssyncset.done $0x0  }
0x8b: {  	[sflag:s1] =	ssyncadd.s32 $0xFFFFFF80  }
0x8c: {  	_ =	swait.ge [sflag:s1], $0x80  }
0x8d: {  	[sflag:s1] =	ssyncset.done $0x0  }
0x8e: {  	[sflag:s1] =	ssyncadd.s32 $0xFFFFFF80  }
0x8f: {  	_ =	swait.ge [sflag:s1], $0x80  }
0x90: {  	[sflag:s1] =	ssyncset.done $0x0  }
0x91: {  	[sflag:s1] =	ssyncadd.s32 $0xFFFFFF80  }
0x92: {  	_ =	swait.ge [sflag:s1], $0x80  }
0x93: {  	[sflag:s1] =	ssyncset.done $0x0  }
0x94: {  	[sflag:s1] =	ssyncadd.s32 $0xFFFFFF80  }
0x95: {  	_ =	swait.ge [sflag:s1], $0x80  }
0x96: {  	[sflag:s1] =	ssyncset.done $0x0  }
0x97: {  	[sflag:s1] =	ssyncadd.s32 $0xFFFFFF80  }
0x98: {  	_ =	swait.ge [sflag:s1], $0x80  }
0x99: {  	[sflag:s1] =	ssyncset.done $0x0  }
0x9a: {  	[sflag:s1] =	ssyncadd.s32 $0xFFFFFF80  }
0x9b: {  	_ =	swait.ge [sflag:s1], $0x80  }
0x9c: {  	[sflag:s1] =	ssyncset.done $0x0  }
0x9d: {  	[sflag:s1] =	ssyncadd.s32 $0xFFFFFF80  }
0x9e: {  	_ =	swait.ge [sflag:s1], $0x80  }
0x9f: {  	[sflag:s1] =	ssyncset.done $0x0  }
0xa0: {  	[sflag:s1] =	ssyncadd.s32 $0xFFFFFF80  }
0xa1: {  	_ =	swait.ge [sflag:s1], $0x80  }
0xa2: {  	[sflag:s1] =	ssyncset.done $0x0  }
0xa3: {  	[sflag:s1] =	ssyncadd.s32 $0xFFFFFF80  }
0xa4: {  	_ =	swait.ge [sflag:s1], $0x80  }
0xa5: {  	[sflag:s1] =	ssyncset.done $0x0  }
0xa6: {  	[sflag:s1] =	ssyncadd.s32 $0xFFFFFF80  }
0xa7: {  	_ =	swait.ge [sflag:s1], $0x80  }
0xa8: {  	[sflag:s1] =	ssyncset.done $0x0  }
0xa9: {  	[sflag:s1] =	ssyncadd.s32 $0xFFFFFF80  }
0xaa: {  	_ =	swait.ge [sflag:s1], $0x80  }
0xab: {  	[sflag:s1] =	ssyncset.done $0x0  }
0xac: {  	[sflag:s1] =	ssyncadd.s32 $0xFFFFFF80  }
0xad: {  	_ =	swait.ge [sflag:s1], $0x80  }
0xae: {  	[sflag:s1] =	ssyncset.done $0x0  }
0xaf: {  	[sflag:s1] =	ssyncadd.s32 $0xFFFFFF80  }
0xb0: {  	_ =	swait.ge [sflag:s1], $0x80  }
0xb1: {  	[sflag:s1] =	ssyncset.done $0x0  }
0xb2: {  	[sflag:s1] =	ssyncadd.s32 $0xFFFFFF80  }
0xb3: {  	_ =	swait.ge [sflag:s1], $0x80  }
0xb4: {  	[sflag:s1] =	ssyncset.done $0x0  }
0xb5: {  	[sflag:s1] =	ssyncadd.s32 $0xFFFFFF80  }
0xb6: {  	_ =	swait.ge [sflag:s1], $0x80  }
0xb7: {  	[sflag:s1] =	ssyncset.done $0x0  }
0xb8: {  	[sflag:s1] =	ssyncadd.s32 $0xFFFFFF80  }
0xb9: {  	_ =	swait.ge [sflag:s1], $0x80  }
0xba: {  	[sflag:s1] =	ssyncset.done $0x0  }
0xbb: {  	[sflag:s1] =	ssyncadd.s32 $0xFFFFFF80  }
0xbc: {  	_ =	swait.ge [sflag:s1], $0x80  }
0xbd: {  	[sflag:s1] =	ssyncset.done $0x0  }
0xbe: {  	[sflag:s1] =	ssyncadd.s32 $0xFFFFFF80  }
0xbf: {  	_ =	swait.ge [sflag:s1], $0x80  }
0xc0: {  	[sflag:s1] =	ssyncset.done $0x0  }
0xc1: {  	[sflag:s1] =	ssyncadd.s32 $0xFFFFFF80  }
0xc2: {  	_ =	swait.ge [sflag:s1], $0x80  }
0xc3: {  	[sflag:s1] =	ssyncset.done $0x0  }
0xc4: {  	[sflag:s1] =	ssyncadd.s32 $0xFFFFFF80  }
0xc5: {  	_ =	swait.ge [sflag:s1], $0x80  }
0xc6: {  	[sflag:s1] =	ssyncset.done $0x0  }
0xc7: {  	s25 =	simm.s32 $0x0;
	[sflag:s1] =	ssyncadd.s32 $0xFFFFFF80  }
0xc8: {  	v1 =	vld [tilespmem:s25+$0x6470]  }
0xc9: {  	v2 =	vld [tilespmem:s25+$0x6400]  }
0xca: {  	v3 =	vld [tilespmem:s25+$0x6410]  }
0xcb: {  	v9 =	vld [tilespmem:s25+$0x6420]  }
0xcc: {  	v5 =	vld [tilespmem:s25+$0x6430]  }
0xcd: {  	v0 =	vimm.f32 $0.0e+00;
	v4 =	vimm.f32 $0.0e+00;
	v6 =	vld [tilespmem:s25+$0x6440]  }
0xce: {  	v10 =	vimm.f32 $0.0e+00;
	v7 =	vimm.f32 $0.0e+00;
	v11 =	vld [tilespmem:s25+$0x6450];
	v1 =	vadd.f32 v1, v0  }
0xcf: {  	v8 =	vimm.f32 $0.0e+00;
	s23 =	simm.s32 $0x80;
	s24 =	simm.s32 $0x400;
	v12 =	vld [tilespmem:s25+$0x6460];
	v2 =	vadd.f32 v2, v0;
	v3 =	vadd.f32 v3, v0  }
.LBB2_2:
0xd0: {  	p0 =	seq.s32 s24, $0x3000;
	v13 =	vld [tilespmem:s23+$0x6470];
	v0 =	vadd.f32 v9, v0  }
0xd1: {  	v14 =	vld [tilespmem:s23+$0x6400];
	v4 =	vadd.f32 v5, v4  }
0xd2: {  	v15 =	vld [tilespmem:s23+$0x6410];
	v10 =	vadd.f32 v6, v10  }
.Ltmp0:
0xd3: {  	v9 =	vld [tilespmem:s23+$0x6420];
	v7 =	vadd.f32 v11, v7;
	(pc) =	sbr.rel @!p0 .LBB2_2-.Ltmp0, $4  }
0xd4: {  	v5 =	vld [tilespmem:s23+$0x6430];
	v8 =	vadd.f32 v12, v8  }
0xd5: {  	v6 =	vld [tilespmem:s23+$0x6440];
	v1 =	vadd.f32 v13, v1  }
0xd6: {  	v2 =	vadd.f32 v14, v2;
	v11 =	vld [tilespmem:s23+$0x6450]  }
0xd7: {  	v3 =	vadd.f32 v15, v3;
	v12 =	vld [tilespmem:s23+$0x6460];
	s23 =	sshra.s32 s24, $0x2;
	s24 =	sadd.s32 $0x200, s24  }
0xd8: {  	v13 =	vld [tilespmem:s23+$0x6470]  }
0xd9: {  	v14 =	vld [tilespmem:s23+$0x6400]  }
0xda: {  	v15 =	vld [tilespmem:s23+$0x6410]  }
0xdb: {  	v16 =	vld [tilespmem:s23+$0x6420]  }
0xdc: {  	v17 =	vld [tilespmem:s23+$0x6430]  }
0xdd: {  	v18 =	vld [tilespmem:s23+$0x6440]  }
0xde: {  	v0 =	vadd.f32 v9, v0;
	v9 =	vld [tilespmem:s23+$0x6450];
	s25 =	simm.s32 $0x1900;
	s24 =	simm.s32 $0x7D00  }
0xdf: {  	v20 =	vld [tilespmem:s23+$0x6460];
	[tilespmem:s24], [sflag:$0x1] =	stream.indirect.gather [hbm4b:s4+s12], $0x1, s25, s12, $0xb8  }
0xe0: {  	s24 =	simm.s32 $0x1980;
	s25 =	simm.s32 $0x7D80  }
0xe1: {  	[tilespmem:s25], [sflag:$0x1] =	stream.indirect.gather [hbm4b:s4+s12], $0x1, s24, s12, $0xb8;
	[tilespmem:$0xC900] =	vst v63  }
0xe2: {  	s24 =	simm.s32 $0x1A00;
	s25 =	simm.s32 $0x7E00  }
0xe3: {  	[tilespmem:s25], [sflag:$0x1] =	stream.indirect.gather [hbm4b:s4+s12], $0x1, s24, s12, $0xb8;
	[tilespmem:$0xC900] =	vst v63  }
0xe4: {  	s24 =	simm.s32 $0x1A80;
	s25 =	simm.s32 $0x7E80  }
0xe5: {  	[tilespmem:s25], [sflag:$0x1] =	stream.indirect.gather [hbm4b:s4+s12], $0x1, s24, s12, $0xb8;
	[tilespmem:$0xC900] =	vst v63  }
0xe6: {  	s24 =	simm.s32 $0x1B00;
	s25 =	simm.s32 $0x7F00  }
0xe7: {  	[tilespmem:s25], [sflag:$0x1] =	stream.indirect.gather [hbm4b:s4+s12], $0x1, s24, s12, $0xb8;
	[tilespmem:$0xC900] =	vst v63  }
0xe8: {  	s24 =	simm.s32 $0x1B80;
	s25 =	simm.s32 $0x7F80  }
0xe9: {  	[tilespmem:s25], [sflag:$0x1] =	stream.indirect.gather [hbm4b:s4+s12], $0x1, s24, s12, $0xb8;
	[tilespmem:$0xC900] =	vst v63  }
0xea: {  	s25 =	simm.s32 $0x1C00  }
0xeb: {  	[tilespmem:s11], [sflag:$0x1] =	stream.indirect.gather [hbm4b:s4+s12], $0x1, s25, s12, $0xb8;
	[tilespmem:$0xC900] =	vst v63  }
0xec: {  	s24 =	simm.s32 $0x1C80;
	s25 =	simm.s32 $0x8080  }
0xed: {  	[tilespmem:s25], [sflag:$0x1] =	stream.indirect.gather [hbm4b:s4+s12], $0x1, s24, s12, $0xb8;
	[tilespmem:$0xC900] =	vst v63  }
0xee: {  	s24 =	simm.s32 $0x1D00;
	s25 =	simm.s32 $0x8100  }
0xef: {  	[tilespmem:s25], [sflag:$0x1] =	stream.indirect.gather [hbm4b:s4+s12], $0x1, s24, s12, $0xb8;
	[tilespmem:$0xC900] =	vst v63  }
0xf0: {  	s24 =	simm.s32 $0x1D80;
	s25 =	simm.s32 $0x8180  }
0xf1: {  	[tilespmem:s25], [sflag:$0x1] =	stream.indirect.gather [hbm4b:s4+s12], $0x1, s24, s12, $0xb8;
	[tilespmem:$0xC900] =	vst v63  }
0xf2: {  	s24 =	simm.s32 $0x1E00;
	s25 =	simm.s32 $0x8200  }
0xf3: {  	[tilespmem:s25], [sflag:$0x1] =	stream.indirect.gather [hbm4b:s4+s12], $0x1, s24, s12, $0xb8;
	[tilespmem:$0xC900] =	vst v63  }
0xf4: {  	s24 =	simm.s32 $0x1E80;
	s25 =	simm.s32 $0x8280  }
0xf5: {  	[tilespmem:s25], [sflag:$0x1] =	stream.indirect.gather [hbm4b:s4+s12], $0x1, s24, s12, $0xb8;
	[tilespmem:$0xC900] =	vst v63  }
0xf6: {  	s24 =	simm.s32 $0x1F00;
	s25 =	simm.s32 $0x8300  }
0xf7: {  	[tilespmem:s25], [sflag:$0x1] =	stream.indirect.gather [hbm4b:s4+s12], $0x1, s24, s12, $0xb8;
	[tilespmem:$0xC900] =	vst v63  }
0xf8: {  	s24 =	simm.s32 $0x1F80;
	s25 =	simm.s32 $0x8380  }
0xf9: {  	[tilespmem:s25], [sflag:$0x1] =	stream.indirect.gather [hbm4b:s4+s12], $0x1, s24, s12, $0xb8;
	[tilespmem:$0xC900] =	vst v63  }
0xfa: {  	s24 =	simm.s32 $0x2000;
	s25 =	simm.s32 $0x8400  }
0xfb: {  	[tilespmem:s25], [sflag:$0x1] =	stream.indirect.gather [hbm4b:s4+s12], $0x1, s24, s12, $0xb8;
	[tilespmem:$0xC900] =	vst v63  }
0xfc: {  	s24 =	simm.s32 $0x2080;
	s25 =	simm.s32 $0x8480  }
0xfd: {  	[tilespmem:s25], [sflag:$0x1] =	stream.indirect.gather [hbm4b:s4+s12], $0x1, s24, s12, $0xb8;
	[tilespmem:$0xC900] =	vst v63  }
0xfe: {  	s24 =	simm.s32 $0x2100;
	s25 =	simm.s32 $0x8500  }
0xff: {  	[tilespmem:s25], [sflag:$0x1] =	stream.indirect.gather [hbm4b:s4+s12], $0x1, s24, s12, $0xb8;
	[tilespmem:$0xC900] =	vst v63  }
0x100: {  	s24 =	simm.s32 $0x2180;
	s25 =	simm.s32 $0x8580  }
0x101: {  	[tilespmem:s25], [sflag:$0x1] =	stream.indirect.gather [hbm4b:s4+s12], $0x1, s24, s12, $0xb8;
	[tilespmem:$0xC900] =	vst v63  }
0x102: {  	s24 =	simm.s32 $0x2200;
	s25 =	simm.s32 $0x8600  }
0x103: {  	[tilespmem:s25], [sflag:$0x1] =	stream.indirect.gather [hbm4b:s4+s12], $0x1, s24, s12, $0xb8;
	[tilespmem:$0xC900] =	vst v63  }
0x104: {  	s24 =	simm.s32 $0x2280;
	s25 =	simm.s32 $0x8680  }
0x105: {  	[tilespmem:s25], [sflag:$0x1] =	stream.indirect.gather [hbm4b:s4+s12], $0x1, s24, s12, $0xb8;
	[tilespmem:$0xC900] =	vst v63  }
0x106: {  	s24 =	simm.s32 $0x2300;
	s25 =	simm.s32 $0x8700  }
0x107: {  	[tilespmem:s25], [sflag:$0x1] =	stream.indirect.gather [hbm4b:s4+s12], $0x1, s24, s12, $0xb8;
	[tilespmem:$0xC900] =	vst v63  }
0x108: {  	s24 =	simm.s32 $0x2380;
	s25 =	simm.s32 $0x8780  }
0x109: {  	[tilespmem:s25], [sflag:$0x1] =	stream.indirect.gather [hbm4b:s4+s12], $0x1, s24, s12, $0xb8;
	[tilespmem:$0xC900] =	vst v63  }
0x10a: {  	s24 =	simm.s32 $0x2400;
	s25 =	simm.s32 $0x8800  }
0x10b: {  	[tilespmem:s25], [sflag:$0x1] =	stream.indirect.gather [hbm4b:s4+s12], $0x1, s24, s12, $0xb8;
	[tilespmem:$0xC900] =	vst v63  }
0x10c: {  	s24 =	simm.s32 $0x2480;
	s25 =	simm.s32 $0x8880  }
0x10d: {  	[tilespmem:s25], [sflag:$0x1] =	stream.indirect.gather [hbm4b:s4+s12], $0x1, s24, s12, $0xb8;
	[tilespmem:$0xC900] =	vst v63  }
0x10e: {  	s24 =	simm.s32 $0x2500;
	s25 =	simm.s32 $0x8900  }
0x10f: {  	[tilespmem:s25], [sflag:$0x1] =	stream.indirect.gather [hbm4b:s4+s12], $0x1, s24, s12, $0xb8;
	[tilespmem:$0xC900] =	vst v63  }
0x110: {  	_ =	swait.ge [sflag:s0], $0x80  }
0x111: {  	[sflag:s0] =	ssyncset.done $0x0  }
0x112: {  	[sflag:s0] =	ssyncadd.s32 $0xFFFFFF80  }
0x113: {  	_ =	swait.ge [sflag:s0], $0x80  }
0x114: {  	[sflag:s0] =	ssyncset.done $0x0  }
0x115: {  	[sflag:s0] =	ssyncadd.s32 $0xFFFFFF80  }
0x116: {  	_ =	swait.ge [sflag:s0], $0x80  }
0x117: {  	[sflag:s0] =	ssyncset.done $0x0  }
0x118: {  	[sflag:s0] =	ssyncadd.s32 $0xFFFFFF80  }
0x119: {  	_ =	swait.ge [sflag:s0], $0x80  }
0x11a: {  	[sflag:s0] =	ssyncset.done $0x0  }
0x11b: {  	[sflag:s0] =	ssyncadd.s32 $0xFFFFFF80  }
0x11c: {  	_ =	swait.ge [sflag:s0], $0x80  }
0x11d: {  	[sflag:s0] =	ssyncset.done $0x0  }
0x11e: {  	[sflag:s0] =	ssyncadd.s32 $0xFFFFFF80  }
0x11f: {  	_ =	swait.ge [sflag:s0], $0x80  }
0x120: {  	[sflag:s0] =	ssyncset.done $0x0  }
0x121: {  	[sflag:s0] =	ssyncadd.s32 $0xFFFFFF80  }
0x122: {  	_ =	swait.ge [sflag:s0], $0x80  }
0x123: {  	[sflag:s0] =	ssyncset.done $0x0  }
0x124: {  	[sflag:s0] =	ssyncadd.s32 $0xFFFFFF80  }
0x125: {  	_ =	swait.ge [sflag:s0], $0x80  }
0x126: {  	[sflag:s0] =	ssyncset.done $0x0  }
0x127: {  	[sflag:s0] =	ssyncadd.s32 $0xFFFFFF80  }
0x128: {  	_ =	swait.ge [sflag:s0], $0x80  }
0x129: {  	[sflag:s0] =	ssyncset.done $0x0  }
0x12a: {  	[sflag:s0] =	ssyncadd.s32 $0xFFFFFF80  }
0x12b: {  	_ =	swait.ge [sflag:s0], $0x80  }
0x12c: {  	[sflag:s0] =	ssyncset.done $0x0  }
0x12d: {  	[sflag:s0] =	ssyncadd.s32 $0xFFFFFF80  }
0x12e: {  	_ =	swait.ge [sflag:s0], $0x80  }
0x12f: {  	[sflag:s0] =	ssyncset.done $0x0  }
0x130: {  	[sflag:s0] =	ssyncadd.s32 $0xFFFFFF80  }
0x131: {  	_ =	swait.ge [sflag:s0], $0x80  }
0x132: {  	[sflag:s0] =	ssyncset.done $0x0  }
0x133: {  	[sflag:s0] =	ssyncadd.s32 $0xFFFFFF80  }
0x134: {  	_ =	swait.ge [sflag:s0], $0x80  }
0x135: {  	[sflag:s0] =	ssyncset.done $0x0  }
0x136: {  	[sflag:s0] =	ssyncadd.s32 $0xFFFFFF80  }
0x137: {  	_ =	swait.ge [sflag:s0], $0x80  }
0x138: {  	[sflag:s0] =	ssyncset.done $0x0  }
0x139: {  	[sflag:s0] =	ssyncadd.s32 $0xFFFFFF80  }
0x13a: {  	_ =	swait.ge [sflag:s0], $0x80  }
0x13b: {  	[sflag:s0] =	ssyncset.done $0x0  }
0x13c: {  	[sflag:s0] =	ssyncadd.s32 $0xFFFFFF80  }
0x13d: {  	_ =	swait.ge [sflag:s0], $0x80  }
0x13e: {  	[sflag:s0] =	ssyncset.done $0x0  }
0x13f: {  	[sflag:s0] =	ssyncadd.s32 $0xFFFFFF80  }
0x140: {  	_ =	swait.ge [sflag:s0], $0x80  }
0x141: {  	[sflag:s0] =	ssyncset.done $0x0  }
0x142: {  	[sflag:s0] =	ssyncadd.s32 $0xFFFFFF80  }
0x143: {  	_ =	swait.ge [sflag:s0], $0x80  }
0x144: {  	[sflag:s0] =	ssyncset.done $0x0  }
0x145: {  	[sflag:s0] =	ssyncadd.s32 $0xFFFFFF80  }
0x146: {  	_ =	swait.ge [sflag:s0], $0x80  }
0x147: {  	[sflag:s0] =	ssyncset.done $0x0  }
0x148: {  	[sflag:s0] =	ssyncadd.s32 $0xFFFFFF80  }
0x149: {  	_ =	swait.ge [sflag:s0], $0x80  }
0x14a: {  	[sflag:s0] =	ssyncset.done $0x0  }
0x14b: {  	[sflag:s0] =	ssyncadd.s32 $0xFFFFFF80  }
0x14c: {  	_ =	swait.ge [sflag:s0], $0x80  }
0x14d: {  	[sflag:s0] =	ssyncset.done $0x0  }
0x14e: {  	[sflag:s0] =	ssyncadd.s32 $0xFFFFFF80  }
0x14f: {  	_ =	swait.ge [sflag:s0], $0x80  }
0x150: {  	[sflag:s0] =	ssyncset.done $0x0  }
0x151: {  	[sflag:s0] =	ssyncadd.s32 $0xFFFFFF80  }
0x152: {  	_ =	swait.ge [sflag:s0], $0x80  }
0x153: {  	[sflag:s0] =	ssyncset.done $0x0  }
0x154: {  	[sflag:s0] =	ssyncadd.s32 $0xFFFFFF80  }
0x155: {  	_ =	swait.ge [sflag:s0], $0x80  }
0x156: {  	[sflag:s0] =	ssyncset.done $0x0  }
0x157: {  	[sflag:s0] =	ssyncadd.s32 $0xFFFFFF80  }
0x158: {  	_ =	swait.ge [sflag:s0], $0x80  }
0x159: {  	v11 =	vadd.f32 v11, v7;
	[sflag:s0] =	ssyncset.done $0x0  }
0x15a: {  	v19 =	vadd.f32 v5, v4;
	s25 =	simm.s32 $0x0;
	[sflag:s0] =	ssyncadd.s32 $0xFFFFFF80  }
0x15b: {  	v4 =	vadd.f32 v16, v0;
	v0 =	vadd.f32 v9, v11;
	v11 =	vld [tilespmem:s25+$0x70F0]  }
0x15c: {  	v10 =	vadd.f32 v6, v10;
	v8 =	vadd.f32 v12, v8;
	v12 =	vld [tilespmem:s25+$0x7080]  }
0x15d: {  	v7 =	vadd.f32 v13, v1;
	v13 =	vld [tilespmem:s25+$0x7090]  }
0x15e: {  	v5 =	vadd.f32 v15, v3;
	v3 =	vadd.f32 v18, v10;
	v10 =	vld [tilespmem:s25+$0x70A0]  }
0x15f: {  	v1 =	vadd.f32 v20, v8;
	v8 =	vld [tilespmem:s25+$0x70B0]  }
0x160: {  	v6 =	vadd.f32 v14, v2;
	v9 =	vld [tilespmem:s25+$0x70C0]  }
0x161: {  	v2 =	vadd.f32 v17, v19;
	v7 =	vadd.f32 v11, v7;
	v11 =	vld [tilespmem:s25+$0x70D0]  }
0x162: {  	s23 =	simm.s32 $0x80;
	s24 =	simm.s32 $0x400;
	v6 =	vadd.f32 v12, v6;
	v5 =	vadd.f32 v13, v5;
	v12 =	vld [tilespmem:s25+$0x70E0]  }
.LBB2_4:
0x163: {  	p0 =	seq.s32 s24, $0x3000;
	v13 =	vld [tilespmem:s23+$0x70F0];
	v4 =	vadd.f32 v10, v4  }
0x164: {  	v14 =	vld [tilespmem:s23+$0x7080];
	v2 =	vadd.f32 v8, v2  }
0x165: {  	v15 =	vld [tilespmem:s23+$0x7090];
	v3 =	vadd.f32 v9, v3  }
.Ltmp1:
0x166: {  	v10 =	vld [tilespmem:s23+$0x70A0];
	v0 =	vadd.f32 v11, v0;
	(pc) =	sbr.rel @!p0 .LBB2_4-.Ltmp1, $4  }
0x167: {  	v8 =	vld [tilespmem:s23+$0x70B0];
	v1 =	vadd.f32 v12, v1  }
0x168: {  	v9 =	vld [tilespmem:s23+$0x70C0];
	v7 =	vadd.f32 v13, v7  }
0x169: {  	v6 =	vadd.f32 v14, v6;
	v11 =	vld [tilespmem:s23+$0x70D0]  }
0x16a: {  	v5 =	vadd.f32 v15, v5;
	v12 =	vld [tilespmem:s23+$0x70E0];
	s23 =	sshra.s32 s24, $0x2;
	s24 =	sadd.s32 $0x200, s24  }
0x16b: {  	v13 =	vld [tilespmem:s23+$0x70F0]  }
0x16c: {  	v14 =	vld [tilespmem:s23+$0x7080]  }
0x16d: {  	v15 =	vld [tilespmem:s23+$0x7090]  }
0x16e: {  	v16 =	vld [tilespmem:s23+$0x70A0]  }
0x16f: {  	v17 =	vld [tilespmem:s23+$0x70B0]  }
0x170: {  	v18 =	vld [tilespmem:s23+$0x70C0]  }
0x171: {  	v4 =	vadd.f32 v10, v4;
	v10 =	vld [tilespmem:s23+$0x70D0];
	s25 =	simm.s32 $0x2580;
	s24 =	simm.s32 $0x8980  }
0x172: {  	v2 =	vadd.f32 v8, v2;
	v8 =	vld [tilespmem:s23+$0x70E0];
	[tilespmem:s24], [sflag:$0x2] =	stream.indirect.gather [hbm4b:s4+s12], $0x1, s25, s12, $0xb8  }
0x173: {  	s24 =	simm.s32 $0x2600;
	s25 =	simm.s32 $0x8A00  }
0x174: {  	[tilespmem:s25], [sflag:$0x2] =	stream.indirect.gather [hbm4b:s4+s12], $0x1, s24, s12, $0xb8;
	[tilespmem:$0xC900] =	vst v63  }
0x175: {  	s24 =	simm.s32 $0x2680;
	s25 =	simm.s32 $0x8A80  }
0x176: {  	[tilespmem:s25], [sflag:$0x2] =	stream.indirect.gather [hbm4b:s4+s12], $0x1, s24, s12, $0xb8;
	[tilespmem:$0xC900] =	vst v63  }
0x177: {  	s24 =	simm.s32 $0x2700;
	s25 =	simm.s32 $0x8B00  }
0x178: {  	[tilespmem:s25], [sflag:$0x2] =	stream.indirect.gather [hbm4b:s4+s12], $0x1, s24, s12, $0xb8;
	[tilespmem:$0xC900] =	vst v63  }
0x179: {  	s24 =	simm.s32 $0x2780;
	s25 =	simm.s32 $0x8B80  }
0x17a: {  	[tilespmem:s25], [sflag:$0x2] =	stream.indirect.gather [hbm4b:s4+s12], $0x1, s24, s12, $0xb8;
	[tilespmem:$0xC900] =	vst v63  }
0x17b: {  	s24 =	simm.s32 $0x2800;
	s25 =	simm.s32 $0x8C00  }
0x17c: {  	[tilespmem:s25], [sflag:$0x2] =	stream.indirect.gather [hbm4b:s4+s12], $0x1, s24, s12, $0xb8;
	[tilespmem:$0xC900] =	vst v63  }
0x17d: {  	s24 =	simm.s32 $0x2880;
	s25 =	simm.s32 $0x8C80  }
0x17e: {  	[tilespmem:s25], [sflag:$0x2] =	stream.indirect.gather [hbm4b:s4+s12], $0x1, s24, s12, $0xb8;
	[tilespmem:$0xC900] =	vst v63  }
0x17f: {  	s24 =	simm.s32 $0x2900;
	s25 =	simm.s32 $0x8D00  }
0x180: {  	[tilespmem:s25], [sflag:$0x2] =	stream.indirect.gather [hbm4b:s4+s12], $0x1, s24, s12, $0xb8;
	[tilespmem:$0xC900] =	vst v63  }
0x181: {  	s24 =	simm.s32 $0x2980;
	s25 =	simm.s32 $0x8D80  }
0x182: {  	[tilespmem:s25], [sflag:$0x2] =	stream.indirect.gather [hbm4b:s4+s12], $0x1, s24, s12, $0xb8;
	[tilespmem:$0xC900] =	vst v63  }
0x183: {  	s24 =	simm.s32 $0x2A00;
	s25 =	simm.s32 $0x8E00  }
0x184: {  	[tilespmem:s25], [sflag:$0x2] =	stream.indirect.gather [hbm4b:s4+s12], $0x1, s24, s12, $0xb8;
	[tilespmem:$0xC900] =	vst v63  }
0x185: {  	s24 =	simm.s32 $0x2A80;
	s25 =	simm.s32 $0x8E80  }
0x186: {  	[tilespmem:s25], [sflag:$0x2] =	stream.indirect.gather [hbm4b:s4+s12], $0x1, s24, s12, $0xb8;
	[tilespmem:$0xC900] =	vst v63  }
0x187: {  	s24 =	simm.s32 $0x2B00;
	s25 =	simm.s32 $0x8F00  }
0x188: {  	[tilespmem:s25], [sflag:$0x2] =	stream.indirect.gather [hbm4b:s4+s12], $0x1, s24, s12, $0xb8;
	[tilespmem:$0xC900] =	vst v63  }
0x189: {  	s24 =	simm.s32 $0x2B80;
	s25 =	simm.s32 $0x8F80  }
0x18a: {  	[tilespmem:s25], [sflag:$0x2] =	stream.indirect.gather [hbm4b:s4+s12], $0x1, s24, s12, $0xb8;
	[tilespmem:$0xC900] =	vst v63  }
0x18b: {  	s24 =	simm.s32 $0x2C00;
	s25 =	simm.s32 $0x9000  }
0x18c: {  	[tilespmem:s25], [sflag:$0x2] =	stream.indirect.gather [hbm4b:s4+s12], $0x1, s24, s12, $0xb8;
	[tilespmem:$0xC900] =	vst v63  }
0x18d: {  	s24 =	simm.s32 $0x2C80;
	s25 =	simm.s32 $0x9080  }
0x18e: {  	[tilespmem:s25], [sflag:$0x2] =	stream.indirect.gather [hbm4b:s4+s12], $0x1, s24, s12, $0xb8;
	[tilespmem:$0xC900] =	vst v63  }
0x18f: {  	s24 =	simm.s32 $0x2D00;
	s25 =	simm.s32 $0x9100  }
0x190: {  	[tilespmem:s25], [sflag:$0x2] =	stream.indirect.gather [hbm4b:s4+s12], $0x1, s24, s12, $0xb8;
	[tilespmem:$0xC900] =	vst v63  }
0x191: {  	s24 =	simm.s32 $0x2D80;
	s25 =	simm.s32 $0x9180  }
0x192: {  	[tilespmem:s25], [sflag:$0x2] =	stream.indirect.gather [hbm4b:s4+s12], $0x1, s24, s12, $0xb8;
	[tilespmem:$0xC900] =	vst v63  }
0x193: {  	s24 =	simm.s32 $0x2E00;
	s25 =	simm.s32 $0x9200  }
0x194: {  	[tilespmem:s25], [sflag:$0x2] =	stream.indirect.gather [hbm4b:s4+s12], $0x1, s24, s12, $0xb8;
	[tilespmem:$0xC900] =	vst v63  }
0x195: {  	s24 =	simm.s32 $0x2E80;
	s25 =	simm.s32 $0x9280  }
0x196: {  	[tilespmem:s25], [sflag:$0x2] =	stream.indirect.gather [hbm4b:s4+s12], $0x1, s24, s12, $0xb8;
	[tilespmem:$0xC900] =	vst v63  }
0x197: {  	s24 =	simm.s32 $0x2F00;
	s25 =	simm.s32 $0x9300  }
0x198: {  	[tilespmem:s25], [sflag:$0x2] =	stream.indirect.gather [hbm4b:s4+s12], $0x1, s24, s12, $0xb8;
	[tilespmem:$0xC900] =	vst v63  }
0x199: {  	s24 =	simm.s32 $0x2F80;
	s25 =	simm.s32 $0x9380  }
0x19a: {  	[tilespmem:s25], [sflag:$0x2] =	stream.indirect.gather [hbm4b:s4+s12], $0x1, s24, s12, $0xb8;
	[tilespmem:$0xC900] =	vst v63  }
0x19b: {  	s24 =	simm.s32 $0x3000;
	s25 =	simm.s32 $0x9400  }
0x19c: {  	[tilespmem:s25], [sflag:$0x2] =	stream.indirect.gather [hbm4b:s4+s12], $0x1, s24, s12, $0xb8;
	[tilespmem:$0xC900] =	vst v63  }
0x19d: {  	s24 =	simm.s32 $0x3080;
	s25 =	simm.s32 $0x9480  }
0x19e: {  	[tilespmem:s25], [sflag:$0x2] =	stream.indirect.gather [hbm4b:s4+s12], $0x1, s24, s12, $0xb8;
	[tilespmem:$0xC900] =	vst v63  }
0x19f: {  	s24 =	simm.s32 $0x3100;
	s25 =	simm.s32 $0x9500  }
0x1a0: {  	[tilespmem:s25], [sflag:$0x2] =	stream.indirect.gather [hbm4b:s4+s12], $0x1, s24, s12, $0xb8;
	[tilespmem:$0xC900] =	vst v63  }
0x1a1: {  	s24 =	simm.s32 $0x3180;
	s25 =	simm.s32 $0x9580  }
0x1a2: {  	[tilespmem:s25], [sflag:$0x2] =	stream.indirect.gather [hbm4b:s4+s12], $0x1, s24, s12, $0xb8;
	[tilespmem:$0xC900] =	vst v63  }
0x1a3: {  	_ =	swait.ge [sflag:s1], $0x80  }
0x1a4: {  	[sflag:s1] =	ssyncset.done $0x0  }
0x1a5: {  	[sflag:s1] =	ssyncadd.s32 $0xFFFFFF80  }
0x1a6: {  	_ =	swait.ge [sflag:s1], $0x80  }
0x1a7: {  	[sflag:s1] =	ssyncset.done $0x0  }
0x1a8: {  	[sflag:s1] =	ssyncadd.s32 $0xFFFFFF80  }
0x1a9: {  	_ =	swait.ge [sflag:s1], $0x80  }
0x1aa: {  	[sflag:s1] =	ssyncset.done $0x0  }
0x1ab: {  	[sflag:s1] =	ssyncadd.s32 $0xFFFFFF80  }
0x1ac: {  	_ =	swait.ge [sflag:s1], $0x80  }
0x1ad: {  	[sflag:s1] =	ssyncset.done $0x0  }
0x1ae: {  	[sflag:s1] =	ssyncadd.s32 $0xFFFFFF80  }
0x1af: {  	_ =	swait.ge [sflag:s1], $0x80  }
0x1b0: {  	[sflag:s1] =	ssyncset.done $0x0  }
0x1b1: {  	[sflag:s1] =	ssyncadd.s32 $0xFFFFFF80  }
0x1b2: {  	_ =	swait.ge [sflag:s1], $0x80  }
0x1b3: {  	[sflag:s1] =	ssyncset.done $0x0  }
0x1b4: {  	[sflag:s1] =	ssyncadd.s32 $0xFFFFFF80  }
0x1b5: {  	_ =	swait.ge [sflag:s1], $0x80  }
0x1b6: {  	[sflag:s1] =	ssyncset.done $0x0  }
0x1b7: {  	[sflag:s1] =	ssyncadd.s32 $0xFFFFFF80  }
0x1b8: {  	_ =	swait.ge [sflag:s1], $0x80  }
0x1b9: {  	[sflag:s1] =	ssyncset.done $0x0  }
0x1ba: {  	[sflag:s1] =	ssyncadd.s32 $0xFFFFFF80  }
0x1bb: {  	_ =	swait.ge [sflag:s1], $0x80  }
0x1bc: {  	[sflag:s1] =	ssyncset.done $0x0  }
0x1bd: {  	[sflag:s1] =	ssyncadd.s32 $0xFFFFFF80  }
0x1be: {  	_ =	swait.ge [sflag:s1], $0x80  }
0x1bf: {  	[sflag:s1] =	ssyncset.done $0x0  }
0x1c0: {  	[sflag:s1] =	ssyncadd.s32 $0xFFFFFF80  }
0x1c1: {  	_ =	swait.ge [sflag:s1], $0x80  }
0x1c2: {  	[sflag:s1] =	ssyncset.done $0x0  }
0x1c3: {  	[sflag:s1] =	ssyncadd.s32 $0xFFFFFF80  }
0x1c4: {  	_ =	swait.ge [sflag:s1], $0x80  }
0x1c5: {  	[sflag:s1] =	ssyncset.done $0x0  }
0x1c6: {  	[sflag:s1] =	ssyncadd.s32 $0xFFFFFF80  }
0x1c7: {  	_ =	swait.ge [sflag:s1], $0x80  }
0x1c8: {  	[sflag:s1] =	ssyncset.done $0x0  }
0x1c9: {  	[sflag:s1] =	ssyncadd.s32 $0xFFFFFF80  }
0x1ca: {  	_ =	swait.ge [sflag:s1], $0x80  }
0x1cb: {  	[sflag:s1] =	ssyncset.done $0x0  }
0x1cc: {  	[sflag:s1] =	ssyncadd.s32 $0xFFFFFF80  }
0x1cd: {  	_ =	swait.ge [sflag:s1], $0x80  }
0x1ce: {  	[sflag:s1] =	ssyncset.done $0x0  }
0x1cf: {  	[sflag:s1] =	ssyncadd.s32 $0xFFFFFF80  }
0x1d0: {  	_ =	swait.ge [sflag:s1], $0x80  }
0x1d1: {  	[sflag:s1] =	ssyncset.done $0x0  }
0x1d2: {  	[sflag:s1] =	ssyncadd.s32 $0xFFFFFF80  }
0x1d3: {  	_ =	swait.ge [sflag:s1], $0x80  }
0x1d4: {  	[sflag:s1] =	ssyncset.done $0x0  }
0x1d5: {  	[sflag:s1] =	ssyncadd.s32 $0xFFFFFF80  }
0x1d6: {  	_ =	swait.ge [sflag:s1], $0x80  }
0x1d7: {  	[sflag:s1] =	ssyncset.done $0x0  }
0x1d8: {  	[sflag:s1] =	ssyncadd.s32 $0xFFFFFF80  }
0x1d9: {  	_ =	swait.ge [sflag:s1], $0x80  }
0x1da: {  	[sflag:s1] =	ssyncset.done $0x0  }
0x1db: {  	[sflag:s1] =	ssyncadd.s32 $0xFFFFFF80  }
0x1dc: {  	_ =	swait.ge [sflag:s1], $0x80  }
0x1dd: {  	[sflag:s1] =	ssyncset.done $0x0  }
0x1de: {  	[sflag:s1] =	ssyncadd.s32 $0xFFFFFF80  }
0x1df: {  	_ =	swait.ge [sflag:s1], $0x80  }
0x1e0: {  	[sflag:s1] =	ssyncset.done $0x0  }
0x1e1: {  	[sflag:s1] =	ssyncadd.s32 $0xFFFFFF80  }
0x1e2: {  	_ =	swait.ge [sflag:s1], $0x80  }
0x1e3: {  	[sflag:s1] =	ssyncset.done $0x0  }
0x1e4: {  	[sflag:s1] =	ssyncadd.s32 $0xFFFFFF80  }
0x1e5: {  	_ =	swait.ge [sflag:s1], $0x80  }
0x1e6: {  	[sflag:s1] =	ssyncset.done $0x0  }
0x1e7: {  	[sflag:s1] =	ssyncadd.s32 $0xFFFFFF80  }
0x1e8: {  	_ =	swait.ge [sflag:s1], $0x80  }
0x1e9: {  	[sflag:s1] =	ssyncset.done $0x0  }
0x1ea: {  	[sflag:s1] =	ssyncadd.s32 $0xFFFFFF80  }
0x1eb: {  	_ =	swait.ge [sflag:s1], $0x80  }
0x1ec: {  	[sflag:s1] =	ssyncset.done $0x0  }
0x1ed: {  	s25 =	simm.s32 $0x0;
	[sflag:s1] =	ssyncadd.s32 $0xFFFFFF80  }
0x1ee: {  	v0 =	vadd.f32 v11, v0;
	v11 =	vld [tilespmem:s25+$0x7D70]  }
0x1ef: {  	v1 =	vadd.f32 v12, v1;
	v12 =	vld [tilespmem:s25+$0x7D00]  }
0x1f0: {  	v3 =	vadd.f32 v9, v3;
	v7 =	vadd.f32 v13, v7;
	v13 =	vld [tilespmem:s25+$0x7D10]  }
0x1f1: {  	v6 =	vadd.f32 v14, v6;
	v0 =	vadd.f32 v10, v0;
	v10 =	vld [tilespmem:s25+$0x7D20]  }
0x1f2: {  	v5 =	vadd.f32 v15, v5;
	v1 =	vadd.f32 v8, v1;
	v8 =	vld [tilespmem:s25+$0x7D30]  }
0x1f3: {  	v4 =	vadd.f32 v16, v4;
	v2 =	vadd.f32 v17, v2;
	v9 =	vld [tilespmem:s25+$0x7D40]  }
0x1f4: {  	v3 =	vadd.f32 v18, v3;
	v7 =	vadd.f32 v11, v7;
	v11 =	vld [tilespmem:s25+$0x7D50]  }
0x1f5: {  	s23 =	simm.s32 $0x80;
	s24 =	simm.s32 $0x400;
	v6 =	vadd.f32 v12, v6;
	v5 =	vadd.f32 v13, v5;
	v12 =	vld [tilespmem:s25+$0x7D60]  }
.LBB2_6:
0x1f6: {  	p0 =	seq.s32 s24, $0x3000;
	v13 =	vld [tilespmem:s23+$0x7D70];
	v4 =	vadd.f32 v10, v4  }
0x1f7: {  	v14 =	vld [tilespmem:s23+$0x7D00];
	v2 =	vadd.f32 v8, v2  }
0x1f8: {  	v15 =	vld [tilespmem:s23+$0x7D10];
	v3 =	vadd.f32 v9, v3  }
.Ltmp2:
0x1f9: {  	v10 =	vld [tilespmem:s23+$0x7D20];
	v0 =	vadd.f32 v11, v0;
	(pc) =	sbr.rel @!p0 .LBB2_6-.Ltmp2, $4  }
0x1fa: {  	v8 =	vld [tilespmem:s23+$0x7D30];
	v1 =	vadd.f32 v12, v1  }
0x1fb: {  	v9 =	vld [tilespmem:s23+$0x7D40];
	v7 =	vadd.f32 v13, v7  }
0x1fc: {  	v6 =	vadd.f32 v14, v6;
	v11 =	vld [tilespmem:s23+$0x7D50]  }
0x1fd: {  	v5 =	vadd.f32 v15, v5;
	v12 =	vld [tilespmem:s23+$0x7D60];
	s23 =	sshra.s32 s24, $0x2;
	s24 =	sadd.s32 $0x200, s24  }
0x1fe: {  	v13 =	vld [tilespmem:s23+$0x7D70]  }
0x1ff: {  	v14 =	vld [tilespmem:s23+$0x7D00]  }
0x200: {  	v15 =	vld [tilespmem:s23+$0x7D10]  }
0x201: {  	v16 =	vld [tilespmem:s23+$0x7D20]  }
0x202: {  	v17 =	vld [tilespmem:s23+$0x7D30]  }
0x203: {  	v18 =	vld [tilespmem:s23+$0x7D40]  }
0x204: {  	v4 =	vadd.f32 v10, v4;
	v10 =	vld [tilespmem:s23+$0x7D50];
	s25 =	simm.s32 $0x3200;
	s24 =	simm.s32 $0x9600  }
0x205: {  	v2 =	vadd.f32 v8, v2;
	v8 =	vld [tilespmem:s23+$0x7D60];
	[tilespmem:s24], [sflag:$0x1] =	stream.indirect.gather [hbm4b:s4+s12], $0x1, s25, s12, $0xb8  }
0x206: {  	s24 =	simm.s32 $0x3280;
	s25 =	simm.s32 $0x9680  }
0x207: {  	[tilespmem:s25], [sflag:$0x1] =	stream.indirect.gather [hbm4b:s4+s12], $0x1, s24, s12, $0xb8;
	[tilespmem:$0xC900] =	vst v63  }
0x208: {  	s24 =	simm.s32 $0x3300;
	s25 =	simm.s32 $0x9700  }
0x209: {  	[tilespmem:s25], [sflag:$0x1] =	stream.indirect.gather [hbm4b:s4+s12], $0x1, s24, s12, $0xb8;
	[tilespmem:$0xC900] =	vst v63  }
0x20a: {  	s24 =	simm.s32 $0x3380;
	s25 =	simm.s32 $0x9780  }
0x20b: {  	[tilespmem:s25], [sflag:$0x1] =	stream.indirect.gather [hbm4b:s4+s12], $0x1, s24, s12, $0xb8;
	[tilespmem:$0xC900] =	vst v63  }
0x20c: {  	s24 =	simm.s32 $0x3400;
	s25 =	simm.s32 $0x9800  }
0x20d: {  	[tilespmem:s25], [sflag:$0x1] =	stream.indirect.gather [hbm4b:s4+s12], $0x1, s24, s12, $0xb8;
	[tilespmem:$0xC900] =	vst v63  }
0x20e: {  	s24 =	simm.s32 $0x3480;
	s25 =	simm.s32 $0x9880  }
0x20f: {  	[tilespmem:s25], [sflag:$0x1] =	stream.indirect.gather [hbm4b:s4+s12], $0x1, s24, s12, $0xb8;
	[tilespmem:$0xC900] =	vst v63  }
0x210: {  	s24 =	simm.s32 $0x3500;
	s25 =	simm.s32 $0x9900  }
0x211: {  	[tilespmem:s25], [sflag:$0x1] =	stream.indirect.gather [hbm4b:s4+s12], $0x1, s24, s12, $0xb8;
	[tilespmem:$0xC900] =	vst v63  }
0x212: {  	s24 =	simm.s32 $0x3580;
	s25 =	simm.s32 $0x9980  }
0x213: {  	[tilespmem:s25], [sflag:$0x1] =	stream.indirect.gather [hbm4b:s4+s12], $0x1, s24, s12, $0xb8;
	[tilespmem:$0xC900] =	vst v63  }
0x214: {  	s24 =	simm.s32 $0x3600;
	s25 =	simm.s32 $0x9A00  }
0x215: {  	[tilespmem:s25], [sflag:$0x1] =	stream.indirect.gather [hbm4b:s4+s12], $0x1, s24, s12, $0xb8;
	[tilespmem:$0xC900] =	vst v63  }
0x216: {  	s24 =	simm.s32 $0x3680;
	s25 =	simm.s32 $0x9A80  }
0x217: {  	[tilespmem:s25], [sflag:$0x1] =	stream.indirect.gather [hbm4b:s4+s12], $0x1, s24, s12, $0xb8;
	[tilespmem:$0xC900] =	vst v63  }
0x218: {  	s24 =	simm.s32 $0x3700;
	s25 =	simm.s32 $0x9B00  }
0x219: {  	[tilespmem:s25], [sflag:$0x1] =	stream.indirect.gather [hbm4b:s4+s12], $0x1, s24, s12, $0xb8;
	[tilespmem:$0xC900] =	vst v63  }
0x21a: {  	s24 =	simm.s32 $0x3780;
	s25 =	simm.s32 $0x9B80  }
0x21b: {  	[tilespmem:s25], [sflag:$0x1] =	stream.indirect.gather [hbm4b:s4+s12], $0x1, s24, s12, $0xb8;
	[tilespmem:$0xC900] =	vst v63  }
0x21c: {  	s24 =	simm.s32 $0x3800;
	s25 =	simm.s32 $0x9C00  }
0x21d: {  	[tilespmem:s25], [sflag:$0x1] =	stream.indirect.gather [hbm4b:s4+s12], $0x1, s24, s12, $0xb8;
	[tilespmem:$0xC900] =	vst v63  }
0x21e: {  	s24 =	simm.s32 $0x3880;
	s25 =	simm.s32 $0x9C80  }
0x21f: {  	[tilespmem:s25], [sflag:$0x1] =	stream.indirect.gather [hbm4b:s4+s12], $0x1, s24, s12, $0xb8;
	[tilespmem:$0xC900] =	vst v63  }
0x220: {  	s24 =	simm.s32 $0x3900;
	s25 =	simm.s32 $0x9D00  }
0x221: {  	[tilespmem:s25], [sflag:$0x1] =	stream.indirect.gather [hbm4b:s4+s12], $0x1, s24, s12, $0xb8;
	[tilespmem:$0xC900] =	vst v63  }
0x222: {  	s24 =	simm.s32 $0x3980;
	s25 =	simm.s32 $0x9D80  }
0x223: {  	[tilespmem:s25], [sflag:$0x1] =	stream.indirect.gather [hbm4b:s4+s12], $0x1, s24, s12, $0xb8;
	[tilespmem:$0xC900] =	vst v63  }
0x224: {  	s24 =	simm.s32 $0x3A00;
	s25 =	simm.s32 $0x9E00  }
0x225: {  	[tilespmem:s25], [sflag:$0x1] =	stream.indirect.gather [hbm4b:s4+s12], $0x1, s24, s12, $0xb8;
	[tilespmem:$0xC900] =	vst v63  }
0x226: {  	s24 =	simm.s32 $0x3A80;
	s25 =	simm.s32 $0x9E80  }
0x227: {  	[tilespmem:s25], [sflag:$0x1] =	stream.indirect.gather [hbm4b:s4+s12], $0x1, s24, s12, $0xb8;
	[tilespmem:$0xC900] =	vst v63  }
0x228: {  	s24 =	simm.s32 $0x3B00;
	s25 =	simm.s32 $0x9F00  }
0x229: {  	[tilespmem:s25], [sflag:$0x1] =	stream.indirect.gather [hbm4b:s4+s12], $0x1, s24, s12, $0xb8;
	[tilespmem:$0xC900] =	vst v63  }
0x22a: {  	s24 =	simm.s32 $0x3B80;
	s25 =	simm.s32 $0x9F80  }
0x22b: {  	[tilespmem:s25], [sflag:$0x1] =	stream.indirect.gather [hbm4b:s4+s12], $0x1, s24, s12, $0xb8;
	[tilespmem:$0xC900] =	vst v63  }
0x22c: {  	s24 =	simm.s32 $0x3C00;
	s25 =	simm.s32 $0xA000  }
0x22d: {  	[tilespmem:s25], [sflag:$0x1] =	stream.indirect.gather [hbm4b:s4+s12], $0x1, s24, s12, $0xb8;
	[tilespmem:$0xC900] =	vst v63  }
0x22e: {  	s24 =	simm.s32 $0x3C80;
	s25 =	simm.s32 $0xA080  }
0x22f: {  	[tilespmem:s25], [sflag:$0x1] =	stream.indirect.gather [hbm4b:s4+s12], $0x1, s24, s12, $0xb8;
	[tilespmem:$0xC900] =	vst v63  }
0x230: {  	s24 =	simm.s32 $0x3D00;
	s25 =	simm.s32 $0xA100  }
0x231: {  	[tilespmem:s25], [sflag:$0x1] =	stream.indirect.gather [hbm4b:s4+s12], $0x1, s24, s12, $0xb8;
	[tilespmem:$0xC900] =	vst v63  }
0x232: {  	s24 =	simm.s32 $0x3D80;
	s25 =	simm.s32 $0xA180  }
0x233: {  	[tilespmem:s25], [sflag:$0x1] =	stream.indirect.gather [hbm4b:s4+s12], $0x1, s24, s12, $0xb8;
	[tilespmem:$0xC900] =	vst v63  }
0x234: {  	s24 =	simm.s32 $0x3E00;
	s25 =	simm.s32 $0xA200  }
0x235: {  	[tilespmem:s25], [sflag:$0x1] =	stream.indirect.gather [hbm4b:s4+s12], $0x1, s24, s12, $0xb8;
	[tilespmem:$0xC900] =	vst v63  }
0x236: {  	_ =	swait.ge [sflag:s0], $0x80  }
0x237: {  	[sflag:s0] =	ssyncset.done $0x0  }
0x238: {  	[sflag:s0] =	ssyncadd.s32 $0xFFFFFF80  }
0x239: {  	_ =	swait.ge [sflag:s0], $0x80  }
0x23a: {  	[sflag:s0] =	ssyncset.done $0x0  }
0x23b: {  	[sflag:s0] =	ssyncadd.s32 $0xFFFFFF80  }
0x23c: {  	_ =	swait.ge [sflag:s0], $0x80  }
0x23d: {  	[sflag:s0] =	ssyncset.done $0x0  }
0x23e: {  	[sflag:s0] =	ssyncadd.s32 $0xFFFFFF80  }
0x23f: {  	_ =	swait.ge [sflag:s0], $0x80  }
0x240: {  	[sflag:s0] =	ssyncset.done $0x0  }
0x241: {  	[sflag:s0] =	ssyncadd.s32 $0xFFFFFF80  }
0x242: {  	_ =	swait.ge [sflag:s0], $0x80  }
0x243: {  	[sflag:s0] =	ssyncset.done $0x0  }
0x244: {  	[sflag:s0] =	ssyncadd.s32 $0xFFFFFF80  }
0x245: {  	_ =	swait.ge [sflag:s0], $0x80  }
0x246: {  	[sflag:s0] =	ssyncset.done $0x0  }
0x247: {  	[sflag:s0] =	ssyncadd.s32 $0xFFFFFF80  }
0x248: {  	_ =	swait.ge [sflag:s0], $0x80  }
0x249: {  	[sflag:s0] =	ssyncset.done $0x0  }
0x24a: {  	[sflag:s0] =	ssyncadd.s32 $0xFFFFFF80  }
0x24b: {  	_ =	swait.ge [sflag:s0], $0x80  }
0x24c: {  	[sflag:s0] =	ssyncset.done $0x0  }
0x24d: {  	[sflag:s0] =	ssyncadd.s32 $0xFFFFFF80  }
0x24e: {  	_ =	swait.ge [sflag:s0], $0x80  }
0x24f: {  	[sflag:s0] =	ssyncset.done $0x0  }
0x250: {  	[sflag:s0] =	ssyncadd.s32 $0xFFFFFF80  }
0x251: {  	_ =	swait.ge [sflag:s0], $0x80  }
0x252: {  	[sflag:s0] =	ssyncset.done $0x0  }
0x253: {  	[sflag:s0] =	ssyncadd.s32 $0xFFFFFF80  }
0x254: {  	_ =	swait.ge [sflag:s0], $0x80  }
0x255: {  	[sflag:s0] =	ssyncset.done $0x0  }
0x256: {  	[sflag:s0] =	ssyncadd.s32 $0xFFFFFF80  }
0x257: {  	_ =	swait.ge [sflag:s0], $0x80  }
0x258: {  	[sflag:s0] =	ssyncset.done $0x0  }
0x259: {  	[sflag:s0] =	ssyncadd.s32 $0xFFFFFF80  }
0x25a: {  	_ =	swait.ge [sflag:s0], $0x80  }
0x25b: {  	[sflag:s0] =	ssyncset.done $0x0  }
0x25c: {  	[sflag:s0] =	ssyncadd.s32 $0xFFFFFF80  }
0x25d: {  	_ =	swait.ge [sflag:s0], $0x80  }
0x25e: {  	[sflag:s0] =	ssyncset.done $0x0  }
0x25f: {  	[sflag:s0] =	ssyncadd.s32 $0xFFFFFF80  }
0x260: {  	_ =	swait.ge [sflag:s0], $0x80  }
0x261: {  	[sflag:s0] =	ssyncset.done $0x0  }
0x262: {  	[sflag:s0] =	ssyncadd.s32 $0xFFFFFF80  }
0x263: {  	_ =	swait.ge [sflag:s0], $0x80  }
0x264: {  	[sflag:s0] =	ssyncset.done $0x0  }
0x265: {  	[sflag:s0] =	ssyncadd.s32 $0xFFFFFF80  }
0x266: {  	_ =	swait.ge [sflag:s0], $0x80  }
0x267: {  	[sflag:s0] =	ssyncset.done $0x0  }
0x268: {  	[sflag:s0] =	ssyncadd.s32 $0xFFFFFF80  }
0x269: {  	_ =	swait.ge [sflag:s0], $0x80  }
0x26a: {  	[sflag:s0] =	ssyncset.done $0x0  }
0x26b: {  	[sflag:s0] =	ssyncadd.s32 $0xFFFFFF80  }
0x26c: {  	_ =	swait.ge [sflag:s0], $0x80  }
0x26d: {  	[sflag:s0] =	ssyncset.done $0x0  }
0x26e: {  	[sflag:s0] =	ssyncadd.s32 $0xFFFFFF80  }
0x26f: {  	_ =	swait.ge [sflag:s0], $0x80  }
0x270: {  	[sflag:s0] =	ssyncset.done $0x0  }
0x271: {  	[sflag:s0] =	ssyncadd.s32 $0xFFFFFF80  }
0x272: {  	_ =	swait.ge [sflag:s0], $0x80  }
0x273: {  	[sflag:s0] =	ssyncset.done $0x0  }
0x274: {  	[sflag:s0] =	ssyncadd.s32 $0xFFFFFF80  }
0x275: {  	_ =	swait.ge [sflag:s0], $0x80  }
0x276: {  	[sflag:s0] =	ssyncset.done $0x0  }
0x277: {  	[sflag:s0] =	ssyncadd.s32 $0xFFFFFF80  }
0x278: {  	_ =	swait.ge [sflag:s0], $0x80  }
0x279: {  	[sflag:s0] =	ssyncset.done $0x0  }
0x27a: {  	[sflag:s0] =	ssyncadd.s32 $0xFFFFFF80  }
0x27b: {  	_ =	swait.ge [sflag:s0], $0x80  }
0x27c: {  	[sflag:s0] =	ssyncset.done $0x0  }
0x27d: {  	[sflag:s0] =	ssyncadd.s32 $0xFFFFFF80  }
0x27e: {  	_ =	swait.ge [sflag:s0], $0x80  }
0x27f: {  	[sflag:s0] =	ssyncset.done $0x0  }
0x280: {  	s25 =	simm.s32 $0x0;
	[sflag:s0] =	ssyncadd.s32 $0xFFFFFF80  }
0x281: {  	v0 =	vadd.f32 v11, v0;
	v11 =	vld [tilespmem:s25+$0x89F0]  }
0x282: {  	v1 =	vadd.f32 v12, v1;
	v12 =	vld [tilespmem:s25+$0x8980]  }
0x283: {  	v3 =	vadd.f32 v9, v3;
	v7 =	vadd.f32 v13, v7;
	v13 =	vld [tilespmem:s25+$0x8990]  }
0x284: {  	v6 =	vadd.f32 v14, v6;
	v0 =	vadd.f32 v10, v0;
	v10 =	vld [tilespmem:s25+$0x89A0]  }
0x285: {  	v5 =	vadd.f32 v15, v5;
	v1 =	vadd.f32 v8, v1;
	v8 =	vld [tilespmem:s25+$0x89B0]  }
0x286: {  	v4 =	vadd.f32 v16, v4;
	v2 =	vadd.f32 v17, v2;
	v9 =	vld [tilespmem:s25+$0x89C0]  }
0x287: {  	v3 =	vadd.f32 v18, v3;
	v7 =	vadd.f32 v11, v7;
	v11 =	vld [tilespmem:s25+$0x89D0]  }
0x288: {  	s23 =	simm.s32 $0x80;
	s24 =	simm.s32 $0x400;
	v6 =	vadd.f32 v12, v6;
	v5 =	vadd.f32 v13, v5;
	v12 =	vld [tilespmem:s25+$0x89E0]  }
.LBB2_8:
0x289: {  	p0 =	seq.s32 s24, $0x3000;
	v13 =	vld [tilespmem:s23+$0x89F0];
	v4 =	vadd.f32 v10, v4  }
0x28a: {  	v14 =	vld [tilespmem:s23+$0x8980];
	v2 =	vadd.f32 v8, v2  }
0x28b: {  	v15 =	vld [tilespmem:s23+$0x8990];
	v3 =	vadd.f32 v9, v3  }
.Ltmp3:
0x28c: {  	v10 =	vld [tilespmem:s23+$0x89A0];
	v0 =	vadd.f32 v11, v0;
	(pc) =	sbr.rel @!p0 .LBB2_8-.Ltmp3, $4  }
0x28d: {  	v8 =	vld [tilespmem:s23+$0x89B0];
	v1 =	vadd.f32 v12, v1  }
0x28e: {  	v9 =	vld [tilespmem:s23+$0x89C0];
	v7 =	vadd.f32 v13, v7  }
0x28f: {  	v6 =	vadd.f32 v14, v6;
	v11 =	vld [tilespmem:s23+$0x89D0]  }
0x290: {  	v5 =	vadd.f32 v15, v5;
	v12 =	vld [tilespmem:s23+$0x89E0];
	s23 =	sshra.s32 s24, $0x2;
	s24 =	sadd.s32 $0x200, s24  }
0x291: {  	v13 =	vld [tilespmem:s23+$0x89F0]  }
0x292: {  	v14 =	vld [tilespmem:s23+$0x8980]  }
0x293: {  	v15 =	vld [tilespmem:s23+$0x8990]  }
0x294: {  	v16 =	vld [tilespmem:s23+$0x89A0]  }
0x295: {  	v17 =	vld [tilespmem:s23+$0x89B0]  }
0x296: {  	v18 =	vld [tilespmem:s23+$0x89C0]  }
0x297: {  	v4 =	vadd.f32 v10, v4;
	v10 =	vld [tilespmem:s23+$0x89D0];
	s25 =	simm.s32 $0x3E80;
	s24 =	simm.s32 $0xA280  }
0x298: {  	v2 =	vadd.f32 v8, v2;
	v8 =	vld [tilespmem:s23+$0x89E0];
	[tilespmem:s24], [sflag:$0x2] =	stream.indirect.gather [hbm4b:s4+s12], $0x1, s25, s12, $0xb8  }
0x299: {  	s24 =	simm.s32 $0x3F00;
	s25 =	simm.s32 $0xA300  }
0x29a: {  	[tilespmem:s25], [sflag:$0x2] =	stream.indirect.gather [hbm4b:s4+s12], $0x1, s24, s12, $0xb8;
	[tilespmem:$0xC900] =	vst v63  }
0x29b: {  	s24 =	simm.s32 $0x3F80;
	s25 =	simm.s32 $0xA380  }
0x29c: {  	[tilespmem:s25], [sflag:$0x2] =	stream.indirect.gather [hbm4b:s4+s12], $0x1, s24, s12, $0xb8;
	[tilespmem:$0xC900] =	vst v63  }
0x29d: {  	s24 =	simm.s32 $0x4000;
	s25 =	simm.s32 $0xA400  }
0x29e: {  	[tilespmem:s25], [sflag:$0x2] =	stream.indirect.gather [hbm4b:s4+s12], $0x1, s24, s12, $0xb8;
	[tilespmem:$0xC900] =	vst v63  }
0x29f: {  	s24 =	simm.s32 $0x4080;
	s25 =	simm.s32 $0xA480  }
0x2a0: {  	[tilespmem:s25], [sflag:$0x2] =	stream.indirect.gather [hbm4b:s4+s12], $0x1, s24, s12, $0xb8;
	[tilespmem:$0xC900] =	vst v63  }
0x2a1: {  	s24 =	simm.s32 $0x4100;
	s25 =	simm.s32 $0xA500  }
0x2a2: {  	[tilespmem:s25], [sflag:$0x2] =	stream.indirect.gather [hbm4b:s4+s12], $0x1, s24, s12, $0xb8;
	[tilespmem:$0xC900] =	vst v63  }
0x2a3: {  	s24 =	simm.s32 $0x4180;
	s25 =	simm.s32 $0xA580  }
0x2a4: {  	[tilespmem:s25], [sflag:$0x2] =	stream.indirect.gather [hbm4b:s4+s12], $0x1, s24, s12, $0xb8;
	[tilespmem:$0xC900] =	vst v63  }
0x2a5: {  	s24 =	simm.s32 $0x4200;
	s25 =	simm.s32 $0xA600  }
0x2a6: {  	[tilespmem:s25], [sflag:$0x2] =	stream.indirect.gather [hbm4b:s4+s12], $0x1, s24, s12, $0xb8;
	[tilespmem:$0xC900] =	vst v63  }
0x2a7: {  	s24 =	simm.s32 $0x4280;
	s25 =	simm.s32 $0xA680  }
0x2a8: {  	[tilespmem:s25], [sflag:$0x2] =	stream.indirect.gather [hbm4b:s4+s12], $0x1, s24, s12, $0xb8;
	[tilespmem:$0xC900] =	vst v63  }
0x2a9: {  	s24 =	simm.s32 $0x4300;
	s25 =	simm.s32 $0xA700  }
0x2aa: {  	[tilespmem:s25], [sflag:$0x2] =	stream.indirect.gather [hbm4b:s4+s12], $0x1, s24, s12, $0xb8;
	[tilespmem:$0xC900] =	vst v63  }
0x2ab: {  	s24 =	simm.s32 $0x4380;
	s25 =	simm.s32 $0xA780  }
0x2ac: {  	[tilespmem:s25], [sflag:$0x2] =	stream.indirect.gather [hbm4b:s4+s12], $0x1, s24, s12, $0xb8;
	[tilespmem:$0xC900] =	vst v63  }
0x2ad: {  	s24 =	simm.s32 $0x4400;
	s25 =	simm.s32 $0xA800  }
0x2ae: {  	[tilespmem:s25], [sflag:$0x2] =	stream.indirect.gather [hbm4b:s4+s12], $0x1, s24, s12, $0xb8;
	[tilespmem:$0xC900] =	vst v63  }
0x2af: {  	s24 =	simm.s32 $0x4480;
	s25 =	simm.s32 $0xA880  }
0x2b0: {  	[tilespmem:s25], [sflag:$0x2] =	stream.indirect.gather [hbm4b:s4+s12], $0x1, s24, s12, $0xb8;
	[tilespmem:$0xC900] =	vst v63  }
0x2b1: {  	s24 =	simm.s32 $0x4500;
	s25 =	simm.s32 $0xA900  }
0x2b2: {  	[tilespmem:s25], [sflag:$0x2] =	stream.indirect.gather [hbm4b:s4+s12], $0x1, s24, s12, $0xb8;
	[tilespmem:$0xC900] =	vst v63  }
0x2b3: {  	s24 =	simm.s32 $0x4580;
	s25 =	simm.s32 $0xA980  }
0x2b4: {  	[tilespmem:s25], [sflag:$0x2] =	stream.indirect.gather [hbm4b:s4+s12], $0x1, s24, s12, $0xb8;
	[tilespmem:$0xC900] =	vst v63  }
0x2b5: {  	s24 =	simm.s32 $0x4600;
	s25 =	simm.s32 $0xAA00  }
0x2b6: {  	[tilespmem:s25], [sflag:$0x2] =	stream.indirect.gather [hbm4b:s4+s12], $0x1, s24, s12, $0xb8;
	[tilespmem:$0xC900] =	vst v63  }
0x2b7: {  	s24 =	simm.s32 $0x4680;
	s25 =	simm.s32 $0xAA80  }
0x2b8: {  	[tilespmem:s25], [sflag:$0x2] =	stream.indirect.gather [hbm4b:s4+s12], $0x1, s24, s12, $0xb8;
	[tilespmem:$0xC900] =	vst v63  }
0x2b9: {  	s24 =	simm.s32 $0x4700;
	s25 =	simm.s32 $0xAB00  }
0x2ba: {  	[tilespmem:s25], [sflag:$0x2] =	stream.indirect.gather [hbm4b:s4+s12], $0x1, s24, s12, $0xb8;
	[tilespmem:$0xC900] =	vst v63  }
0x2bb: {  	s24 =	simm.s32 $0x4780;
	s25 =	simm.s32 $0xAB80  }
0x2bc: {  	[tilespmem:s25], [sflag:$0x2] =	stream.indirect.gather [hbm4b:s4+s12], $0x1, s24, s12, $0xb8;
	[tilespmem:$0xC900] =	vst v63  }
0x2bd: {  	s24 =	simm.s32 $0x4800;
	s25 =	simm.s32 $0xAC00  }
0x2be: {  	[tilespmem:s25], [sflag:$0x2] =	stream.indirect.gather [hbm4b:s4+s12], $0x1, s24, s12, $0xb8;
	[tilespmem:$0xC900] =	vst v63  }
0x2bf: {  	s24 =	simm.s32 $0x4880;
	s25 =	simm.s32 $0xAC80  }
0x2c0: {  	[tilespmem:s25], [sflag:$0x2] =	stream.indirect.gather [hbm4b:s4+s12], $0x1, s24, s12, $0xb8;
	[tilespmem:$0xC900] =	vst v63  }
0x2c1: {  	s24 =	simm.s32 $0x4900;
	s25 =	simm.s32 $0xAD00  }
0x2c2: {  	[tilespmem:s25], [sflag:$0x2] =	stream.indirect.gather [hbm4b:s4+s12], $0x1, s24, s12, $0xb8;
	[tilespmem:$0xC900] =	vst v63  }
0x2c3: {  	s24 =	simm.s32 $0x4980;
	s25 =	simm.s32 $0xAD80  }
0x2c4: {  	[tilespmem:s25], [sflag:$0x2] =	stream.indirect.gather [hbm4b:s4+s12], $0x1, s24, s12, $0xb8;
	[tilespmem:$0xC900] =	vst v63  }
0x2c5: {  	s24 =	simm.s32 $0x4A00;
	s25 =	simm.s32 $0xAE00  }
0x2c6: {  	[tilespmem:s25], [sflag:$0x2] =	stream.indirect.gather [hbm4b:s4+s12], $0x1, s24, s12, $0xb8;
	[tilespmem:$0xC900] =	vst v63  }
0x2c7: {  	s24 =	simm.s32 $0x4A80;
	s25 =	simm.s32 $0xAE80  }
0x2c8: {  	[tilespmem:s25], [sflag:$0x2] =	stream.indirect.gather [hbm4b:s4+s12], $0x1, s24, s12, $0xb8;
	[tilespmem:$0xC900] =	vst v63  }
0x2c9: {  	_ =	swait.ge [sflag:s1], $0x80  }
0x2ca: {  	[sflag:s1] =	ssyncset.done $0x0  }
0x2cb: {  	[sflag:s1] =	ssyncadd.s32 $0xFFFFFF80  }
0x2cc: {  	_ =	swait.ge [sflag:s1], $0x80  }
0x2cd: {  	[sflag:s1] =	ssyncset.done $0x0  }
0x2ce: {  	[sflag:s1] =	ssyncadd.s32 $0xFFFFFF80  }
0x2cf: {  	_ =	swait.ge [sflag:s1], $0x80  }
0x2d0: {  	[sflag:s1] =	ssyncset.done $0x0  }
0x2d1: {  	[sflag:s1] =	ssyncadd.s32 $0xFFFFFF80  }
0x2d2: {  	_ =	swait.ge [sflag:s1], $0x80  }
0x2d3: {  	[sflag:s1] =	ssyncset.done $0x0  }
0x2d4: {  	[sflag:s1] =	ssyncadd.s32 $0xFFFFFF80  }
0x2d5: {  	_ =	swait.ge [sflag:s1], $0x80  }
0x2d6: {  	[sflag:s1] =	ssyncset.done $0x0  }
0x2d7: {  	[sflag:s1] =	ssyncadd.s32 $0xFFFFFF80  }
0x2d8: {  	_ =	swait.ge [sflag:s1], $0x80  }
0x2d9: {  	[sflag:s1] =	ssyncset.done $0x0  }
0x2da: {  	[sflag:s1] =	ssyncadd.s32 $0xFFFFFF80  }
0x2db: {  	_ =	swait.ge [sflag:s1], $0x80  }
0x2dc: {  	[sflag:s1] =	ssyncset.done $0x0  }
0x2dd: {  	[sflag:s1] =	ssyncadd.s32 $0xFFFFFF80  }
0x2de: {  	_ =	swait.ge [sflag:s1], $0x80  }
0x2df: {  	[sflag:s1] =	ssyncset.done $0x0  }
0x2e0: {  	[sflag:s1] =	ssyncadd.s32 $0xFFFFFF80  }
0x2e1: {  	_ =	swait.ge [sflag:s1], $0x80  }
0x2e2: {  	[sflag:s1] =	ssyncset.done $0x0  }
0x2e3: {  	[sflag:s1] =	ssyncadd.s32 $0xFFFFFF80  }
0x2e4: {  	_ =	swait.ge [sflag:s1], $0x80  }
0x2e5: {  	[sflag:s1] =	ssyncset.done $0x0  }
0x2e6: {  	[sflag:s1] =	ssyncadd.s32 $0xFFFFFF80  }
0x2e7: {  	_ =	swait.ge [sflag:s1], $0x80  }
0x2e8: {  	[sflag:s1] =	ssyncset.done $0x0  }
0x2e9: {  	[sflag:s1] =	ssyncadd.s32 $0xFFFFFF80  }
0x2ea: {  	_ =	swait.ge [sflag:s1], $0x80  }
0x2eb: {  	[sflag:s1] =	ssyncset.done $0x0  }
0x2ec: {  	[sflag:s1] =	ssyncadd.s32 $0xFFFFFF80  }
0x2ed: {  	_ =	swait.ge [sflag:s1], $0x80  }
0x2ee: {  	[sflag:s1] =	ssyncset.done $0x0  }
0x2ef: {  	[sflag:s1] =	ssyncadd.s32 $0xFFFFFF80  }
0x2f0: {  	_ =	swait.ge [sflag:s1], $0x80  }
0x2f1: {  	[sflag:s1] =	ssyncset.done $0x0  }
0x2f2: {  	[sflag:s1] =	ssyncadd.s32 $0xFFFFFF80  }
0x2f3: {  	_ =	swait.ge [sflag:s1], $0x80  }
0x2f4: {  	[sflag:s1] =	ssyncset.done $0x0  }
0x2f5: {  	[sflag:s1] =	ssyncadd.s32 $0xFFFFFF80  }
0x2f6: {  	_ =	swait.ge [sflag:s1], $0x80  }
0x2f7: {  	[sflag:s1] =	ssyncset.done $0x0  }
0x2f8: {  	[sflag:s1] =	ssyncadd.s32 $0xFFFFFF80  }
0x2f9: {  	_ =	swait.ge [sflag:s1], $0x80  }
0x2fa: {  	[sflag:s1] =	ssyncset.done $0x0  }
0x2fb: {  	[sflag:s1] =	ssyncadd.s32 $0xFFFFFF80  }
0x2fc: {  	_ =	swait.ge [sflag:s1], $0x80  }
0x2fd: {  	[sflag:s1] =	ssyncset.done $0x0  }
0x2fe: {  	[sflag:s1] =	ssyncadd.s32 $0xFFFFFF80  }
0x2ff: {  	_ =	swait.ge [sflag:s1], $0x80  }
0x300: {  	[sflag:s1] =	ssyncset.done $0x0  }
0x301: {  	[sflag:s1] =	ssyncadd.s32 $0xFFFFFF80  }
0x302: {  	_ =	swait.ge [sflag:s1], $0x80  }
0x303: {  	[sflag:s1] =	ssyncset.done $0x0  }
0x304: {  	[sflag:s1] =	ssyncadd.s32 $0xFFFFFF80  }
0x305: {  	_ =	swait.ge [sflag:s1], $0x80  }
0x306: {  	[sflag:s1] =	ssyncset.done $0x0  }
0x307: {  	[sflag:s1] =	ssyncadd.s32 $0xFFFFFF80  }
0x308: {  	_ =	swait.ge [sflag:s1], $0x80  }
0x309: {  	[sflag:s1] =	ssyncset.done $0x0  }
0x30a: {  	[sflag:s1] =	ssyncadd.s32 $0xFFFFFF80  }
0x30b: {  	_ =	swait.ge [sflag:s1], $0x80  }
0x30c: {  	[sflag:s1] =	ssyncset.done $0x0  }
0x30d: {  	[sflag:s1] =	ssyncadd.s32 $0xFFFFFF80  }
0x30e: {  	_ =	swait.ge [sflag:s1], $0x80  }
0x30f: {  	[sflag:s1] =	ssyncset.done $0x0  }
0x310: {  	[sflag:s1] =	ssyncadd.s32 $0xFFFFFF80  }
0x311: {  	_ =	swait.ge [sflag:s1], $0x80  }
0x312: {  	[sflag:s1] =	ssyncset.done $0x0  }
0x313: {  	s25 =	simm.s32 $0x0;
	[sflag:s1] =	ssyncadd.s32 $0xFFFFFF80  }
0x314: {  	v0 =	vadd.f32 v11, v0;
	v11 =	vld [tilespmem:s25+$0x9670]  }
0x315: {  	v1 =	vadd.f32 v12, v1;
	v12 =	vld [tilespmem:s25+$0x9600]  }
0x316: {  	v3 =	vadd.f32 v9, v3;
	v7 =	vadd.f32 v13, v7;
	v13 =	vld [tilespmem:s25+$0x9610]  }
0x317: {  	v6 =	vadd.f32 v14, v6;
	v0 =	vadd.f32 v10, v0;
	v10 =	vld [tilespmem:s25+$0x9620]  }
0x318: {  	v5 =	vadd.f32 v15, v5;
	v1 =	vadd.f32 v8, v1;
	v8 =	vld [tilespmem:s25+$0x9630]  }
0x319: {  	v4 =	vadd.f32 v16, v4;
	v2 =	vadd.f32 v17, v2;
	v9 =	vld [tilespmem:s25+$0x9640]  }
0x31a: {  	v3 =	vadd.f32 v18, v3;
	v7 =	vadd.f32 v11, v7;
	v11 =	vld [tilespmem:s25+$0x9650]  }
0x31b: {  	s23 =	simm.s32 $0x80;
	s24 =	simm.s32 $0x400;
	v6 =	vadd.f32 v12, v6;
	v5 =	vadd.f32 v13, v5;
	v12 =	vld [tilespmem:s25+$0x9660]  }
.LBB2_10:
0x31c: {  	p0 =	seq.s32 s24, $0x3000;
	v13 =	vld [tilespmem:s23+$0x9670];
	v4 =	vadd.f32 v10, v4  }
0x31d: {  	v14 =	vld [tilespmem:s23+$0x9600];
	v2 =	vadd.f32 v8, v2  }
0x31e: {  	v15 =	vld [tilespmem:s23+$0x9610];
	v3 =	vadd.f32 v9, v3  }
.Ltmp4:
0x31f: {  	v10 =	vld [tilespmem:s23+$0x9620];
	v0 =	vadd.f32 v11, v0;
	(pc) =	sbr.rel @!p0 .LBB2_10-.Ltmp4, $4  }
0x320: {  	v8 =	vld [tilespmem:s23+$0x9630];
	v1 =	vadd.f32 v12, v1  }
0x321: {  	v9 =	vld [tilespmem:s23+$0x9640];
	v7 =	vadd.f32 v13, v7  }
0x322: {  	v6 =	vadd.f32 v14, v6;
	v11 =	vld [tilespmem:s23+$0x9650]  }
0x323: {  	v5 =	vadd.f32 v15, v5;
	v12 =	vld [tilespmem:s23+$0x9660];
	s23 =	sshra.s32 s24, $0x2;
	s24 =	sadd.s32 $0x200, s24  }
0x324: {  	v13 =	vld [tilespmem:s23+$0x9670]  }
0x325: {  	v14 =	vld [tilespmem:s23+$0x9600]  }
0x326: {  	v15 =	vld [tilespmem:s23+$0x9610]  }
0x327: {  	v16 =	vld [tilespmem:s23+$0x9620]  }
0x328: {  	v17 =	vld [tilespmem:s23+$0x9630]  }
0x329: {  	v18 =	vld [tilespmem:s23+$0x9640]  }
0x32a: {  	v4 =	vadd.f32 v10, v4;
	v10 =	vld [tilespmem:s23+$0x9650];
	s25 =	simm.s32 $0x4B00;
	s24 =	simm.s32 $0xAF00  }
0x32b: {  	v2 =	vadd.f32 v8, v2;
	v8 =	vld [tilespmem:s23+$0x9660];
	[tilespmem:s24], [sflag:$0x1] =	stream.indirect.gather [hbm4b:s4+s12], $0x1, s25, s12, $0xb8  }
0x32c: {  	s24 =	simm.s32 $0x4B80;
	s25 =	simm.s32 $0xAF80  }
0x32d: {  	[tilespmem:s25], [sflag:$0x1] =	stream.indirect.gather [hbm4b:s4+s12], $0x1, s24, s12, $0xb8;
	[tilespmem:$0xC900] =	vst v63  }
0x32e: {  	s24 =	simm.s32 $0x4C00;
	s25 =	simm.s32 $0xB000  }
0x32f: {  	[tilespmem:s25], [sflag:$0x1] =	stream.indirect.gather [hbm4b:s4+s12], $0x1, s24, s12, $0xb8;
	[tilespmem:$0xC900] =	vst v63  }
0x330: {  	s24 =	simm.s32 $0x4C80;
	s25 =	simm.s32 $0xB080  }
0x331: {  	[tilespmem:s25], [sflag:$0x1] =	stream.indirect.gather [hbm4b:s4+s12], $0x1, s24, s12, $0xb8;
	[tilespmem:$0xC900] =	vst v63  }
0x332: {  	s24 =	simm.s32 $0x4D00;
	s25 =	simm.s32 $0xB100  }
0x333: {  	[tilespmem:s25], [sflag:$0x1] =	stream.indirect.gather [hbm4b:s4+s12], $0x1, s24, s12, $0xb8;
	[tilespmem:$0xC900] =	vst v63  }
0x334: {  	s24 =	simm.s32 $0x4D80;
	s25 =	simm.s32 $0xB180  }
0x335: {  	[tilespmem:s25], [sflag:$0x1] =	stream.indirect.gather [hbm4b:s4+s12], $0x1, s24, s12, $0xb8;
	[tilespmem:$0xC900] =	vst v63  }
0x336: {  	s24 =	simm.s32 $0x4E00;
	s25 =	simm.s32 $0xB200  }
0x337: {  	[tilespmem:s25], [sflag:$0x1] =	stream.indirect.gather [hbm4b:s4+s12], $0x1, s24, s12, $0xb8;
	[tilespmem:$0xC900] =	vst v63  }
0x338: {  	s24 =	simm.s32 $0x4E80;
	s25 =	simm.s32 $0xB280  }
0x339: {  	[tilespmem:s25], [sflag:$0x1] =	stream.indirect.gather [hbm4b:s4+s12], $0x1, s24, s12, $0xb8;
	[tilespmem:$0xC900] =	vst v63  }
0x33a: {  	s24 =	simm.s32 $0x4F00;
	s25 =	simm.s32 $0xB300  }
0x33b: {  	[tilespmem:s25], [sflag:$0x1] =	stream.indirect.gather [hbm4b:s4+s12], $0x1, s24, s12, $0xb8;
	[tilespmem:$0xC900] =	vst v63  }
0x33c: {  	s24 =	simm.s32 $0x4F80;
	s25 =	simm.s32 $0xB380  }
0x33d: {  	[tilespmem:s25], [sflag:$0x1] =	stream.indirect.gather [hbm4b:s4+s12], $0x1, s24, s12, $0xb8;
	[tilespmem:$0xC900] =	vst v63  }
0x33e: {  	s24 =	simm.s32 $0x5000;
	s25 =	simm.s32 $0xB400  }
0x33f: {  	[tilespmem:s25], [sflag:$0x1] =	stream.indirect.gather [hbm4b:s4+s12], $0x1, s24, s12, $0xb8;
	[tilespmem:$0xC900] =	vst v63  }
0x340: {  	s24 =	simm.s32 $0x5080;
	s25 =	simm.s32 $0xB480  }
0x341: {  	[tilespmem:s25], [sflag:$0x1] =	stream.indirect.gather [hbm4b:s4+s12], $0x1, s24, s12, $0xb8;
	[tilespmem:$0xC900] =	vst v63  }
0x342: {  	s24 =	simm.s32 $0x5100;
	s25 =	simm.s32 $0xB500  }
0x343: {  	[tilespmem:s25], [sflag:$0x1] =	stream.indirect.gather [hbm4b:s4+s12], $0x1, s24, s12, $0xb8;
	[tilespmem:$0xC900] =	vst v63  }
0x344: {  	s24 =	simm.s32 $0x5180;
	s25 =	simm.s32 $0xB580  }
0x345: {  	[tilespmem:s25], [sflag:$0x1] =	stream.indirect.gather [hbm4b:s4+s12], $0x1, s24, s12, $0xb8;
	[tilespmem:$0xC900] =	vst v63  }
0x346: {  	s24 =	simm.s32 $0x5200;
	s25 =	simm.s32 $0xB600  }
0x347: {  	[tilespmem:s25], [sflag:$0x1] =	stream.indirect.gather [hbm4b:s4+s12], $0x1, s24, s12, $0xb8;
	[tilespmem:$0xC900] =	vst v63  }
0x348: {  	s24 =	simm.s32 $0x5280;
	s25 =	simm.s32 $0xB680  }
0x349: {  	[tilespmem:s25], [sflag:$0x1] =	stream.indirect.gather [hbm4b:s4+s12], $0x1, s24, s12, $0xb8;
	[tilespmem:$0xC900] =	vst v63  }
0x34a: {  	s24 =	simm.s32 $0x5300;
	s25 =	simm.s32 $0xB700  }
0x34b: {  	[tilespmem:s25], [sflag:$0x1] =	stream.indirect.gather [hbm4b:s4+s12], $0x1, s24, s12, $0xb8;
	[tilespmem:$0xC900] =	vst v63  }
0x34c: {  	s24 =	simm.s32 $0x5380;
	s25 =	simm.s32 $0xB780  }
0x34d: {  	[tilespmem:s25], [sflag:$0x1] =	stream.indirect.gather [hbm4b:s4+s12], $0x1, s24, s12, $0xb8;
	[tilespmem:$0xC900] =	vst v63  }
0x34e: {  	s24 =	simm.s32 $0x5400;
	s25 =	simm.s32 $0xB800  }
0x34f: {  	[tilespmem:s25], [sflag:$0x1] =	stream.indirect.gather [hbm4b:s4+s12], $0x1, s24, s12, $0xb8;
	[tilespmem:$0xC900] =	vst v63  }
0x350: {  	s24 =	simm.s32 $0x5480;
	s25 =	simm.s32 $0xB880  }
0x351: {  	[tilespmem:s25], [sflag:$0x1] =	stream.indirect.gather [hbm4b:s4+s12], $0x1, s24, s12, $0xb8;
	[tilespmem:$0xC900] =	vst v63  }
0x352: {  	s24 =	simm.s32 $0x5500;
	s25 =	simm.s32 $0xB900  }
0x353: {  	[tilespmem:s25], [sflag:$0x1] =	stream.indirect.gather [hbm4b:s4+s12], $0x1, s24, s12, $0xb8;
	[tilespmem:$0xC900] =	vst v63  }
0x354: {  	s24 =	simm.s32 $0x5580;
	s25 =	simm.s32 $0xB980  }
0x355: {  	[tilespmem:s25], [sflag:$0x1] =	stream.indirect.gather [hbm4b:s4+s12], $0x1, s24, s12, $0xb8;
	[tilespmem:$0xC900] =	vst v63  }
0x356: {  	s24 =	simm.s32 $0x5600;
	s25 =	simm.s32 $0xBA00  }
0x357: {  	[tilespmem:s25], [sflag:$0x1] =	stream.indirect.gather [hbm4b:s4+s12], $0x1, s24, s12, $0xb8;
	[tilespmem:$0xC900] =	vst v63  }
0x358: {  	s24 =	simm.s32 $0x5680;
	s25 =	simm.s32 $0xBA80  }
0x359: {  	[tilespmem:s25], [sflag:$0x1] =	stream.indirect.gather [hbm4b:s4+s12], $0x1, s24, s12, $0xb8;
	[tilespmem:$0xC900] =	vst v63  }
0x35a: {  	s24 =	simm.s32 $0x5700;
	s25 =	simm.s32 $0xBB00  }
0x35b: {  	[tilespmem:s25], [sflag:$0x1] =	stream.indirect.gather [hbm4b:s4+s12], $0x1, s24, s12, $0xb8;
	[tilespmem:$0xC900] =	vst v63  }
0x35c: {  	_ =	swait.ge [sflag:s0], $0x80  }
0x35d: {  	[sflag:s0] =	ssyncset.done $0x0  }
0x35e: {  	[sflag:s0] =	ssyncadd.s32 $0xFFFFFF80  }
0x35f: {  	_ =	swait.ge [sflag:s0], $0x80  }
0x360: {  	[sflag:s0] =	ssyncset.done $0x0  }
0x361: {  	[sflag:s0] =	ssyncadd.s32 $0xFFFFFF80  }
0x362: {  	_ =	swait.ge [sflag:s0], $0x80  }
0x363: {  	[sflag:s0] =	ssyncset.done $0x0  }
0x364: {  	[sflag:s0] =	ssyncadd.s32 $0xFFFFFF80  }
0x365: {  	_ =	swait.ge [sflag:s0], $0x80  }
0x366: {  	[sflag:s0] =	ssyncset.done $0x0  }
0x367: {  	[sflag:s0] =	ssyncadd.s32 $0xFFFFFF80  }
0x368: {  	_ =	swait.ge [sflag:s0], $0x80  }
0x369: {  	[sflag:s0] =	ssyncset.done $0x0  }
0x36a: {  	[sflag:s0] =	ssyncadd.s32 $0xFFFFFF80  }
0x36b: {  	_ =	swait.ge [sflag:s0], $0x80  }
0x36c: {  	[sflag:s0] =	ssyncset.done $0x0  }
0x36d: {  	[sflag:s0] =	ssyncadd.s32 $0xFFFFFF80  }
0x36e: {  	_ =	swait.ge [sflag:s0], $0x80  }
0x36f: {  	[sflag:s0] =	ssyncset.done $0x0  }
0x370: {  	[sflag:s0] =	ssyncadd.s32 $0xFFFFFF80  }
0x371: {  	_ =	swait.ge [sflag:s0], $0x80  }
0x372: {  	[sflag:s0] =	ssyncset.done $0x0  }
0x373: {  	[sflag:s0] =	ssyncadd.s32 $0xFFFFFF80  }
0x374: {  	_ =	swait.ge [sflag:s0], $0x80  }
0x375: {  	[sflag:s0] =	ssyncset.done $0x0  }
0x376: {  	[sflag:s0] =	ssyncadd.s32 $0xFFFFFF80  }
0x377: {  	_ =	swait.ge [sflag:s0], $0x80  }
0x378: {  	[sflag:s0] =	ssyncset.done $0x0  }
0x379: {  	[sflag:s0] =	ssyncadd.s32 $0xFFFFFF80  }
0x37a: {  	_ =	swait.ge [sflag:s0], $0x80  }
0x37b: {  	[sflag:s0] =	ssyncset.done $0x0  }
0x37c: {  	[sflag:s0] =	ssyncadd.s32 $0xFFFFFF80  }
0x37d: {  	_ =	swait.ge [sflag:s0], $0x80  }
0x37e: {  	[sflag:s0] =	ssyncset.done $0x0  }
0x37f: {  	[sflag:s0] =	ssyncadd.s32 $0xFFFFFF80  }
0x380: {  	_ =	swait.ge [sflag:s0], $0x80  }
0x381: {  	[sflag:s0] =	ssyncset.done $0x0  }
0x382: {  	[sflag:s0] =	ssyncadd.s32 $0xFFFFFF80  }
0x383: {  	_ =	swait.ge [sflag:s0], $0x80  }
0x384: {  	[sflag:s0] =	ssyncset.done $0x0  }
0x385: {  	[sflag:s0] =	ssyncadd.s32 $0xFFFFFF80  }
0x386: {  	_ =	swait.ge [sflag:s0], $0x80  }
0x387: {  	[sflag:s0] =	ssyncset.done $0x0  }
0x388: {  	[sflag:s0] =	ssyncadd.s32 $0xFFFFFF80  }
0x389: {  	_ =	swait.ge [sflag:s0], $0x80  }
0x38a: {  	[sflag:s0] =	ssyncset.done $0x0  }
0x38b: {  	[sflag:s0] =	ssyncadd.s32 $0xFFFFFF80  }
0x38c: {  	_ =	swait.ge [sflag:s0], $0x80  }
0x38d: {  	[sflag:s0] =	ssyncset.done $0x0  }
0x38e: {  	[sflag:s0] =	ssyncadd.s32 $0xFFFFFF80  }
0x38f: {  	_ =	swait.ge [sflag:s0], $0x80  }
0x390: {  	[sflag:s0] =	ssyncset.done $0x0  }
0x391: {  	[sflag:s0] =	ssyncadd.s32 $0xFFFFFF80  }
0x392: {  	_ =	swait.ge [sflag:s0], $0x80  }
0x393: {  	[sflag:s0] =	ssyncset.done $0x0  }
0x394: {  	[sflag:s0] =	ssyncadd.s32 $0xFFFFFF80  }
0x395: {  	_ =	swait.ge [sflag:s0], $0x80  }
0x396: {  	[sflag:s0] =	ssyncset.done $0x0  }
0x397: {  	[sflag:s0] =	ssyncadd.s32 $0xFFFFFF80  }
0x398: {  	_ =	swait.ge [sflag:s0], $0x80  }
0x399: {  	[sflag:s0] =	ssyncset.done $0x0  }
0x39a: {  	[sflag:s0] =	ssyncadd.s32 $0xFFFFFF80  }
0x39b: {  	_ =	swait.ge [sflag:s0], $0x80  }
0x39c: {  	[sflag:s0] =	ssyncset.done $0x0  }
0x39d: {  	[sflag:s0] =	ssyncadd.s32 $0xFFFFFF80  }
0x39e: {  	_ =	swait.ge [sflag:s0], $0x80  }
0x39f: {  	[sflag:s0] =	ssyncset.done $0x0  }
0x3a0: {  	[sflag:s0] =	ssyncadd.s32 $0xFFFFFF80  }
0x3a1: {  	_ =	swait.ge [sflag:s0], $0x80  }
0x3a2: {  	[sflag:s0] =	ssyncset.done $0x0  }
0x3a3: {  	[sflag:s0] =	ssyncadd.s32 $0xFFFFFF80  }
0x3a4: {  	_ =	swait.ge [sflag:s0], $0x80  }
0x3a5: {  	[sflag:s0] =	ssyncset.done $0x0  }
0x3a6: {  	s25 =	simm.s32 $0x0;
	[sflag:s0] =	ssyncadd.s32 $0xFFFFFF80  }
0x3a7: {  	v0 =	vadd.f32 v11, v0;
	v11 =	vld [tilespmem:s25+$0xA2F0]  }
0x3a8: {  	v1 =	vadd.f32 v12, v1;
	v12 =	vld [tilespmem:s25+$0xA280]  }
0x3a9: {  	v3 =	vadd.f32 v9, v3;
	v7 =	vadd.f32 v13, v7;
	v13 =	vld [tilespmem:s25+$0xA290]  }
0x3aa: {  	v6 =	vadd.f32 v14, v6;
	v0 =	vadd.f32 v10, v0;
	v10 =	vld [tilespmem:s25+$0xA2A0]  }
0x3ab: {  	v5 =	vadd.f32 v15, v5;
	v1 =	vadd.f32 v8, v1;
	v8 =	vld [tilespmem:s25+$0xA2B0]  }
0x3ac: {  	v4 =	vadd.f32 v16, v4;
	v2 =	vadd.f32 v17, v2;
	v9 =	vld [tilespmem:s25+$0xA2C0]  }
0x3ad: {  	v3 =	vadd.f32 v18, v3;
	v7 =	vadd.f32 v11, v7;
	v11 =	vld [tilespmem:s25+$0xA2D0]  }
0x3ae: {  	s23 =	simm.s32 $0x80;
	s24 =	simm.s32 $0x400;
	v6 =	vadd.f32 v12, v6;
	v5 =	vadd.f32 v13, v5;
	v12 =	vld [tilespmem:s25+$0xA2E0]  }
.LBB2_12:
0x3af: {  	p0 =	seq.s32 s24, $0x3000;
	v13 =	vld [tilespmem:s23+$0xA2F0];
	v4 =	vadd.f32 v10, v4  }
0x3b0: {  	v14 =	vld [tilespmem:s23+$0xA280];
	v2 =	vadd.f32 v8, v2  }
0x3b1: {  	v15 =	vld [tilespmem:s23+$0xA290];
	v3 =	vadd.f32 v9, v3  }
.Ltmp5:
0x3b2: {  	v10 =	vld [tilespmem:s23+$0xA2A0];
	v0 =	vadd.f32 v11, v0;
	(pc) =	sbr.rel @!p0 .LBB2_12-.Ltmp5, $4  }
0x3b3: {  	v8 =	vld [tilespmem:s23+$0xA2B0];
	v1 =	vadd.f32 v12, v1  }
0x3b4: {  	v9 =	vld [tilespmem:s23+$0xA2C0];
	v7 =	vadd.f32 v13, v7  }
0x3b5: {  	v6 =	vadd.f32 v14, v6;
	v11 =	vld [tilespmem:s23+$0xA2D0]  }
0x3b6: {  	v5 =	vadd.f32 v15, v5;
	v12 =	vld [tilespmem:s23+$0xA2E0];
	s23 =	sshra.s32 s24, $0x2;
	s24 =	sadd.s32 $0x200, s24  }
0x3b7: {  	v13 =	vld [tilespmem:s23+$0xA2F0]  }
0x3b8: {  	v14 =	vld [tilespmem:s23+$0xA280]  }
0x3b9: {  	v15 =	vld [tilespmem:s23+$0xA290]  }
0x3ba: {  	v16 =	vld [tilespmem:s23+$0xA2A0]  }
0x3bb: {  	v17 =	vld [tilespmem:s23+$0xA2B0]  }
0x3bc: {  	v18 =	vld [tilespmem:s23+$0xA2C0]  }
0x3bd: {  	v4 =	vadd.f32 v10, v4;
	v10 =	vld [tilespmem:s23+$0xA2D0];
	s25 =	simm.s32 $0x5780;
	s24 =	simm.s32 $0xBB80  }
0x3be: {  	v2 =	vadd.f32 v8, v2;
	v8 =	vld [tilespmem:s23+$0xA2E0];
	[tilespmem:s24], [sflag:$0x2] =	stream.indirect.gather [hbm4b:s4+s12], $0x1, s25, s12, $0xb8  }
0x3bf: {  	s24 =	simm.s32 $0x5800;
	s25 =	simm.s32 $0xBC00  }
0x3c0: {  	[tilespmem:s25], [sflag:$0x2] =	stream.indirect.gather [hbm4b:s4+s12], $0x1, s24, s12, $0xb8;
	[tilespmem:$0xC900] =	vst v63  }
0x3c1: {  	s24 =	simm.s32 $0x5880;
	s25 =	simm.s32 $0xBC80  }
0x3c2: {  	[tilespmem:s25], [sflag:$0x2] =	stream.indirect.gather [hbm4b:s4+s12], $0x1, s24, s12, $0xb8;
	[tilespmem:$0xC900] =	vst v63  }
0x3c3: {  	s24 =	simm.s32 $0x5900;
	s25 =	simm.s32 $0xBD00  }
0x3c4: {  	[tilespmem:s25], [sflag:$0x2] =	stream.indirect.gather [hbm4b:s4+s12], $0x1, s24, s12, $0xb8;
	[tilespmem:$0xC900] =	vst v63  }
0x3c5: {  	s24 =	simm.s32 $0x5980;
	s25 =	simm.s32 $0xBD80  }
0x3c6: {  	[tilespmem:s25], [sflag:$0x2] =	stream.indirect.gather [hbm4b:s4+s12], $0x1, s24, s12, $0xb8;
	[tilespmem:$0xC900] =	vst v63  }
0x3c7: {  	s24 =	simm.s32 $0x5A00;
	s25 =	simm.s32 $0xBE00  }
0x3c8: {  	[tilespmem:s25], [sflag:$0x2] =	stream.indirect.gather [hbm4b:s4+s12], $0x1, s24, s12, $0xb8;
	[tilespmem:$0xC900] =	vst v63  }
0x3c9: {  	s24 =	simm.s32 $0x5A80;
	s25 =	simm.s32 $0xBE80  }
0x3ca: {  	[tilespmem:s25], [sflag:$0x2] =	stream.indirect.gather [hbm4b:s4+s12], $0x1, s24, s12, $0xb8;
	[tilespmem:$0xC900] =	vst v63  }
0x3cb: {  	s24 =	simm.s32 $0x5B00;
	s25 =	simm.s32 $0xBF00  }
0x3cc: {  	[tilespmem:s25], [sflag:$0x2] =	stream.indirect.gather [hbm4b:s4+s12], $0x1, s24, s12, $0xb8;
	[tilespmem:$0xC900] =	vst v63  }
0x3cd: {  	s24 =	simm.s32 $0x5B80;
	s25 =	simm.s32 $0xBF80  }
0x3ce: {  	[tilespmem:s25], [sflag:$0x2] =	stream.indirect.gather [hbm4b:s4+s12], $0x1, s24, s12, $0xb8;
	[tilespmem:$0xC900] =	vst v63  }
0x3cf: {  	s24 =	simm.s32 $0x5C00;
	s25 =	simm.s32 $0xC000  }
0x3d0: {  	[tilespmem:s25], [sflag:$0x2] =	stream.indirect.gather [hbm4b:s4+s12], $0x1, s24, s12, $0xb8;
	[tilespmem:$0xC900] =	vst v63  }
0x3d1: {  	s24 =	simm.s32 $0x5C80;
	s25 =	simm.s32 $0xC080  }
0x3d2: {  	[tilespmem:s25], [sflag:$0x2] =	stream.indirect.gather [hbm4b:s4+s12], $0x1, s24, s12, $0xb8;
	[tilespmem:$0xC900] =	vst v63  }
0x3d3: {  	s24 =	simm.s32 $0x5D00;
	s25 =	simm.s32 $0xC100  }
0x3d4: {  	[tilespmem:s25], [sflag:$0x2] =	stream.indirect.gather [hbm4b:s4+s12], $0x1, s24, s12, $0xb8;
	[tilespmem:$0xC900] =	vst v63  }
0x3d5: {  	s24 =	simm.s32 $0x5D80;
	s25 =	simm.s32 $0xC180  }
0x3d6: {  	[tilespmem:s25], [sflag:$0x2] =	stream.indirect.gather [hbm4b:s4+s12], $0x1, s24, s12, $0xb8;
	[tilespmem:$0xC900] =	vst v63  }
0x3d7: {  	s24 =	simm.s32 $0x5E00;
	s25 =	simm.s32 $0xC200  }
0x3d8: {  	[tilespmem:s25], [sflag:$0x2] =	stream.indirect.gather [hbm4b:s4+s12], $0x1, s24, s12, $0xb8;
	[tilespmem:$0xC900] =	vst v63  }
0x3d9: {  	s24 =	simm.s32 $0x5E80;
	s25 =	simm.s32 $0xC280  }
0x3da: {  	[tilespmem:s25], [sflag:$0x2] =	stream.indirect.gather [hbm4b:s4+s12], $0x1, s24, s12, $0xb8;
	[tilespmem:$0xC900] =	vst v63  }
0x3db: {  	s24 =	simm.s32 $0x5F00;
	s25 =	simm.s32 $0xC300  }
0x3dc: {  	[tilespmem:s25], [sflag:$0x2] =	stream.indirect.gather [hbm4b:s4+s12], $0x1, s24, s12, $0xb8;
	[tilespmem:$0xC900] =	vst v63  }
0x3dd: {  	s24 =	simm.s32 $0x5F80;
	s25 =	simm.s32 $0xC380  }
0x3de: {  	[tilespmem:s25], [sflag:$0x2] =	stream.indirect.gather [hbm4b:s4+s12], $0x1, s24, s12, $0xb8;
	[tilespmem:$0xC900] =	vst v63  }
0x3df: {  	s25 =	simm.s32 $0x6000  }
0x3e0: {  	[tilespmem:s26], [sflag:$0x2] =	stream.indirect.gather [hbm4b:s4+s12], $0x1, s25, s12, $0xb8;
	[tilespmem:$0xC900] =	vst v63  }
0x3e1: {  	_ = 	snop  }
0x3e2: {  	[tilespmem:s29], [sflag:$0x2] =	stream.indirect.gather [hbm4b:s4+s12], $0x1, s28, s12, $0xb8;
	[tilespmem:$0xC900] =	vst v63  }
0x3e3: {  	_ = 	snop  }
0x3e4: {  	[tilespmem:s31], [sflag:$0x2] =	stream.indirect.gather [hbm4b:s4+s12], $0x1, s30, s12, $0xb8;
	[tilespmem:$0xC900] =	vst v63  }
0x3e5: {  	_ = 	snop  }
0x3e6: {  	[tilespmem:s8], [sflag:$0x2] =	stream.indirect.gather [hbm4b:s4+s12], $0x1, s2, s12, $0xb8;
	[tilespmem:$0xC900] =	vst v63  }
0x3e7: {  	_ = 	snop  }
0x3e8: {  	[tilespmem:s14], [sflag:$0x2] =	stream.indirect.gather [hbm4b:s4+s12], $0x1, s13, s12, $0xb8;
	[tilespmem:$0xC900] =	vst v63  }
0x3e9: {  	_ = 	snop  }
0x3ea: {  	[tilespmem:s16], [sflag:$0x2] =	stream.indirect.gather [hbm4b:s4+s12], $0x1, s15, s12, $0xb8;
	[tilespmem:$0xC900] =	vst v63  }
0x3eb: {  	_ = 	snop  }
0x3ec: {  	[tilespmem:s18], [sflag:$0x2] =	stream.indirect.gather [hbm4b:s4+s12], $0x1, s17, s12, $0xb8;
	[tilespmem:$0xC900] =	vst v63  }
0x3ed: {  	_ = 	snop  }
0x3ee: {  	[tilespmem:s20], [sflag:$0x2] =	stream.indirect.gather [hbm4b:s4+s12], $0x1, s19, s12, $0xb8;
	[tilespmem:$0xC900] =	vst v63  }
0x3ef: {  	_ =	swait.ge [sflag:s1], $0x80  }
0x3f0: {  	[sflag:s1] =	ssyncset.done $0x0  }
0x3f1: {  	[sflag:s1] =	ssyncadd.s32 $0xFFFFFF80  }
0x3f2: {  	_ =	swait.ge [sflag:s1], $0x80  }
0x3f3: {  	[sflag:s1] =	ssyncset.done $0x0  }
0x3f4: {  	[sflag:s1] =	ssyncadd.s32 $0xFFFFFF80  }
0x3f5: {  	_ =	swait.ge [sflag:s1], $0x80  }
0x3f6: {  	[sflag:s1] =	ssyncset.done $0x0  }
0x3f7: {  	[sflag:s1] =	ssyncadd.s32 $0xFFFFFF80  }
0x3f8: {  	_ =	swait.ge [sflag:s1], $0x80  }
0x3f9: {  	[sflag:s1] =	ssyncset.done $0x0  }
0x3fa: {  	[sflag:s1] =	ssyncadd.s32 $0xFFFFFF80  }
0x3fb: {  	_ =	swait.ge [sflag:s1], $0x80  }
0x3fc: {  	[sflag:s1] =	ssyncset.done $0x0  }
0x3fd: {  	[sflag:s1] =	ssyncadd.s32 $0xFFFFFF80  }
0x3fe: {  	_ =	swait.ge [sflag:s1], $0x80  }
0x3ff: {  	[sflag:s1] =	ssyncset.done $0x0  }
0x400: {  	[sflag:s1] =	ssyncadd.s32 $0xFFFFFF80  }
0x401: {  	_ =	swait.ge [sflag:s1], $0x80  }
0x402: {  	[sflag:s1] =	ssyncset.done $0x0  }
0x403: {  	[sflag:s1] =	ssyncadd.s32 $0xFFFFFF80  }
0x404: {  	_ =	swait.ge [sflag:s1], $0x80  }
0x405: {  	[sflag:s1] =	ssyncset.done $0x0  }
0x406: {  	[sflag:s1] =	ssyncadd.s32 $0xFFFFFF80  }
0x407: {  	_ =	swait.ge [sflag:s1], $0x80  }
0x408: {  	[sflag:s1] =	ssyncset.done $0x0  }
0x409: {  	[sflag:s1] =	ssyncadd.s32 $0xFFFFFF80  }
0x40a: {  	_ =	swait.ge [sflag:s1], $0x80  }
0x40b: {  	[sflag:s1] =	ssyncset.done $0x0  }
0x40c: {  	[sflag:s1] =	ssyncadd.s32 $0xFFFFFF80  }
0x40d: {  	_ =	swait.ge [sflag:s1], $0x80  }
0x40e: {  	[sflag:s1] =	ssyncset.done $0x0  }
0x40f: {  	[sflag:s1] =	ssyncadd.s32 $0xFFFFFF80  }
0x410: {  	_ =	swait.ge [sflag:s1], $0x80  }
0x411: {  	[sflag:s1] =	ssyncset.done $0x0  }
0x412: {  	[sflag:s1] =	ssyncadd.s32 $0xFFFFFF80  }
0x413: {  	_ =	swait.ge [sflag:s1], $0x80  }
0x414: {  	[sflag:s1] =	ssyncset.done $0x0  }
0x415: {  	[sflag:s1] =	ssyncadd.s32 $0xFFFFFF80  }
0x416: {  	_ =	swait.ge [sflag:s1], $0x80  }
0x417: {  	[sflag:s1] =	ssyncset.done $0x0  }
0x418: {  	[sflag:s1] =	ssyncadd.s32 $0xFFFFFF80  }
0x419: {  	_ =	swait.ge [sflag:s1], $0x80  }
0x41a: {  	[sflag:s1] =	ssyncset.done $0x0  }
0x41b: {  	[sflag:s1] =	ssyncadd.s32 $0xFFFFFF80  }
0x41c: {  	_ =	swait.ge [sflag:s1], $0x80  }
0x41d: {  	[sflag:s1] =	ssyncset.done $0x0  }
0x41e: {  	[sflag:s1] =	ssyncadd.s32 $0xFFFFFF80  }
0x41f: {  	_ =	swait.ge [sflag:s1], $0x80  }
0x420: {  	[sflag:s1] =	ssyncset.done $0x0  }
0x421: {  	[sflag:s1] =	ssyncadd.s32 $0xFFFFFF80  }
0x422: {  	_ =	swait.ge [sflag:s1], $0x80  }
0x423: {  	[sflag:s1] =	ssyncset.done $0x0  }
0x424: {  	[sflag:s1] =	ssyncadd.s32 $0xFFFFFF80  }
0x425: {  	_ =	swait.ge [sflag:s1], $0x80  }
0x426: {  	[sflag:s1] =	ssyncset.done $0x0  }
0x427: {  	[sflag:s1] =	ssyncadd.s32 $0xFFFFFF80  }
0x428: {  	_ =	swait.ge [sflag:s1], $0x80  }
0x429: {  	[sflag:s1] =	ssyncset.done $0x0  }
0x42a: {  	[sflag:s1] =	ssyncadd.s32 $0xFFFFFF80  }
0x42b: {  	_ =	swait.ge [sflag:s1], $0x80  }
0x42c: {  	[sflag:s1] =	ssyncset.done $0x0  }
0x42d: {  	[sflag:s1] =	ssyncadd.s32 $0xFFFFFF80  }
0x42e: {  	_ =	swait.ge [sflag:s1], $0x80  }
0x42f: {  	[sflag:s1] =	ssyncset.done $0x0  }
0x430: {  	[sflag:s1] =	ssyncadd.s32 $0xFFFFFF80  }
0x431: {  	_ =	swait.ge [sflag:s1], $0x80  }
0x432: {  	[sflag:s1] =	ssyncset.done $0x0  }
0x433: {  	[sflag:s1] =	ssyncadd.s32 $0xFFFFFF80  }
0x434: {  	_ =	swait.ge [sflag:s1], $0x80  }
0x435: {  	[sflag:s1] =	ssyncset.done $0x0  }
0x436: {  	[sflag:s1] =	ssyncadd.s32 $0xFFFFFF80  }
0x437: {  	_ =	swait.ge [sflag:s1], $0x80  }
0x438: {  	v1 =	vadd.f32 v12, v1;
	[sflag:s1] =	ssyncset.done $0x0  }
0x439: {  	s25 =	simm.s32 $0x0;
	[sflag:s1] =	ssyncadd.s32 $0xFFFFFF80  }
0x43a: {  	v1 =	vadd.f32 v8, v1;
	v8 =	vld [tilespmem:s25+$0xAF70]  }
0x43b: {  	v7 =	vadd.f32 v13, v7;
	v13 =	vld [tilespmem:s25+$0xAF00]  }
0x43c: {  	v6 =	vadd.f32 v14, v6;
	v14 =	vld [tilespmem:s25+$0xAF10]  }
0x43d: {  	v3 =	vadd.f32 v9, v3;
	v0 =	vadd.f32 v11, v0;
	v11 =	vld [tilespmem:s25+$0xAF20]  }
0x43e: {  	v5 =	vadd.f32 v15, v5;
	v4 =	vadd.f32 v16, v4;
	v9 =	vld [tilespmem:s25+$0xAF30]  }
0x43f: {  	v2 =	vadd.f32 v17, v2;
	v0 =	vadd.f32 v10, v0;
	v10 =	vld [tilespmem:s25+$0xAF40]  }
0x440: {  	v3 =	vadd.f32 v18, v3;
	v12 =	vld [tilespmem:s25+$0xAF50];
	v7 =	vadd.f32 v8, v7  }
0x441: {  	s23 =	simm.s32 $0x80;
	s24 =	simm.s32 $0x400;
	v6 =	vadd.f32 v13, v6;
	v8 =	vadd.f32 v14, v5;
	v5 =	vld [tilespmem:s25+$0xAF60]  }
.LBB2_14:
0x442: {  	p0 =	seq.s32 s24, $0x3000;
	v13 =	vld [tilespmem:s23+$0xAF70];
	v4 =	vadd.f32 v11, v4  }
0x443: {  	v14 =	vld [tilespmem:s23+$0xAF00];
	v2 =	vadd.f32 v9, v2  }
0x444: {  	v15 =	vld [tilespmem:s23+$0xAF10];
	v3 =	vadd.f32 v10, v3  }
.Ltmp6:
0x445: {  	v11 =	vld [tilespmem:s23+$0xAF20];
	v0 =	vadd.f32 v12, v0;
	(pc) =	sbr.rel @!p0 .LBB2_14-.Ltmp6, $4  }
0x446: {  	v9 =	vld [tilespmem:s23+$0xAF30];
	v1 =	vadd.f32 v5, v1  }
0x447: {  	v10 =	vld [tilespmem:s23+$0xAF40];
	v7 =	vadd.f32 v13, v7  }
0x448: {  	v6 =	vadd.f32 v14, v6;
	v12 =	vld [tilespmem:s23+$0xAF50]  }
0x449: {  	v8 =	vadd.f32 v15, v8;
	v5 =	vld [tilespmem:s23+$0xAF60];
	s23 =	sshra.s32 s24, $0x2;
	s24 =	sadd.s32 $0x200, s24  }
0x44a: {  	v13 =	vld [tilespmem:s23+$0xAF70]  }
0x44b: {  	v14 =	vld [tilespmem:s23+$0xAF00]  }
0x44c: {  	v15 =	vld [tilespmem:s23+$0xAF10]  }
0x44d: {  	v16 =	vld [tilespmem:s23+$0xAF20]  }
0x44e: {  	v17 =	vld [tilespmem:s23+$0xAF30]  }
0x44f: {  	v18 =	vld [tilespmem:s23+$0xAF40]  }
0x450: {  	v4 =	vadd.f32 v11, v4;
	v11 =	vld [tilespmem:s23+$0xAF50]  }
0x451: {  	v2 =	vadd.f32 v9, v2;
	v9 =	vadd.f32 v10, v3;
	v10 =	vld [tilespmem:s23+$0xAF60];
	_ =	swait.ge [sflag:s0], $0x80  }
0x452: {  	[sflag:s0] =	ssyncset.done $0x0  }
0x453: {  	[sflag:s0] =	ssyncadd.s32 $0xFFFFFF80  }
0x454: {  	_ =	swait.ge [sflag:s0], $0x80  }
0x455: {  	[sflag:s0] =	ssyncset.done $0x0  }
0x456: {  	[sflag:s0] =	ssyncadd.s32 $0xFFFFFF80  }
0x457: {  	_ =	swait.ge [sflag:s0], $0x80  }
0x458: {  	[sflag:s0] =	ssyncset.done $0x0  }
0x459: {  	[sflag:s0] =	ssyncadd.s32 $0xFFFFFF80  }
0x45a: {  	_ =	swait.ge [sflag:s0], $0x80  }
0x45b: {  	[sflag:s0] =	ssyncset.done $0x0  }
0x45c: {  	[sflag:s0] =	ssyncadd.s32 $0xFFFFFF80  }
0x45d: {  	_ =	swait.ge [sflag:s0], $0x80  }
0x45e: {  	[sflag:s0] =	ssyncset.done $0x0  }
0x45f: {  	[sflag:s0] =	ssyncadd.s32 $0xFFFFFF80  }
0x460: {  	_ =	swait.ge [sflag:s0], $0x80  }
0x461: {  	[sflag:s0] =	ssyncset.done $0x0  }
0x462: {  	[sflag:s0] =	ssyncadd.s32 $0xFFFFFF80  }
0x463: {  	_ =	swait.ge [sflag:s0], $0x80  }
0x464: {  	[sflag:s0] =	ssyncset.done $0x0  }
0x465: {  	[sflag:s0] =	ssyncadd.s32 $0xFFFFFF80  }
0x466: {  	_ =	swait.ge [sflag:s0], $0x80  }
0x467: {  	[sflag:s0] =	ssyncset.done $0x0  }
0x468: {  	[sflag:s0] =	ssyncadd.s32 $0xFFFFFF80  }
0x469: {  	_ =	swait.ge [sflag:s0], $0x80  }
0x46a: {  	[sflag:s0] =	ssyncset.done $0x0  }
0x46b: {  	[sflag:s0] =	ssyncadd.s32 $0xFFFFFF80  }
0x46c: {  	_ =	swait.ge [sflag:s0], $0x80  }
0x46d: {  	[sflag:s0] =	ssyncset.done $0x0  }
0x46e: {  	[sflag:s0] =	ssyncadd.s32 $0xFFFFFF80  }
0x46f: {  	_ =	swait.ge [sflag:s0], $0x80  }
0x470: {  	[sflag:s0] =	ssyncset.done $0x0  }
0x471: {  	[sflag:s0] =	ssyncadd.s32 $0xFFFFFF80  }
0x472: {  	_ =	swait.ge [sflag:s0], $0x80  }
0x473: {  	[sflag:s0] =	ssyncset.done $0x0  }
0x474: {  	[sflag:s0] =	ssyncadd.s32 $0xFFFFFF80  }
0x475: {  	_ =	swait.ge [sflag:s0], $0x80  }
0x476: {  	[sflag:s0] =	ssyncset.done $0x0  }
0x477: {  	[sflag:s0] =	ssyncadd.s32 $0xFFFFFF80  }
0x478: {  	_ =	swait.ge [sflag:s0], $0x80  }
0x479: {  	[sflag:s0] =	ssyncset.done $0x0  }
0x47a: {  	[sflag:s0] =	ssyncadd.s32 $0xFFFFFF80  }
0x47b: {  	_ =	swait.ge [sflag:s0], $0x80  }
0x47c: {  	[sflag:s0] =	ssyncset.done $0x0  }
0x47d: {  	[sflag:s0] =	ssyncadd.s32 $0xFFFFFF80  }
0x47e: {  	_ =	swait.ge [sflag:s0], $0x80  }
0x47f: {  	[sflag:s0] =	ssyncset.done $0x0  }
0x480: {  	[sflag:s0] =	ssyncadd.s32 $0xFFFFFF80  }
0x481: {  	_ =	swait.ge [sflag:s0], $0x80  }
0x482: {  	[sflag:s0] =	ssyncset.done $0x0  }
0x483: {  	[sflag:s0] =	ssyncadd.s32 $0xFFFFFF80  }
0x484: {  	_ =	swait.ge [sflag:s0], $0x80  }
0x485: {  	[sflag:s0] =	ssyncset.done $0x0  }
0x486: {  	[sflag:s0] =	ssyncadd.s32 $0xFFFFFF80  }
0x487: {  	_ =	swait.ge [sflag:s0], $0x80  }
0x488: {  	[sflag:s0] =	ssyncset.done $0x0  }
0x489: {  	[sflag:s0] =	ssyncadd.s32 $0xFFFFFF80  }
0x48a: {  	_ =	swait.ge [sflag:s0], $0x80  }
0x48b: {  	[sflag:s0] =	ssyncset.done $0x0  }
0x48c: {  	[sflag:s0] =	ssyncadd.s32 $0xFFFFFF80  }
0x48d: {  	_ =	swait.ge [sflag:s0], $0x80  }
0x48e: {  	[sflag:s0] =	ssyncset.done $0x0  }
0x48f: {  	[sflag:s0] =	ssyncadd.s32 $0xFFFFFF80  }
0x490: {  	_ =	swait.ge [sflag:s0], $0x80  }
0x491: {  	[sflag:s0] =	ssyncset.done $0x0  }
0x492: {  	[sflag:s0] =	ssyncadd.s32 $0xFFFFFF80  }
0x493: {  	_ =	swait.ge [sflag:s0], $0x80  }
0x494: {  	[sflag:s0] =	ssyncset.done $0x0  }
0x495: {  	[sflag:s0] =	ssyncadd.s32 $0xFFFFFF80  }
0x496: {  	_ =	swait.ge [sflag:s0], $0x80  }
0x497: {  	[sflag:s0] =	ssyncset.done $0x0  }
0x498: {  	[sflag:s0] =	ssyncadd.s32 $0xFFFFFF80  }
0x499: {  	_ =	swait.ge [sflag:s0], $0x80  }
0x49a: {  	v0 =	vadd.f32 v12, v0;
	[sflag:s0] =	ssyncset.done $0x0  }
0x49b: {  	s25 =	simm.s32 $0x0;
	v12 =	vadd.f32 v5, v1;
	v5 =	vadd.f32 v13, v7;
	[sflag:s0] =	ssyncadd.s32 $0xFFFFFF80  }
0x49c: {  	v7 =	vadd.f32 v14, v6;
	v6 =	vadd.f32 v15, v8;
	v8 =	vld [tilespmem:s25+$0xBBF0]  }
0x49d: {  	v1 =	vadd.f32 v11, v0;
	v0 =	vadd.f32 v10, v12;
	v12 =	vld [tilespmem:s25+$0xBB80]  }
0x49e: {  	v13 =	vld [tilespmem:s25+$0xBB90]  }
0x49f: {  	v11 =	vld [tilespmem:s25+$0xBBA0]  }
0x4a0: {  	v10 =	vld [tilespmem:s25+$0xBBB0]  }
0x4a1: {  	v3 =	vadd.f32 v17, v2;
	v2 =	vadd.f32 v18, v9;
	v9 =	vld [tilespmem:s25+$0xBBC0]  }
0x4a2: {  	v4 =	vadd.f32 v16, v4;
	v5 =	vadd.f32 v8, v5;
	v8 =	vld [tilespmem:s25+$0xBBD0]  }
0x4a3: {  	s24 =	simm.s32 $0x400;
	s23 =	simm.s32 $0x80;
	v12 =	vadd.f32 v12, v7;
	v7 =	vadd.f32 v13, v6;
	v6 =	vld [tilespmem:s25+$0xBBE0]  }
.LBB2_16:
0x4a4: {  	p0 =	sne.s32 s24, $0x3000;
	v13 =	vld [tilespmem:s23+$0xBBF0];
	v4 =	vadd.f32 v11, v4  }
0x4a5: {  	v14 =	vld [tilespmem:s23+$0xBB80];
	v3 =	vadd.f32 v10, v3  }
0x4a6: {  	v15 =	vld [tilespmem:s23+$0xBB90];
	v2 =	vadd.f32 v9, v2  }
.Ltmp7:
0x4a7: {  	v11 =	vld [tilespmem:s23+$0xBBA0];
	v1 =	vadd.f32 v8, v1;
	(pc) =	sbr.rel @p0 .LBB2_16-.Ltmp7, $4  }
0x4a8: {  	v10 =	vld [tilespmem:s23+$0xBBB0];
	v0 =	vadd.f32 v6, v0  }
0x4a9: {  	v9 =	vld [tilespmem:s23+$0xBBC0];
	v5 =	vadd.f32 v13, v5  }
0x4aa: {  	v12 =	vadd.f32 v14, v12;
	v8 =	vld [tilespmem:s23+$0xBBD0]  }
0x4ab: {  	v7 =	vadd.f32 v15, v7;
	v6 =	vld [tilespmem:s23+$0xBBE0];
	s23 =	sshra.s32 s24, $0x2;
	s24 =	sadd.s32 $0x200, s24  }
0x4ac: {  	v13 =	vld [tilespmem:s23+$0xBB80];
	_ =	sdelay $0x3  }
0x4ad: {  	v14 =	vld [tilespmem:$0xC880]  }
0x4ae: {  	v12 =	vadd.f32 v13, v12;
	_ =	sdelay $0x1  }
0x4af: {  	v12 =	vmul.f32 $4.999999890e-03, v12;
	_ =	sdelay $0x1  }
0x4b0: {  	v12 =	vadd.f32 v14, v12;
	_ =	sdelay $0x1  }
0x4b1: {  	v12 =	vsub.f32 $0.0e+00, v12;
	_ =	sdelay $0x1  }
0x4b2: {  	v41 =	vld [tilespmem:s23+$0xBB90];
	v12 =	vmul.f32 $1.442695020e+00, v12;
	_ =	sdelay $0x1  }
0x4b3: {  	(erf) = vpow2.f32 v12;
	_ =	sdelay $0x2  }
0x4b4: {  	v7 =	vadd.f32 v41, v7;
	_ =	sdelay $0x1  }
0x4b5: {  	v7 =	vmul.f32 $4.999999890e-03, v7;
	_ =	sdelay $0x1  }
0x4b6: {  	v7 =	vadd.f32 v14, v7;
	_ =	sdelay $0x1  }
0x4b7: {  	v7 =	vsub.f32 $0.0e+00, v7;
	v12 =	vpop (erf)  }
0x4b8: {  	v12 =	vadd.f32 $1.000000000e+00, v12  }
0x4b9: {  	v42 =	vld [tilespmem:s23+$0xBBA0];
	v7 =	vmul.f32 $1.442695020e+00, v7  }
0x4ba: {  	(erf) = vrcp.f32 v12  }
0x4bb: {  	(erf) = vpow2.f32 v7  }
0x4bc: {  	v4 =	vadd.f32 v11, v4;
	_ =	sdelay $0x1  }
0x4bd: {  	v4 =	vadd.f32 v42, v4;
	_ =	sdelay $0x1  }
0x4be: {  	v4 =	vmul.f32 $4.999999890e-03, v4;
	_ =	sdelay $0x1  }
0x4bf: {  	v4 =	vadd.f32 v14, v4  }
0x4c0: {  	v43 =	vpop (erf)  }
0x4c1: {  	v4 =	vsub.f32 $0.0e+00, v4;
	v44 =	vpop (erf)  }
0x4c2: {  	v11 =	vadd.f32 $1.000000000e+00, v44  }
0x4c3: {  	v45 =	vld [tilespmem:s23+$0xBBB0];
	v4 =	vmul.f32 $1.442695020e+00, v4  }
0x4c4: {  	(erf) = vrcp.f32 v11  }
0x4c5: {  	(erf) = vpow2.f32 v4  }
0x4c6: {  	v3 =	vadd.f32 v10, v3;
	_ =	sdelay $0x1  }
0x4c7: {  	v3 =	vadd.f32 v45, v3;
	_ =	sdelay $0x1  }
0x4c8: {  	v3 =	vmul.f32 $4.999999890e-03, v3;
	_ =	sdelay $0x1  }
0x4c9: {  	v3 =	vadd.f32 v14, v3  }
0x4ca: {  	v46 =	vpop (erf)  }
0x4cb: {  	v3 =	vsub.f32 $0.0e+00, v3;
	v47 =	vpop (erf)  }
0x4cc: {  	v10 =	vadd.f32 $1.000000000e+00, v47  }
0x4cd: {  	v48 =	vld [tilespmem:s23+$0xBBC0];
	v3 =	vmul.f32 $1.442695020e+00, v3  }
0x4ce: {  	(erf) = vrcp.f32 v10  }
0x4cf: {  	(erf) = vpow2.f32 v3  }
0x4d0: {  	v2 =	vadd.f32 v9, v2;
	_ =	sdelay $0x1  }
0x4d1: {  	v2 =	vadd.f32 v48, v2;
	_ =	sdelay $0x1  }
0x4d2: {  	v2 =	vmul.f32 $4.999999890e-03, v2;
	_ =	sdelay $0x1  }
0x4d3: {  	v2 =	vadd.f32 v14, v2  }
0x4d4: {  	v49 =	vpop (erf)  }
0x4d5: {  	v2 =	vsub.f32 $0.0e+00, v2;
	v50 =	vpop (erf)  }
0x4d6: {  	v9 =	vadd.f32 $1.000000000e+00, v50  }
0x4d7: {  	v51 =	vld [tilespmem:s23+$0xBBD0];
	v2 =	vmul.f32 $1.442695020e+00, v2  }
0x4d8: {  	(erf) = vrcp.f32 v9  }
0x4d9: {  	(erf) = vpow2.f32 v2  }
0x4da: {  	v1 =	vadd.f32 v8, v1;
	_ =	sdelay $0x1  }
0x4db: {  	v1 =	vadd.f32 v51, v1;
	_ =	sdelay $0x1  }
0x4dc: {  	v1 =	vmul.f32 $4.999999890e-03, v1;
	_ =	sdelay $0x1  }
0x4dd: {  	v1 =	vadd.f32 v14, v1  }
0x4de: {  	v52 =	vpop (erf)  }
0x4df: {  	v1 =	vsub.f32 $0.0e+00, v1;
	v53 =	vpop (erf)  }
0x4e0: {  	v8 =	vadd.f32 $1.000000000e+00, v53  }
0x4e1: {  	v54 =	vld [tilespmem:s23+$0xBBE0];
	v1 =	vmul.f32 $1.442695020e+00, v1  }
0x4e2: {  	(erf) = vrcp.f32 v8  }
0x4e3: {  	(erf) = vpow2.f32 v1  }
0x4e4: {  	v0 =	vadd.f32 v6, v0;
	_ =	sdelay $0x1  }
0x4e5: {  	v0 =	vadd.f32 v54, v0;
	_ =	sdelay $0x1  }
0x4e6: {  	v0 =	vmul.f32 $4.999999890e-03, v0;
	_ =	sdelay $0x1  }
0x4e7: {  	v0 =	vadd.f32 v14, v0  }
0x4e8: {  	v55 =	vpop (erf)  }
0x4e9: {  	v0 =	vsub.f32 $0.0e+00, v0;
	v56 =	vpop (erf)  }
0x4ea: {  	v6 =	vadd.f32 $1.000000000e+00, v56  }
0x4eb: {  	v57 =	vld [tilespmem:s23+$0xBBF0];
	v0 =	vmul.f32 $1.442695020e+00, v0  }
0x4ec: {  	(erf) = vrcp.f32 v6  }
0x4ed: {  	(erf) = vpow2.f32 v0;
	_ =	sdelay $0x2  }
0x4ee: {  	v58 =	vadd.f32 v57, v5;
	_ =	sdelay $0x1  }
0x4ef: {  	v0 =	vmul.f32 $4.999999890e-03, v58;
	_ =	sdelay $0x1  }
0x4f0: {  	v0 =	vadd.f32 v14, v0  }
0x4f1: {  	v59 =	vpop (erf)  }
0x4f2: {  	v0 =	vsub.f32 $0.0e+00, v0;
	v60 =	vpop (erf)  }
0x4f3: {  	v6 =	vadd.f32 $1.000000000e+00, v60  }
0x4f4: {  	v0 =	vmul.f32 $1.442695020e+00, v0  }
0x4f5: {  	(erf) = vrcp.f32 v6  }
0x4f6: {  	(erf) = vpow2.f32 v0;
	_ =	sdelay $0x7  }
0x4f7: {  	v61 =	vpop (erf)  }
0x4f8: {  	v62 =	vpop (erf)  }
0x4f9: {  	v6 =	vadd.f32 $1.000000000e+00, v62;
	_ =	sdelay $0x1  }
0x4fa: {  	(erf) = vrcp.f32 v6;
	_ =	sdelay $0x2  }
0x4fb: {  	[tilespmem:$0xC800] =	vst v43  }
0x4fc: {  	[tilespmem:$0xC810] =	vst v46  }
0x4fd: {  	[tilespmem:$0xC820] =	vst v49  }
0x4fe: {  	[tilespmem:$0xC830] =	vst v52  }
0x4ff: {  	[tilespmem:$0xC840] =	vst v55  }
0x500: {  	s22 =	sadd.s32 $0x1, s22;
	[tilespmem:$0xC850] =	vst v59  }
0x501: {  	p0 =	sne.s32 s22, s7;
	[tilespmem:$0xC860] =	vst v61;
	v63 =	vpop (erf)  }
.Ltmp8:
0x502: {  	[tilespmem:$0xC870] =	vst v63;
	(pc) =	sbr.rel @p0 .LBB2_1-.Ltmp8, $4  }
0x503: {  	[hbm4b:s6+s3] =	stream.linear.scatter [tilespmem:s21], [sflag:$0x3], $0x80, $0x38;
	[tilespmem:$0xC900] =	vst v63  }
0x504: {  	_ =	swait.ge [sflag:s9], $0x80  }
0x505: {  	[sflag:s9] =	ssyncset.done $0x0  }
0x506: {  	[sflag:s9] =	ssyncadd.s32 $0xFFFFFF80  }
0x507: {  	_ =	sfence.sel $0x180000  }
0x508: {  	[bflag:$0x0] =	sbarrier.arrive $0xFFFF  }
0x509: {  	_ =	strace $0x90000047  }
0x50a: {  	s0 =	stileid.u32;
	[bflag:$0x2] =	sbarrier.arrive $0xFFFF  }
0x50b: {  	p0 =	sne.s32 s0, $0x0;
	s0 =	rddreg [dreg:$0x3]  }
0x50c: {  	s0 =	sadd.s32 @!p0 $0x100000, s0  }
0x50d: {  	[sflag:s0] =	ssyncadd.tile.s32 @!p0 $0x1;
	_ =	shalt  }
.Lfunc_end2:
_tile_overlayer_lowered:
.L_overlay_start_2:
0x50e: {  	(tag) =	ssettag $0x2  }
0x50f: {  	s0 =	rddreg [dreg:$0x0];
	s2 =	stileid.u32  }
0x510: {  	s1 =	rddreg [dreg:$0x1];
	p0 =	sne.s32 s2, $0x0  }
0x511: {  	s3 =	rddreg [dreg:$0x2];
	[bflag:$0x3] =	sbarrier.arrive $0xFFFF;
	s2 =	simm.s32 @!p0 $0x1C03  }
0x512: {  	[timem:s3], [sflag:s2] =	dma.local @!p0 [hbm:s0], s1  }
0x513: {  	s0 =	simm.s32 @!p0 $0x3  }
0x514: {  	_ =	swait.ge @!p0 [sflag:s0], s1  }
0x515: {  	s1 =	ssub.s32 @!p0 $0x0, s1;
	[sflag:s0] =	ssyncset.done @!p0 $0x0  }
0x516: {  	[sflag:s0] =	ssyncadd.s32 @!p0 s1  }
0x517: {  	[bflag:$0x3] =	sbarrier.arrive $0xFFFF  }
0x518: {  	_ =	shalt  }

</sc_bundles>
